<compile_context>
chip_gen: v7x
topology: tpu7x:2x2x1
jax: 0.10.2.dev20260603
libtpu: 0.0.44.dev20260713+nightly
codegen_flags: <defaults>
</compile_context>

<pallas_src>
import functools

import jax
import jax.numpy as jnp
from jax import lax
from jax.experimental import pallas as pl
from jax.experimental.pallas import tpu as pltpu
from jax.experimental.pallas import tpu_sc as plsc

B, L = 1024, 200
N = B * L
D = 128
N_TAGS = 45

NCHUNK = 5
CL = L // NCHUNK
CN = CL * B

_info = plsc.get_sparse_core_info()
NC, NS = _info.num_cores, _info.num_subcores
NW = NC * NS
PER_W = CN // NW
CH = 128
N_CH = PER_W // CH


NBUF = 6
DP = 4


def _sc_gather_kernel(idx_hbm, table_hbm, out_hbm, idx_v, *scr):
    bufs, gsems, osems = scr[:NBUF], scr[NBUF:2 * NBUF], scr[2 * NBUF:]
    wid = lax.axis_index("s") * NC + lax.axis_index("c")
    base = wid * PER_W
    pltpu.sync_copy(idx_hbm.at[pl.ds(base, PER_W)], idx_v)

    def start_gather(j):
        b = j % NBUF
        pltpu.async_copy(
            table_hbm.at[idx_v.at[pl.ds(j * CH, CH)]], bufs[b], gsems[b]
        )

    for j in range(min(DP, N_CH)):
        start_gather(j)

    for j in range(N_CH):
        b = j % NBUF
        pltpu.make_async_copy(
            table_hbm.at[idx_v.at[pl.ds(j * CH, CH)]], bufs[b], gsems[b]
        ).wait()
        pltpu.async_copy(bufs[b], out_hbm.at[pl.ds(base + j * CH, CH)], osems[b])
        nj = j + DP
        if DP <= nj < N_CH:
            bn = nj % NBUF
            if nj >= NBUF:
                pltpu.make_async_copy(
                    bufs[bn],
                    out_hbm.at[pl.ds(base + (nj - NBUF) * CH, CH)],
                    osems[bn],
                ).wait()
            start_gather(nj)

    for j in range(max(0, N_CH - NBUF), N_CH):
        b = j % NBUF
        pltpu.make_async_copy(
            bufs[b], out_hbm.at[pl.ds(base + j * CH, CH)], osems[b]
        ).wait()


def _sc_gather(idx, table):
    mesh = plsc.VectorSubcoreMesh(core_axis_name="c", subcore_axis_name="s")
    k = functools.partial(
        pl.kernel,
        mesh=mesh,
        out_type=jax.ShapeDtypeStruct((CN, D), jnp.float32),
        scratch_types=[
            pltpu.VMEM((PER_W,), jnp.int32),
        ]
        + [pltpu.VMEM((CH, D), jnp.float32) for _ in range(NBUF)]
        + [pltpu.SemaphoreType.DMA for _ in range(2 * NBUF)],
    )(_sc_gather_kernel)
    return k(idx, table)


BL = 8


def _mlp_body(g_ref, w1t_ref, b1_ref, w2_ref, b2_ref, out_ref):
    h = jnp.maximum(
        jnp.dot(
            g_ref[...], w1t_ref[...], preferred_element_type=jnp.float32
        )
        + b1_ref[...],
        0.0,
    )
    for j in range(BL):
        ot = (
            lax.dot_general(
                w2_ref[...], h[j * B:(j + 1) * B, :], (((1,), (1,)), ((), ())),
                preferred_element_type=jnp.float32,
            )
            + b2_ref[...]
        )
        out_ref[:, j, :] = ot


def _mlp_kernel_first(g_ref, w1t_ref, b1_ref, w2_ref, b2_ref, out_ref):
    _mlp_body(g_ref, w1t_ref, b1_ref, w2_ref, b2_ref, out_ref)


def _mlp_kernel_acc(g_ref, w1t_ref, b1_ref, w2_ref, b2_ref, acc_ref, out_ref):
    _mlp_body(g_ref, w1t_ref, b1_ref, w2_ref, b2_ref, out_ref)


def _tc_mlp_chunk(k, g, w1t, b1, w2, b2c, acc):
    k0 = k * (CL // BL)
    in_specs = [
        pl.BlockSpec((BL * B, D), lambda i: (i, 0)),
        pl.BlockSpec((D, D), lambda i: (0, 0)),
        pl.BlockSpec((1, D), lambda i: (0, 0)),
        pl.BlockSpec((N_TAGS, D), lambda i: (0, 0)),
        pl.BlockSpec((N_TAGS, 1), lambda i: (0, 0)),
    ]
    args = (g, w1t, b1, w2, b2c)
    body = _mlp_kernel_first
    kwargs = {}
    if acc is not None:
        in_specs.append(pl.BlockSpec(memory_space=pl.ANY))
        args = args + (acc,)
        body = _mlp_kernel_acc
        kwargs = dict(input_output_aliases={5: 0})
    return pl.pallas_call(
        body,
        grid=(CL // BL,),
        in_specs=in_specs,
        out_specs=pl.BlockSpec((N_TAGS, BL, B), lambda i: (0, k0 + i, 0)),
        out_shape=jax.ShapeDtypeStruct((N_TAGS, L, B), jnp.float32),
        **kwargs,
    )(*args)


def kernel(x, emb, W1, b1, W2, b2):
    idx = x.T.reshape(-1).astype(jnp.int32)
    w1t = W1.T
    b1r = b1.reshape(1, D)
    b2c = b2.reshape(N_TAGS, 1)
    gs = [_sc_gather(lax.dynamic_slice(idx, (k * CN,), (CN,)), emb)
          for k in range(NCHUNK)]
    out_t = None
    for k in range(NCHUNK):
        out_t = _tc_mlp_chunk(k, gs[k], w1t, b1r, W2, b2c, out_t)
    return lax.transpose(out_t, (2, 1, 0))

# --- scband reference (transcript-rebuilt; emitter-appended) ---
"""Pipeline reference for scband-pos-26001732010410 (READ-ONLY COPY).

The authoritative reference and input builder live on the scoring server;
editing this copy changes nothing except your own understanding.
"""

import jax, jax.numpy as jnp
import numpy as np

VOCAB = 1000000
D_EMB = 128
D_HID = 128
N_TAGS = 45
B, L = 1024, 200


def setup_inputs(seed: int = 0) -> dict:
    key = jax.random.key(seed)
    k0, k1, k2, k3 = jax.random.split(key, 4)
    x = jax.random.randint(k0, (B, L), 0, VOCAB, dtype=jnp.int64) if jax.config.jax_enable_x64 else jax.random.randint(k0, (B, L), 0, VOCAB, dtype=jnp.int32)
    emb = (jax.random.normal(k1, (VOCAB, D_EMB), dtype=jnp.float32) * 0.02)
    W1 = jax.random.normal(k2, (D_HID, D_EMB), dtype=jnp.float32) * (1.0 / np.sqrt(D_EMB))
    b1 = jnp.zeros((D_HID,), dtype=jnp.float32)
    W2 = jax.random.normal(k3, (N_TAGS, D_HID), dtype=jnp.float32) * (1.0 / np.sqrt(D_HID))
    b2 = jnp.zeros((N_TAGS,), dtype=jnp.float32)
    return {"x": x, "emb": emb, "W1": W1, "b1": b1, "W2": W2, "b2": b2}


def reference(x, emb, W1, b1, W2, b2):
    # embedding lookup
    h = jnp.take(emb, x, axis=0)  # [B, L, 128]
    # fc1 + relu
    h = jax.nn.relu(h @ W1.T + b1)  # [B, L, 128]
    # fc2
    out = h @ W2.T + b2  # [B, L, 45]
    return out

if __name__ == "__main__":
    import jax
    _d = setup_inputs()
    print(jax.jit(kernel)(*tuple(_d.values())))

</pallas_src>

<mosaic_0001>
#map = affine_map<(d0, d1) -> (0)>
#map1 = affine_map<(d0, d1) -> (0, 0)>
module attributes {stable_mosaic.version = 14 : i64} {
  func.func @_sc_gather_kernel(%arg0: i32, %arg1: i32, %arg2: memref<40960xi32, #tpu.memory_space<hbm>>, %arg3: memref<1000000x128xf32, #tpu.memory_space<hbm>>, %arg4: memref<40960x128xf32, #tpu.memory_space<hbm>>, %arg5: memref<1280xi32, #tpu.memory_space<vmem>>, %arg6: memref<128x128xf32, #tpu.memory_space<vmem>>, %arg7: memref<128x128xf32, #tpu.memory_space<vmem>>, %arg8: memref<128x128xf32, #tpu.memory_space<vmem>>, %arg9: memref<128x128xf32, #tpu.memory_space<vmem>>, %arg10: memref<128x128xf32, #tpu.memory_space<vmem>>, %arg11: memref<128x128xf32, #tpu.memory_space<vmem>>, %arg12: memref<!tpu.dma_semaphore, #tpu.memory_space<semaphore_mem>>, %arg13: memref<!tpu.dma_semaphore, #tpu.memory_space<semaphore_mem>>, %arg14: memref<!tpu.dma_semaphore, #tpu.memory_space<semaphore_mem>>, %arg15: memref<!tpu.dma_semaphore, #tpu.memory_space<semaphore_mem>>, %arg16: memref<!tpu.dma_semaphore, #tpu.memory_space<semaphore_mem>>, %arg17: memref<!tpu.dma_semaphore, #tpu.memory_space<semaphore_mem>>, %arg18: memref<!tpu.dma_semaphore, #tpu.memory_space<semaphore_mem>>, %arg19: memref<!tpu.dma_semaphore, #tpu.memory_space<semaphore_mem>>, %arg20: memref<!tpu.dma_semaphore, #tpu.memory_space<semaphore_mem>>, %arg21: memref<!tpu.dma_semaphore, #tpu.memory_space<semaphore_mem>>, %arg22: memref<!tpu.dma_semaphore, #tpu.memory_space<semaphore_mem>>, %arg23: memref<!tpu.dma_semaphore, #tpu.memory_space<semaphore_mem>>) attributes {dimension_semantics = [#tpu.dimension_semantics<core_parallel>, #tpu.dimension_semantics<subcore_parallel>], iteration_bounds = array<i64: 2, 16>, scalar_prefetch = 0 : i64, scratch_operands = 19 : i64, tpu.core_type = #tpu.core_type<sc_vector_subcore>, window_params = [{transform_indices = #map}, {transform_indices = #map1}, {transform_indices = #map1}]} {
    %mul3A = arith.constant 2 : i32
    %mul3A_0 = arith.muli %arg1, %mul3A : i32
    %add3A = arith.addi %mul3A_0, %arg0 : i32
    %mul3A_1 = arith.constant 1280 : i32
    %mul3A_2 = arith.muli %add3A, %mul3A_1 : i32
    "tpu.region"() ({
      %run_scoped3A = tpu.sem_alloc : memref<!tpu.dma_semaphore, #tpu.memory_space<semaphore_mem>>
      %dma_start3A_221 = tpu.memref_slice %arg2[%mul3A_2] : memref<40960xi32, #tpu.memory_space<hbm>> -> memref<1280xi32, #tpu.memory_space<hbm>>
      %dma_start3A_222 = tpu.memref_slice %arg2[%mul3A_2] : memref<40960xi32, #tpu.memory_space<hbm>> -> memref<1280xi32, #tpu.memory_space<hbm>>
      tpu.enqueue_dma source(%dma_start3A_222 : memref<1280xi32, #tpu.memory_space<hbm>>) target(%arg5 : memref<1280xi32, #tpu.memory_space<vmem>>) target_semaphore(%run_scoped3A : memref<!tpu.dma_semaphore, #tpu.memory_space<semaphore_mem>>)
      %dma_wait3A_223 = tpu.memref_slice %arg2[%mul3A_2] : memref<40960xi32, #tpu.memory_space<hbm>> -> memref<1280xi32, #tpu.memory_space<hbm>>
      %dma_wait3A_224 = tpu.memref_slice %arg2[%mul3A_2] : memref<40960xi32, #tpu.memory_space<hbm>> -> memref<1280xi32, #tpu.memory_space<hbm>>
      tpu.wait_dma2 semaphore(%run_scoped3A : memref<!tpu.dma_semaphore, #tpu.memory_space<semaphore_mem>>) src(%dma_wait3A_224 : memref<1280xi32, #tpu.memory_space<hbm>>) dst(%arg5 : memref<1280xi32, #tpu.memory_space<vmem>>)
      tpu.yield
    }) : () -> ()
    %dma_start3A = arith.constant 0 : i32
    %dma_start3A_3 = tpu.memref_slice %arg5[%dma_start3A] : memref<1280xi32, #tpu.memory_space<vmem>> -> memref<128xi32, #tpu.memory_space<vmem>>
    %dma_start3A_4 = arith.constant 0 : i32
    %dma_start3A_5 = arith.constant 0 : i32
    %dma_start3A_6 = tpu.memref_slice %arg3[%dma_start3A_4, %dma_start3A_5] : memref<1000000x128xf32, #tpu.memory_space<hbm>> -> memref<1000000x128xf32, #tpu.memory_space<hbm>>
    tpu.enqueue_indirect_dma source(%dma_start3A_6 : memref<1000000x128xf32, #tpu.memory_space<hbm>>) target(%arg6 : memref<128x128xf32, #tpu.memory_space<vmem>>) offsets(%dma_start3A_3 : memref<128xi32, #tpu.memory_space<vmem>>) semaphore(%arg12 : memref<!tpu.dma_semaphore, #tpu.memory_space<semaphore_mem>>)
    %dma_start3A_7 = arith.constant 128 : i32
    %dma_start3A_8 = tpu.memref_slice %arg5[%dma_start3A_7] : memref<1280xi32, #tpu.memory_space<vmem>> -> memref<128xi32, #tpu.memory_space<vmem>>
    %dma_start3A_9 = arith.constant 0 : i32
    %dma_start3A_10 = arith.constant 0 : i32
    %dma_start3A_11 = tpu.memref_slice %arg3[%dma_start3A_9, %dma_start3A_10] : memref<1000000x128xf32, #tpu.memory_space<hbm>> -> memref<1000000x128xf32, #tpu.memory_space<hbm>>
    tpu.enqueue_indirect_dma source(%dma_start3A_11 : memref<1000000x128xf32, #tpu.memory_space<hbm>>) target(%arg7 : memref<128x128xf32, #tpu.memory_space<vmem>>) offsets(%dma_start3A_8 : memref<128xi32, #tpu.memory_space<vmem>>) semaphore(%arg13 : memref<!tpu.dma_semaphore, #tpu.memory_space<semaphore_mem>>)
    %dma_start3A_12 = arith.constant 256 : i32
    %dma_start3A_13 = tpu.memref_slice %arg5[%dma_start3A_12] : memref<1280xi32, #tpu.memory_space<vmem>> -> memref<128xi32, #tpu.memory_space<vmem>>
    %dma_start3A_14 = arith.constant 0 : i32
    %dma_start3A_15 = arith.constant 0 : i32
    %dma_start3A_16 = tpu.memref_slice %arg3[%dma_start3A_14, %dma_start3A_15] : memref<1000000x128xf32, #tpu.memory_space<hbm>> -> memref<1000000x128xf32, #tpu.memory_space<hbm>>
    tpu.enqueue_indirect_dma source(%dma_start3A_16 : memref<1000000x128xf32, #tpu.memory_space<hbm>>) target(%arg8 : memref<128x128xf32, #tpu.memory_space<vmem>>) offsets(%dma_start3A_13 : memref<128xi32, #tpu.memory_space<vmem>>) semaphore(%arg14 : memref<!tpu.dma_semaphore, #tpu.memory_space<semaphore_mem>>)
    %dma_start3A_17 = arith.constant 384 : i32
    %dma_start3A_18 = tpu.memref_slice %arg5[%dma_start3A_17] : memref<1280xi32, #tpu.memory_space<vmem>> -> memref<128xi32, #tpu.memory_space<vmem>>
    %dma_start3A_19 = arith.constant 0 : i32
    %dma_start3A_20 = arith.constant 0 : i32
    %dma_start3A_21 = tpu.memref_slice %arg3[%dma_start3A_19, %dma_start3A_20] : memref<1000000x128xf32, #tpu.memory_space<hbm>> -> memref<1000000x128xf32, #tpu.memory_space<hbm>>
    tpu.enqueue_indirect_dma source(%dma_start3A_21 : memref<1000000x128xf32, #tpu.memory_space<hbm>>) target(%arg9 : memref<128x128xf32, #tpu.memory_space<vmem>>) offsets(%dma_start3A_18 : memref<128xi32, #tpu.memory_space<vmem>>) semaphore(%arg15 : memref<!tpu.dma_semaphore, #tpu.memory_space<semaphore_mem>>)
    %dma_wait3A = arith.constant 0 : i32
    %dma_wait3A_22 = tpu.memref_slice %arg5[%dma_wait3A] : memref<1280xi32, #tpu.memory_space<vmem>> -> memref<128xi32, #tpu.memory_space<vmem>>
    %dma_wait3A_23 = arith.constant 0 : i32
    %dma_wait3A_24 = arith.constant 0 : i32
    %dma_wait3A_25 = tpu.memref_slice %arg3[%dma_wait3A_23, %dma_wait3A_24] : memref<1000000x128xf32, #tpu.memory_space<hbm>> -> memref<1000000x128xf32, #tpu.memory_space<hbm>>
    tpu.wait_indirect_dma semaphore(%arg12 : memref<!tpu.dma_semaphore, #tpu.memory_space<semaphore_mem>>) src(%dma_wait3A_25 : memref<1000000x128xf32, #tpu.memory_space<hbm>>) dst(%arg6 : memref<128x128xf32, #tpu.memory_space<vmem>>)
    %add3A_26 = arith.constant 0 : i32
    %add3A_27 = arith.addi %mul3A_2, %add3A_26 : i32
    %dma_start3A_28 = arith.constant 0 : i32
    %dma_start3A_29 = tpu.memref_slice %arg4[%add3A_27, %dma_start3A_28] : memref<40960x128xf32, #tpu.memory_space<hbm>> -> memref<128x128xf32, #tpu.memory_space<hbm>>
    %dma_start3A_30 = arith.constant 0 : i32
    %dma_start3A_31 = tpu.memref_slice %arg4[%add3A_27, %dma_start3A_30] : memref<40960x128xf32, #tpu.memory_space<hbm>> -> memref<128x128xf32, #tpu.memory_space<hbm>>
    tpu.enqueue_dma source(%arg6 : memref<128x128xf32, #tpu.memory_space<vmem>>) target(%dma_start3A_31 : memref<128x128xf32, #tpu.memory_space<hbm>>) target_semaphore(%arg18 : memref<!tpu.dma_semaphore, #tpu.memory_space<semaphore_mem>>)
    %dma_start3A_32 = arith.constant 512 : i32
    %dma_start3A_33 = tpu.memref_slice %arg5[%dma_start3A_32] : memref<1280xi32, #tpu.memory_space<vmem>> -> memref<128xi32, #tpu.memory_space<vmem>>
    %dma_start3A_34 = arith.constant 0 : i32
    %dma_start3A_35 = arith.constant 0 : i32
    %dma_start3A_36 = tpu.memref_slice %arg3[%dma_start3A_34, %dma_start3A_35] : memref<1000000x128xf32, #tpu.memory_space<hbm>> -> memref<1000000x128xf32, #tpu.memory_space<hbm>>
    tpu.enqueue_indirect_dma source(%dma_start3A_36 : memref<1000000x128xf32, #tpu.memory_space<hbm>>) target(%arg10 : memref<128x128xf32, #tpu.memory_space<vmem>>) offsets(%dma_start3A_33 : memref<128xi32, #tpu.memory_space<vmem>>) semaphore(%arg16 : memref<!tpu.dma_semaphore, #tpu.memory_space<semaphore_mem>>)
    %dma_wait3A_37 = arith.constant 128 : i32
    %dma_wait3A_38 = tpu.memref_slice %arg5[%dma_wait3A_37] : memref<1280xi32, #tpu.memory_space<vmem>> -> memref<128xi32, #tpu.memory_space<vmem>>
    %dma_wait3A_39 = arith.constant 0 : i32
    %dma_wait3A_40 = arith.constant 0 : i32
    %dma_wait3A_41 = tpu.memref_slice %arg3[%dma_wait3A_39, %dma_wait3A_40] : memref<1000000x128xf32, #tpu.memory_space<hbm>> -> memref<1000000x128xf32, #tpu.memory_space<hbm>>
    tpu.wait_indirect_dma semaphore(%arg13 : memref<!tpu.dma_semaphore, #tpu.memory_space<semaphore_mem>>) src(%dma_wait3A_41 : memref<1000000x128xf32, #tpu.memory_space<hbm>>) dst(%arg7 : memref<128x128xf32, #tpu.memory_space<vmem>>)
    %add3A_42 = arith.constant 128 : i32
    %add3A_43 = arith.addi %mul3A_2, %add3A_42 : i32
    %dma_start3A_44 = arith.constant 0 : i32
    %dma_start3A_45 = tpu.memref_slice %arg4[%add3A_43, %dma_start3A_44] : memref<40960x128xf32, #tpu.memory_space<hbm>> -> memref<128x128xf32, #tpu.memory_space<hbm>>
    %dma_start3A_46 = arith.constant 0 : i32
    %dma_start3A_47 = tpu.memref_slice %arg4[%add3A_43, %dma_start3A_46] : memref<40960x128xf32, #tpu.memory_space<hbm>> -> memref<128x128xf32, #tpu.memory_space<hbm>>
    tpu.enqueue_dma source(%arg7 : memref<128x128xf32, #tpu.memory_space<vmem>>) target(%dma_start3A_47 : memref<128x128xf32, #tpu.memory_space<hbm>>) target_semaphore(%arg19 : memref<!tpu.dma_semaphore, #tpu.memory_space<semaphore_mem>>)
    %dma_start3A_48 = arith.constant 640 : i32
    %dma_start3A_49 = tpu.memref_slice %arg5[%dma_start3A_48] : memref<1280xi32, #tpu.memory_space<vmem>> -> memref<128xi32, #tpu.memory_space<vmem>>
    %dma_start3A_50 = arith.constant 0 : i32
    %dma_start3A_51 = arith.constant 0 : i32
    %dma_start3A_52 = tpu.memref_slice %arg3[%dma_start3A_50, %dma_start3A_51] : memref<1000000x128xf32, #tpu.memory_space<hbm>> -> memref<1000000x128xf32, #tpu.memory_space<hbm>>
    tpu.enqueue_indirect_dma source(%dma_start3A_52 : memref<1000000x128xf32, #tpu.memory_space<hbm>>) target(%arg11 : memref<128x128xf32, #tpu.memory_space<vmem>>) offsets(%dma_start3A_49 : memref<128xi32, #tpu.memory_space<vmem>>) semaphore(%arg17 : memref<!tpu.dma_semaphore, #tpu.memory_space<semaphore_mem>>)
    %dma_wait3A_53 = arith.constant 256 : i32
    %dma_wait3A_54 = tpu.memref_slice %arg5[%dma_wait3A_53] : memref<1280xi32, #tpu.memory_space<vmem>> -> memref<128xi32, #tpu.memory_space<vmem>>
    %dma_wait3A_55 = arith.constant 0 : i32
    %dma_wait3A_56 = arith.constant 0 : i32
    %dma_wait3A_57 = tpu.memref_slice %arg3[%dma_wait3A_55, %dma_wait3A_56] : memref<1000000x128xf32, #tpu.memory_space<hbm>> -> memref<1000000x128xf32, #tpu.memory_space<hbm>>
    tpu.wait_indirect_dma semaphore(%arg14 : memref<!tpu.dma_semaphore, #tpu.memory_space<semaphore_mem>>) src(%dma_wait3A_57 : memref<1000000x128xf32, #tpu.memory_space<hbm>>) dst(%arg8 : memref<128x128xf32, #tpu.memory_space<vmem>>)
    %add3A_58 = arith.constant 256 : i32
    %add3A_59 = arith.addi %mul3A_2, %add3A_58 : i32
    %dma_start3A_60 = arith.constant 0 : i32
    %dma_start3A_61 = tpu.memref_slice %arg4[%add3A_59, %dma_start3A_60] : memref<40960x128xf32, #tpu.memory_space<hbm>> -> memref<128x128xf32, #tpu.memory_space<hbm>>
    %dma_start3A_62 = arith.constant 0 : i32
    %dma_start3A_63 = tpu.memref_slice %arg4[%add3A_59, %dma_start3A_62] : memref<40960x128xf32, #tpu.memory_space<hbm>> -> memref<128x128xf32, #tpu.memory_space<hbm>>
    tpu.enqueue_dma source(%arg8 : memref<128x128xf32, #tpu.memory_space<vmem>>) target(%dma_start3A_63 : memref<128x128xf32, #tpu.memory_space<hbm>>) target_semaphore(%arg20 : memref<!tpu.dma_semaphore, #tpu.memory_space<semaphore_mem>>)
    %add3A_64 = arith.constant 0 : i32
    %add3A_65 = arith.addi %mul3A_2, %add3A_64 : i32
    %dma_wait3A_66 = arith.constant 0 : i32
    %dma_wait3A_67 = tpu.memref_slice %arg4[%add3A_65, %dma_wait3A_66] : memref<40960x128xf32, #tpu.memory_space<hbm>> -> memref<128x128xf32, #tpu.memory_space<hbm>>
    %dma_wait3A_68 = arith.constant 0 : i32
    %dma_wait3A_69 = tpu.memref_slice %arg4[%add3A_65, %dma_wait3A_68] : memref<40960x128xf32, #tpu.memory_space<hbm>> -> memref<128x128xf32, #tpu.memory_space<hbm>>
    tpu.wait_dma2 semaphore(%arg18 : memref<!tpu.dma_semaphore, #tpu.memory_space<semaphore_mem>>) src(%arg6 : memref<128x128xf32, #tpu.memory_space<vmem>>) dst(%dma_wait3A_69 : memref<128x128xf32, #tpu.memory_space<hbm>>)
    %dma_start3A_70 = arith.constant 768 : i32
    %dma_start3A_71 = tpu.memref_slice %arg5[%dma_start3A_70] : memref<1280xi32, #tpu.memory_space<vmem>> -> memref<128xi32, #tpu.memory_space<vmem>>
    %dma_start3A_72 = arith.constant 0 : i32
    %dma_start3A_73 = arith.constant 0 : i32
    %dma_start3A_74 = tpu.memref_slice %arg3[%dma_start3A_72, %dma_start3A_73] : memref<1000000x128xf32, #tpu.memory_space<hbm>> -> memref<1000000x128xf32, #tpu.memory_space<hbm>>
    tpu.enqueue_indirect_dma source(%dma_start3A_74 : memref<1000000x128xf32, #tpu.memory_space<hbm>>) target(%arg6 : memref<128x128xf32, #tpu.memory_space<vmem>>) offsets(%dma_start3A_71 : memref<128xi32, #tpu.memory_space<vmem>>) semaphore(%arg12 : memref<!tpu.dma_semaphore, #tpu.memory_space<semaphore_mem>>)
    %dma_wait3A_75 = arith.constant 384 : i32
    %dma_wait3A_76 = tpu.memref_slice %arg5[%dma_wait3A_75] : memref<1280xi32, #tpu.memory_space<vmem>> -> memref<128xi32, #tpu.memory_space<vmem>>
    %dma_wait3A_77 = arith.constant 0 : i32
    %dma_wait3A_78 = arith.constant 0 : i32
    %dma_wait3A_79 = tpu.memref_slice %arg3[%dma_wait3A_77, %dma_wait3A_78] : memref<1000000x128xf32, #tpu.memory_space<hbm>> -> memref<1000000x128xf32, #tpu.memory_space<hbm>>
    tpu.wait_indirect_dma semaphore(%arg15 : memref<!tpu.dma_semaphore, #tpu.memory_space<semaphore_mem>>) src(%dma_wait3A_79 : memref<1000000x128xf32, #tpu.memory_space<hbm>>) dst(%arg9 : memref<128x128xf32, #tpu.memory_space<vmem>>)
    %add3A_80 = arith.constant 384 : i32
    %add3A_81 = arith.addi %mul3A_2, %add3A_80 : i32
    %dma_start3A_82 = arith.constant 0 : i32
    %dma_start3A_83 = tpu.memref_slice %arg4[%add3A_81, %dma_start3A_82] : memref<40960x128xf32, #tpu.memory_space<hbm>> -> memref<128x128xf32, #tpu.memory_space<hbm>>
    %dma_start3A_84 = arith.constant 0 : i32
    %dma_start3A_85 = tpu.memref_slice %arg4[%add3A_81, %dma_start3A_84] : memref<40960x128xf32, #tpu.memory_space<hbm>> -> memref<128x128xf32, #tpu.memory_space<hbm>>
    tpu.enqueue_dma source(%arg9 : memref<128x128xf32, #tpu.memory_space<vmem>>) target(%dma_start3A_85 : memref<128x128xf32, #tpu.memory_space<hbm>>) target_semaphore(%arg21 : memref<!tpu.dma_semaphore, #tpu.memory_space<semaphore_mem>>)
    %add3A_86 = arith.constant 128 : i32
    %add3A_87 = arith.addi %mul3A_2, %add3A_86 : i32
    %dma_wait3A_88 = arith.constant 0 : i32
    %dma_wait3A_89 = tpu.memref_slice %arg4[%add3A_87, %dma_wait3A_88] : memref<40960x128xf32, #tpu.memory_space<hbm>> -> memref<128x128xf32, #tpu.memory_space<hbm>>
    %dma_wait3A_90 = arith.constant 0 : i32
    %dma_wait3A_91 = tpu.memref_slice %arg4[%add3A_87, %dma_wait3A_90] : memref<40960x128xf32, #tpu.memory_space<hbm>> -> memref<128x128xf32, #tpu.memory_space<hbm>>
    tpu.wait_dma2 semaphore(%arg19 : memref<!tpu.dma_semaphore, #tpu.memory_space<semaphore_mem>>) src(%arg7 : memref<128x128xf32, #tpu.memory_space<vmem>>) dst(%dma_wait3A_91 : memref<128x128xf32, #tpu.memory_space<hbm>>)
    %dma_start3A_92 = arith.constant 896 : i32
    %dma_start3A_93 = tpu.memref_slice %arg5[%dma_start3A_92] : memref<1280xi32, #tpu.memory_space<vmem>> -> memref<128xi32, #tpu.memory_space<vmem>>
    %dma_start3A_94 = arith.constant 0 : i32
    %dma_start3A_95 = arith.constant 0 : i32
    %dma_start3A_96 = tpu.memref_slice %arg3[%dma_start3A_94, %dma_start3A_95] : memref<1000000x128xf32, #tpu.memory_space<hbm>> -> memref<1000000x128xf32, #tpu.memory_space<hbm>>
    tpu.enqueue_indirect_dma source(%dma_start3A_96 : memref<1000000x128xf32, #tpu.memory_space<hbm>>) target(%arg7 : memref<128x128xf32, #tpu.memory_space<vmem>>) offsets(%dma_start3A_93 : memref<128xi32, #tpu.memory_space<vmem>>) semaphore(%arg13 : memref<!tpu.dma_semaphore, #tpu.memory_space<semaphore_mem>>)
    %dma_wait3A_97 = arith.constant 512 : i32
    %dma_wait3A_98 = tpu.memref_slice %arg5[%dma_wait3A_97] : memref<1280xi32, #tpu.memory_space<vmem>> -> memref<128xi32, #tpu.memory_space<vmem>>
    %dma_wait3A_99 = arith.constant 0 : i32
    %dma_wait3A_100 = arith.constant 0 : i32
    %dma_wait3A_101 = tpu.memref_slice %arg3[%dma_wait3A_99, %dma_wait3A_100] : memref<1000000x128xf32, #tpu.memory_space<hbm>> -> memref<1000000x128xf32, #tpu.memory_space<hbm>>
    tpu.wait_indirect_dma semaphore(%arg16 : memref<!tpu.dma_semaphore, #tpu.memory_space<semaphore_mem>>) src(%dma_wait3A_101 : memref<1000000x128xf32, #tpu.memory_space<hbm>>) dst(%arg10 : memref<128x128xf32, #tpu.memory_space<vmem>>)
    %add3A_102 = arith.constant 512 : i32
    %add3A_103 = arith.addi %mul3A_2, %add3A_102 : i32
    %dma_start3A_104 = arith.constant 0 : i32
    %dma_start3A_105 = tpu.memref_slice %arg4[%add3A_103, %dma_start3A_104] : memref<40960x128xf32, #tpu.memory_space<hbm>> -> memref<128x128xf32, #tpu.memory_space<hbm>>
    %dma_start3A_106 = arith.constant 0 : i32
    %dma_start3A_107 = tpu.memref_slice %arg4[%add3A_103, %dma_start3A_106] : memref<40960x128xf32, #tpu.memory_space<hbm>> -> memref<128x128xf32, #tpu.memory_space<hbm>>
    tpu.enqueue_dma source(%arg10 : memref<128x128xf32, #tpu.memory_space<vmem>>) target(%dma_start3A_107 : memref<128x128xf32, #tpu.memory_space<hbm>>) target_semaphore(%arg22 : memref<!tpu.dma_semaphore, #tpu.memory_space<semaphore_mem>>)
    %add3A_108 = arith.constant 256 : i32
    %add3A_109 = arith.addi %mul3A_2, %add3A_108 : i32
    %dma_wait3A_110 = arith.constant 0 : i32
    %dma_wait3A_111 = tpu.memref_slice %arg4[%add3A_109, %dma_wait3A_110] : memref<40960x128xf32, #tpu.memory_space<hbm>> -> memref<128x128xf32, #tpu.memory_space<hbm>>
    %dma_wait3A_112 = arith.constant 0 : i32
    %dma_wait3A_113 = tpu.memref_slice %arg4[%add3A_109, %dma_wait3A_112] : memref<40960x128xf32, #tpu.memory_space<hbm>> -> memref<128x128xf32, #tpu.memory_space<hbm>>
    tpu.wait_dma2 semaphore(%arg20 : memref<!tpu.dma_semaphore, #tpu.memory_space<semaphore_mem>>) src(%arg8 : memref<128x128xf32, #tpu.memory_space<vmem>>) dst(%dma_wait3A_113 : memref<128x128xf32, #tpu.memory_space<hbm>>)
    %dma_start3A_114 = arith.constant 1024 : i32
    %dma_start3A_115 = tpu.memref_slice %arg5[%dma_start3A_114] : memref<1280xi32, #tpu.memory_space<vmem>> -> memref<128xi32, #tpu.memory_space<vmem>>
    %dma_start3A_116 = arith.constant 0 : i32
    %dma_start3A_117 = arith.constant 0 : i32
    %dma_start3A_118 = tpu.memref_slice %arg3[%dma_start3A_116, %dma_start3A_117] : memref<1000000x128xf32, #tpu.memory_space<hbm>> -> memref<1000000x128xf32, #tpu.memory_space<hbm>>
    tpu.enqueue_indirect_dma source(%dma_start3A_118 : memref<1000000x128xf32, #tpu.memory_space<hbm>>) target(%arg8 : memref<128x128xf32, #tpu.memory_space<vmem>>) offsets(%dma_start3A_115 : memref<128xi32, #tpu.memory_space<vmem>>) semaphore(%arg14 : memref<!tpu.dma_semaphore, #tpu.memory_space<semaphore_mem>>)
    %dma_wait3A_119 = arith.constant 640 : i32
    %dma_wait3A_120 = tpu.memref_slice %arg5[%dma_wait3A_119] : memref<1280xi32, #tpu.memory_space<vmem>> -> memref<128xi32, #tpu.memory_space<vmem>>
    %dma_wait3A_121 = arith.constant 0 : i32
    %dma_wait3A_122 = arith.constant 0 : i32
    %dma_wait3A_123 = tpu.memref_slice %arg3[%dma_wait3A_121, %dma_wait3A_122] : memref<1000000x128xf32, #tpu.memory_space<hbm>> -> memref<1000000x128xf32, #tpu.memory_space<hbm>>
    tpu.wait_indirect_dma semaphore(%arg17 : memref<!tpu.dma_semaphore, #tpu.memory_space<semaphore_mem>>) src(%dma_wait3A_123 : memref<1000000x128xf32, #tpu.memory_space<hbm>>) dst(%arg11 : memref<128x128xf32, #tpu.memory_space<vmem>>)
    %add3A_124 = arith.constant 640 : i32
    %add3A_125 = arith.addi %mul3A_2, %add3A_124 : i32
    %dma_start3A_126 = arith.constant 0 : i32
    %dma_start3A_127 = tpu.memref_slice %arg4[%add3A_125, %dma_start3A_126] : memref<40960x128xf32, #tpu.memory_space<hbm>> -> memref<128x128xf32, #tpu.memory_space<hbm>>
    %dma_start3A_128 = arith.constant 0 : i32
    %dma_start3A_129 = tpu.memref_slice %arg4[%add3A_125, %dma_start3A_128] : memref<40960x128xf32, #tpu.memory_space<hbm>> -> memref<128x128xf32, #tpu.memory_space<hbm>>
    tpu.enqueue_dma source(%arg11 : memref<128x128xf32, #tpu.memory_space<vmem>>) target(%dma_start3A_129 : memref<128x128xf32, #tpu.memory_space<hbm>>) target_semaphore(%arg23 : memref<!tpu.dma_semaphore, #tpu.memory_space<semaphore_mem>>)
    %add3A_130 = arith.constant 384 : i32
    %add3A_131 = arith.addi %mul3A_2, %add3A_130 : i32
    %dma_wait3A_132 = arith.constant 0 : i32
    %dma_wait3A_133 = tpu.memref_slice %arg4[%add3A_131, %dma_wait3A_132] : memref<40960x128xf32, #tpu.memory_space<hbm>> -> memref<128x128xf32, #tpu.memory_space<hbm>>
    %dma_wait3A_134 = arith.constant 0 : i32
    %dma_wait3A_135 = tpu.memref_slice %arg4[%add3A_131, %dma_wait3A_134] : memref<40960x128xf32, #tpu.memory_space<hbm>> -> memref<128x128xf32, #tpu.memory_space<hbm>>
    tpu.wait_dma2 semaphore(%arg21 : memref<!tpu.dma_semaphore, #tpu.memory_space<semaphore_mem>>) src(%arg9 : memref<128x128xf32, #tpu.memory_space<vmem>>) dst(%dma_wait3A_135 : memref<128x128xf32, #tpu.memory_space<hbm>>)
    %dma_start3A_136 = arith.constant 1152 : i32
    %dma_start3A_137 = tpu.memref_slice %arg5[%dma_start3A_136] : memref<1280xi32, #tpu.memory_space<vmem>> -> memref<128xi32, #tpu.memory_space<vmem>>
    %dma_start3A_138 = arith.constant 0 : i32
    %dma_start3A_139 = arith.constant 0 : i32
    %dma_start3A_140 = tpu.memref_slice %arg3[%dma_start3A_138, %dma_start3A_139] : memref<1000000x128xf32, #tpu.memory_space<hbm>> -> memref<1000000x128xf32, #tpu.memory_space<hbm>>
    tpu.enqueue_indirect_dma source(%dma_start3A_140 : memref<1000000x128xf32, #tpu.memory_space<hbm>>) target(%arg9 : memref<128x128xf32, #tpu.memory_space<vmem>>) offsets(%dma_start3A_137 : memref<128xi32, #tpu.memory_space<vmem>>) semaphore(%arg15 : memref<!tpu.dma_semaphore, #tpu.memory_space<semaphore_mem>>)
    %dma_wait3A_141 = arith.constant 768 : i32
    %dma_wait3A_142 = tpu.memref_slice %arg5[%dma_wait3A_141] : memref<1280xi32, #tpu.memory_space<vmem>> -> memref<128xi32, #tpu.memory_space<vmem>>
    %dma_wait3A_143 = arith.constant 0 : i32
    %dma_wait3A_144 = arith.constant 0 : i32
    %dma_wait3A_145 = tpu.memref_slice %arg3[%dma_wait3A_143, %dma_wait3A_144] : memref<1000000x128xf32, #tpu.memory_space<hbm>> -> memref<1000000x128xf32, #tpu.memory_space<hbm>>
    tpu.wait_indirect_dma semaphore(%arg12 : memref<!tpu.dma_semaphore, #tpu.memory_space<semaphore_mem>>) src(%dma_wait3A_145 : memref<1000000x128xf32, #tpu.memory_space<hbm>>) dst(%arg6 : memref<128x128xf32, #tpu.memory_space<vmem>>)
    %add3A_146 = arith.constant 768 : i32
    %add3A_147 = arith.addi %mul3A_2, %add3A_146 : i32
    %dma_start3A_148 = arith.constant 0 : i32
    %dma_start3A_149 = tpu.memref_slice %arg4[%add3A_147, %dma_start3A_148] : memref<40960x128xf32, #tpu.memory_space<hbm>> -> memref<128x128xf32, #tpu.memory_space<hbm>>
    %dma_start3A_150 = arith.constant 0 : i32
    %dma_start3A_151 = tpu.memref_slice %arg4[%add3A_147, %dma_start3A_150] : memref<40960x128xf32, #tpu.memory_space<hbm>> -> memref<128x128xf32, #tpu.memory_space<hbm>>
    tpu.enqueue_dma source(%arg6 : memref<128x128xf32, #tpu.memory_space<vmem>>) target(%dma_start3A_151 : memref<128x128xf32, #tpu.memory_space<hbm>>) target_semaphore(%arg18 : memref<!tpu.dma_semaphore, #tpu.memory_space<semaphore_mem>>)
    %dma_wait3A_152 = arith.constant 896 : i32
    %dma_wait3A_153 = tpu.memref_slice %arg5[%dma_wait3A_152] : memref<1280xi32, #tpu.memory_space<vmem>> -> memref<128xi32, #tpu.memory_space<vmem>>
    %dma_wait3A_154 = arith.constant 0 : i32
    %dma_wait3A_155 = arith.constant 0 : i32
    %dma_wait3A_156 = tpu.memref_slice %arg3[%dma_wait3A_154, %dma_wait3A_155] : memref<1000000x128xf32, #tpu.memory_space<hbm>> -> memref<1000000x128xf32, #tpu.memory_space<hbm>>
    tpu.wait_indirect_dma semaphore(%arg13 : memref<!tpu.dma_semaphore, #tpu.memory_space<semaphore_mem>>) src(%dma_wait3A_156 : memref<1000000x128xf32, #tpu.memory_space<hbm>>) dst(%arg7 : memref<128x128xf32, #tpu.memory_space<vmem>>)
    %add3A_157 = arith.constant 896 : i32
    %add3A_158 = arith.addi %mul3A_2, %add3A_157 : i32
    %dma_start3A_159 = arith.constant 0 : i32
    %dma_start3A_160 = tpu.memref_slice %arg4[%add3A_158, %dma_start3A_159] : memref<40960x128xf32, #tpu.memory_space<hbm>> -> memref<128x128xf32, #tpu.memory_space<hbm>>
    %dma_start3A_161 = arith.constant 0 : i32
    %dma_start3A_162 = tpu.memref_slice %arg4[%add3A_158, %dma_start3A_161] : memref<40960x128xf32, #tpu.memory_space<hbm>> -> memref<128x128xf32, #tpu.memory_space<hbm>>
    tpu.enqueue_dma source(%arg7 : memref<128x128xf32, #tpu.memory_space<vmem>>) target(%dma_start3A_162 : memref<128x128xf32, #tpu.memory_space<hbm>>) target_semaphore(%arg19 : memref<!tpu.dma_semaphore, #tpu.memory_space<semaphore_mem>>)
    %dma_wait3A_163 = arith.constant 1024 : i32
    %dma_wait3A_164 = tpu.memref_slice %arg5[%dma_wait3A_163] : memref<1280xi32, #tpu.memory_space<vmem>> -> memref<128xi32, #tpu.memory_space<vmem>>
    %dma_wait3A_165 = arith.constant 0 : i32
    %dma_wait3A_166 = arith.constant 0 : i32
    %dma_wait3A_167 = tpu.memref_slice %arg3[%dma_wait3A_165, %dma_wait3A_166] : memref<1000000x128xf32, #tpu.memory_space<hbm>> -> memref<1000000x128xf32, #tpu.memory_space<hbm>>
    tpu.wait_indirect_dma semaphore(%arg14 : memref<!tpu.dma_semaphore, #tpu.memory_space<semaphore_mem>>) src(%dma_wait3A_167 : memref<1000000x128xf32, #tpu.memory_space<hbm>>) dst(%arg8 : memref<128x128xf32, #tpu.memory_space<vmem>>)
    %add3A_168 = arith.constant 1024 : i32
    %add3A_169 = arith.addi %mul3A_2, %add3A_168 : i32
    %dma_start3A_170 = arith.constant 0 : i32
    %dma_start3A_171 = tpu.memref_slice %arg4[%add3A_169, %dma_start3A_170] : memref<40960x128xf32, #tpu.memory_space<hbm>> -> memref<128x128xf32, #tpu.memory_space<hbm>>
    %dma_start3A_172 = arith.constant 0 : i32
    %dma_start3A_173 = tpu.memref_slice %arg4[%add3A_169, %dma_start3A_172] : memref<40960x128xf32, #tpu.memory_space<hbm>> -> memref<128x128xf32, #tpu.memory_space<hbm>>
    tpu.enqueue_dma source(%arg8 : memref<128x128xf32, #tpu.memory_space<vmem>>) target(%dma_start3A_173 : memref<128x128xf32, #tpu.memory_space<hbm>>) target_semaphore(%arg20 : memref<!tpu.dma_semaphore, #tpu.memory_space<semaphore_mem>>)
    %dma_wait3A_174 = arith.constant 1152 : i32
    %dma_wait3A_175 = tpu.memref_slice %arg5[%dma_wait3A_174] : memref<1280xi32, #tpu.memory_space<vmem>> -> memref<128xi32, #tpu.memory_space<vmem>>
    %dma_wait3A_176 = arith.constant 0 : i32
    %dma_wait3A_177 = arith.constant 0 : i32
    %dma_wait3A_178 = tpu.memref_slice %arg3[%dma_wait3A_176, %dma_wait3A_177] : memref<1000000x128xf32, #tpu.memory_space<hbm>> -> memref<1000000x128xf32, #tpu.memory_space<hbm>>
    tpu.wait_indirect_dma semaphore(%arg15 : memref<!tpu.dma_semaphore, #tpu.memory_space<semaphore_mem>>) src(%dma_wait3A_178 : memref<1000000x128xf32, #tpu.memory_space<hbm>>) dst(%arg9 : memref<128x128xf32, #tpu.memory_space<vmem>>)
    %add3A_179 = arith.constant 1152 : i32
    %add3A_180 = arith.addi %mul3A_2, %add3A_179 : i32
    %dma_start3A_181 = arith.constant 0 : i32
    %dma_start3A_182 = tpu.memref_slice %arg4[%add3A_180, %dma_start3A_181] : memref<40960x128xf32, #tpu.memory_space<hbm>> -> memref<128x128xf32, #tpu.memory_space<hbm>>
    %dma_start3A_183 = arith.constant 0 : i32
    %dma_start3A_184 = tpu.memref_slice %arg4[%add3A_180, %dma_start3A_183] : memref<40960x128xf32, #tpu.memory_space<hbm>> -> memref<128x128xf32, #tpu.memory_space<hbm>>
    tpu.enqueue_dma source(%arg9 : memref<128x128xf32, #tpu.memory_space<vmem>>) target(%dma_start3A_184 : memref<128x128xf32, #tpu.memory_space<hbm>>) target_semaphore(%arg21 : memref<!tpu.dma_semaphore, #tpu.memory_space<semaphore_mem>>)
    %add3A_185 = arith.constant 512 : i32
    %add3A_186 = arith.addi %mul3A_2, %add3A_185 : i32
    %dma_wait3A_187 = arith.constant 0 : i32
    %dma_wait3A_188 = tpu.memref_slice %arg4[%add3A_186, %dma_wait3A_187] : memref<40960x128xf32, #tpu.memory_space<hbm>> -> memref<128x128xf32, #tpu.memory_space<hbm>>
    %dma_wait3A_189 = arith.constant 0 : i32
    %dma_wait3A_190 = tpu.memref_slice %arg4[%add3A_186, %dma_wait3A_189] : memref<40960x128xf32, #tpu.memory_space<hbm>> -> memref<128x128xf32, #tpu.memory_space<hbm>>
    tpu.wait_dma2 semaphore(%arg22 : memref<!tpu.dma_semaphore, #tpu.memory_space<semaphore_mem>>) src(%arg10 : memref<128x128xf32, #tpu.memory_space<vmem>>) dst(%dma_wait3A_190 : memref<128x128xf32, #tpu.memory_space<hbm>>)
    %add3A_191 = arith.constant 640 : i32
    %add3A_192 = arith.addi %mul3A_2, %add3A_191 : i32
    %dma_wait3A_193 = arith.constant 0 : i32
    %dma_wait3A_194 = tpu.memref_slice %arg4[%add3A_192, %dma_wait3A_193] : memref<40960x128xf32, #tpu.memory_space<hbm>> -> memref<128x128xf32, #tpu.memory_space<hbm>>
    %dma_wait3A_195 = arith.constant 0 : i32
    %dma_wait3A_196 = tpu.memref_slice %arg4[%add3A_192, %dma_wait3A_195] : memref<40960x128xf32, #tpu.memory_space<hbm>> -> memref<128x128xf32, #tpu.memory_space<hbm>>
    tpu.wait_dma2 semaphore(%arg23 : memref<!tpu.dma_semaphore, #tpu.memory_space<semaphore_mem>>) src(%arg11 : memref<128x128xf32, #tpu.memory_space<vmem>>) dst(%dma_wait3A_196 : memref<128x128xf32, #tpu.memory_space<hbm>>)
    %add3A_197 = arith.constant 768 : i32
    %add3A_198 = arith.addi %mul3A_2, %add3A_197 : i32
    %dma_wait3A_199 = arith.constant 0 : i32
    %dma_wait3A_200 = tpu.memref_slice %arg4[%add3A_198, %dma_wait3A_199] : memref<40960x128xf32, #tpu.memory_space<hbm>> -> memref<128x128xf32, #tpu.memory_space<hbm>>
    %dma_wait3A_201 = arith.constant 0 : i32
    %dma_wait3A_202 = tpu.memref_slice %arg4[%add3A_198, %dma_wait3A_201] : memref<40960x128xf32, #tpu.memory_space<hbm>> -> memref<128x128xf32, #tpu.memory_space<hbm>>
    tpu.wait_dma2 semaphore(%arg18 : memref<!tpu.dma_semaphore, #tpu.memory_space<semaphore_mem>>) src(%arg6 : memref<128x128xf32, #tpu.memory_space<vmem>>) dst(%dma_wait3A_202 : memref<128x128xf32, #tpu.memory_space<hbm>>)
    %add3A_203 = arith.constant 896 : i32
    %add3A_204 = arith.addi %mul3A_2, %add3A_203 : i32
    %dma_wait3A_205 = arith.constant 0 : i32
    %dma_wait3A_206 = tpu.memref_slice %arg4[%add3A_204, %dma_wait3A_205] : memref<40960x128xf32, #tpu.memory_space<hbm>> -> memref<128x128xf32, #tpu.memory_space<hbm>>
    %dma_wait3A_207 = arith.constant 0 : i32
    %dma_wait3A_208 = tpu.memref_slice %arg4[%add3A_204, %dma_wait3A_207] : memref<40960x128xf32, #tpu.memory_space<hbm>> -> memref<128x128xf32, #tpu.memory_space<hbm>>
    tpu.wait_dma2 semaphore(%arg19 : memref<!tpu.dma_semaphore, #tpu.memory_space<semaphore_mem>>) src(%arg7 : memref<128x128xf32, #tpu.memory_space<vmem>>) dst(%dma_wait3A_208 : memref<128x128xf32, #tpu.memory_space<hbm>>)
    %add3A_209 = arith.constant 1024 : i32
    %add3A_210 = arith.addi %mul3A_2, %add3A_209 : i32
    %dma_wait3A_211 = arith.constant 0 : i32
    %dma_wait3A_212 = tpu.memref_slice %arg4[%add3A_210, %dma_wait3A_211] : memref<40960x128xf32, #tpu.memory_space<hbm>> -> memref<128x128xf32, #tpu.memory_space<hbm>>
    %dma_wait3A_213 = arith.constant 0 : i32
    %dma_wait3A_214 = tpu.memref_slice %arg4[%add3A_210, %dma_wait3A_213] : memref<40960x128xf32, #tpu.memory_space<hbm>> -> memref<128x128xf32, #tpu.memory_space<hbm>>
    tpu.wait_dma2 semaphore(%arg20 : memref<!tpu.dma_semaphore, #tpu.memory_space<semaphore_mem>>) src(%arg8 : memref<128x128xf32, #tpu.memory_space<vmem>>) dst(%dma_wait3A_214 : memref<128x128xf32, #tpu.memory_space<hbm>>)
    %add3A_215 = arith.constant 1152 : i32
    %add3A_216 = arith.addi %mul3A_2, %add3A_215 : i32
    %dma_wait3A_217 = arith.constant 0 : i32
    %dma_wait3A_218 = tpu.memref_slice %arg4[%add3A_216, %dma_wait3A_217] : memref<40960x128xf32, #tpu.memory_space<hbm>> -> memref<128x128xf32, #tpu.memory_space<hbm>>
    %dma_wait3A_219 = arith.constant 0 : i32
    %dma_wait3A_220 = tpu.memref_slice %arg4[%add3A_216, %dma_wait3A_219] : memref<40960x128xf32, #tpu.memory_space<hbm>> -> memref<128x128xf32, #tpu.memory_space<hbm>>
    tpu.wait_dma2 semaphore(%arg21 : memref<!tpu.dma_semaphore, #tpu.memory_space<semaphore_mem>>) src(%arg9 : memref<128x128xf32, #tpu.memory_space<vmem>>) dst(%dma_wait3A_220 : memref<128x128xf32, #tpu.memory_space<hbm>>)
    return
  }
}

#map = affine_map<(d0, d1) -> (0)>
#map1 = affine_map<(d0, d1) -> (0, 0)>
module attributes {stable_mosaic.version = 14 : i64} {
  func.func @_sc_gather_kernel(%arg0: i32, %arg1: i32, %arg2: memref<40960xi32, #tpu.memory_space<hbm>>, %arg3: memref<1000000x128xf32, #tpu.memory_space<hbm>>, %arg4: memref<40960x128xf32, #tpu.memory_space<hbm>>, %arg5: memref<1280xi32, #tpu.memory_space<vmem>>, %arg6: memref<128x128xf32, #tpu.memory_space<vmem>>, %arg7: memref<128x128xf32, #tpu.memory_space<vmem>>, %arg8: memref<128x128xf32, #tpu.memory_space<vmem>>, %arg9: memref<128x128xf32, #tpu.memory_space<vmem>>, %arg10: memref<128x128xf32, #tpu.memory_space<vmem>>, %arg11: memref<128x128xf32, #tpu.memory_space<vmem>>, %arg12: memref<!tpu.dma_semaphore, #tpu.memory_space<semaphore_mem>>, %arg13: memref<!tpu.dma_semaphore, #tpu.memory_space<semaphore_mem>>, %arg14: memref<!tpu.dma_semaphore, #tpu.memory_space<semaphore_mem>>, %arg15: memref<!tpu.dma_semaphore, #tpu.memory_space<semaphore_mem>>, %arg16: memref<!tpu.dma_semaphore, #tpu.memory_space<semaphore_mem>>, %arg17: memref<!tpu.dma_semaphore, #tpu.memory_space<semaphore_mem>>, %arg18: memref<!tpu.dma_semaphore, #tpu.memory_space<semaphore_mem>>, %arg19: memref<!tpu.dma_semaphore, #tpu.memory_space<semaphore_mem>>, %arg20: memref<!tpu.dma_semaphore, #tpu.memory_space<semaphore_mem>>, %arg21: memref<!tpu.dma_semaphore, #tpu.memory_space<semaphore_mem>>, %arg22: memref<!tpu.dma_semaphore, #tpu.memory_space<semaphore_mem>>, %arg23: memref<!tpu.dma_semaphore, #tpu.memory_space<semaphore_mem>>) attributes {dimension_semantics = [#tpu.dimension_semantics<core_parallel>, #tpu.dimension_semantics<subcore_parallel>], iteration_bounds = array<i64: 2, 16>, scalar_prefetch = 0 : i64, scratch_operands = 19 : i64, tpu.core_type = #tpu.core_type<sc_vector_subcore>, window_params = [{transform_indices = #map}, {transform_indices = #map1}, {transform_indices = #map1}]} {
    %mul3A = arith.constant 2 : i32
    %mul3A_0 = arith.muli %arg1, %mul3A : i32
    %add3A = arith.addi %mul3A_0, %arg0 : i32
    %mul3A_1 = arith.constant 1280 : i32
    %mul3A_2 = arith.muli %add3A, %mul3A_1 : i32
    "tpu.region"() ({
      %run_scoped3A = tpu.sem_alloc : memref<!tpu.dma_semaphore, #tpu.memory_space<semaphore_mem>>
      %dma_start3A_221 = tpu.memref_slice %arg2[%mul3A_2] : memref<40960xi32, #tpu.memory_space<hbm>> -> memref<1280xi32, #tpu.memory_space<hbm>>
      %dma_start3A_222 = tpu.memref_slice %arg2[%mul3A_2] : memref<40960xi32, #tpu.memory_space<hbm>> -> memref<1280xi32, #tpu.memory_space<hbm>>
      tpu.enqueue_dma source(%dma_start3A_222 : memref<1280xi32, #tpu.memory_space<hbm>>) target(%arg5 : memref<1280xi32, #tpu.memory_space<vmem>>) target_semaphore(%run_scoped3A : memref<!tpu.dma_semaphore, #tpu.memory_space<semaphore_mem>>)
      %dma_wait3A_223 = tpu.memref_slice %arg2[%mul3A_2] : memref<40960xi32, #tpu.memory_space<hbm>> -> memref<1280xi32, #tpu.memory_space<hbm>>
      %dma_wait3A_224 = tpu.memref_slice %arg2[%mul3A_2] : memref<40960xi32, #tpu.memory_space<hbm>> -> memref<1280xi32, #tpu.memory_space<hbm>>
      tpu.wait_dma2 semaphore(%run_scoped3A : memref<!tpu.dma_semaphore, #tpu.memory_space<semaphore_mem>>) src(%dma_wait3A_224 : memref<1280xi32, #tpu.memory_space<hbm>>) dst(%arg5 : memref<1280xi32, #tpu.memory_space<vmem>>)
      tpu.yield
    }) : () -> ()
    %dma_start3A = arith.constant 0 : i32
    %dma_start3A_3 = tpu.memref_slice %arg5[%dma_start3A] : memref<1280xi32, #tpu.memory_space<vmem>> -> memref<128xi32, #tpu.memory_space<vmem>>
    %dma_start3A_4 = arith.constant 0 : i32
    %dma_start3A_5 = arith.constant 0 : i32
    %dma_start3A_6 = tpu.memref_slice %arg3[%dma_start3A_4, %dma_start3A_5] : memref<1000000x128xf32, #tpu.memory_space<hbm>> -> memref<1000000x128xf32, #tpu.memory_space<hbm>>
    tpu.enqueue_indirect_dma source(%dma_start3A_6 : memref<1000000x128xf32, #tpu.memory_space<hbm>>) target(%arg6 : memref<128x128xf32, #tpu.memory_space<vmem>>) offsets(%dma_start3A_3 : memref<128xi32, #tpu.memory_space<vmem>>) semaphore(%arg12 : memref<!tpu.dma_semaphore, #tpu.memory_space<semaphore_mem>>)
    %dma_start3A_7 = arith.constant 128 : i32
    %dma_start3A_8 = tpu.memref_slice %arg5[%dma_start3A_7] : memref<1280xi32, #tpu.memory_space<vmem>> -> memref<128xi32, #tpu.memory_space<vmem>>
    %dma_start3A_9 = arith.constant 0 : i32
    %dma_start3A_10 = arith.constant 0 : i32
    %dma_start3A_11 = tpu.memref_slice %arg3[%dma_start3A_9, %dma_start3A_10] : memref<1000000x128xf32, #tpu.memory_space<hbm>> -> memref<1000000x128xf32, #tpu.memory_space<hbm>>
    tpu.enqueue_indirect_dma source(%dma_start3A_11 : memref<1000000x128xf32, #tpu.memory_space<hbm>>) target(%arg7 : memref<128x128xf32, #tpu.memory_space<vmem>>) offsets(%dma_start3A_8 : memref<128xi32, #tpu.memory_space<vmem>>) semaphore(%arg13 : memref<!tpu.dma_semaphore, #tpu.memory_space<semaphore_mem>>)
    %dma_start3A_12 = arith.constant 256 : i32
    %dma_start3A_13 = tpu.memref_slice %arg5[%dma_start3A_12] : memref<1280xi32, #tpu.memory_space<vmem>> -> memref<128xi32, #tpu.memory_space<vmem>>
    %dma_start3A_14 = arith.constant 0 : i32
    %dma_start3A_15 = arith.constant 0 : i32
    %dma_start3A_16 = tpu.memref_slice %arg3[%dma_start3A_14, %dma_start3A_15] : memref<1000000x128xf32, #tpu.memory_space<hbm>> -> memref<1000000x128xf32, #tpu.memory_space<hbm>>
    tpu.enqueue_indirect_dma source(%dma_start3A_16 : memref<1000000x128xf32, #tpu.memory_space<hbm>>) target(%arg8 : memref<128x128xf32, #tpu.memory_space<vmem>>) offsets(%dma_start3A_13 : memref<128xi32, #tpu.memory_space<vmem>>) semaphore(%arg14 : memref<!tpu.dma_semaphore, #tpu.memory_space<semaphore_mem>>)
    %dma_start3A_17 = arith.constant 384 : i32
    %dma_start3A_18 = tpu.memref_slice %arg5[%dma_start3A_17] : memref<1280xi32, #tpu.memory_space<vmem>> -> memref<128xi32, #tpu.memory_space<vmem>>
    %dma_start3A_19 = arith.constant 0 : i32
    %dma_start3A_20 = arith.constant 0 : i32
    %dma_start3A_21 = tpu.memref_slice %arg3[%dma_start3A_19, %dma_start3A_20] : memref<1000000x128xf32, #tpu.memory_space<hbm>> -> memref<1000000x128xf32, #tpu.memory_space<hbm>>
    tpu.enqueue_indirect_dma source(%dma_start3A_21 : memref<1000000x128xf32, #tpu.memory_space<hbm>>) target(%arg9 : memref<128x128xf32, #tpu.memory_space<vmem>>) offsets(%dma_start3A_18 : memref<128xi32, #tpu.memory_space<vmem>>) semaphore(%arg15 : memref<!tpu.dma_semaphore, #tpu.memory_space<semaphore_mem>>)
    %dma_wait3A = arith.constant 0 : i32
    %dma_wait3A_22 = tpu.memref_slice %arg5[%dma_wait3A] : memref<1280xi32, #tpu.memory_space<vmem>> -> memref<128xi32, #tpu.memory_space<vmem>>
    %dma_wait3A_23 = arith.constant 0 : i32
    %dma_wait3A_24 = arith.constant 0 : i32
    %dma_wait3A_25 = tpu.memref_slice %arg3[%dma_wait3A_23, %dma_wait3A_24] : memref<1000000x128xf32, #tpu.memory_space<hbm>> -> memref<1000000x128xf32, #tpu.memory_space<hbm>>
    tpu.wait_indirect_dma semaphore(%arg12 : memref<!tpu.dma_semaphore, #tpu.memory_space<semaphore_mem>>) src(%dma_wait3A_25 : memref<1000000x128xf32, #tpu.memory_space<hbm>>) dst(%arg6 : memref<128x128xf32, #tpu.memory_space<vmem>>)
    %add3A_26 = arith.constant 0 : i32
    %add3A_27 = arith.addi %mul3A_2, %add3A_26 : i32
    %dma_start3A_28 = arith.constant 0 : i32
    %dma_start3A_29 = tpu.memref_slice %arg4[%add3A_27, %dma_start3A_28] : memref<40960x128xf32, #tpu.memory_space<hbm>> -> memref<128x128xf32, #tpu.memory_space<hbm>>
    %dma_start3A_30 = arith.constant 0 : i32
    %dma_start3A_31 = tpu.memref_slice %arg4[%add3A_27, %dma_start3A_30] : memref<40960x128xf32, #tpu.memory_space<hbm>> -> memref<128x128xf32, #tpu.memory_space<hbm>>
    tpu.enqueue_dma source(%arg6 : memref<128x128xf32, #tpu.memory_space<vmem>>) target(%dma_start3A_31 : memref<128x128xf32, #tpu.memory_space<hbm>>) target_semaphore(%arg18 : memref<!tpu.dma_semaphore, #tpu.memory_space<semaphore_mem>>)
    %dma_start3A_32 = arith.constant 512 : i32
    %dma_start3A_33 = tpu.memref_slice %arg5[%dma_start3A_32] : memref<1280xi32, #tpu.memory_space<vmem>> -> memref<128xi32, #tpu.memory_space<vmem>>
    %dma_start3A_34 = arith.constant 0 : i32
    %dma_start3A_35 = arith.constant 0 : i32
    %dma_start3A_36 = tpu.memref_slice %arg3[%dma_start3A_34, %dma_start3A_35] : memref<1000000x128xf32, #tpu.memory_space<hbm>> -> memref<1000000x128xf32, #tpu.memory_space<hbm>>
    tpu.enqueue_indirect_dma source(%dma_start3A_36 : memref<1000000x128xf32, #tpu.memory_space<hbm>>) target(%arg10 : memref<128x128xf32, #tpu.memory_space<vmem>>) offsets(%dma_start3A_33 : memref<128xi32, #tpu.memory_space<vmem>>) semaphore(%arg16 : memref<!tpu.dma_semaphore, #tpu.memory_space<semaphore_mem>>)
    %dma_wait3A_37 = arith.constant 128 : i32
    %dma_wait3A_38 = tpu.memref_slice %arg5[%dma_wait3A_37] : memref<1280xi32, #tpu.memory_space<vmem>> -> memref<128xi32, #tpu.memory_space<vmem>>
    %dma_wait3A_39 = arith.constant 0 : i32
    %dma_wait3A_40 = arith.constant 0 : i32
    %dma_wait3A_41 = tpu.memref_slice %arg3[%dma_wait3A_39, %dma_wait3A_40] : memref<1000000x128xf32, #tpu.memory_space<hbm>> -> memref<1000000x128xf32, #tpu.memory_space<hbm>>
    tpu.wait_indirect_dma semaphore(%arg13 : memref<!tpu.dma_semaphore, #tpu.memory_space<semaphore_mem>>) src(%dma_wait3A_41 : memref<1000000x128xf32, #tpu.memory_space<hbm>>) dst(%arg7 : memref<128x128xf32, #tpu.memory_space<vmem>>)
    %add3A_42 = arith.constant 128 : i32
    %add3A_43 = arith.addi %mul3A_2, %add3A_42 : i32
    %dma_start3A_44 = arith.constant 0 : i32
    %dma_start3A_45 = tpu.memref_slice %arg4[%add3A_43, %dma_start3A_44] : memref<40960x128xf32, #tpu.memory_space<hbm>> -> memref<128x128xf32, #tpu.memory_space<hbm>>
    %dma_start3A_46 = arith.constant 0 : i32
    %dma_start3A_47 = tpu.memref_slice %arg4[%add3A_43, %dma_start3A_46] : memref<40960x128xf32, #tpu.memory_space<hbm>> -> memref<128x128xf32, #tpu.memory_space<hbm>>
    tpu.enqueue_dma source(%arg7 : memref<128x128xf32, #tpu.memory_space<vmem>>) target(%dma_start3A_47 : memref<128x128xf32, #tpu.memory_space<hbm>>) target_semaphore(%arg19 : memref<!tpu.dma_semaphore, #tpu.memory_space<semaphore_mem>>)
    %dma_start3A_48 = arith.constant 640 : i32
    %dma_start3A_49 = tpu.memref_slice %arg5[%dma_start3A_48] : memref<1280xi32, #tpu.memory_space<vmem>> -> memref<128xi32, #tpu.memory_space<vmem>>
    %dma_start3A_50 = arith.constant 0 : i32
    %dma_start3A_51 = arith.constant 0 : i32
    %dma_start3A_52 = tpu.memref_slice %arg3[%dma_start3A_50, %dma_start3A_51] : memref<1000000x128xf32, #tpu.memory_space<hbm>> -> memref<1000000x128xf32, #tpu.memory_space<hbm>>
    tpu.enqueue_indirect_dma source(%dma_start3A_52 : memref<1000000x128xf32, #tpu.memory_space<hbm>>) target(%arg11 : memref<128x128xf32, #tpu.memory_space<vmem>>) offsets(%dma_start3A_49 : memref<128xi32, #tpu.memory_space<vmem>>) semaphore(%arg17 : memref<!tpu.dma_semaphore, #tpu.memory_space<semaphore_mem>>)
    %dma_wait3A_53 = arith.constant 256 : i32
    %dma_wait3A_54 = tpu.memref_slice %arg5[%dma_wait3A_53] : memref<1280xi32, #tpu.memory_space<vmem>> -> memref<128xi32, #tpu.memory_space<vmem>>
    %dma_wait3A_55 = arith.constant 0 : i32
    %dma_wait3A_56 = arith.constant 0 : i32
    %dma_wait3A_57 = tpu.memref_slice %arg3[%dma_wait3A_55, %dma_wait3A_56] : memref<1000000x128xf32, #tpu.memory_space<hbm>> -> memref<1000000x128xf32, #tpu.memory_space<hbm>>
    tpu.wait_indirect_dma semaphore(%arg14 : memref<!tpu.dma_semaphore, #tpu.memory_space<semaphore_mem>>) src(%dma_wait3A_57 : memref<1000000x128xf32, #tpu.memory_space<hbm>>) dst(%arg8 : memref<128x128xf32, #tpu.memory_space<vmem>>)
    %add3A_58 = arith.constant 256 : i32
    %add3A_59 = arith.addi %mul3A_2, %add3A_58 : i32
    %dma_start3A_60 = arith.constant 0 : i32
    %dma_start3A_61 = tpu.memref_slice %arg4[%add3A_59, %dma_start3A_60] : memref<40960x128xf32, #tpu.memory_space<hbm>> -> memref<128x128xf32, #tpu.memory_space<hbm>>
    %dma_start3A_62 = arith.constant 0 : i32
    %dma_start3A_63 = tpu.memref_slice %arg4[%add3A_59, %dma_start3A_62] : memref<40960x128xf32, #tpu.memory_space<hbm>> -> memref<128x128xf32, #tpu.memory_space<hbm>>
    tpu.enqueue_dma source(%arg8 : memref<128x128xf32, #tpu.memory_space<vmem>>) target(%dma_start3A_63 : memref<128x128xf32, #tpu.memory_space<hbm>>) target_semaphore(%arg20 : memref<!tpu.dma_semaphore, #tpu.memory_space<semaphore_mem>>)
    %add3A_64 = arith.constant 0 : i32
    %add3A_65 = arith.addi %mul3A_2, %add3A_64 : i32
    %dma_wait3A_66 = arith.constant 0 : i32
    %dma_wait3A_67 = tpu.memref_slice %arg4[%add3A_65, %dma_wait3A_66] : memref<40960x128xf32, #tpu.memory_space<hbm>> -> memref<128x128xf32, #tpu.memory_space<hbm>>
    %dma_wait3A_68 = arith.constant 0 : i32
    %dma_wait3A_69 = tpu.memref_slice %arg4[%add3A_65, %dma_wait3A_68] : memref<40960x128xf32, #tpu.memory_space<hbm>> -> memref<128x128xf32, #tpu.memory_space<hbm>>
    tpu.wait_dma2 semaphore(%arg18 : memref<!tpu.dma_semaphore, #tpu.memory_space<semaphore_mem>>) src(%arg6 : memref<128x128xf32, #tpu.memory_space<vmem>>) dst(%dma_wait3A_69 : memref<128x128xf32, #tpu.memory_space<hbm>>)
    %dma_start3A_70 = arith.constant 768 : i32
    %dma_start3A_71 = tpu.memref_slice %arg5[%dma_start3A_70] : memref<1280xi32, #tpu.memory_space<vmem>> -> memref<128xi32, #tpu.memory_space<vmem>>
    %dma_start3A_72 = arith.constant 0 : i32
    %dma_start3A_73 = arith.constant 0 : i32
    %dma_start3A_74 = tpu.memref_slice %arg3[%dma_start3A_72, %dma_start3A_73] : memref<1000000x128xf32, #tpu.memory_space<hbm>> -> memref<1000000x128xf32, #tpu.memory_space<hbm>>
    tpu.enqueue_indirect_dma source(%dma_start3A_74 : memref<1000000x128xf32, #tpu.memory_space<hbm>>) target(%arg6 : memref<128x128xf32, #tpu.memory_space<vmem>>) offsets(%dma_start3A_71 : memref<128xi32, #tpu.memory_space<vmem>>) semaphore(%arg12 : memref<!tpu.dma_semaphore, #tpu.memory_space<semaphore_mem>>)
    %dma_wait3A_75 = arith.constant 384 : i32
    %dma_wait3A_76 = tpu.memref_slice %arg5[%dma_wait3A_75] : memref<1280xi32, #tpu.memory_space<vmem>> -> memref<128xi32, #tpu.memory_space<vmem>>
    %dma_wait3A_77 = arith.constant 0 : i32
    %dma_wait3A_78 = arith.constant 0 : i32
    %dma_wait3A_79 = tpu.memref_slice %arg3[%dma_wait3A_77, %dma_wait3A_78] : memref<1000000x128xf32, #tpu.memory_space<hbm>> -> memref<1000000x128xf32, #tpu.memory_space<hbm>>
    tpu.wait_indirect_dma semaphore(%arg15 : memref<!tpu.dma_semaphore, #tpu.memory_space<semaphore_mem>>) src(%dma_wait3A_79 : memref<1000000x128xf32, #tpu.memory_space<hbm>>) dst(%arg9 : memref<128x128xf32, #tpu.memory_space<vmem>>)
    %add3A_80 = arith.constant 384 : i32
    %add3A_81 = arith.addi %mul3A_2, %add3A_80 : i32
    %dma_start3A_82 = arith.constant 0 : i32
    %dma_start3A_83 = tpu.memref_slice %arg4[%add3A_81, %dma_start3A_82] : memref<40960x128xf32, #tpu.memory_space<hbm>> -> memref<128x128xf32, #tpu.memory_space<hbm>>
    %dma_start3A_84 = arith.constant 0 : i32
    %dma_start3A_85 = tpu.memref_slice %arg4[%add3A_81, %dma_start3A_84] : memref<40960x128xf32, #tpu.memory_space<hbm>> -> memref<128x128xf32, #tpu.memory_space<hbm>>
    tpu.enqueue_dma source(%arg9 : memref<128x128xf32, #tpu.memory_space<vmem>>) target(%dma_start3A_85 : memref<128x128xf32, #tpu.memory_space<hbm>>) target_semaphore(%arg21 : memref<!tpu.dma_semaphore, #tpu.memory_space<semaphore_mem>>)
    %add3A_86 = arith.constant 128 : i32
    %add3A_87 = arith.addi %mul3A_2, %add3A_86 : i32
    %dma_wait3A_88 = arith.constant 0 : i32
    %dma_wait3A_89 = tpu.memref_slice %arg4[%add3A_87, %dma_wait3A_88] : memref<40960x128xf32, #tpu.memory_space<hbm>> -> memref<128x128xf32, #tpu.memory_space<hbm>>
    %dma_wait3A_90 = arith.constant 0 : i32
    %dma_wait3A_91 = tpu.memref_slice %arg4[%add3A_87, %dma_wait3A_90] : memref<40960x128xf32, #tpu.memory_space<hbm>> -> memref<128x128xf32, #tpu.memory_space<hbm>>
    tpu.wait_dma2 semaphore(%arg19 : memref<!tpu.dma_semaphore, #tpu.memory_space<semaphore_mem>>) src(%arg7 : memref<128x128xf32, #tpu.memory_space<vmem>>) dst(%dma_wait3A_91 : memref<128x128xf32, #tpu.memory_space<hbm>>)
    %dma_start3A_92 = arith.constant 896 : i32
    %dma_start3A_93 = tpu.memref_slice %arg5[%dma_start3A_92] : memref<1280xi32, #tpu.memory_space<vmem>> -> memref<128xi32, #tpu.memory_space<vmem>>
    %dma_start3A_94 = arith.constant 0 : i32
    %dma_start3A_95 = arith.constant 0 : i32
    %dma_start3A_96 = tpu.memref_slice %arg3[%dma_start3A_94, %dma_start3A_95] : memref<1000000x128xf32, #tpu.memory_space<hbm>> -> memref<1000000x128xf32, #tpu.memory_space<hbm>>
    tpu.enqueue_indirect_dma source(%dma_start3A_96 : memref<1000000x128xf32, #tpu.memory_space<hbm>>) target(%arg7 : memref<128x128xf32, #tpu.memory_space<vmem>>) offsets(%dma_start3A_93 : memref<128xi32, #tpu.memory_space<vmem>>) semaphore(%arg13 : memref<!tpu.dma_semaphore, #tpu.memory_space<semaphore_mem>>)
    %dma_wait3A_97 = arith.constant 512 : i32
    %dma_wait3A_98 = tpu.memref_slice %arg5[%dma_wait3A_97] : memref<1280xi32, #tpu.memory_space<vmem>> -> memref<128xi32, #tpu.memory_space<vmem>>
    %dma_wait3A_99 = arith.constant 0 : i32
    %dma_wait3A_100 = arith.constant 0 : i32
    %dma_wait3A_101 = tpu.memref_slice %arg3[%dma_wait3A_99, %dma_wait3A_100] : memref<1000000x128xf32, #tpu.memory_space<hbm>> -> memref<1000000x128xf32, #tpu.memory_space<hbm>>
    tpu.wait_indirect_dma semaphore(%arg16 : memref<!tpu.dma_semaphore, #tpu.memory_space<semaphore_mem>>) src(%dma_wait3A_101 : memref<1000000x128xf32, #tpu.memory_space<hbm>>) dst(%arg10 : memref<128x128xf32, #tpu.memory_space<vmem>>)
    %add3A_102 = arith.constant 512 : i32
    %add3A_103 = arith.addi %mul3A_2, %add3A_102 : i32
    %dma_start3A_104 = arith.constant 0 : i32
    %dma_start3A_105 = tpu.memref_slice %arg4[%add3A_103, %dma_start3A_104] : memref<40960x128xf32, #tpu.memory_space<hbm>> -> memref<128x128xf32, #tpu.memory_space<hbm>>
    %dma_start3A_106 = arith.constant 0 : i32
    %dma_start3A_107 = tpu.memref_slice %arg4[%add3A_103, %dma_start3A_106] : memref<40960x128xf32, #tpu.memory_space<hbm>> -> memref<128x128xf32, #tpu.memory_space<hbm>>
    tpu.enqueue_dma source(%arg10 : memref<128x128xf32, #tpu.memory_space<vmem>>) target(%dma_start3A_107 : memref<128x128xf32, #tpu.memory_space<hbm>>) target_semaphore(%arg22 : memref<!tpu.dma_semaphore, #tpu.memory_space<semaphore_mem>>)
    %add3A_108 = arith.constant 256 : i32
    %add3A_109 = arith.addi %mul3A_2, %add3A_108 : i32
    %dma_wait3A_110 = arith.constant 0 : i32
    %dma_wait3A_111 = tpu.memref_slice %arg4[%add3A_109, %dma_wait3A_110] : memref<40960x128xf32, #tpu.memory_space<hbm>> -> memref<128x128xf32, #tpu.memory_space<hbm>>
    %dma_wait3A_112 = arith.constant 0 : i32
    %dma_wait3A_113 = tpu.memref_slice %arg4[%add3A_109, %dma_wait3A_112] : memref<40960x128xf32, #tpu.memory_space<hbm>> -> memref<128x128xf32, #tpu.memory_space<hbm>>
    tpu.wait_dma2 semaphore(%arg20 : memref<!tpu.dma_semaphore, #tpu.memory_space<semaphore_mem>>) src(%arg8 : memref<128x128xf32, #tpu.memory_space<vmem>>) dst(%dma_wait3A_113 : memref<128x128xf32, #tpu.memory_space<hbm>>)
    %dma_start3A_114 = arith.constant 1024 : i32
    %dma_start3A_115 = tpu.memref_slice %arg5[%dma_start3A_114] : memref<1280xi32, #tpu.memory_space<vmem>> -> memref<128xi32, #tpu.memory_space<vmem>>
    %dma_start3A_116 = arith.constant 0 : i32
    %dma_start3A_117 = arith.constant 0 : i32
    %dma_start3A_118 = tpu.memref_slice %arg3[%dma_start3A_116, %dma_start3A_117] : memref<1000000x128xf32, #tpu.memory_space<hbm>> -> memref<1000000x128xf32, #tpu.memory_space<hbm>>
    tpu.enqueue_indirect_dma source(%dma_start3A_118 : memref<1000000x128xf32, #tpu.memory_space<hbm>>) target(%arg8 : memref<128x128xf32, #tpu.memory_space<vmem>>) offsets(%dma_start3A_115 : memref<128xi32, #tpu.memory_space<vmem>>) semaphore(%arg14 : memref<!tpu.dma_semaphore, #tpu.memory_space<semaphore_mem>>)
    %dma_wait3A_119 = arith.constant 640 : i32
    %dma_wait3A_120 = tpu.memref_slice %arg5[%dma_wait3A_119] : memref<1280xi32, #tpu.memory_space<vmem>> -> memref<128xi32, #tpu.memory_space<vmem>>
    %dma_wait3A_121 = arith.constant 0 : i32
    %dma_wait3A_122 = arith.constant 0 : i32
    %dma_wait3A_123 = tpu.memref_slice %arg3[%dma_wait3A_121, %dma_wait3A_122] : memref<1000000x128xf32, #tpu.memory_space<hbm>> -> memref<1000000x128xf32, #tpu.memory_space<hbm>>
    tpu.wait_indirect_dma semaphore(%arg17 : memref<!tpu.dma_semaphore, #tpu.memory_space<semaphore_mem>>) src(%dma_wait3A_123 : memref<1000000x128xf32, #tpu.memory_space<hbm>>) dst(%arg11 : memref<128x128xf32, #tpu.memory_space<vmem>>)
    %add3A_124 = arith.constant 640 : i32
    %add3A_125 = arith.addi %mul3A_2, %add3A_124 : i32
    %dma_start3A_126 = arith.constant 0 : i32
    %dma_start3A_127 = tpu.memref_slice %arg4[%add3A_125, %dma_start3A_126] : memref<40960x128xf32, #tpu.memory_space<hbm>> -> memref<128x128xf32, #tpu.memory_space<hbm>>
    %dma_start3A_128 = arith.constant 0 : i32
    %dma_start3A_129 = tpu.memref_slice %arg4[%add3A_125, %dma_start3A_128] : memref<40960x128xf32, #tpu.memory_space<hbm>> -> memref<128x128xf32, #tpu.memory_space<hbm>>
    tpu.enqueue_dma source(%arg11 : memref<128x128xf32, #tpu.memory_space<vmem>>) target(%dma_start3A_129 : memref<128x128xf32, #tpu.memory_space<hbm>>) target_semaphore(%arg23 : memref<!tpu.dma_semaphore, #tpu.memory_space<semaphore_mem>>)
    %add3A_130 = arith.constant 384 : i32
    %add3A_131 = arith.addi %mul3A_2, %add3A_130 : i32
    %dma_wait3A_132 = arith.constant 0 : i32
    %dma_wait3A_133 = tpu.memref_slice %arg4[%add3A_131, %dma_wait3A_132] : memref<40960x128xf32, #tpu.memory_space<hbm>> -> memref<128x128xf32, #tpu.memory_space<hbm>>
    %dma_wait3A_134 = arith.constant 0 : i32
    %dma_wait3A_135 = tpu.memref_slice %arg4[%add3A_131, %dma_wait3A_134] : memref<40960x128xf32, #tpu.memory_space<hbm>> -> memref<128x128xf32, #tpu.memory_space<hbm>>
    tpu.wait_dma2 semaphore(%arg21 : memref<!tpu.dma_semaphore, #tpu.memory_space<semaphore_mem>>) src(%arg9 : memref<128x128xf32, #tpu.memory_space<vmem>>) dst(%dma_wait3A_135 : memref<128x128xf32, #tpu.memory_space<hbm>>)
    %dma_start3A_136 = arith.constant 1152 : i32
    %dma_start3A_137 = tpu.memref_slice %arg5[%dma_start3A_136] : memref<1280xi32, #tpu.memory_space<vmem>> -> memref<128xi32, #tpu.memory_space<vmem>>
    %dma_start3A_138 = arith.constant 0 : i32
    %dma_start3A_139 = arith.constant 0 : i32
    %dma_start3A_140 = tpu.memref_slice %arg3[%dma_start3A_138, %dma_start3A_139] : memref<1000000x128xf32, #tpu.memory_space<hbm>> -> memref<1000000x128xf32, #tpu.memory_space<hbm>>
    tpu.enqueue_indirect_dma source(%dma_start3A_140 : memref<1000000x128xf32, #tpu.memory_space<hbm>>) target(%arg9 : memref<128x128xf32, #tpu.memory_space<vmem>>) offsets(%dma_start3A_137 : memref<128xi32, #tpu.memory_space<vmem>>) semaphore(%arg15 : memref<!tpu.dma_semaphore, #tpu.memory_space<semaphore_mem>>)
    %dma_wait3A_141 = arith.constant 768 : i32
    %dma_wait3A_142 = tpu.memref_slice %arg5[%dma_wait3A_141] : memref<1280xi32, #tpu.memory_space<vmem>> -> memref<128xi32, #tpu.memory_space<vmem>>
    %dma_wait3A_143 = arith.constant 0 : i32
    %dma_wait3A_144 = arith.constant 0 : i32
    %dma_wait3A_145 = tpu.memref_slice %arg3[%dma_wait3A_143, %dma_wait3A_144] : memref<1000000x128xf32, #tpu.memory_space<hbm>> -> memref<1000000x128xf32, #tpu.memory_space<hbm>>
    tpu.wait_indirect_dma semaphore(%arg12 : memref<!tpu.dma_semaphore, #tpu.memory_space<semaphore_mem>>) src(%dma_wait3A_145 : memref<1000000x128xf32, #tpu.memory_space<hbm>>) dst(%arg6 : memref<128x128xf32, #tpu.memory_space<vmem>>)
    %add3A_146 = arith.constant 768 : i32
    %add3A_147 = arith.addi %mul3A_2, %add3A_146 : i32
    %dma_start3A_148 = arith.constant 0 : i32
    %dma_start3A_149 = tpu.memref_slice %arg4[%add3A_147, %dma_start3A_148] : memref<40960x128xf32, #tpu.memory_space<hbm>> -> memref<128x128xf32, #tpu.memory_space<hbm>>
    %dma_start3A_150 = arith.constant 0 : i32
    %dma_start3A_151 = tpu.memref_slice %arg4[%add3A_147, %dma_start3A_150] : memref<40960x128xf32, #tpu.memory_space<hbm>> -> memref<128x128xf32, #tpu.memory_space<hbm>>
    tpu.enqueue_dma source(%arg6 : memref<128x128xf32, #tpu.memory_space<vmem>>) target(%dma_start3A_151 : memref<128x128xf32, #tpu.memory_space<hbm>>) target_semaphore(%arg18 : memref<!tpu.dma_semaphore, #tpu.memory_space<semaphore_mem>>)
    %dma_wait3A_152 = arith.constant 896 : i32
    %dma_wait3A_153 = tpu.memref_slice %arg5[%dma_wait3A_152] : memref<1280xi32, #tpu.memory_space<vmem>> -> memref<128xi32, #tpu.memory_space<vmem>>
    %dma_wait3A_154 = arith.constant 0 : i32
    %dma_wait3A_155 = arith.constant 0 : i32
    %dma_wait3A_156 = tpu.memref_slice %arg3[%dma_wait3A_154, %dma_wait3A_155] : memref<1000000x128xf32, #tpu.memory_space<hbm>> -> memref<1000000x128xf32, #tpu.memory_space<hbm>>
    tpu.wait_indirect_dma semaphore(%arg13 : memref<!tpu.dma_semaphore, #tpu.memory_space<semaphore_mem>>) src(%dma_wait3A_156 : memref<1000000x128xf32, #tpu.memory_space<hbm>>) dst(%arg7 : memref<128x128xf32, #tpu.memory_space<vmem>>)
    %add3A_157 = arith.constant 896 : i32
    %add3A_158 = arith.addi %mul3A_2, %add3A_157 : i32
    %dma_start3A_159 = arith.constant 0 : i32
    %dma_start3A_160 = tpu.memref_slice %arg4[%add3A_158, %dma_start3A_159] : memref<40960x128xf32, #tpu.memory_space<hbm>> -> memref<128x128xf32, #tpu.memory_space<hbm>>
    %dma_start3A_161 = arith.constant 0 : i32
    %dma_start3A_162 = tpu.memref_slice %arg4[%add3A_158, %dma_start3A_161] : memref<40960x128xf32, #tpu.memory_space<hbm>> -> memref<128x128xf32, #tpu.memory_space<hbm>>
    tpu.enqueue_dma source(%arg7 : memref<128x128xf32, #tpu.memory_space<vmem>>) target(%dma_start3A_162 : memref<128x128xf32, #tpu.memory_space<hbm>>) target_semaphore(%arg19 : memref<!tpu.dma_semaphore, #tpu.memory_space<semaphore_mem>>)
    %dma_wait3A_163 = arith.constant 1024 : i32
    %dma_wait3A_164 = tpu.memref_slice %arg5[%dma_wait3A_163] : memref<1280xi32, #tpu.memory_space<vmem>> -> memref<128xi32, #tpu.memory_space<vmem>>
    %dma_wait3A_165 = arith.constant 0 : i32
    %dma_wait3A_166 = arith.constant 0 : i32
    %dma_wait3A_167 = tpu.memref_slice %arg3[%dma_wait3A_165, %dma_wait3A_166] : memref<1000000x128xf32, #tpu.memory_space<hbm>> -> memref<1000000x128xf32, #tpu.memory_space<hbm>>
    tpu.wait_indirect_dma semaphore(%arg14 : memref<!tpu.dma_semaphore, #tpu.memory_space<semaphore_mem>>) src(%dma_wait3A_167 : memref<1000000x128xf32, #tpu.memory_space<hbm>>) dst(%arg8 : memref<128x128xf32, #tpu.memory_space<vmem>>)
    %add3A_168 = arith.constant 1024 : i32
    %add3A_169 = arith.addi %mul3A_2, %add3A_168 : i32
    %dma_start3A_170 = arith.constant 0 : i32
    %dma_start3A_171 = tpu.memref_slice %arg4[%add3A_169, %dma_start3A_170] : memref<40960x128xf32, #tpu.memory_space<hbm>> -> memref<128x128xf32, #tpu.memory_space<hbm>>
    %dma_start3A_172 = arith.constant 0 : i32
    %dma_start3A_173 = tpu.memref_slice %arg4[%add3A_169, %dma_start3A_172] : memref<40960x128xf32, #tpu.memory_space<hbm>> -> memref<128x128xf32, #tpu.memory_space<hbm>>
    tpu.enqueue_dma source(%arg8 : memref<128x128xf32, #tpu.memory_space<vmem>>) target(%dma_start3A_173 : memref<128x128xf32, #tpu.memory_space<hbm>>) target_semaphore(%arg20 : memref<!tpu.dma_semaphore, #tpu.memory_space<semaphore_mem>>)
    %dma_wait3A_174 = arith.constant 1152 : i32
    %dma_wait3A_175 = tpu.memref_slice %arg5[%dma_wait3A_174] : memref<1280xi32, #tpu.memory_space<vmem>> -> memref<128xi32, #tpu.memory_space<vmem>>
    %dma_wait3A_176 = arith.constant 0 : i32
    %dma_wait3A_177 = arith.constant 0 : i32
    %dma_wait3A_178 = tpu.memref_slice %arg3[%dma_wait3A_176, %dma_wait3A_177] : memref<1000000x128xf32, #tpu.memory_space<hbm>> -> memref<1000000x128xf32, #tpu.memory_space<hbm>>
    tpu.wait_indirect_dma semaphore(%arg15 : memref<!tpu.dma_semaphore, #tpu.memory_space<semaphore_mem>>) src(%dma_wait3A_178 : memref<1000000x128xf32, #tpu.memory_space<hbm>>) dst(%arg9 : memref<128x128xf32, #tpu.memory_space<vmem>>)
    %add3A_179 = arith.constant 1152 : i32
    %add3A_180 = arith.addi %mul3A_2, %add3A_179 : i32
    %dma_start3A_181 = arith.constant 0 : i32
    %dma_start3A_182 = tpu.memref_slice %arg4[%add3A_180, %dma_start3A_181] : memref<40960x128xf32, #tpu.memory_space<hbm>> -> memref<128x128xf32, #tpu.memory_space<hbm>>
    %dma_start3A_183 = arith.constant 0 : i32
    %dma_start3A_184 = tpu.memref_slice %arg4[%add3A_180, %dma_start3A_183] : memref<40960x128xf32, #tpu.memory_space<hbm>> -> memref<128x128xf32, #tpu.memory_space<hbm>>
    tpu.enqueue_dma source(%arg9 : memref<128x128xf32, #tpu.memory_space<vmem>>) target(%dma_start3A_184 : memref<128x128xf32, #tpu.memory_space<hbm>>) target_semaphore(%arg21 : memref<!tpu.dma_semaphore, #tpu.memory_space<semaphore_mem>>)
    %add3A_185 = arith.constant 512 : i32
    %add3A_186 = arith.addi %mul3A_2, %add3A_185 : i32
    %dma_wait3A_187 = arith.constant 0 : i32
    %dma_wait3A_188 = tpu.memref_slice %arg4[%add3A_186, %dma_wait3A_187] : memref<40960x128xf32, #tpu.memory_space<hbm>> -> memref<128x128xf32, #tpu.memory_space<hbm>>
    %dma_wait3A_189 = arith.constant 0 : i32
    %dma_wait3A_190 = tpu.memref_slice %arg4[%add3A_186, %dma_wait3A_189] : memref<40960x128xf32, #tpu.memory_space<hbm>> -> memref<128x128xf32, #tpu.memory_space<hbm>>
    tpu.wait_dma2 semaphore(%arg22 : memref<!tpu.dma_semaphore, #tpu.memory_space<semaphore_mem>>) src(%arg10 : memref<128x128xf32, #tpu.memory_space<vmem>>) dst(%dma_wait3A_190 : memref<128x128xf32, #tpu.memory_space<hbm>>)
    %add3A_191 = arith.constant 640 : i32
    %add3A_192 = arith.addi %mul3A_2, %add3A_191 : i32
    %dma_wait3A_193 = arith.constant 0 : i32
    %dma_wait3A_194 = tpu.memref_slice %arg4[%add3A_192, %dma_wait3A_193] : memref<40960x128xf32, #tpu.memory_space<hbm>> -> memref<128x128xf32, #tpu.memory_space<hbm>>
    %dma_wait3A_195 = arith.constant 0 : i32
    %dma_wait3A_196 = tpu.memref_slice %arg4[%add3A_192, %dma_wait3A_195] : memref<40960x128xf32, #tpu.memory_space<hbm>> -> memref<128x128xf32, #tpu.memory_space<hbm>>
    tpu.wait_dma2 semaphore(%arg23 : memref<!tpu.dma_semaphore, #tpu.memory_space<semaphore_mem>>) src(%arg11 : memref<128x128xf32, #tpu.memory_space<vmem>>) dst(%dma_wait3A_196 : memref<128x128xf32, #tpu.memory_space<hbm>>)
    %add3A_197 = arith.constant 768 : i32
    %add3A_198 = arith.addi %mul3A_2, %add3A_197 : i32
    %dma_wait3A_199 = arith.constant 0 : i32
    %dma_wait3A_200 = tpu.memref_slice %arg4[%add3A_198, %dma_wait3A_199] : memref<40960x128xf32, #tpu.memory_space<hbm>> -> memref<128x128xf32, #tpu.memory_space<hbm>>
    %dma_wait3A_201 = arith.constant 0 : i32
    %dma_wait3A_202 = tpu.memref_slice %arg4[%add3A_198, %dma_wait3A_201] : memref<40960x128xf32, #tpu.memory_space<hbm>> -> memref<128x128xf32, #tpu.memory_space<hbm>>
    tpu.wait_dma2 semaphore(%arg18 : memref<!tpu.dma_semaphore, #tpu.memory_space<semaphore_mem>>) src(%arg6 : memref<128x128xf32, #tpu.memory_space<vmem>>) dst(%dma_wait3A_202 : memref<128x128xf32, #tpu.memory_space<hbm>>)
    %add3A_203 = arith.constant 896 : i32
    %add3A_204 = arith.addi %mul3A_2, %add3A_203 : i32
    %dma_wait3A_205 = arith.constant 0 : i32
    %dma_wait3A_206 = tpu.memref_slice %arg4[%add3A_204, %dma_wait3A_205] : memref<40960x128xf32, #tpu.memory_space<hbm>> -> memref<128x128xf32, #tpu.memory_space<hbm>>
    %dma_wait3A_207 = arith.constant 0 : i32
    %dma_wait3A_208 = tpu.memref_slice %arg4[%add3A_204, %dma_wait3A_207] : memref<40960x128xf32, #tpu.memory_space<hbm>> -> memref<128x128xf32, #tpu.memory_space<hbm>>
    tpu.wait_dma2 semaphore(%arg19 : memref<!tpu.dma_semaphore, #tpu.memory_space<semaphore_mem>>) src(%arg7 : memref<128x128xf32, #tpu.memory_space<vmem>>) dst(%dma_wait3A_208 : memref<128x128xf32, #tpu.memory_space<hbm>>)
    %add3A_209 = arith.constant 1024 : i32
    %add3A_210 = arith.addi %mul3A_2, %add3A_209 : i32
    %dma_wait3A_211 = arith.constant 0 : i32
    %dma_wait3A_212 = tpu.memref_slice %arg4[%add3A_210, %dma_wait3A_211] : memref<40960x128xf32, #tpu.memory_space<hbm>> -> memref<128x128xf32, #tpu.memory_space<hbm>>
    %dma_wait3A_213 = arith.constant 0 : i32
    %dma_wait3A_214 = tpu.memref_slice %arg4[%add3A_210, %dma_wait3A_213] : memref<40960x128xf32, #tpu.memory_space<hbm>> -> memref<128x128xf32, #tpu.memory_space<hbm>>
    tpu.wait_dma2 semaphore(%arg20 : memref<!tpu.dma_semaphore, #tpu.memory_space<semaphore_mem>>) src(%arg8 : memref<128x128xf32, #tpu.memory_space<vmem>>) dst(%dma_wait3A_214 : memref<128x128xf32, #tpu.memory_space<hbm>>)
    %add3A_215 = arith.constant 1152 : i32
    %add3A_216 = arith.addi %mul3A_2, %add3A_215 : i32
    %dma_wait3A_217 = arith.constant 0 : i32
    %dma_wait3A_218 = tpu.memref_slice %arg4[%add3A_216, %dma_wait3A_217] : memref<40960x128xf32, #tpu.memory_space<hbm>> -> memref<128x128xf32, #tpu.memory_space<hbm>>
    %dma_wait3A_219 = arith.constant 0 : i32
    %dma_wait3A_220 = tpu.memref_slice %arg4[%add3A_216, %dma_wait3A_219] : memref<40960x128xf32, #tpu.memory_space<hbm>> -> memref<128x128xf32, #tpu.memory_space<hbm>>
    tpu.wait_dma2 semaphore(%arg21 : memref<!tpu.dma_semaphore, #tpu.memory_space<semaphore_mem>>) src(%arg9 : memref<128x128xf32, #tpu.memory_space<vmem>>) dst(%dma_wait3A_220 : memref<128x128xf32, #tpu.memory_space<hbm>>)
    return
  }
}

#map = affine_map<(d0, d1) -> (0)>
#map1 = affine_map<(d0, d1) -> (0, 0)>
module attributes {stable_mosaic.version = 14 : i64} {
  func.func @_sc_gather_kernel(%arg0: i32, %arg1: i32, %arg2: memref<40960xi32, #tpu.memory_space<hbm>>, %arg3: memref<1000000x128xf32, #tpu.memory_space<hbm>>, %arg4: memref<40960x128xf32, #tpu.memory_space<hbm>>, %arg5: memref<1280xi32, #tpu.memory_space<vmem>>, %arg6: memref<128x128xf32, #tpu.memory_space<vmem>>, %arg7: memref<128x128xf32, #tpu.memory_space<vmem>>, %arg8: memref<128x128xf32, #tpu.memory_space<vmem>>, %arg9: memref<128x128xf32, #tpu.memory_space<vmem>>, %arg10: memref<128x128xf32, #tpu.memory_space<vmem>>, %arg11: memref<128x128xf32, #tpu.memory_space<vmem>>, %arg12: memref<!tpu.dma_semaphore, #tpu.memory_space<semaphore_mem>>, %arg13: memref<!tpu.dma_semaphore, #tpu.memory_space<semaphore_mem>>, %arg14: memref<!tpu.dma_semaphore, #tpu.memory_space<semaphore_mem>>, %arg15: memref<!tpu.dma_semaphore, #tpu.memory_space<semaphore_mem>>, %arg16: memref<!tpu.dma_semaphore, #tpu.memory_space<semaphore_mem>>, %arg17: memref<!tpu.dma_semaphore, #tpu.memory_space<semaphore_mem>>, %arg18: memref<!tpu.dma_semaphore, #tpu.memory_space<semaphore_mem>>, %arg19: memref<!tpu.dma_semaphore, #tpu.memory_space<semaphore_mem>>, %arg20: memref<!tpu.dma_semaphore, #tpu.memory_space<semaphore_mem>>, %arg21: memref<!tpu.dma_semaphore, #tpu.memory_space<semaphore_mem>>, %arg22: memref<!tpu.dma_semaphore, #tpu.memory_space<semaphore_mem>>, %arg23: memref<!tpu.dma_semaphore, #tpu.memory_space<semaphore_mem>>) attributes {dimension_semantics = [#tpu.dimension_semantics<core_parallel>, #tpu.dimension_semantics<subcore_parallel>], iteration_bounds = array<i64: 2, 16>, scalar_prefetch = 0 : i64, scratch_operands = 19 : i64, tpu.core_type = #tpu.core_type<sc_vector_subcore>, window_params = [{transform_indices = #map}, {transform_indices = #map1}, {transform_indices = #map1}]} {
    %mul3A = arith.constant 2 : i32
    %mul3A_0 = arith.muli %arg1, %mul3A : i32
    %add3A = arith.addi %mul3A_0, %arg0 : i32
    %mul3A_1 = arith.constant 1280 : i32
    %mul3A_2 = arith.muli %add3A, %mul3A_1 : i32
    "tpu.region"() ({
      %run_scoped3A = tpu.sem_alloc : memref<!tpu.dma_semaphore, #tpu.memory_space<semaphore_mem>>
      %dma_start3A_221 = tpu.memref_slice %arg2[%mul3A_2] : memref<40960xi32, #tpu.memory_space<hbm>> -> memref<1280xi32, #tpu.memory_space<hbm>>
      %dma_start3A_222 = tpu.memref_slice %arg2[%mul3A_2] : memref<40960xi32, #tpu.memory_space<hbm>> -> memref<1280xi32, #tpu.memory_space<hbm>>
      tpu.enqueue_dma source(%dma_start3A_222 : memref<1280xi32, #tpu.memory_space<hbm>>) target(%arg5 : memref<1280xi32, #tpu.memory_space<vmem>>) target_semaphore(%run_scoped3A : memref<!tpu.dma_semaphore, #tpu.memory_space<semaphore_mem>>)
      %dma_wait3A_223 = tpu.memref_slice %arg2[%mul3A_2] : memref<40960xi32, #tpu.memory_space<hbm>> -> memref<1280xi32, #tpu.memory_space<hbm>>
      %dma_wait3A_224 = tpu.memref_slice %arg2[%mul3A_2] : memref<40960xi32, #tpu.memory_space<hbm>> -> memref<1280xi32, #tpu.memory_space<hbm>>
      tpu.wait_dma2 semaphore(%run_scoped3A : memref<!tpu.dma_semaphore, #tpu.memory_space<semaphore_mem>>) src(%dma_wait3A_224 : memref<1280xi32, #tpu.memory_space<hbm>>) dst(%arg5 : memref<1280xi32, #tpu.memory_space<vmem>>)
      tpu.yield
    }) : () -> ()
    %dma_start3A = arith.constant 0 : i32
    %dma_start3A_3 = tpu.memref_slice %arg5[%dma_start3A] : memref<1280xi32, #tpu.memory_space<vmem>> -> memref<128xi32, #tpu.memory_space<vmem>>
    %dma_start3A_4 = arith.constant 0 : i32
    %dma_start3A_5 = arith.constant 0 : i32
    %dma_start3A_6 = tpu.memref_slice %arg3[%dma_start3A_4, %dma_start3A_5] : memref<1000000x128xf32, #tpu.memory_space<hbm>> -> memref<1000000x128xf32, #tpu.memory_space<hbm>>
    tpu.enqueue_indirect_dma source(%dma_start3A_6 : memref<1000000x128xf32, #tpu.memory_space<hbm>>) target(%arg6 : memref<128x128xf32, #tpu.memory_space<vmem>>) offsets(%dma_start3A_3 : memref<128xi32, #tpu.memory_space<vmem>>) semaphore(%arg12 : memref<!tpu.dma_semaphore, #tpu.memory_space<semaphore_mem>>)
    %dma_start3A_7 = arith.constant 128 : i32
    %dma_start3A_8 = tpu.memref_slice %arg5[%dma_start3A_7] : memref<1280xi32, #tpu.memory_space<vmem>> -> memref<128xi32, #tpu.memory_space<vmem>>
    %dma_start3A_9 = arith.constant 0 : i32
    %dma_start3A_10 = arith.constant 0 : i32
    %dma_start3A_11 = tpu.memref_slice %arg3[%dma_start3A_9, %dma_start3A_10] : memref<1000000x128xf32, #tpu.memory_space<hbm>> -> memref<1000000x128xf32, #tpu.memory_space<hbm>>
    tpu.enqueue_indirect_dma source(%dma_start3A_11 : memref<1000000x128xf32, #tpu.memory_space<hbm>>) target(%arg7 : memref<128x128xf32, #tpu.memory_space<vmem>>) offsets(%dma_start3A_8 : memref<128xi32, #tpu.memory_space<vmem>>) semaphore(%arg13 : memref<!tpu.dma_semaphore, #tpu.memory_space<semaphore_mem>>)
    %dma_start3A_12 = arith.constant 256 : i32
    %dma_start3A_13 = tpu.memref_slice %arg5[%dma_start3A_12] : memref<1280xi32, #tpu.memory_space<vmem>> -> memref<128xi32, #tpu.memory_space<vmem>>
    %dma_start3A_14 = arith.constant 0 : i32
    %dma_start3A_15 = arith.constant 0 : i32
    %dma_start3A_16 = tpu.memref_slice %arg3[%dma_start3A_14, %dma_start3A_15] : memref<1000000x128xf32, #tpu.memory_space<hbm>> -> memref<1000000x128xf32, #tpu.memory_space<hbm>>
    tpu.enqueue_indirect_dma source(%dma_start3A_16 : memref<1000000x128xf32, #tpu.memory_space<hbm>>) target(%arg8 : memref<128x128xf32, #tpu.memory_space<vmem>>) offsets(%dma_start3A_13 : memref<128xi32, #tpu.memory_space<vmem>>) semaphore(%arg14 : memref<!tpu.dma_semaphore, #tpu.memory_space<semaphore_mem>>)
    %dma_start3A_17 = arith.constant 384 : i32
    %dma_start3A_18 = tpu.memref_slice %arg5[%dma_start3A_17] : memref<1280xi32, #tpu.memory_space<vmem>> -> memref<128xi32, #tpu.memory_space<vmem>>
    %dma_start3A_19 = arith.constant 0 : i32
    %dma_start3A_20 = arith.constant 0 : i32
    %dma_start3A_21 = tpu.memref_slice %arg3[%dma_start3A_19, %dma_start3A_20] : memref<1000000x128xf32, #tpu.memory_space<hbm>> -> memref<1000000x128xf32, #tpu.memory_space<hbm>>
    tpu.enqueue_indirect_dma source(%dma_start3A_21 : memref<1000000x128xf32, #tpu.memory_space<hbm>>) target(%arg9 : memref<128x128xf32, #tpu.memory_space<vmem>>) offsets(%dma_start3A_18 : memref<128xi32, #tpu.memory_space<vmem>>) semaphore(%arg15 : memref<!tpu.dma_semaphore, #tpu.memory_space<semaphore_mem>>)
    %dma_wait3A = arith.constant 0 : i32
    %dma_wait3A_22 = tpu.memref_slice %arg5[%dma_wait3A] : memref<1280xi32, #tpu.memory_space<vmem>> -> memref<128xi32, #tpu.memory_space<vmem>>
    %dma_wait3A_23 = arith.constant 0 : i32
    %dma_wait3A_24 = arith.constant 0 : i32
    %dma_wait3A_25 = tpu.memref_slice %arg3[%dma_wait3A_23, %dma_wait3A_24] : memref<1000000x128xf32, #tpu.memory_space<hbm>> -> memref<1000000x128xf32, #tpu.memory_space<hbm>>
    tpu.wait_indirect_dma semaphore(%arg12 : memref<!tpu.dma_semaphore, #tpu.memory_space<semaphore_mem>>) src(%dma_wait3A_25 : memref<1000000x128xf32, #tpu.memory_space<hbm>>) dst(%arg6 : memref<128x128xf32, #tpu.memory_space<vmem>>)
    %add3A_26 = arith.constant 0 : i32
    %add3A_27 = arith.addi %mul3A_2, %add3A_26 : i32
    %dma_start3A_28 = arith.constant 0 : i32
    %dma_start3A_29 = tpu.memref_slice %arg4[%add3A_27, %dma_start3A_28] : memref<40960x128xf32, #tpu.memory_space<hbm>> -> memref<128x128xf32, #tpu.memory_space<hbm>>
    %dma_start3A_30 = arith.constant 0 : i32
    %dma_start3A_31 = tpu.memref_slice %arg4[%add3A_27, %dma_start3A_30] : memref<40960x128xf32, #tpu.memory_space<hbm>> -> memref<128x128xf32, #tpu.memory_space<hbm>>
    tpu.enqueue_dma source(%arg6 : memref<128x128xf32, #tpu.memory_space<vmem>>) target(%dma_start3A_31 : memref<128x128xf32, #tpu.memory_space<hbm>>) target_semaphore(%arg18 : memref<!tpu.dma_semaphore, #tpu.memory_space<semaphore_mem>>)
    %dma_start3A_32 = arith.constant 512 : i32
    %dma_start3A_33 = tpu.memref_slice %arg5[%dma_start3A_32] : memref<1280xi32, #tpu.memory_space<vmem>> -> memref<128xi32, #tpu.memory_space<vmem>>
    %dma_start3A_34 = arith.constant 0 : i32
    %dma_start3A_35 = arith.constant 0 : i32
    %dma_start3A_36 = tpu.memref_slice %arg3[%dma_start3A_34, %dma_start3A_35] : memref<1000000x128xf32, #tpu.memory_space<hbm>> -> memref<1000000x128xf32, #tpu.memory_space<hbm>>
    tpu.enqueue_indirect_dma source(%dma_start3A_36 : memref<1000000x128xf32, #tpu.memory_space<hbm>>) target(%arg10 : memref<128x128xf32, #tpu.memory_space<vmem>>) offsets(%dma_start3A_33 : memref<128xi32, #tpu.memory_space<vmem>>) semaphore(%arg16 : memref<!tpu.dma_semaphore, #tpu.memory_space<semaphore_mem>>)
    %dma_wait3A_37 = arith.constant 128 : i32
    %dma_wait3A_38 = tpu.memref_slice %arg5[%dma_wait3A_37] : memref<1280xi32, #tpu.memory_space<vmem>> -> memref<128xi32, #tpu.memory_space<vmem>>
    %dma_wait3A_39 = arith.constant 0 : i32
    %dma_wait3A_40 = arith.constant 0 : i32
    %dma_wait3A_41 = tpu.memref_slice %arg3[%dma_wait3A_39, %dma_wait3A_40] : memref<1000000x128xf32, #tpu.memory_space<hbm>> -> memref<1000000x128xf32, #tpu.memory_space<hbm>>
    tpu.wait_indirect_dma semaphore(%arg13 : memref<!tpu.dma_semaphore, #tpu.memory_space<semaphore_mem>>) src(%dma_wait3A_41 : memref<1000000x128xf32, #tpu.memory_space<hbm>>) dst(%arg7 : memref<128x128xf32, #tpu.memory_space<vmem>>)
    %add3A_42 = arith.constant 128 : i32
    %add3A_43 = arith.addi %mul3A_2, %add3A_42 : i32
    %dma_start3A_44 = arith.constant 0 : i32
    %dma_start3A_45 = tpu.memref_slice %arg4[%add3A_43, %dma_start3A_44] : memref<40960x128xf32, #tpu.memory_space<hbm>> -> memref<128x128xf32, #tpu.memory_space<hbm>>
    %dma_start3A_46 = arith.constant 0 : i32
    %dma_start3A_47 = tpu.memref_slice %arg4[%add3A_43, %dma_start3A_46] : memref<40960x128xf32, #tpu.memory_space<hbm>> -> memref<128x128xf32, #tpu.memory_space<hbm>>
    tpu.enqueue_dma source(%arg7 : memref<128x128xf32, #tpu.memory_space<vmem>>) target(%dma_start3A_47 : memref<128x128xf32, #tpu.memory_space<hbm>>) target_semaphore(%arg19 : memref<!tpu.dma_semaphore, #tpu.memory_space<semaphore_mem>>)
    %dma_start3A_48 = arith.constant 640 : i32
    %dma_start3A_49 = tpu.memref_slice %arg5[%dma_start3A_48] : memref<1280xi32, #tpu.memory_space<vmem>> -> memref<128xi32, #tpu.memory_space<vmem>>
    %dma_start3A_50 = arith.constant 0 : i32
    %dma_start3A_51 = arith.constant 0 : i32
    %dma_start3A_52 = tpu.memref_slice %arg3[%dma_start3A_50, %dma_start3A_51] : memref<1000000x128xf32, #tpu.memory_space<hbm>> -> memref<1000000x128xf32, #tpu.memory_space<hbm>>
    tpu.enqueue_indirect_dma source(%dma_start3A_52 : memref<1000000x128xf32, #tpu.memory_space<hbm>>) target(%arg11 : memref<128x128xf32, #tpu.memory_space<vmem>>) offsets(%dma_start3A_49 : memref<128xi32, #tpu.memory_space<vmem>>) semaphore(%arg17 : memref<!tpu.dma_semaphore, #tpu.memory_space<semaphore_mem>>)
    %dma_wait3A_53 = arith.constant 256 : i32
    %dma_wait3A_54 = tpu.memref_slice %arg5[%dma_wait3A_53] : memref<1280xi32, #tpu.memory_space<vmem>> -> memref<128xi32, #tpu.memory_space<vmem>>
    %dma_wait3A_55 = arith.constant 0 : i32
    %dma_wait3A_56 = arith.constant 0 : i32
    %dma_wait3A_57 = tpu.memref_slice %arg3[%dma_wait3A_55, %dma_wait3A_56] : memref<1000000x128xf32, #tpu.memory_space<hbm>> -> memref<1000000x128xf32, #tpu.memory_space<hbm>>
    tpu.wait_indirect_dma semaphore(%arg14 : memref<!tpu.dma_semaphore, #tpu.memory_space<semaphore_mem>>) src(%dma_wait3A_57 : memref<1000000x128xf32, #tpu.memory_space<hbm>>) dst(%arg8 : memref<128x128xf32, #tpu.memory_space<vmem>>)
    %add3A_58 = arith.constant 256 : i32
    %add3A_59 = arith.addi %mul3A_2, %add3A_58 : i32
    %dma_start3A_60 = arith.constant 0 : i32
    %dma_start3A_61 = tpu.memref_slice %arg4[%add3A_59, %dma_start3A_60] : memref<40960x128xf32, #tpu.memory_space<hbm>> -> memref<128x128xf32, #tpu.memory_space<hbm>>
    %dma_start3A_62 = arith.constant 0 : i32
    %dma_start3A_63 = tpu.memref_slice %arg4[%add3A_59, %dma_start3A_62] : memref<40960x128xf32, #tpu.memory_space<hbm>> -> memref<128x128xf32, #tpu.memory_space<hbm>>
    tpu.enqueue_dma source(%arg8 : memref<128x128xf32, #tpu.memory_space<vmem>>) target(%dma_start3A_63 : memref<128x128xf32, #tpu.memory_space<hbm>>) target_semaphore(%arg20 : memref<!tpu.dma_semaphore, #tpu.memory_space<semaphore_mem>>)
    %add3A_64 = arith.constant 0 : i32
    %add3A_65 = arith.addi %mul3A_2, %add3A_64 : i32
    %dma_wait3A_66 = arith.constant 0 : i32
    %dma_wait3A_67 = tpu.memref_slice %arg4[%add3A_65, %dma_wait3A_66] : memref<40960x128xf32, #tpu.memory_space<hbm>> -> memref<128x128xf32, #tpu.memory_space<hbm>>
    %dma_wait3A_68 = arith.constant 0 : i32
    %dma_wait3A_69 = tpu.memref_slice %arg4[%add3A_65, %dma_wait3A_68] : memref<40960x128xf32, #tpu.memory_space<hbm>> -> memref<128x128xf32, #tpu.memory_space<hbm>>
    tpu.wait_dma2 semaphore(%arg18 : memref<!tpu.dma_semaphore, #tpu.memory_space<semaphore_mem>>) src(%arg6 : memref<128x128xf32, #tpu.memory_space<vmem>>) dst(%dma_wait3A_69 : memref<128x128xf32, #tpu.memory_space<hbm>>)
    %dma_start3A_70 = arith.constant 768 : i32
    %dma_start3A_71 = tpu.memref_slice %arg5[%dma_start3A_70] : memref<1280xi32, #tpu.memory_space<vmem>> -> memref<128xi32, #tpu.memory_space<vmem>>
    %dma_start3A_72 = arith.constant 0 : i32
    %dma_start3A_73 = arith.constant 0 : i32
    %dma_start3A_74 = tpu.memref_slice %arg3[%dma_start3A_72, %dma_start3A_73] : memref<1000000x128xf32, #tpu.memory_space<hbm>> -> memref<1000000x128xf32, #tpu.memory_space<hbm>>
    tpu.enqueue_indirect_dma source(%dma_start3A_74 : memref<1000000x128xf32, #tpu.memory_space<hbm>>) target(%arg6 : memref<128x128xf32, #tpu.memory_space<vmem>>) offsets(%dma_start3A_71 : memref<128xi32, #tpu.memory_space<vmem>>) semaphore(%arg12 : memref<!tpu.dma_semaphore, #tpu.memory_space<semaphore_mem>>)
    %dma_wait3A_75 = arith.constant 384 : i32
    %dma_wait3A_76 = tpu.memref_slice %arg5[%dma_wait3A_75] : memref<1280xi32, #tpu.memory_space<vmem>> -> memref<128xi32, #tpu.memory_space<vmem>>
    %dma_wait3A_77 = arith.constant 0 : i32
    %dma_wait3A_78 = arith.constant 0 : i32
    %dma_wait3A_79 = tpu.memref_slice %arg3[%dma_wait3A_77, %dma_wait3A_78] : memref<1000000x128xf32, #tpu.memory_space<hbm>> -> memref<1000000x128xf32, #tpu.memory_space<hbm>>
    tpu.wait_indirect_dma semaphore(%arg15 : memref<!tpu.dma_semaphore, #tpu.memory_space<semaphore_mem>>) src(%dma_wait3A_79 : memref<1000000x128xf32, #tpu.memory_space<hbm>>) dst(%arg9 : memref<128x128xf32, #tpu.memory_space<vmem>>)
    %add3A_80 = arith.constant 384 : i32
    %add3A_81 = arith.addi %mul3A_2, %add3A_80 : i32
    %dma_start3A_82 = arith.constant 0 : i32
    %dma_start3A_83 = tpu.memref_slice %arg4[%add3A_81, %dma_start3A_82] : memref<40960x128xf32, #tpu.memory_space<hbm>> -> memref<128x128xf32, #tpu.memory_space<hbm>>
    %dma_start3A_84 = arith.constant 0 : i32
    %dma_start3A_85 = tpu.memref_slice %arg4[%add3A_81, %dma_start3A_84] : memref<40960x128xf32, #tpu.memory_space<hbm>> -> memref<128x128xf32, #tpu.memory_space<hbm>>
    tpu.enqueue_dma source(%arg9 : memref<128x128xf32, #tpu.memory_space<vmem>>) target(%dma_start3A_85 : memref<128x128xf32, #tpu.memory_space<hbm>>) target_semaphore(%arg21 : memref<!tpu.dma_semaphore, #tpu.memory_space<semaphore_mem>>)
    %add3A_86 = arith.constant 128 : i32
    %add3A_87 = arith.addi %mul3A_2, %add3A_86 : i32
    %dma_wait3A_88 = arith.constant 0 : i32
    %dma_wait3A_89 = tpu.memref_slice %arg4[%add3A_87, %dma_wait3A_88] : memref<40960x128xf32, #tpu.memory_space<hbm>> -> memref<128x128xf32, #tpu.memory_space<hbm>>
    %dma_wait3A_90 = arith.constant 0 : i32
    %dma_wait3A_91 = tpu.memref_slice %arg4[%add3A_87, %dma_wait3A_90] : memref<40960x128xf32, #tpu.memory_space<hbm>> -> memref<128x128xf32, #tpu.memory_space<hbm>>
    tpu.wait_dma2 semaphore(%arg19 : memref<!tpu.dma_semaphore, #tpu.memory_space<semaphore_mem>>) src(%arg7 : memref<128x128xf32, #tpu.memory_space<vmem>>) dst(%dma_wait3A_91 : memref<128x128xf32, #tpu.memory_space<hbm>>)
    %dma_start3A_92 = arith.constant 896 : i32
    %dma_start3A_93 = tpu.memref_slice %arg5[%dma_start3A_92] : memref<1280xi32, #tpu.memory_space<vmem>> -> memref<128xi32, #tpu.memory_space<vmem>>
    %dma_start3A_94 = arith.constant 0 : i32
    %dma_start3A_95 = arith.constant 0 : i32
    %dma_start3A_96 = tpu.memref_slice %arg3[%dma_start3A_94, %dma_start3A_95] : memref<1000000x128xf32, #tpu.memory_space<hbm>> -> memref<1000000x128xf32, #tpu.memory_space<hbm>>
    tpu.enqueue_indirect_dma source(%dma_start3A_96 : memref<1000000x128xf32, #tpu.memory_space<hbm>>) target(%arg7 : memref<128x128xf32, #tpu.memory_space<vmem>>) offsets(%dma_start3A_93 : memref<128xi32, #tpu.memory_space<vmem>>) semaphore(%arg13 : memref<!tpu.dma_semaphore, #tpu.memory_space<semaphore_mem>>)
    %dma_wait3A_97 = arith.constant 512 : i32
    %dma_wait3A_98 = tpu.memref_slice %arg5[%dma_wait3A_97] : memref<1280xi32, #tpu.memory_space<vmem>> -> memref<128xi32, #tpu.memory_space<vmem>>
    %dma_wait3A_99 = arith.constant 0 : i32
    %dma_wait3A_100 = arith.constant 0 : i32
    %dma_wait3A_101 = tpu.memref_slice %arg3[%dma_wait3A_99, %dma_wait3A_100] : memref<1000000x128xf32, #tpu.memory_space<hbm>> -> memref<1000000x128xf32, #tpu.memory_space<hbm>>
    tpu.wait_indirect_dma semaphore(%arg16 : memref<!tpu.dma_semaphore, #tpu.memory_space<semaphore_mem>>) src(%dma_wait3A_101 : memref<1000000x128xf32, #tpu.memory_space<hbm>>) dst(%arg10 : memref<128x128xf32, #tpu.memory_space<vmem>>)
    %add3A_102 = arith.constant 512 : i32
    %add3A_103 = arith.addi %mul3A_2, %add3A_102 : i32
    %dma_start3A_104 = arith.constant 0 : i32
    %dma_start3A_105 = tpu.memref_slice %arg4[%add3A_103, %dma_start3A_104] : memref<40960x128xf32, #tpu.memory_space<hbm>> -> memref<128x128xf32, #tpu.memory_space<hbm>>
    %dma_start3A_106 = arith.constant 0 : i32
    %dma_start3A_107 = tpu.memref_slice %arg4[%add3A_103, %dma_start3A_106] : memref<40960x128xf32, #tpu.memory_space<hbm>> -> memref<128x128xf32, #tpu.memory_space<hbm>>
    tpu.enqueue_dma source(%arg10 : memref<128x128xf32, #tpu.memory_space<vmem>>) target(%dma_start3A_107 : memref<128x128xf32, #tpu.memory_space<hbm>>) target_semaphore(%arg22 : memref<!tpu.dma_semaphore, #tpu.memory_space<semaphore_mem>>)
    %add3A_108 = arith.constant 256 : i32
    %add3A_109 = arith.addi %mul3A_2, %add3A_108 : i32
    %dma_wait3A_110 = arith.constant 0 : i32
    %dma_wait3A_111 = tpu.memref_slice %arg4[%add3A_109, %dma_wait3A_110] : memref<40960x128xf32, #tpu.memory_space<hbm>> -> memref<128x128xf32, #tpu.memory_space<hbm>>
    %dma_wait3A_112 = arith.constant 0 : i32
    %dma_wait3A_113 = tpu.memref_slice %arg4[%add3A_109, %dma_wait3A_112] : memref<40960x128xf32, #tpu.memory_space<hbm>> -> memref<128x128xf32, #tpu.memory_space<hbm>>
    tpu.wait_dma2 semaphore(%arg20 : memref<!tpu.dma_semaphore, #tpu.memory_space<semaphore_mem>>) src(%arg8 : memref<128x128xf32, #tpu.memory_space<vmem>>) dst(%dma_wait3A_113 : memref<128x128xf32, #tpu.memory_space<hbm>>)
    %dma_start3A_114 = arith.constant 1024 : i32
    %dma_start3A_115 = tpu.memref_slice %arg5[%dma_start3A_114] : memref<1280xi32, #tpu.memory_space<vmem>> -> memref<128xi32, #tpu.memory_space<vmem>>
    %dma_start3A_116 = arith.constant 0 : i32
    %dma_start3A_117 = arith.constant 0 : i32
    %dma_start3A_118 = tpu.memref_slice %arg3[%dma_start3A_116, %dma_start3A_117] : memref<1000000x128xf32, #tpu.memory_space<hbm>> -> memref<1000000x128xf32, #tpu.memory_space<hbm>>
    tpu.enqueue_indirect_dma source(%dma_start3A_118 : memref<1000000x128xf32, #tpu.memory_space<hbm>>) target(%arg8 : memref<128x128xf32, #tpu.memory_space<vmem>>) offsets(%dma_start3A_115 : memref<128xi32, #tpu.memory_space<vmem>>) semaphore(%arg14 : memref<!tpu.dma_semaphore, #tpu.memory_space<semaphore_mem>>)
    %dma_wait3A_119 = arith.constant 640 : i32
    %dma_wait3A_120 = tpu.memref_slice %arg5[%dma_wait3A_119] : memref<1280xi32, #tpu.memory_space<vmem>> -> memref<128xi32, #tpu.memory_space<vmem>>
    %dma_wait3A_121 = arith.constant 0 : i32
    %dma_wait3A_122 = arith.constant 0 : i32
    %dma_wait3A_123 = tpu.memref_slice %arg3[%dma_wait3A_121, %dma_wait3A_122] : memref<1000000x128xf32, #tpu.memory_space<hbm>> -> memref<1000000x128xf32, #tpu.memory_space<hbm>>
    tpu.wait_indirect_dma semaphore(%arg17 : memref<!tpu.dma_semaphore, #tpu.memory_space<semaphore_mem>>) src(%dma_wait3A_123 : memref<1000000x128xf32, #tpu.memory_space<hbm>>) dst(%arg11 : memref<128x128xf32, #tpu.memory_space<vmem>>)
    %add3A_124 = arith.constant 640 : i32
    %add3A_125 = arith.addi %mul3A_2, %add3A_124 : i32
    %dma_start3A_126 = arith.constant 0 : i32
    %dma_start3A_127 = tpu.memref_slice %arg4[%add3A_125, %dma_start3A_126] : memref<40960x128xf32, #tpu.memory_space<hbm>> -> memref<128x128xf32, #tpu.memory_space<hbm>>
    %dma_start3A_128 = arith.constant 0 : i32
    %dma_start3A_129 = tpu.memref_slice %arg4[%add3A_125, %dma_start3A_128] : memref<40960x128xf32, #tpu.memory_space<hbm>> -> memref<128x128xf32, #tpu.memory_space<hbm>>
    tpu.enqueue_dma source(%arg11 : memref<128x128xf32, #tpu.memory_space<vmem>>) target(%dma_start3A_129 : memref<128x128xf32, #tpu.memory_space<hbm>>) target_semaphore(%arg23 : memref<!tpu.dma_semaphore, #tpu.memory_space<semaphore_mem>>)
    %add3A_130 = arith.constant 384 : i32
    %add3A_131 = arith.addi %mul3A_2, %add3A_130 : i32
    %dma_wait3A_132 = arith.constant 0 : i32
    %dma_wait3A_133 = tpu.memref_slice %arg4[%add3A_131, %dma_wait3A_132] : memref<40960x128xf32, #tpu.memory_space<hbm>> -> memref<128x128xf32, #tpu.memory_space<hbm>>
    %dma_wait3A_134 = arith.constant 0 : i32
    %dma_wait3A_135 = tpu.memref_slice %arg4[%add3A_131, %dma_wait3A_134] : memref<40960x128xf32, #tpu.memory_space<hbm>> -> memref<128x128xf32, #tpu.memory_space<hbm>>
    tpu.wait_dma2 semaphore(%arg21 : memref<!tpu.dma_semaphore, #tpu.memory_space<semaphore_mem>>) src(%arg9 : memref<128x128xf32, #tpu.memory_space<vmem>>) dst(%dma_wait3A_135 : memref<128x128xf32, #tpu.memory_space<hbm>>)
    %dma_start3A_136 = arith.constant 1152 : i32
    %dma_start3A_137 = tpu.memref_slice %arg5[%dma_start3A_136] : memref<1280xi32, #tpu.memory_space<vmem>> -> memref<128xi32, #tpu.memory_space<vmem>>
    %dma_start3A_138 = arith.constant 0 : i32
    %dma_start3A_139 = arith.constant 0 : i32
    %dma_start3A_140 = tpu.memref_slice %arg3[%dma_start3A_138, %dma_start3A_139] : memref<1000000x128xf32, #tpu.memory_space<hbm>> -> memref<1000000x128xf32, #tpu.memory_space<hbm>>
    tpu.enqueue_indirect_dma source(%dma_start3A_140 : memref<1000000x128xf32, #tpu.memory_space<hbm>>) target(%arg9 : memref<128x128xf32, #tpu.memory_space<vmem>>) offsets(%dma_start3A_137 : memref<128xi32, #tpu.memory_space<vmem>>) semaphore(%arg15 : memref<!tpu.dma_semaphore, #tpu.memory_space<semaphore_mem>>)
    %dma_wait3A_141 = arith.constant 768 : i32
    %dma_wait3A_142 = tpu.memref_slice %arg5[%dma_wait3A_141] : memref<1280xi32, #tpu.memory_space<vmem>> -> memref<128xi32, #tpu.memory_space<vmem>>
    %dma_wait3A_143 = arith.constant 0 : i32
    %dma_wait3A_144 = arith.constant 0 : i32
    %dma_wait3A_145 = tpu.memref_slice %arg3[%dma_wait3A_143, %dma_wait3A_144] : memref<1000000x128xf32, #tpu.memory_space<hbm>> -> memref<1000000x128xf32, #tpu.memory_space<hbm>>
    tpu.wait_indirect_dma semaphore(%arg12 : memref<!tpu.dma_semaphore, #tpu.memory_space<semaphore_mem>>) src(%dma_wait3A_145 : memref<1000000x128xf32, #tpu.memory_space<hbm>>) dst(%arg6 : memref<128x128xf32, #tpu.memory_space<vmem>>)
    %add3A_146 = arith.constant 768 : i32
    %add3A_147 = arith.addi %mul3A_2, %add3A_146 : i32
    %dma_start3A_148 = arith.constant 0 : i32
    %dma_start3A_149 = tpu.memref_slice %arg4[%add3A_147, %dma_start3A_148] : memref<40960x128xf32, #tpu.memory_space<hbm>> -> memref<128x128xf32, #tpu.memory_space<hbm>>
    %dma_start3A_150 = arith.constant 0 : i32
    %dma_start3A_151 = tpu.memref_slice %arg4[%add3A_147, %dma_start3A_150] : memref<40960x128xf32, #tpu.memory_space<hbm>> -> memref<128x128xf32, #tpu.memory_space<hbm>>
    tpu.enqueue_dma source(%arg6 : memref<128x128xf32, #tpu.memory_space<vmem>>) target(%dma_start3A_151 : memref<128x128xf32, #tpu.memory_space<hbm>>) target_semaphore(%arg18 : memref<!tpu.dma_semaphore, #tpu.memory_space<semaphore_mem>>)
    %dma_wait3A_152 = arith.constant 896 : i32
    %dma_wait3A_153 = tpu.memref_slice %arg5[%dma_wait3A_152] : memref<1280xi32, #tpu.memory_space<vmem>> -> memref<128xi32, #tpu.memory_space<vmem>>
    %dma_wait3A_154 = arith.constant 0 : i32
    %dma_wait3A_155 = arith.constant 0 : i32
    %dma_wait3A_156 = tpu.memref_slice %arg3[%dma_wait3A_154, %dma_wait3A_155] : memref<1000000x128xf32, #tpu.memory_space<hbm>> -> memref<1000000x128xf32, #tpu.memory_space<hbm>>
    tpu.wait_indirect_dma semaphore(%arg13 : memref<!tpu.dma_semaphore, #tpu.memory_space<semaphore_mem>>) src(%dma_wait3A_156 : memref<1000000x128xf32, #tpu.memory_space<hbm>>) dst(%arg7 : memref<128x128xf32, #tpu.memory_space<vmem>>)
    %add3A_157 = arith.constant 896 : i32
    %add3A_158 = arith.addi %mul3A_2, %add3A_157 : i32
    %dma_start3A_159 = arith.constant 0 : i32
    %dma_start3A_160 = tpu.memref_slice %arg4[%add3A_158, %dma_start3A_159] : memref<40960x128xf32, #tpu.memory_space<hbm>> -> memref<128x128xf32, #tpu.memory_space<hbm>>
    %dma_start3A_161 = arith.constant 0 : i32
    %dma_start3A_162 = tpu.memref_slice %arg4[%add3A_158, %dma_start3A_161] : memref<40960x128xf32, #tpu.memory_space<hbm>> -> memref<128x128xf32, #tpu.memory_space<hbm>>
    tpu.enqueue_dma source(%arg7 : memref<128x128xf32, #tpu.memory_space<vmem>>) target(%dma_start3A_162 : memref<128x128xf32, #tpu.memory_space<hbm>>) target_semaphore(%arg19 : memref<!tpu.dma_semaphore, #tpu.memory_space<semaphore_mem>>)
    %dma_wait3A_163 = arith.constant 1024 : i32
    %dma_wait3A_164 = tpu.memref_slice %arg5[%dma_wait3A_163] : memref<1280xi32, #tpu.memory_space<vmem>> -> memref<128xi32, #tpu.memory_space<vmem>>
    %dma_wait3A_165 = arith.constant 0 : i32
    %dma_wait3A_166 = arith.constant 0 : i32
    %dma_wait3A_167 = tpu.memref_slice %arg3[%dma_wait3A_165, %dma_wait3A_166] : memref<1000000x128xf32, #tpu.memory_space<hbm>> -> memref<1000000x128xf32, #tpu.memory_space<hbm>>
    tpu.wait_indirect_dma semaphore(%arg14 : memref<!tpu.dma_semaphore, #tpu.memory_space<semaphore_mem>>) src(%dma_wait3A_167 : memref<1000000x128xf32, #tpu.memory_space<hbm>>) dst(%arg8 : memref<128x128xf32, #tpu.memory_space<vmem>>)
    %add3A_168 = arith.constant 1024 : i32
    %add3A_169 = arith.addi %mul3A_2, %add3A_168 : i32
    %dma_start3A_170 = arith.constant 0 : i32
    %dma_start3A_171 = tpu.memref_slice %arg4[%add3A_169, %dma_start3A_170] : memref<40960x128xf32, #tpu.memory_space<hbm>> -> memref<128x128xf32, #tpu.memory_space<hbm>>
    %dma_start3A_172 = arith.constant 0 : i32
    %dma_start3A_173 = tpu.memref_slice %arg4[%add3A_169, %dma_start3A_172] : memref<40960x128xf32, #tpu.memory_space<hbm>> -> memref<128x128xf32, #tpu.memory_space<hbm>>
    tpu.enqueue_dma source(%arg8 : memref<128x128xf32, #tpu.memory_space<vmem>>) target(%dma_start3A_173 : memref<128x128xf32, #tpu.memory_space<hbm>>) target_semaphore(%arg20 : memref<!tpu.dma_semaphore, #tpu.memory_space<semaphore_mem>>)
    %dma_wait3A_174 = arith.constant 1152 : i32
    %dma_wait3A_175 = tpu.memref_slice %arg5[%dma_wait3A_174] : memref<1280xi32, #tpu.memory_space<vmem>> -> memref<128xi32, #tpu.memory_space<vmem>>
    %dma_wait3A_176 = arith.constant 0 : i32
    %dma_wait3A_177 = arith.constant 0 : i32
    %dma_wait3A_178 = tpu.memref_slice %arg3[%dma_wait3A_176, %dma_wait3A_177] : memref<1000000x128xf32, #tpu.memory_space<hbm>> -> memref<1000000x128xf32, #tpu.memory_space<hbm>>
    tpu.wait_indirect_dma semaphore(%arg15 : memref<!tpu.dma_semaphore, #tpu.memory_space<semaphore_mem>>) src(%dma_wait3A_178 : memref<1000000x128xf32, #tpu.memory_space<hbm>>) dst(%arg9 : memref<128x128xf32, #tpu.memory_space<vmem>>)
    %add3A_179 = arith.constant 1152 : i32
    %add3A_180 = arith.addi %mul3A_2, %add3A_179 : i32
    %dma_start3A_181 = arith.constant 0 : i32
    %dma_start3A_182 = tpu.memref_slice %arg4[%add3A_180, %dma_start3A_181] : memref<40960x128xf32, #tpu.memory_space<hbm>> -> memref<128x128xf32, #tpu.memory_space<hbm>>
    %dma_start3A_183 = arith.constant 0 : i32
    %dma_start3A_184 = tpu.memref_slice %arg4[%add3A_180, %dma_start3A_183] : memref<40960x128xf32, #tpu.memory_space<hbm>> -> memref<128x128xf32, #tpu.memory_space<hbm>>
    tpu.enqueue_dma source(%arg9 : memref<128x128xf32, #tpu.memory_space<vmem>>) target(%dma_start3A_184 : memref<128x128xf32, #tpu.memory_space<hbm>>) target_semaphore(%arg21 : memref<!tpu.dma_semaphore, #tpu.memory_space<semaphore_mem>>)
    %add3A_185 = arith.constant 512 : i32
    %add3A_186 = arith.addi %mul3A_2, %add3A_185 : i32
    %dma_wait3A_187 = arith.constant 0 : i32
    %dma_wait3A_188 = tpu.memref_slice %arg4[%add3A_186, %dma_wait3A_187] : memref<40960x128xf32, #tpu.memory_space<hbm>> -> memref<128x128xf32, #tpu.memory_space<hbm>>
    %dma_wait3A_189 = arith.constant 0 : i32
    %dma_wait3A_190 = tpu.memref_slice %arg4[%add3A_186, %dma_wait3A_189] : memref<40960x128xf32, #tpu.memory_space<hbm>> -> memref<128x128xf32, #tpu.memory_space<hbm>>
    tpu.wait_dma2 semaphore(%arg22 : memref<!tpu.dma_semaphore, #tpu.memory_space<semaphore_mem>>) src(%arg10 : memref<128x128xf32, #tpu.memory_space<vmem>>) dst(%dma_wait3A_190 : memref<128x128xf32, #tpu.memory_space<hbm>>)
    %add3A_191 = arith.constant 640 : i32
    %add3A_192 = arith.addi %mul3A_2, %add3A_191 : i32
    %dma_wait3A_193 = arith.constant 0 : i32
    %dma_wait3A_194 = tpu.memref_slice %arg4[%add3A_192, %dma_wait3A_193] : memref<40960x128xf32, #tpu.memory_space<hbm>> -> memref<128x128xf32, #tpu.memory_space<hbm>>
    %dma_wait3A_195 = arith.constant 0 : i32
    %dma_wait3A_196 = tpu.memref_slice %arg4[%add3A_192, %dma_wait3A_195] : memref<40960x128xf32, #tpu.memory_space<hbm>> -> memref<128x128xf32, #tpu.memory_space<hbm>>
    tpu.wait_dma2 semaphore(%arg23 : memref<!tpu.dma_semaphore, #tpu.memory_space<semaphore_mem>>) src(%arg11 : memref<128x128xf32, #tpu.memory_space<vmem>>) dst(%dma_wait3A_196 : memref<128x128xf32, #tpu.memory_space<hbm>>)
    %add3A_197 = arith.constant 768 : i32
    %add3A_198 = arith.addi %mul3A_2, %add3A_197 : i32
    %dma_wait3A_199 = arith.constant 0 : i32
    %dma_wait3A_200 = tpu.memref_slice %arg4[%add3A_198, %dma_wait3A_199] : memref<40960x128xf32, #tpu.memory_space<hbm>> -> memref<128x128xf32, #tpu.memory_space<hbm>>
    %dma_wait3A_201 = arith.constant 0 : i32
    %dma_wait3A_202 = tpu.memref_slice %arg4[%add3A_198, %dma_wait3A_201] : memref<40960x128xf32, #tpu.memory_space<hbm>> -> memref<128x128xf32, #tpu.memory_space<hbm>>
    tpu.wait_dma2 semaphore(%arg18 : memref<!tpu.dma_semaphore, #tpu.memory_space<semaphore_mem>>) src(%arg6 : memref<128x128xf32, #tpu.memory_space<vmem>>) dst(%dma_wait3A_202 : memref<128x128xf32, #tpu.memory_space<hbm>>)
    %add3A_203 = arith.constant 896 : i32
    %add3A_204 = arith.addi %mul3A_2, %add3A_203 : i32
    %dma_wait3A_205 = arith.constant 0 : i32
    %dma_wait3A_206 = tpu.memref_slice %arg4[%add3A_204, %dma_wait3A_205] : memref<40960x128xf32, #tpu.memory_space<hbm>> -> memref<128x128xf32, #tpu.memory_space<hbm>>
    %dma_wait3A_207 = arith.constant 0 : i32
    %dma_wait3A_208 = tpu.memref_slice %arg4[%add3A_204, %dma_wait3A_207] : memref<40960x128xf32, #tpu.memory_space<hbm>> -> memref<128x128xf32, #tpu.memory_space<hbm>>
    tpu.wait_dma2 semaphore(%arg19 : memref<!tpu.dma_semaphore, #tpu.memory_space<semaphore_mem>>) src(%arg7 : memref<128x128xf32, #tpu.memory_space<vmem>>) dst(%dma_wait3A_208 : memref<128x128xf32, #tpu.memory_space<hbm>>)
    %add3A_209 = arith.constant 1024 : i32
    %add3A_210 = arith.addi %mul3A_2, %add3A_209 : i32
    %dma_wait3A_211 = arith.constant 0 : i32
    %dma_wait3A_212 = tpu.memref_slice %arg4[%add3A_210, %dma_wait3A_211] : memref<40960x128xf32, #tpu.memory_space<hbm>> -> memref<128x128xf32, #tpu.memory_space<hbm>>
    %dma_wait3A_213 = arith.constant 0 : i32
    %dma_wait3A_214 = tpu.memref_slice %arg4[%add3A_210, %dma_wait3A_213] : memref<40960x128xf32, #tpu.memory_space<hbm>> -> memref<128x128xf32, #tpu.memory_space<hbm>>
    tpu.wait_dma2 semaphore(%arg20 : memref<!tpu.dma_semaphore, #tpu.memory_space<semaphore_mem>>) src(%arg8 : memref<128x128xf32, #tpu.memory_space<vmem>>) dst(%dma_wait3A_214 : memref<128x128xf32, #tpu.memory_space<hbm>>)
    %add3A_215 = arith.constant 1152 : i32
    %add3A_216 = arith.addi %mul3A_2, %add3A_215 : i32
    %dma_wait3A_217 = arith.constant 0 : i32
    %dma_wait3A_218 = tpu.memref_slice %arg4[%add3A_216, %dma_wait3A_217] : memref<40960x128xf32, #tpu.memory_space<hbm>> -> memref<128x128xf32, #tpu.memory_space<hbm>>
    %dma_wait3A_219 = arith.constant 0 : i32
    %dma_wait3A_220 = tpu.memref_slice %arg4[%add3A_216, %dma_wait3A_219] : memref<40960x128xf32, #tpu.memory_space<hbm>> -> memref<128x128xf32, #tpu.memory_space<hbm>>
    tpu.wait_dma2 semaphore(%arg21 : memref<!tpu.dma_semaphore, #tpu.memory_space<semaphore_mem>>) src(%arg9 : memref<128x128xf32, #tpu.memory_space<vmem>>) dst(%dma_wait3A_220 : memref<128x128xf32, #tpu.memory_space<hbm>>)
    return
  }
}

#map = affine_map<(d0, d1) -> (0)>
#map1 = affine_map<(d0, d1) -> (0, 0)>
module attributes {stable_mosaic.version = 14 : i64} {
  func.func @_sc_gather_kernel(%arg0: i32, %arg1: i32, %arg2: memref<40960xi32, #tpu.memory_space<hbm>>, %arg3: memref<1000000x128xf32, #tpu.memory_space<hbm>>, %arg4: memref<40960x128xf32, #tpu.memory_space<hbm>>, %arg5: memref<1280xi32, #tpu.memory_space<vmem>>, %arg6: memref<128x128xf32, #tpu.memory_space<vmem>>, %arg7: memref<128x128xf32, #tpu.memory_space<vmem>>, %arg8: memref<128x128xf32, #tpu.memory_space<vmem>>, %arg9: memref<128x128xf32, #tpu.memory_space<vmem>>, %arg10: memref<128x128xf32, #tpu.memory_space<vmem>>, %arg11: memref<128x128xf32, #tpu.memory_space<vmem>>, %arg12: memref<!tpu.dma_semaphore, #tpu.memory_space<semaphore_mem>>, %arg13: memref<!tpu.dma_semaphore, #tpu.memory_space<semaphore_mem>>, %arg14: memref<!tpu.dma_semaphore, #tpu.memory_space<semaphore_mem>>, %arg15: memref<!tpu.dma_semaphore, #tpu.memory_space<semaphore_mem>>, %arg16: memref<!tpu.dma_semaphore, #tpu.memory_space<semaphore_mem>>, %arg17: memref<!tpu.dma_semaphore, #tpu.memory_space<semaphore_mem>>, %arg18: memref<!tpu.dma_semaphore, #tpu.memory_space<semaphore_mem>>, %arg19: memref<!tpu.dma_semaphore, #tpu.memory_space<semaphore_mem>>, %arg20: memref<!tpu.dma_semaphore, #tpu.memory_space<semaphore_mem>>, %arg21: memref<!tpu.dma_semaphore, #tpu.memory_space<semaphore_mem>>, %arg22: memref<!tpu.dma_semaphore, #tpu.memory_space<semaphore_mem>>, %arg23: memref<!tpu.dma_semaphore, #tpu.memory_space<semaphore_mem>>) attributes {dimension_semantics = [#tpu.dimension_semantics<core_parallel>, #tpu.dimension_semantics<subcore_parallel>], iteration_bounds = array<i64: 2, 16>, scalar_prefetch = 0 : i64, scratch_operands = 19 : i64, tpu.core_type = #tpu.core_type<sc_vector_subcore>, window_params = [{transform_indices = #map}, {transform_indices = #map1}, {transform_indices = #map1}]} {
    %mul3A = arith.constant 2 : i32
    %mul3A_0 = arith.muli %arg1, %mul3A : i32
    %add3A = arith.addi %mul3A_0, %arg0 : i32
    %mul3A_1 = arith.constant 1280 : i32
    %mul3A_2 = arith.muli %add3A, %mul3A_1 : i32
    "tpu.region"() ({
      %run_scoped3A = tpu.sem_alloc : memref<!tpu.dma_semaphore, #tpu.memory_space<semaphore_mem>>
      %dma_start3A_221 = tpu.memref_slice %arg2[%mul3A_2] : memref<40960xi32, #tpu.memory_space<hbm>> -> memref<1280xi32, #tpu.memory_space<hbm>>
      %dma_start3A_222 = tpu.memref_slice %arg2[%mul3A_2] : memref<40960xi32, #tpu.memory_space<hbm>> -> memref<1280xi32, #tpu.memory_space<hbm>>
      tpu.enqueue_dma source(%dma_start3A_222 : memref<1280xi32, #tpu.memory_space<hbm>>) target(%arg5 : memref<1280xi32, #tpu.memory_space<vmem>>) target_semaphore(%run_scoped3A : memref<!tpu.dma_semaphore, #tpu.memory_space<semaphore_mem>>)
      %dma_wait3A_223 = tpu.memref_slice %arg2[%mul3A_2] : memref<40960xi32, #tpu.memory_space<hbm>> -> memref<1280xi32, #tpu.memory_space<hbm>>
      %dma_wait3A_224 = tpu.memref_slice %arg2[%mul3A_2] : memref<40960xi32, #tpu.memory_space<hbm>> -> memref<1280xi32, #tpu.memory_space<hbm>>
      tpu.wait_dma2 semaphore(%run_scoped3A : memref<!tpu.dma_semaphore, #tpu.memory_space<semaphore_mem>>) src(%dma_wait3A_224 : memref<1280xi32, #tpu.memory_space<hbm>>) dst(%arg5 : memref<1280xi32, #tpu.memory_space<vmem>>)
      tpu.yield
    }) : () -> ()
    %dma_start3A = arith.constant 0 : i32
    %dma_start3A_3 = tpu.memref_slice %arg5[%dma_start3A] : memref<1280xi32, #tpu.memory_space<vmem>> -> memref<128xi32, #tpu.memory_space<vmem>>
    %dma_start3A_4 = arith.constant 0 : i32
    %dma_start3A_5 = arith.constant 0 : i32
    %dma_start3A_6 = tpu.memref_slice %arg3[%dma_start3A_4, %dma_start3A_5] : memref<1000000x128xf32, #tpu.memory_space<hbm>> -> memref<1000000x128xf32, #tpu.memory_space<hbm>>
    tpu.enqueue_indirect_dma source(%dma_start3A_6 : memref<1000000x128xf32, #tpu.memory_space<hbm>>) target(%arg6 : memref<128x128xf32, #tpu.memory_space<vmem>>) offsets(%dma_start3A_3 : memref<128xi32, #tpu.memory_space<vmem>>) semaphore(%arg12 : memref<!tpu.dma_semaphore, #tpu.memory_space<semaphore_mem>>)
    %dma_start3A_7 = arith.constant 128 : i32
    %dma_start3A_8 = tpu.memref_slice %arg5[%dma_start3A_7] : memref<1280xi32, #tpu.memory_space<vmem>> -> memref<128xi32, #tpu.memory_space<vmem>>
    %dma_start3A_9 = arith.constant 0 : i32
    %dma_start3A_10 = arith.constant 0 : i32
    %dma_start3A_11 = tpu.memref_slice %arg3[%dma_start3A_9, %dma_start3A_10] : memref<1000000x128xf32, #tpu.memory_space<hbm>> -> memref<1000000x128xf32, #tpu.memory_space<hbm>>
    tpu.enqueue_indirect_dma source(%dma_start3A_11 : memref<1000000x128xf32, #tpu.memory_space<hbm>>) target(%arg7 : memref<128x128xf32, #tpu.memory_space<vmem>>) offsets(%dma_start3A_8 : memref<128xi32, #tpu.memory_space<vmem>>) semaphore(%arg13 : memref<!tpu.dma_semaphore, #tpu.memory_space<semaphore_mem>>)
    %dma_start3A_12 = arith.constant 256 : i32
    %dma_start3A_13 = tpu.memref_slice %arg5[%dma_start3A_12] : memref<1280xi32, #tpu.memory_space<vmem>> -> memref<128xi32, #tpu.memory_space<vmem>>
    %dma_start3A_14 = arith.constant 0 : i32
    %dma_start3A_15 = arith.constant 0 : i32
    %dma_start3A_16 = tpu.memref_slice %arg3[%dma_start3A_14, %dma_start3A_15] : memref<1000000x128xf32, #tpu.memory_space<hbm>> -> memref<1000000x128xf32, #tpu.memory_space<hbm>>
    tpu.enqueue_indirect_dma source(%dma_start3A_16 : memref<1000000x128xf32, #tpu.memory_space<hbm>>) target(%arg8 : memref<128x128xf32, #tpu.memory_space<vmem>>) offsets(%dma_start3A_13 : memref<128xi32, #tpu.memory_space<vmem>>) semaphore(%arg14 : memref<!tpu.dma_semaphore, #tpu.memory_space<semaphore_mem>>)
    %dma_start3A_17 = arith.constant 384 : i32
    %dma_start3A_18 = tpu.memref_slice %arg5[%dma_start3A_17] : memref<1280xi32, #tpu.memory_space<vmem>> -> memref<128xi32, #tpu.memory_space<vmem>>
    %dma_start3A_19 = arith.constant 0 : i32
    %dma_start3A_20 = arith.constant 0 : i32
    %dma_start3A_21 = tpu.memref_slice %arg3[%dma_start3A_19, %dma_start3A_20] : memref<1000000x128xf32, #tpu.memory_space<hbm>> -> memref<1000000x128xf32, #tpu.memory_space<hbm>>
    tpu.enqueue_indirect_dma source(%dma_start3A_21 : memref<1000000x128xf32, #tpu.memory_space<hbm>>) target(%arg9 : memref<128x128xf32, #tpu.memory_space<vmem>>) offsets(%dma_start3A_18 : memref<128xi32, #tpu.memory_space<vmem>>) semaphore(%arg15 : memref<!tpu.dma_semaphore, #tpu.memory_space<semaphore_mem>>)
    %dma_wait3A = arith.constant 0 : i32
    %dma_wait3A_22 = tpu.memref_slice %arg5[%dma_wait3A] : memref<1280xi32, #tpu.memory_space<vmem>> -> memref<128xi32, #tpu.memory_space<vmem>>
    %dma_wait3A_23 = arith.constant 0 : i32
    %dma_wait3A_24 = arith.constant 0 : i32
    %dma_wait3A_25 = tpu.memref_slice %arg3[%dma_wait3A_23, %dma_wait3A_24] : memref<1000000x128xf32, #tpu.memory_space<hbm>> -> memref<1000000x128xf32, #tpu.memory_space<hbm>>
    tpu.wait_indirect_dma semaphore(%arg12 : memref<!tpu.dma_semaphore, #tpu.memory_space<semaphore_mem>>) src(%dma_wait3A_25 : memref<1000000x128xf32, #tpu.memory_space<hbm>>) dst(%arg6 : memref<128x128xf32, #tpu.memory_space<vmem>>)
    %add3A_26 = arith.constant 0 : i32
    %add3A_27 = arith.addi %mul3A_2, %add3A_26 : i32
    %dma_start3A_28 = arith.constant 0 : i32
    %dma_start3A_29 = tpu.memref_slice %arg4[%add3A_27, %dma_start3A_28] : memref<40960x128xf32, #tpu.memory_space<hbm>> -> memref<128x128xf32, #tpu.memory_space<hbm>>
    %dma_start3A_30 = arith.constant 0 : i32
    %dma_start3A_31 = tpu.memref_slice %arg4[%add3A_27, %dma_start3A_30] : memref<40960x128xf32, #tpu.memory_space<hbm>> -> memref<128x128xf32, #tpu.memory_space<hbm>>
    tpu.enqueue_dma source(%arg6 : memref<128x128xf32, #tpu.memory_space<vmem>>) target(%dma_start3A_31 : memref<128x128xf32, #tpu.memory_space<hbm>>) target_semaphore(%arg18 : memref<!tpu.dma_semaphore, #tpu.memory_space<semaphore_mem>>)
    %dma_start3A_32 = arith.constant 512 : i32
    %dma_start3A_33 = tpu.memref_slice %arg5[%dma_start3A_32] : memref<1280xi32, #tpu.memory_space<vmem>> -> memref<128xi32, #tpu.memory_space<vmem>>
    %dma_start3A_34 = arith.constant 0 : i32
    %dma_start3A_35 = arith.constant 0 : i32
    %dma_start3A_36 = tpu.memref_slice %arg3[%dma_start3A_34, %dma_start3A_35] : memref<1000000x128xf32, #tpu.memory_space<hbm>> -> memref<1000000x128xf32, #tpu.memory_space<hbm>>
    tpu.enqueue_indirect_dma source(%dma_start3A_36 : memref<1000000x128xf32, #tpu.memory_space<hbm>>) target(%arg10 : memref<128x128xf32, #tpu.memory_space<vmem>>) offsets(%dma_start3A_33 : memref<128xi32, #tpu.memory_space<vmem>>) semaphore(%arg16 : memref<!tpu.dma_semaphore, #tpu.memory_space<semaphore_mem>>)
    %dma_wait3A_37 = arith.constant 128 : i32
    %dma_wait3A_38 = tpu.memref_slice %arg5[%dma_wait3A_37] : memref<1280xi32, #tpu.memory_space<vmem>> -> memref<128xi32, #tpu.memory_space<vmem>>
    %dma_wait3A_39 = arith.constant 0 : i32
    %dma_wait3A_40 = arith.constant 0 : i32
    %dma_wait3A_41 = tpu.memref_slice %arg3[%dma_wait3A_39, %dma_wait3A_40] : memref<1000000x128xf32, #tpu.memory_space<hbm>> -> memref<1000000x128xf32, #tpu.memory_space<hbm>>
    tpu.wait_indirect_dma semaphore(%arg13 : memref<!tpu.dma_semaphore, #tpu.memory_space<semaphore_mem>>) src(%dma_wait3A_41 : memref<1000000x128xf32, #tpu.memory_space<hbm>>) dst(%arg7 : memref<128x128xf32, #tpu.memory_space<vmem>>)
    %add3A_42 = arith.constant 128 : i32
    %add3A_43 = arith.addi %mul3A_2, %add3A_42 : i32
    %dma_start3A_44 = arith.constant 0 : i32
    %dma_start3A_45 = tpu.memref_slice %arg4[%add3A_43, %dma_start3A_44] : memref<40960x128xf32, #tpu.memory_space<hbm>> -> memref<128x128xf32, #tpu.memory_space<hbm>>
    %dma_start3A_46 = arith.constant 0 : i32
    %dma_start3A_47 = tpu.memref_slice %arg4[%add3A_43, %dma_start3A_46] : memref<40960x128xf32, #tpu.memory_space<hbm>> -> memref<128x128xf32, #tpu.memory_space<hbm>>
    tpu.enqueue_dma source(%arg7 : memref<128x128xf32, #tpu.memory_space<vmem>>) target(%dma_start3A_47 : memref<128x128xf32, #tpu.memory_space<hbm>>) target_semaphore(%arg19 : memref<!tpu.dma_semaphore, #tpu.memory_space<semaphore_mem>>)
    %dma_start3A_48 = arith.constant 640 : i32
    %dma_start3A_49 = tpu.memref_slice %arg5[%dma_start3A_48] : memref<1280xi32, #tpu.memory_space<vmem>> -> memref<128xi32, #tpu.memory_space<vmem>>
    %dma_start3A_50 = arith.constant 0 : i32
    %dma_start3A_51 = arith.constant 0 : i32
    %dma_start3A_52 = tpu.memref_slice %arg3[%dma_start3A_50, %dma_start3A_51] : memref<1000000x128xf32, #tpu.memory_space<hbm>> -> memref<1000000x128xf32, #tpu.memory_space<hbm>>
    tpu.enqueue_indirect_dma source(%dma_start3A_52 : memref<1000000x128xf32, #tpu.memory_space<hbm>>) target(%arg11 : memref<128x128xf32, #tpu.memory_space<vmem>>) offsets(%dma_start3A_49 : memref<128xi32, #tpu.memory_space<vmem>>) semaphore(%arg17 : memref<!tpu.dma_semaphore, #tpu.memory_space<semaphore_mem>>)
    %dma_wait3A_53 = arith.constant 256 : i32
    %dma_wait3A_54 = tpu.memref_slice %arg5[%dma_wait3A_53] : memref<1280xi32, #tpu.memory_space<vmem>> -> memref<128xi32, #tpu.memory_space<vmem>>
    %dma_wait3A_55 = arith.constant 0 : i32
    %dma_wait3A_56 = arith.constant 0 : i32
    %dma_wait3A_57 = tpu.memref_slice %arg3[%dma_wait3A_55, %dma_wait3A_56] : memref<1000000x128xf32, #tpu.memory_space<hbm>> -> memref<1000000x128xf32, #tpu.memory_space<hbm>>
    tpu.wait_indirect_dma semaphore(%arg14 : memref<!tpu.dma_semaphore, #tpu.memory_space<semaphore_mem>>) src(%dma_wait3A_57 : memref<1000000x128xf32, #tpu.memory_space<hbm>>) dst(%arg8 : memref<128x128xf32, #tpu.memory_space<vmem>>)
    %add3A_58 = arith.constant 256 : i32
    %add3A_59 = arith.addi %mul3A_2, %add3A_58 : i32
    %dma_start3A_60 = arith.constant 0 : i32
    %dma_start3A_61 = tpu.memref_slice %arg4[%add3A_59, %dma_start3A_60] : memref<40960x128xf32, #tpu.memory_space<hbm>> -> memref<128x128xf32, #tpu.memory_space<hbm>>
    %dma_start3A_62 = arith.constant 0 : i32
    %dma_start3A_63 = tpu.memref_slice %arg4[%add3A_59, %dma_start3A_62] : memref<40960x128xf32, #tpu.memory_space<hbm>> -> memref<128x128xf32, #tpu.memory_space<hbm>>
    tpu.enqueue_dma source(%arg8 : memref<128x128xf32, #tpu.memory_space<vmem>>) target(%dma_start3A_63 : memref<128x128xf32, #tpu.memory_space<hbm>>) target_semaphore(%arg20 : memref<!tpu.dma_semaphore, #tpu.memory_space<semaphore_mem>>)
    %add3A_64 = arith.constant 0 : i32
    %add3A_65 = arith.addi %mul3A_2, %add3A_64 : i32
    %dma_wait3A_66 = arith.constant 0 : i32
    %dma_wait3A_67 = tpu.memref_slice %arg4[%add3A_65, %dma_wait3A_66] : memref<40960x128xf32, #tpu.memory_space<hbm>> -> memref<128x128xf32, #tpu.memory_space<hbm>>
    %dma_wait3A_68 = arith.constant 0 : i32
    %dma_wait3A_69 = tpu.memref_slice %arg4[%add3A_65, %dma_wait3A_68] : memref<40960x128xf32, #tpu.memory_space<hbm>> -> memref<128x128xf32, #tpu.memory_space<hbm>>
    tpu.wait_dma2 semaphore(%arg18 : memref<!tpu.dma_semaphore, #tpu.memory_space<semaphore_mem>>) src(%arg6 : memref<128x128xf32, #tpu.memory_space<vmem>>) dst(%dma_wait3A_69 : memref<128x128xf32, #tpu.memory_space<hbm>>)
    %dma_start3A_70 = arith.constant 768 : i32
    %dma_start3A_71 = tpu.memref_slice %arg5[%dma_start3A_70] : memref<1280xi32, #tpu.memory_space<vmem>> -> memref<128xi32, #tpu.memory_space<vmem>>
    %dma_start3A_72 = arith.constant 0 : i32
    %dma_start3A_73 = arith.constant 0 : i32
    %dma_start3A_74 = tpu.memref_slice %arg3[%dma_start3A_72, %dma_start3A_73] : memref<1000000x128xf32, #tpu.memory_space<hbm>> -> memref<1000000x128xf32, #tpu.memory_space<hbm>>
    tpu.enqueue_indirect_dma source(%dma_start3A_74 : memref<1000000x128xf32, #tpu.memory_space<hbm>>) target(%arg6 : memref<128x128xf32, #tpu.memory_space<vmem>>) offsets(%dma_start3A_71 : memref<128xi32, #tpu.memory_space<vmem>>) semaphore(%arg12 : memref<!tpu.dma_semaphore, #tpu.memory_space<semaphore_mem>>)
    %dma_wait3A_75 = arith.constant 384 : i32
    %dma_wait3A_76 = tpu.memref_slice %arg5[%dma_wait3A_75] : memref<1280xi32, #tpu.memory_space<vmem>> -> memref<128xi32, #tpu.memory_space<vmem>>
    %dma_wait3A_77 = arith.constant 0 : i32
    %dma_wait3A_78 = arith.constant 0 : i32
    %dma_wait3A_79 = tpu.memref_slice %arg3[%dma_wait3A_77, %dma_wait3A_78] : memref<1000000x128xf32, #tpu.memory_space<hbm>> -> memref<1000000x128xf32, #tpu.memory_space<hbm>>
    tpu.wait_indirect_dma semaphore(%arg15 : memref<!tpu.dma_semaphore, #tpu.memory_space<semaphore_mem>>) src(%dma_wait3A_79 : memref<1000000x128xf32, #tpu.memory_space<hbm>>) dst(%arg9 : memref<128x128xf32, #tpu.memory_space<vmem>>)
    %add3A_80 = arith.constant 384 : i32
    %add3A_81 = arith.addi %mul3A_2, %add3A_80 : i32
    %dma_start3A_82 = arith.constant 0 : i32
    %dma_start3A_83 = tpu.memref_slice %arg4[%add3A_81, %dma_start3A_82] : memref<40960x128xf32, #tpu.memory_space<hbm>> -> memref<128x128xf32, #tpu.memory_space<hbm>>
    %dma_start3A_84 = arith.constant 0 : i32
    %dma_start3A_85 = tpu.memref_slice %arg4[%add3A_81, %dma_start3A_84] : memref<40960x128xf32, #tpu.memory_space<hbm>> -> memref<128x128xf32, #tpu.memory_space<hbm>>
    tpu.enqueue_dma source(%arg9 : memref<128x128xf32, #tpu.memory_space<vmem>>) target(%dma_start3A_85 : memref<128x128xf32, #tpu.memory_space<hbm>>) target_semaphore(%arg21 : memref<!tpu.dma_semaphore, #tpu.memory_space<semaphore_mem>>)
    %add3A_86 = arith.constant 128 : i32
    %add3A_87 = arith.addi %mul3A_2, %add3A_86 : i32
    %dma_wait3A_88 = arith.constant 0 : i32
    %dma_wait3A_89 = tpu.memref_slice %arg4[%add3A_87, %dma_wait3A_88] : memref<40960x128xf32, #tpu.memory_space<hbm>> -> memref<128x128xf32, #tpu.memory_space<hbm>>
    %dma_wait3A_90 = arith.constant 0 : i32
    %dma_wait3A_91 = tpu.memref_slice %arg4[%add3A_87, %dma_wait3A_90] : memref<40960x128xf32, #tpu.memory_space<hbm>> -> memref<128x128xf32, #tpu.memory_space<hbm>>
    tpu.wait_dma2 semaphore(%arg19 : memref<!tpu.dma_semaphore, #tpu.memory_space<semaphore_mem>>) src(%arg7 : memref<128x128xf32, #tpu.memory_space<vmem>>) dst(%dma_wait3A_91 : memref<128x128xf32, #tpu.memory_space<hbm>>)
    %dma_start3A_92 = arith.constant 896 : i32
    %dma_start3A_93 = tpu.memref_slice %arg5[%dma_start3A_92] : memref<1280xi32, #tpu.memory_space<vmem>> -> memref<128xi32, #tpu.memory_space<vmem>>
    %dma_start3A_94 = arith.constant 0 : i32
    %dma_start3A_95 = arith.constant 0 : i32
    %dma_start3A_96 = tpu.memref_slice %arg3[%dma_start3A_94, %dma_start3A_95] : memref<1000000x128xf32, #tpu.memory_space<hbm>> -> memref<1000000x128xf32, #tpu.memory_space<hbm>>
    tpu.enqueue_indirect_dma source(%dma_start3A_96 : memref<1000000x128xf32, #tpu.memory_space<hbm>>) target(%arg7 : memref<128x128xf32, #tpu.memory_space<vmem>>) offsets(%dma_start3A_93 : memref<128xi32, #tpu.memory_space<vmem>>) semaphore(%arg13 : memref<!tpu.dma_semaphore, #tpu.memory_space<semaphore_mem>>)
    %dma_wait3A_97 = arith.constant 512 : i32
    %dma_wait3A_98 = tpu.memref_slice %arg5[%dma_wait3A_97] : memref<1280xi32, #tpu.memory_space<vmem>> -> memref<128xi32, #tpu.memory_space<vmem>>
    %dma_wait3A_99 = arith.constant 0 : i32
    %dma_wait3A_100 = arith.constant 0 : i32
    %dma_wait3A_101 = tpu.memref_slice %arg3[%dma_wait3A_99, %dma_wait3A_100] : memref<1000000x128xf32, #tpu.memory_space<hbm>> -> memref<1000000x128xf32, #tpu.memory_space<hbm>>
    tpu.wait_indirect_dma semaphore(%arg16 : memref<!tpu.dma_semaphore, #tpu.memory_space<semaphore_mem>>) src(%dma_wait3A_101 : memref<1000000x128xf32, #tpu.memory_space<hbm>>) dst(%arg10 : memref<128x128xf32, #tpu.memory_space<vmem>>)
    %add3A_102 = arith.constant 512 : i32
    %add3A_103 = arith.addi %mul3A_2, %add3A_102 : i32
    %dma_start3A_104 = arith.constant 0 : i32
    %dma_start3A_105 = tpu.memref_slice %arg4[%add3A_103, %dma_start3A_104] : memref<40960x128xf32, #tpu.memory_space<hbm>> -> memref<128x128xf32, #tpu.memory_space<hbm>>
    %dma_start3A_106 = arith.constant 0 : i32
    %dma_start3A_107 = tpu.memref_slice %arg4[%add3A_103, %dma_start3A_106] : memref<40960x128xf32, #tpu.memory_space<hbm>> -> memref<128x128xf32, #tpu.memory_space<hbm>>
    tpu.enqueue_dma source(%arg10 : memref<128x128xf32, #tpu.memory_space<vmem>>) target(%dma_start3A_107 : memref<128x128xf32, #tpu.memory_space<hbm>>) target_semaphore(%arg22 : memref<!tpu.dma_semaphore, #tpu.memory_space<semaphore_mem>>)
    %add3A_108 = arith.constant 256 : i32
    %add3A_109 = arith.addi %mul3A_2, %add3A_108 : i32
    %dma_wait3A_110 = arith.constant 0 : i32
    %dma_wait3A_111 = tpu.memref_slice %arg4[%add3A_109, %dma_wait3A_110] : memref<40960x128xf32, #tpu.memory_space<hbm>> -> memref<128x128xf32, #tpu.memory_space<hbm>>
    %dma_wait3A_112 = arith.constant 0 : i32
    %dma_wait3A_113 = tpu.memref_slice %arg4[%add3A_109, %dma_wait3A_112] : memref<40960x128xf32, #tpu.memory_space<hbm>> -> memref<128x128xf32, #tpu.memory_space<hbm>>
    tpu.wait_dma2 semaphore(%arg20 : memref<!tpu.dma_semaphore, #tpu.memory_space<semaphore_mem>>) src(%arg8 : memref<128x128xf32, #tpu.memory_space<vmem>>) dst(%dma_wait3A_113 : memref<128x128xf32, #tpu.memory_space<hbm>>)
    %dma_start3A_114 = arith.constant 1024 : i32
    %dma_start3A_115 = tpu.memref_slice %arg5[%dma_start3A_114] : memref<1280xi32, #tpu.memory_space<vmem>> -> memref<128xi32, #tpu.memory_space<vmem>>
    %dma_start3A_116 = arith.constant 0 : i32
    %dma_start3A_117 = arith.constant 0 : i32
    %dma_start3A_118 = tpu.memref_slice %arg3[%dma_start3A_116, %dma_start3A_117] : memref<1000000x128xf32, #tpu.memory_space<hbm>> -> memref<1000000x128xf32, #tpu.memory_space<hbm>>
    tpu.enqueue_indirect_dma source(%dma_start3A_118 : memref<1000000x128xf32, #tpu.memory_space<hbm>>) target(%arg8 : memref<128x128xf32, #tpu.memory_space<vmem>>) offsets(%dma_start3A_115 : memref<128xi32, #tpu.memory_space<vmem>>) semaphore(%arg14 : memref<!tpu.dma_semaphore, #tpu.memory_space<semaphore_mem>>)
    %dma_wait3A_119 = arith.constant 640 : i32
    %dma_wait3A_120 = tpu.memref_slice %arg5[%dma_wait3A_119] : memref<1280xi32, #tpu.memory_space<vmem>> -> memref<128xi32, #tpu.memory_space<vmem>>
    %dma_wait3A_121 = arith.constant 0 : i32
    %dma_wait3A_122 = arith.constant 0 : i32
    %dma_wait3A_123 = tpu.memref_slice %arg3[%dma_wait3A_121, %dma_wait3A_122] : memref<1000000x128xf32, #tpu.memory_space<hbm>> -> memref<1000000x128xf32, #tpu.memory_space<hbm>>
    tpu.wait_indirect_dma semaphore(%arg17 : memref<!tpu.dma_semaphore, #tpu.memory_space<semaphore_mem>>) src(%dma_wait3A_123 : memref<1000000x128xf32, #tpu.memory_space<hbm>>) dst(%arg11 : memref<128x128xf32, #tpu.memory_space<vmem>>)
    %add3A_124 = arith.constant 640 : i32
    %add3A_125 = arith.addi %mul3A_2, %add3A_124 : i32
    %dma_start3A_126 = arith.constant 0 : i32
    %dma_start3A_127 = tpu.memref_slice %arg4[%add3A_125, %dma_start3A_126] : memref<40960x128xf32, #tpu.memory_space<hbm>> -> memref<128x128xf32, #tpu.memory_space<hbm>>
    %dma_start3A_128 = arith.constant 0 : i32
    %dma_start3A_129 = tpu.memref_slice %arg4[%add3A_125, %dma_start3A_128] : memref<40960x128xf32, #tpu.memory_space<hbm>> -> memref<128x128xf32, #tpu.memory_space<hbm>>
    tpu.enqueue_dma source(%arg11 : memref<128x128xf32, #tpu.memory_space<vmem>>) target(%dma_start3A_129 : memref<128x128xf32, #tpu.memory_space<hbm>>) target_semaphore(%arg23 : memref<!tpu.dma_semaphore, #tpu.memory_space<semaphore_mem>>)
    %add3A_130 = arith.constant 384 : i32
    %add3A_131 = arith.addi %mul3A_2, %add3A_130 : i32
    %dma_wait3A_132 = arith.constant 0 : i32
    %dma_wait3A_133 = tpu.memref_slice %arg4[%add3A_131, %dma_wait3A_132] : memref<40960x128xf32, #tpu.memory_space<hbm>> -> memref<128x128xf32, #tpu.memory_space<hbm>>
    %dma_wait3A_134 = arith.constant 0 : i32
    %dma_wait3A_135 = tpu.memref_slice %arg4[%add3A_131, %dma_wait3A_134] : memref<40960x128xf32, #tpu.memory_space<hbm>> -> memref<128x128xf32, #tpu.memory_space<hbm>>
    tpu.wait_dma2 semaphore(%arg21 : memref<!tpu.dma_semaphore, #tpu.memory_space<semaphore_mem>>) src(%arg9 : memref<128x128xf32, #tpu.memory_space<vmem>>) dst(%dma_wait3A_135 : memref<128x128xf32, #tpu.memory_space<hbm>>)
    %dma_start3A_136 = arith.constant 1152 : i32
    %dma_start3A_137 = tpu.memref_slice %arg5[%dma_start3A_136] : memref<1280xi32, #tpu.memory_space<vmem>> -> memref<128xi32, #tpu.memory_space<vmem>>
    %dma_start3A_138 = arith.constant 0 : i32
    %dma_start3A_139 = arith.constant 0 : i32
    %dma_start3A_140 = tpu.memref_slice %arg3[%dma_start3A_138, %dma_start3A_139] : memref<1000000x128xf32, #tpu.memory_space<hbm>> -> memref<1000000x128xf32, #tpu.memory_space<hbm>>
    tpu.enqueue_indirect_dma source(%dma_start3A_140 : memref<1000000x128xf32, #tpu.memory_space<hbm>>) target(%arg9 : memref<128x128xf32, #tpu.memory_space<vmem>>) offsets(%dma_start3A_137 : memref<128xi32, #tpu.memory_space<vmem>>) semaphore(%arg15 : memref<!tpu.dma_semaphore, #tpu.memory_space<semaphore_mem>>)
    %dma_wait3A_141 = arith.constant 768 : i32
    %dma_wait3A_142 = tpu.memref_slice %arg5[%dma_wait3A_141] : memref<1280xi32, #tpu.memory_space<vmem>> -> memref<128xi32, #tpu.memory_space<vmem>>
    %dma_wait3A_143 = arith.constant 0 : i32
    %dma_wait3A_144 = arith.constant 0 : i32
    %dma_wait3A_145 = tpu.memref_slice %arg3[%dma_wait3A_143, %dma_wait3A_144] : memref<1000000x128xf32, #tpu.memory_space<hbm>> -> memref<1000000x128xf32, #tpu.memory_space<hbm>>
    tpu.wait_indirect_dma semaphore(%arg12 : memref<!tpu.dma_semaphore, #tpu.memory_space<semaphore_mem>>) src(%dma_wait3A_145 : memref<1000000x128xf32, #tpu.memory_space<hbm>>) dst(%arg6 : memref<128x128xf32, #tpu.memory_space<vmem>>)
    %add3A_146 = arith.constant 768 : i32
    %add3A_147 = arith.addi %mul3A_2, %add3A_146 : i32
    %dma_start3A_148 = arith.constant 0 : i32
    %dma_start3A_149 = tpu.memref_slice %arg4[%add3A_147, %dma_start3A_148] : memref<40960x128xf32, #tpu.memory_space<hbm>> -> memref<128x128xf32, #tpu.memory_space<hbm>>
    %dma_start3A_150 = arith.constant 0 : i32
    %dma_start3A_151 = tpu.memref_slice %arg4[%add3A_147, %dma_start3A_150] : memref<40960x128xf32, #tpu.memory_space<hbm>> -> memref<128x128xf32, #tpu.memory_space<hbm>>
    tpu.enqueue_dma source(%arg6 : memref<128x128xf32, #tpu.memory_space<vmem>>) target(%dma_start3A_151 : memref<128x128xf32, #tpu.memory_space<hbm>>) target_semaphore(%arg18 : memref<!tpu.dma_semaphore, #tpu.memory_space<semaphore_mem>>)
    %dma_wait3A_152 = arith.constant 896 : i32
    %dma_wait3A_153 = tpu.memref_slice %arg5[%dma_wait3A_152] : memref<1280xi32, #tpu.memory_space<vmem>> -> memref<128xi32, #tpu.memory_space<vmem>>
    %dma_wait3A_154 = arith.constant 0 : i32
    %dma_wait3A_155 = arith.constant 0 : i32
    %dma_wait3A_156 = tpu.memref_slice %arg3[%dma_wait3A_154, %dma_wait3A_155] : memref<1000000x128xf32, #tpu.memory_space<hbm>> -> memref<1000000x128xf32, #tpu.memory_space<hbm>>
    tpu.wait_indirect_dma semaphore(%arg13 : memref<!tpu.dma_semaphore, #tpu.memory_space<semaphore_mem>>) src(%dma_wait3A_156 : memref<1000000x128xf32, #tpu.memory_space<hbm>>) dst(%arg7 : memref<128x128xf32, #tpu.memory_space<vmem>>)
    %add3A_157 = arith.constant 896 : i32
    %add3A_158 = arith.addi %mul3A_2, %add3A_157 : i32
    %dma_start3A_159 = arith.constant 0 : i32
    %dma_start3A_160 = tpu.memref_slice %arg4[%add3A_158, %dma_start3A_159] : memref<40960x128xf32, #tpu.memory_space<hbm>> -> memref<128x128xf32, #tpu.memory_space<hbm>>
    %dma_start3A_161 = arith.constant 0 : i32
    %dma_start3A_162 = tpu.memref_slice %arg4[%add3A_158, %dma_start3A_161] : memref<40960x128xf32, #tpu.memory_space<hbm>> -> memref<128x128xf32, #tpu.memory_space<hbm>>
    tpu.enqueue_dma source(%arg7 : memref<128x128xf32, #tpu.memory_space<vmem>>) target(%dma_start3A_162 : memref<128x128xf32, #tpu.memory_space<hbm>>) target_semaphore(%arg19 : memref<!tpu.dma_semaphore, #tpu.memory_space<semaphore_mem>>)
    %dma_wait3A_163 = arith.constant 1024 : i32
    %dma_wait3A_164 = tpu.memref_slice %arg5[%dma_wait3A_163] : memref<1280xi32, #tpu.memory_space<vmem>> -> memref<128xi32, #tpu.memory_space<vmem>>
    %dma_wait3A_165 = arith.constant 0 : i32
    %dma_wait3A_166 = arith.constant 0 : i32
    %dma_wait3A_167 = tpu.memref_slice %arg3[%dma_wait3A_165, %dma_wait3A_166] : memref<1000000x128xf32, #tpu.memory_space<hbm>> -> memref<1000000x128xf32, #tpu.memory_space<hbm>>
    tpu.wait_indirect_dma semaphore(%arg14 : memref<!tpu.dma_semaphore, #tpu.memory_space<semaphore_mem>>) src(%dma_wait3A_167 : memref<1000000x128xf32, #tpu.memory_space<hbm>>) dst(%arg8 : memref<128x128xf32, #tpu.memory_space<vmem>>)
    %add3A_168 = arith.constant 1024 : i32
    %add3A_169 = arith.addi %mul3A_2, %add3A_168 : i32
    %dma_start3A_170 = arith.constant 0 : i32
    %dma_start3A_171 = tpu.memref_slice %arg4[%add3A_169, %dma_start3A_170] : memref<40960x128xf32, #tpu.memory_space<hbm>> -> memref<128x128xf32, #tpu.memory_space<hbm>>
    %dma_start3A_172 = arith.constant 0 : i32
    %dma_start3A_173 = tpu.memref_slice %arg4[%add3A_169, %dma_start3A_172] : memref<40960x128xf32, #tpu.memory_space<hbm>> -> memref<128x128xf32, #tpu.memory_space<hbm>>
    tpu.enqueue_dma source(%arg8 : memref<128x128xf32, #tpu.memory_space<vmem>>) target(%dma_start3A_173 : memref<128x128xf32, #tpu.memory_space<hbm>>) target_semaphore(%arg20 : memref<!tpu.dma_semaphore, #tpu.memory_space<semaphore_mem>>)
    %dma_wait3A_174 = arith.constant 1152 : i32
    %dma_wait3A_175 = tpu.memref_slice %arg5[%dma_wait3A_174] : memref<1280xi32, #tpu.memory_space<vmem>> -> memref<128xi32, #tpu.memory_space<vmem>>
    %dma_wait3A_176 = arith.constant 0 : i32
    %dma_wait3A_177 = arith.constant 0 : i32
    %dma_wait3A_178 = tpu.memref_slice %arg3[%dma_wait3A_176, %dma_wait3A_177] : memref<1000000x128xf32, #tpu.memory_space<hbm>> -> memref<1000000x128xf32, #tpu.memory_space<hbm>>
    tpu.wait_indirect_dma semaphore(%arg15 : memref<!tpu.dma_semaphore, #tpu.memory_space<semaphore_mem>>) src(%dma_wait3A_178 : memref<1000000x128xf32, #tpu.memory_space<hbm>>) dst(%arg9 : memref<128x128xf32, #tpu.memory_space<vmem>>)
    %add3A_179 = arith.constant 1152 : i32
    %add3A_180 = arith.addi %mul3A_2, %add3A_179 : i32
    %dma_start3A_181 = arith.constant 0 : i32
    %dma_start3A_182 = tpu.memref_slice %arg4[%add3A_180, %dma_start3A_181] : memref<40960x128xf32, #tpu.memory_space<hbm>> -> memref<128x128xf32, #tpu.memory_space<hbm>>
    %dma_start3A_183 = arith.constant 0 : i32
    %dma_start3A_184 = tpu.memref_slice %arg4[%add3A_180, %dma_start3A_183] : memref<40960x128xf32, #tpu.memory_space<hbm>> -> memref<128x128xf32, #tpu.memory_space<hbm>>
    tpu.enqueue_dma source(%arg9 : memref<128x128xf32, #tpu.memory_space<vmem>>) target(%dma_start3A_184 : memref<128x128xf32, #tpu.memory_space<hbm>>) target_semaphore(%arg21 : memref<!tpu.dma_semaphore, #tpu.memory_space<semaphore_mem>>)
    %add3A_185 = arith.constant 512 : i32
    %add3A_186 = arith.addi %mul3A_2, %add3A_185 : i32
    %dma_wait3A_187 = arith.constant 0 : i32
    %dma_wait3A_188 = tpu.memref_slice %arg4[%add3A_186, %dma_wait3A_187] : memref<40960x128xf32, #tpu.memory_space<hbm>> -> memref<128x128xf32, #tpu.memory_space<hbm>>
    %dma_wait3A_189 = arith.constant 0 : i32
    %dma_wait3A_190 = tpu.memref_slice %arg4[%add3A_186, %dma_wait3A_189] : memref<40960x128xf32, #tpu.memory_space<hbm>> -> memref<128x128xf32, #tpu.memory_space<hbm>>
    tpu.wait_dma2 semaphore(%arg22 : memref<!tpu.dma_semaphore, #tpu.memory_space<semaphore_mem>>) src(%arg10 : memref<128x128xf32, #tpu.memory_space<vmem>>) dst(%dma_wait3A_190 : memref<128x128xf32, #tpu.memory_space<hbm>>)
    %add3A_191 = arith.constant 640 : i32
    %add3A_192 = arith.addi %mul3A_2, %add3A_191 : i32
    %dma_wait3A_193 = arith.constant 0 : i32
    %dma_wait3A_194 = tpu.memref_slice %arg4[%add3A_192, %dma_wait3A_193] : memref<40960x128xf32, #tpu.memory_space<hbm>> -> memref<128x128xf32, #tpu.memory_space<hbm>>
    %dma_wait3A_195 = arith.constant 0 : i32
    %dma_wait3A_196 = tpu.memref_slice %arg4[%add3A_192, %dma_wait3A_195] : memref<40960x128xf32, #tpu.memory_space<hbm>> -> memref<128x128xf32, #tpu.memory_space<hbm>>
    tpu.wait_dma2 semaphore(%arg23 : memref<!tpu.dma_semaphore, #tpu.memory_space<semaphore_mem>>) src(%arg11 : memref<128x128xf32, #tpu.memory_space<vmem>>) dst(%dma_wait3A_196 : memref<128x128xf32, #tpu.memory_space<hbm>>)
    %add3A_197 = arith.constant 768 : i32
    %add3A_198 = arith.addi %mul3A_2, %add3A_197 : i32
    %dma_wait3A_199 = arith.constant 0 : i32
    %dma_wait3A_200 = tpu.memref_slice %arg4[%add3A_198, %dma_wait3A_199] : memref<40960x128xf32, #tpu.memory_space<hbm>> -> memref<128x128xf32, #tpu.memory_space<hbm>>
    %dma_wait3A_201 = arith.constant 0 : i32
    %dma_wait3A_202 = tpu.memref_slice %arg4[%add3A_198, %dma_wait3A_201] : memref<40960x128xf32, #tpu.memory_space<hbm>> -> memref<128x128xf32, #tpu.memory_space<hbm>>
    tpu.wait_dma2 semaphore(%arg18 : memref<!tpu.dma_semaphore, #tpu.memory_space<semaphore_mem>>) src(%arg6 : memref<128x128xf32, #tpu.memory_space<vmem>>) dst(%dma_wait3A_202 : memref<128x128xf32, #tpu.memory_space<hbm>>)
    %add3A_203 = arith.constant 896 : i32
    %add3A_204 = arith.addi %mul3A_2, %add3A_203 : i32
    %dma_wait3A_205 = arith.constant 0 : i32
    %dma_wait3A_206 = tpu.memref_slice %arg4[%add3A_204, %dma_wait3A_205] : memref<40960x128xf32, #tpu.memory_space<hbm>> -> memref<128x128xf32, #tpu.memory_space<hbm>>
    %dma_wait3A_207 = arith.constant 0 : i32
    %dma_wait3A_208 = tpu.memref_slice %arg4[%add3A_204, %dma_wait3A_207] : memref<40960x128xf32, #tpu.memory_space<hbm>> -> memref<128x128xf32, #tpu.memory_space<hbm>>
    tpu.wait_dma2 semaphore(%arg19 : memref<!tpu.dma_semaphore, #tpu.memory_space<semaphore_mem>>) src(%arg7 : memref<128x128xf32, #tpu.memory_space<vmem>>) dst(%dma_wait3A_208 : memref<128x128xf32, #tpu.memory_space<hbm>>)
    %add3A_209 = arith.constant 1024 : i32
    %add3A_210 = arith.addi %mul3A_2, %add3A_209 : i32
    %dma_wait3A_211 = arith.constant 0 : i32
    %dma_wait3A_212 = tpu.memref_slice %arg4[%add3A_210, %dma_wait3A_211] : memref<40960x128xf32, #tpu.memory_space<hbm>> -> memref<128x128xf32, #tpu.memory_space<hbm>>
    %dma_wait3A_213 = arith.constant 0 : i32
    %dma_wait3A_214 = tpu.memref_slice %arg4[%add3A_210, %dma_wait3A_213] : memref<40960x128xf32, #tpu.memory_space<hbm>> -> memref<128x128xf32, #tpu.memory_space<hbm>>
    tpu.wait_dma2 semaphore(%arg20 : memref<!tpu.dma_semaphore, #tpu.memory_space<semaphore_mem>>) src(%arg8 : memref<128x128xf32, #tpu.memory_space<vmem>>) dst(%dma_wait3A_214 : memref<128x128xf32, #tpu.memory_space<hbm>>)
    %add3A_215 = arith.constant 1152 : i32
    %add3A_216 = arith.addi %mul3A_2, %add3A_215 : i32
    %dma_wait3A_217 = arith.constant 0 : i32
    %dma_wait3A_218 = tpu.memref_slice %arg4[%add3A_216, %dma_wait3A_217] : memref<40960x128xf32, #tpu.memory_space<hbm>> -> memref<128x128xf32, #tpu.memory_space<hbm>>
    %dma_wait3A_219 = arith.constant 0 : i32
    %dma_wait3A_220 = tpu.memref_slice %arg4[%add3A_216, %dma_wait3A_219] : memref<40960x128xf32, #tpu.memory_space<hbm>> -> memref<128x128xf32, #tpu.memory_space<hbm>>
    tpu.wait_dma2 semaphore(%arg21 : memref<!tpu.dma_semaphore, #tpu.memory_space<semaphore_mem>>) src(%arg9 : memref<128x128xf32, #tpu.memory_space<vmem>>) dst(%dma_wait3A_220 : memref<128x128xf32, #tpu.memory_space<hbm>>)
    return
  }
}

#map = affine_map<(d0, d1) -> (0)>
#map1 = affine_map<(d0, d1) -> (0, 0)>
module attributes {stable_mosaic.version = 14 : i64} {
  func.func @_sc_gather_kernel(%arg0: i32, %arg1: i32, %arg2: memref<40960xi32, #tpu.memory_space<hbm>>, %arg3: memref<1000000x128xf32, #tpu.memory_space<hbm>>, %arg4: memref<40960x128xf32, #tpu.memory_space<hbm>>, %arg5: memref<1280xi32, #tpu.memory_space<vmem>>, %arg6: memref<128x128xf32, #tpu.memory_space<vmem>>, %arg7: memref<128x128xf32, #tpu.memory_space<vmem>>, %arg8: memref<128x128xf32, #tpu.memory_space<vmem>>, %arg9: memref<128x128xf32, #tpu.memory_space<vmem>>, %arg10: memref<128x128xf32, #tpu.memory_space<vmem>>, %arg11: memref<128x128xf32, #tpu.memory_space<vmem>>, %arg12: memref<!tpu.dma_semaphore, #tpu.memory_space<semaphore_mem>>, %arg13: memref<!tpu.dma_semaphore, #tpu.memory_space<semaphore_mem>>, %arg14: memref<!tpu.dma_semaphore, #tpu.memory_space<semaphore_mem>>, %arg15: memref<!tpu.dma_semaphore, #tpu.memory_space<semaphore_mem>>, %arg16: memref<!tpu.dma_semaphore, #tpu.memory_space<semaphore_mem>>, %arg17: memref<!tpu.dma_semaphore, #tpu.memory_space<semaphore_mem>>, %arg18: memref<!tpu.dma_semaphore, #tpu.memory_space<semaphore_mem>>, %arg19: memref<!tpu.dma_semaphore, #tpu.memory_space<semaphore_mem>>, %arg20: memref<!tpu.dma_semaphore, #tpu.memory_space<semaphore_mem>>, %arg21: memref<!tpu.dma_semaphore, #tpu.memory_space<semaphore_mem>>, %arg22: memref<!tpu.dma_semaphore, #tpu.memory_space<semaphore_mem>>, %arg23: memref<!tpu.dma_semaphore, #tpu.memory_space<semaphore_mem>>) attributes {dimension_semantics = [#tpu.dimension_semantics<core_parallel>, #tpu.dimension_semantics<subcore_parallel>], iteration_bounds = array<i64: 2, 16>, scalar_prefetch = 0 : i64, scratch_operands = 19 : i64, tpu.core_type = #tpu.core_type<sc_vector_subcore>, window_params = [{transform_indices = #map}, {transform_indices = #map1}, {transform_indices = #map1}]} {
    %mul3A = arith.constant 2 : i32
    %mul3A_0 = arith.muli %arg1, %mul3A : i32
    %add3A = arith.addi %mul3A_0, %arg0 : i32
    %mul3A_1 = arith.constant 1280 : i32
    %mul3A_2 = arith.muli %add3A, %mul3A_1 : i32
    "tpu.region"() ({
      %run_scoped3A = tpu.sem_alloc : memref<!tpu.dma_semaphore, #tpu.memory_space<semaphore_mem>>
      %dma_start3A_221 = tpu.memref_slice %arg2[%mul3A_2] : memref<40960xi32, #tpu.memory_space<hbm>> -> memref<1280xi32, #tpu.memory_space<hbm>>
      %dma_start3A_222 = tpu.memref_slice %arg2[%mul3A_2] : memref<40960xi32, #tpu.memory_space<hbm>> -> memref<1280xi32, #tpu.memory_space<hbm>>
      tpu.enqueue_dma source(%dma_start3A_222 : memref<1280xi32, #tpu.memory_space<hbm>>) target(%arg5 : memref<1280xi32, #tpu.memory_space<vmem>>) target_semaphore(%run_scoped3A : memref<!tpu.dma_semaphore, #tpu.memory_space<semaphore_mem>>)
      %dma_wait3A_223 = tpu.memref_slice %arg2[%mul3A_2] : memref<40960xi32, #tpu.memory_space<hbm>> -> memref<1280xi32, #tpu.memory_space<hbm>>
      %dma_wait3A_224 = tpu.memref_slice %arg2[%mul3A_2] : memref<40960xi32, #tpu.memory_space<hbm>> -> memref<1280xi32, #tpu.memory_space<hbm>>
      tpu.wait_dma2 semaphore(%run_scoped3A : memref<!tpu.dma_semaphore, #tpu.memory_space<semaphore_mem>>) src(%dma_wait3A_224 : memref<1280xi32, #tpu.memory_space<hbm>>) dst(%arg5 : memref<1280xi32, #tpu.memory_space<vmem>>)
      tpu.yield
    }) : () -> ()
    %dma_start3A = arith.constant 0 : i32
    %dma_start3A_3 = tpu.memref_slice %arg5[%dma_start3A] : memref<1280xi32, #tpu.memory_space<vmem>> -> memref<128xi32, #tpu.memory_space<vmem>>
    %dma_start3A_4 = arith.constant 0 : i32
    %dma_start3A_5 = arith.constant 0 : i32
    %dma_start3A_6 = tpu.memref_slice %arg3[%dma_start3A_4, %dma_start3A_5] : memref<1000000x128xf32, #tpu.memory_space<hbm>> -> memref<1000000x128xf32, #tpu.memory_space<hbm>>
    tpu.enqueue_indirect_dma source(%dma_start3A_6 : memref<1000000x128xf32, #tpu.memory_space<hbm>>) target(%arg6 : memref<128x128xf32, #tpu.memory_space<vmem>>) offsets(%dma_start3A_3 : memref<128xi32, #tpu.memory_space<vmem>>) semaphore(%arg12 : memref<!tpu.dma_semaphore, #tpu.memory_space<semaphore_mem>>)
    %dma_start3A_7 = arith.constant 128 : i32
    %dma_start3A_8 = tpu.memref_slice %arg5[%dma_start3A_7] : memref<1280xi32, #tpu.memory_space<vmem>> -> memref<128xi32, #tpu.memory_space<vmem>>
    %dma_start3A_9 = arith.constant 0 : i32
    %dma_start3A_10 = arith.constant 0 : i32
    %dma_start3A_11 = tpu.memref_slice %arg3[%dma_start3A_9, %dma_start3A_10] : memref<1000000x128xf32, #tpu.memory_space<hbm>> -> memref<1000000x128xf32, #tpu.memory_space<hbm>>
    tpu.enqueue_indirect_dma source(%dma_start3A_11 : memref<1000000x128xf32, #tpu.memory_space<hbm>>) target(%arg7 : memref<128x128xf32, #tpu.memory_space<vmem>>) offsets(%dma_start3A_8 : memref<128xi32, #tpu.memory_space<vmem>>) semaphore(%arg13 : memref<!tpu.dma_semaphore, #tpu.memory_space<semaphore_mem>>)
    %dma_start3A_12 = arith.constant 256 : i32
    %dma_start3A_13 = tpu.memref_slice %arg5[%dma_start3A_12] : memref<1280xi32, #tpu.memory_space<vmem>> -> memref<128xi32, #tpu.memory_space<vmem>>
    %dma_start3A_14 = arith.constant 0 : i32
    %dma_start3A_15 = arith.constant 0 : i32
    %dma_start3A_16 = tpu.memref_slice %arg3[%dma_start3A_14, %dma_start3A_15] : memref<1000000x128xf32, #tpu.memory_space<hbm>> -> memref<1000000x128xf32, #tpu.memory_space<hbm>>
    tpu.enqueue_indirect_dma source(%dma_start3A_16 : memref<1000000x128xf32, #tpu.memory_space<hbm>>) target(%arg8 : memref<128x128xf32, #tpu.memory_space<vmem>>) offsets(%dma_start3A_13 : memref<128xi32, #tpu.memory_space<vmem>>) semaphore(%arg14 : memref<!tpu.dma_semaphore, #tpu.memory_space<semaphore_mem>>)
    %dma_start3A_17 = arith.constant 384 : i32
    %dma_start3A_18 = tpu.memref_slice %arg5[%dma_start3A_17] : memref<1280xi32, #tpu.memory_space<vmem>> -> memref<128xi32, #tpu.memory_space<vmem>>
    %dma_start3A_19 = arith.constant 0 : i32
    %dma_start3A_20 = arith.constant 0 : i32
    %dma_start3A_21 = tpu.memref_slice %arg3[%dma_start3A_19, %dma_start3A_20] : memref<1000000x128xf32, #tpu.memory_space<hbm>> -> memref<1000000x128xf32, #tpu.memory_space<hbm>>
    tpu.enqueue_indirect_dma source(%dma_start3A_21 : memref<1000000x128xf32, #tpu.memory_space<hbm>>) target(%arg9 : memref<128x128xf32, #tpu.memory_space<vmem>>) offsets(%dma_start3A_18 : memref<128xi32, #tpu.memory_space<vmem>>) semaphore(%arg15 : memref<!tpu.dma_semaphore, #tpu.memory_space<semaphore_mem>>)
    %dma_wait3A = arith.constant 0 : i32
    %dma_wait3A_22 = tpu.memref_slice %arg5[%dma_wait3A] : memref<1280xi32, #tpu.memory_space<vmem>> -> memref<128xi32, #tpu.memory_space<vmem>>
    %dma_wait3A_23 = arith.constant 0 : i32
    %dma_wait3A_24 = arith.constant 0 : i32
    %dma_wait3A_25 = tpu.memref_slice %arg3[%dma_wait3A_23, %dma_wait3A_24] : memref<1000000x128xf32, #tpu.memory_space<hbm>> -> memref<1000000x128xf32, #tpu.memory_space<hbm>>
    tpu.wait_indirect_dma semaphore(%arg12 : memref<!tpu.dma_semaphore, #tpu.memory_space<semaphore_mem>>) src(%dma_wait3A_25 : memref<1000000x128xf32, #tpu.memory_space<hbm>>) dst(%arg6 : memref<128x128xf32, #tpu.memory_space<vmem>>)
    %add3A_26 = arith.constant 0 : i32
    %add3A_27 = arith.addi %mul3A_2, %add3A_26 : i32
    %dma_start3A_28 = arith.constant 0 : i32
    %dma_start3A_29 = tpu.memref_slice %arg4[%add3A_27, %dma_start3A_28] : memref<40960x128xf32, #tpu.memory_space<hbm>> -> memref<128x128xf32, #tpu.memory_space<hbm>>
    %dma_start3A_30 = arith.constant 0 : i32
    %dma_start3A_31 = tpu.memref_slice %arg4[%add3A_27, %dma_start3A_30] : memref<40960x128xf32, #tpu.memory_space<hbm>> -> memref<128x128xf32, #tpu.memory_space<hbm>>
    tpu.enqueue_dma source(%arg6 : memref<128x128xf32, #tpu.memory_space<vmem>>) target(%dma_start3A_31 : memref<128x128xf32, #tpu.memory_space<hbm>>) target_semaphore(%arg18 : memref<!tpu.dma_semaphore, #tpu.memory_space<semaphore_mem>>)
    %dma_start3A_32 = arith.constant 512 : i32
    %dma_start3A_33 = tpu.memref_slice %arg5[%dma_start3A_32] : memref<1280xi32, #tpu.memory_space<vmem>> -> memref<128xi32, #tpu.memory_space<vmem>>
    %dma_start3A_34 = arith.constant 0 : i32
    %dma_start3A_35 = arith.constant 0 : i32
    %dma_start3A_36 = tpu.memref_slice %arg3[%dma_start3A_34, %dma_start3A_35] : memref<1000000x128xf32, #tpu.memory_space<hbm>> -> memref<1000000x128xf32, #tpu.memory_space<hbm>>
    tpu.enqueue_indirect_dma source(%dma_start3A_36 : memref<1000000x128xf32, #tpu.memory_space<hbm>>) target(%arg10 : memref<128x128xf32, #tpu.memory_space<vmem>>) offsets(%dma_start3A_33 : memref<128xi32, #tpu.memory_space<vmem>>) semaphore(%arg16 : memref<!tpu.dma_semaphore, #tpu.memory_space<semaphore_mem>>)
    %dma_wait3A_37 = arith.constant 128 : i32
    %dma_wait3A_38 = tpu.memref_slice %arg5[%dma_wait3A_37] : memref<1280xi32, #tpu.memory_space<vmem>> -> memref<128xi32, #tpu.memory_space<vmem>>
    %dma_wait3A_39 = arith.constant 0 : i32
    %dma_wait3A_40 = arith.constant 0 : i32
    %dma_wait3A_41 = tpu.memref_slice %arg3[%dma_wait3A_39, %dma_wait3A_40] : memref<1000000x128xf32, #tpu.memory_space<hbm>> -> memref<1000000x128xf32, #tpu.memory_space<hbm>>
    tpu.wait_indirect_dma semaphore(%arg13 : memref<!tpu.dma_semaphore, #tpu.memory_space<semaphore_mem>>) src(%dma_wait3A_41 : memref<1000000x128xf32, #tpu.memory_space<hbm>>) dst(%arg7 : memref<128x128xf32, #tpu.memory_space<vmem>>)
    %add3A_42 = arith.constant 128 : i32
    %add3A_43 = arith.addi %mul3A_2, %add3A_42 : i32
    %dma_start3A_44 = arith.constant 0 : i32
    %dma_start3A_45 = tpu.memref_slice %arg4[%add3A_43, %dma_start3A_44] : memref<40960x128xf32, #tpu.memory_space<hbm>> -> memref<128x128xf32, #tpu.memory_space<hbm>>
    %dma_start3A_46 = arith.constant 0 : i32
    %dma_start3A_47 = tpu.memref_slice %arg4[%add3A_43, %dma_start3A_46] : memref<40960x128xf32, #tpu.memory_space<hbm>> -> memref<128x128xf32, #tpu.memory_space<hbm>>
    tpu.enqueue_dma source(%arg7 : memref<128x128xf32, #tpu.memory_space<vmem>>) target(%dma_start3A_47 : memref<128x128xf32, #tpu.memory_space<hbm>>) target_semaphore(%arg19 : memref<!tpu.dma_semaphore, #tpu.memory_space<semaphore_mem>>)
    %dma_start3A_48 = arith.constant 640 : i32
    %dma_start3A_49 = tpu.memref_slice %arg5[%dma_start3A_48] : memref<1280xi32, #tpu.memory_space<vmem>> -> memref<128xi32, #tpu.memory_space<vmem>>
    %dma_start3A_50 = arith.constant 0 : i32
    %dma_start3A_51 = arith.constant 0 : i32
    %dma_start3A_52 = tpu.memref_slice %arg3[%dma_start3A_50, %dma_start3A_51] : memref<1000000x128xf32, #tpu.memory_space<hbm>> -> memref<1000000x128xf32, #tpu.memory_space<hbm>>
    tpu.enqueue_indirect_dma source(%dma_start3A_52 : memref<1000000x128xf32, #tpu.memory_space<hbm>>) target(%arg11 : memref<128x128xf32, #tpu.memory_space<vmem>>) offsets(%dma_start3A_49 : memref<128xi32, #tpu.memory_space<vmem>>) semaphore(%arg17 : memref<!tpu.dma_semaphore, #tpu.memory_space<semaphore_mem>>)
    %dma_wait3A_53 = arith.constant 256 : i32
    %dma_wait3A_54 = tpu.memref_slice %arg5[%dma_wait3A_53] : memref<1280xi32, #tpu.memory_space<vmem>> -> memref<128xi32, #tpu.memory_space<vmem>>
    %dma_wait3A_55 = arith.constant 0 : i32
    %dma_wait3A_56 = arith.constant 0 : i32
    %dma_wait3A_57 = tpu.memref_slice %arg3[%dma_wait3A_55, %dma_wait3A_56] : memref<1000000x128xf32, #tpu.memory_space<hbm>> -> memref<1000000x128xf32, #tpu.memory_space<hbm>>
    tpu.wait_indirect_dma semaphore(%arg14 : memref<!tpu.dma_semaphore, #tpu.memory_space<semaphore_mem>>) src(%dma_wait3A_57 : memref<1000000x128xf32, #tpu.memory_space<hbm>>) dst(%arg8 : memref<128x128xf32, #tpu.memory_space<vmem>>)
    %add3A_58 = arith.constant 256 : i32
    %add3A_59 = arith.addi %mul3A_2, %add3A_58 : i32
    %dma_start3A_60 = arith.constant 0 : i32
    %dma_start3A_61 = tpu.memref_slice %arg4[%add3A_59, %dma_start3A_60] : memref<40960x128xf32, #tpu.memory_space<hbm>> -> memref<128x128xf32, #tpu.memory_space<hbm>>
    %dma_start3A_62 = arith.constant 0 : i32
    %dma_start3A_63 = tpu.memref_slice %arg4[%add3A_59, %dma_start3A_62] : memref<40960x128xf32, #tpu.memory_space<hbm>> -> memref<128x128xf32, #tpu.memory_space<hbm>>
    tpu.enqueue_dma source(%arg8 : memref<128x128xf32, #tpu.memory_space<vmem>>) target(%dma_start3A_63 : memref<128x128xf32, #tpu.memory_space<hbm>>) target_semaphore(%arg20 : memref<!tpu.dma_semaphore, #tpu.memory_space<semaphore_mem>>)
    %add3A_64 = arith.constant 0 : i32
    %add3A_65 = arith.addi %mul3A_2, %add3A_64 : i32
    %dma_wait3A_66 = arith.constant 0 : i32
    %dma_wait3A_67 = tpu.memref_slice %arg4[%add3A_65, %dma_wait3A_66] : memref<40960x128xf32, #tpu.memory_space<hbm>> -> memref<128x128xf32, #tpu.memory_space<hbm>>
    %dma_wait3A_68 = arith.constant 0 : i32
    %dma_wait3A_69 = tpu.memref_slice %arg4[%add3A_65, %dma_wait3A_68] : memref<40960x128xf32, #tpu.memory_space<hbm>> -> memref<128x128xf32, #tpu.memory_space<hbm>>
    tpu.wait_dma2 semaphore(%arg18 : memref<!tpu.dma_semaphore, #tpu.memory_space<semaphore_mem>>) src(%arg6 : memref<128x128xf32, #tpu.memory_space<vmem>>) dst(%dma_wait3A_69 : memref<128x128xf32, #tpu.memory_space<hbm>>)
    %dma_start3A_70 = arith.constant 768 : i32
    %dma_start3A_71 = tpu.memref_slice %arg5[%dma_start3A_70] : memref<1280xi32, #tpu.memory_space<vmem>> -> memref<128xi32, #tpu.memory_space<vmem>>
    %dma_start3A_72 = arith.constant 0 : i32
    %dma_start3A_73 = arith.constant 0 : i32
    %dma_start3A_74 = tpu.memref_slice %arg3[%dma_start3A_72, %dma_start3A_73] : memref<1000000x128xf32, #tpu.memory_space<hbm>> -> memref<1000000x128xf32, #tpu.memory_space<hbm>>
    tpu.enqueue_indirect_dma source(%dma_start3A_74 : memref<1000000x128xf32, #tpu.memory_space<hbm>>) target(%arg6 : memref<128x128xf32, #tpu.memory_space<vmem>>) offsets(%dma_start3A_71 : memref<128xi32, #tpu.memory_space<vmem>>) semaphore(%arg12 : memref<!tpu.dma_semaphore, #tpu.memory_space<semaphore_mem>>)
    %dma_wait3A_75 = arith.constant 384 : i32
    %dma_wait3A_76 = tpu.memref_slice %arg5[%dma_wait3A_75] : memref<1280xi32, #tpu.memory_space<vmem>> -> memref<128xi32, #tpu.memory_space<vmem>>
    %dma_wait3A_77 = arith.constant 0 : i32
    %dma_wait3A_78 = arith.constant 0 : i32
    %dma_wait3A_79 = tpu.memref_slice %arg3[%dma_wait3A_77, %dma_wait3A_78] : memref<1000000x128xf32, #tpu.memory_space<hbm>> -> memref<1000000x128xf32, #tpu.memory_space<hbm>>
    tpu.wait_indirect_dma semaphore(%arg15 : memref<!tpu.dma_semaphore, #tpu.memory_space<semaphore_mem>>) src(%dma_wait3A_79 : memref<1000000x128xf32, #tpu.memory_space<hbm>>) dst(%arg9 : memref<128x128xf32, #tpu.memory_space<vmem>>)
    %add3A_80 = arith.constant 384 : i32
    %add3A_81 = arith.addi %mul3A_2, %add3A_80 : i32
    %dma_start3A_82 = arith.constant 0 : i32
    %dma_start3A_83 = tpu.memref_slice %arg4[%add3A_81, %dma_start3A_82] : memref<40960x128xf32, #tpu.memory_space<hbm>> -> memref<128x128xf32, #tpu.memory_space<hbm>>
    %dma_start3A_84 = arith.constant 0 : i32
    %dma_start3A_85 = tpu.memref_slice %arg4[%add3A_81, %dma_start3A_84] : memref<40960x128xf32, #tpu.memory_space<hbm>> -> memref<128x128xf32, #tpu.memory_space<hbm>>
    tpu.enqueue_dma source(%arg9 : memref<128x128xf32, #tpu.memory_space<vmem>>) target(%dma_start3A_85 : memref<128x128xf32, #tpu.memory_space<hbm>>) target_semaphore(%arg21 : memref<!tpu.dma_semaphore, #tpu.memory_space<semaphore_mem>>)
    %add3A_86 = arith.constant 128 : i32
    %add3A_87 = arith.addi %mul3A_2, %add3A_86 : i32
    %dma_wait3A_88 = arith.constant 0 : i32
    %dma_wait3A_89 = tpu.memref_slice %arg4[%add3A_87, %dma_wait3A_88] : memref<40960x128xf32, #tpu.memory_space<hbm>> -> memref<128x128xf32, #tpu.memory_space<hbm>>
    %dma_wait3A_90 = arith.constant 0 : i32
    %dma_wait3A_91 = tpu.memref_slice %arg4[%add3A_87, %dma_wait3A_90] : memref<40960x128xf32, #tpu.memory_space<hbm>> -> memref<128x128xf32, #tpu.memory_space<hbm>>
    tpu.wait_dma2 semaphore(%arg19 : memref<!tpu.dma_semaphore, #tpu.memory_space<semaphore_mem>>) src(%arg7 : memref<128x128xf32, #tpu.memory_space<vmem>>) dst(%dma_wait3A_91 : memref<128x128xf32, #tpu.memory_space<hbm>>)
    %dma_start3A_92 = arith.constant 896 : i32
    %dma_start3A_93 = tpu.memref_slice %arg5[%dma_start3A_92] : memref<1280xi32, #tpu.memory_space<vmem>> -> memref<128xi32, #tpu.memory_space<vmem>>
    %dma_start3A_94 = arith.constant 0 : i32
    %dma_start3A_95 = arith.constant 0 : i32
    %dma_start3A_96 = tpu.memref_slice %arg3[%dma_start3A_94, %dma_start3A_95] : memref<1000000x128xf32, #tpu.memory_space<hbm>> -> memref<1000000x128xf32, #tpu.memory_space<hbm>>
    tpu.enqueue_indirect_dma source(%dma_start3A_96 : memref<1000000x128xf32, #tpu.memory_space<hbm>>) target(%arg7 : memref<128x128xf32, #tpu.memory_space<vmem>>) offsets(%dma_start3A_93 : memref<128xi32, #tpu.memory_space<vmem>>) semaphore(%arg13 : memref<!tpu.dma_semaphore, #tpu.memory_space<semaphore_mem>>)
    %dma_wait3A_97 = arith.constant 512 : i32
    %dma_wait3A_98 = tpu.memref_slice %arg5[%dma_wait3A_97] : memref<1280xi32, #tpu.memory_space<vmem>> -> memref<128xi32, #tpu.memory_space<vmem>>
    %dma_wait3A_99 = arith.constant 0 : i32
    %dma_wait3A_100 = arith.constant 0 : i32
    %dma_wait3A_101 = tpu.memref_slice %arg3[%dma_wait3A_99, %dma_wait3A_100] : memref<1000000x128xf32, #tpu.memory_space<hbm>> -> memref<1000000x128xf32, #tpu.memory_space<hbm>>
    tpu.wait_indirect_dma semaphore(%arg16 : memref<!tpu.dma_semaphore, #tpu.memory_space<semaphore_mem>>) src(%dma_wait3A_101 : memref<1000000x128xf32, #tpu.memory_space<hbm>>) dst(%arg10 : memref<128x128xf32, #tpu.memory_space<vmem>>)
    %add3A_102 = arith.constant 512 : i32
    %add3A_103 = arith.addi %mul3A_2, %add3A_102 : i32
    %dma_start3A_104 = arith.constant 0 : i32
    %dma_start3A_105 = tpu.memref_slice %arg4[%add3A_103, %dma_start3A_104] : memref<40960x128xf32, #tpu.memory_space<hbm>> -> memref<128x128xf32, #tpu.memory_space<hbm>>
    %dma_start3A_106 = arith.constant 0 : i32
    %dma_start3A_107 = tpu.memref_slice %arg4[%add3A_103, %dma_start3A_106] : memref<40960x128xf32, #tpu.memory_space<hbm>> -> memref<128x128xf32, #tpu.memory_space<hbm>>
    tpu.enqueue_dma source(%arg10 : memref<128x128xf32, #tpu.memory_space<vmem>>) target(%dma_start3A_107 : memref<128x128xf32, #tpu.memory_space<hbm>>) target_semaphore(%arg22 : memref<!tpu.dma_semaphore, #tpu.memory_space<semaphore_mem>>)
    %add3A_108 = arith.constant 256 : i32
    %add3A_109 = arith.addi %mul3A_2, %add3A_108 : i32
    %dma_wait3A_110 = arith.constant 0 : i32
    %dma_wait3A_111 = tpu.memref_slice %arg4[%add3A_109, %dma_wait3A_110] : memref<40960x128xf32, #tpu.memory_space<hbm>> -> memref<128x128xf32, #tpu.memory_space<hbm>>
    %dma_wait3A_112 = arith.constant 0 : i32
    %dma_wait3A_113 = tpu.memref_slice %arg4[%add3A_109, %dma_wait3A_112] : memref<40960x128xf32, #tpu.memory_space<hbm>> -> memref<128x128xf32, #tpu.memory_space<hbm>>
    tpu.wait_dma2 semaphore(%arg20 : memref<!tpu.dma_semaphore, #tpu.memory_space<semaphore_mem>>) src(%arg8 : memref<128x128xf32, #tpu.memory_space<vmem>>) dst(%dma_wait3A_113 : memref<128x128xf32, #tpu.memory_space<hbm>>)
    %dma_start3A_114 = arith.constant 1024 : i32
    %dma_start3A_115 = tpu.memref_slice %arg5[%dma_start3A_114] : memref<1280xi32, #tpu.memory_space<vmem>> -> memref<128xi32, #tpu.memory_space<vmem>>
    %dma_start3A_116 = arith.constant 0 : i32
    %dma_start3A_117 = arith.constant 0 : i32
    %dma_start3A_118 = tpu.memref_slice %arg3[%dma_start3A_116, %dma_start3A_117] : memref<1000000x128xf32, #tpu.memory_space<hbm>> -> memref<1000000x128xf32, #tpu.memory_space<hbm>>
    tpu.enqueue_indirect_dma source(%dma_start3A_118 : memref<1000000x128xf32, #tpu.memory_space<hbm>>) target(%arg8 : memref<128x128xf32, #tpu.memory_space<vmem>>) offsets(%dma_start3A_115 : memref<128xi32, #tpu.memory_space<vmem>>) semaphore(%arg14 : memref<!tpu.dma_semaphore, #tpu.memory_space<semaphore_mem>>)
    %dma_wait3A_119 = arith.constant 640 : i32
    %dma_wait3A_120 = tpu.memref_slice %arg5[%dma_wait3A_119] : memref<1280xi32, #tpu.memory_space<vmem>> -> memref<128xi32, #tpu.memory_space<vmem>>
    %dma_wait3A_121 = arith.constant 0 : i32
    %dma_wait3A_122 = arith.constant 0 : i32
    %dma_wait3A_123 = tpu.memref_slice %arg3[%dma_wait3A_121, %dma_wait3A_122] : memref<1000000x128xf32, #tpu.memory_space<hbm>> -> memref<1000000x128xf32, #tpu.memory_space<hbm>>
    tpu.wait_indirect_dma semaphore(%arg17 : memref<!tpu.dma_semaphore, #tpu.memory_space<semaphore_mem>>) src(%dma_wait3A_123 : memref<1000000x128xf32, #tpu.memory_space<hbm>>) dst(%arg11 : memref<128x128xf32, #tpu.memory_space<vmem>>)
    %add3A_124 = arith.constant 640 : i32
    %add3A_125 = arith.addi %mul3A_2, %add3A_124 : i32
    %dma_start3A_126 = arith.constant 0 : i32
    %dma_start3A_127 = tpu.memref_slice %arg4[%add3A_125, %dma_start3A_126] : memref<40960x128xf32, #tpu.memory_space<hbm>> -> memref<128x128xf32, #tpu.memory_space<hbm>>
    %dma_start3A_128 = arith.constant 0 : i32
    %dma_start3A_129 = tpu.memref_slice %arg4[%add3A_125, %dma_start3A_128] : memref<40960x128xf32, #tpu.memory_space<hbm>> -> memref<128x128xf32, #tpu.memory_space<hbm>>
    tpu.enqueue_dma source(%arg11 : memref<128x128xf32, #tpu.memory_space<vmem>>) target(%dma_start3A_129 : memref<128x128xf32, #tpu.memory_space<hbm>>) target_semaphore(%arg23 : memref<!tpu.dma_semaphore, #tpu.memory_space<semaphore_mem>>)
    %add3A_130 = arith.constant 384 : i32
    %add3A_131 = arith.addi %mul3A_2, %add3A_130 : i32
    %dma_wait3A_132 = arith.constant 0 : i32
    %dma_wait3A_133 = tpu.memref_slice %arg4[%add3A_131, %dma_wait3A_132] : memref<40960x128xf32, #tpu.memory_space<hbm>> -> memref<128x128xf32, #tpu.memory_space<hbm>>
    %dma_wait3A_134 = arith.constant 0 : i32
    %dma_wait3A_135 = tpu.memref_slice %arg4[%add3A_131, %dma_wait3A_134] : memref<40960x128xf32, #tpu.memory_space<hbm>> -> memref<128x128xf32, #tpu.memory_space<hbm>>
    tpu.wait_dma2 semaphore(%arg21 : memref<!tpu.dma_semaphore, #tpu.memory_space<semaphore_mem>>) src(%arg9 : memref<128x128xf32, #tpu.memory_space<vmem>>) dst(%dma_wait3A_135 : memref<128x128xf32, #tpu.memory_space<hbm>>)
    %dma_start3A_136 = arith.constant 1152 : i32
    %dma_start3A_137 = tpu.memref_slice %arg5[%dma_start3A_136] : memref<1280xi32, #tpu.memory_space<vmem>> -> memref<128xi32, #tpu.memory_space<vmem>>
    %dma_start3A_138 = arith.constant 0 : i32
    %dma_start3A_139 = arith.constant 0 : i32
    %dma_start3A_140 = tpu.memref_slice %arg3[%dma_start3A_138, %dma_start3A_139] : memref<1000000x128xf32, #tpu.memory_space<hbm>> -> memref<1000000x128xf32, #tpu.memory_space<hbm>>
    tpu.enqueue_indirect_dma source(%dma_start3A_140 : memref<1000000x128xf32, #tpu.memory_space<hbm>>) target(%arg9 : memref<128x128xf32, #tpu.memory_space<vmem>>) offsets(%dma_start3A_137 : memref<128xi32, #tpu.memory_space<vmem>>) semaphore(%arg15 : memref<!tpu.dma_semaphore, #tpu.memory_space<semaphore_mem>>)
    %dma_wait3A_141 = arith.constant 768 : i32
    %dma_wait3A_142 = tpu.memref_slice %arg5[%dma_wait3A_141] : memref<1280xi32, #tpu.memory_space<vmem>> -> memref<128xi32, #tpu.memory_space<vmem>>
    %dma_wait3A_143 = arith.constant 0 : i32
    %dma_wait3A_144 = arith.constant 0 : i32
    %dma_wait3A_145 = tpu.memref_slice %arg3[%dma_wait3A_143, %dma_wait3A_144] : memref<1000000x128xf32, #tpu.memory_space<hbm>> -> memref<1000000x128xf32, #tpu.memory_space<hbm>>
    tpu.wait_indirect_dma semaphore(%arg12 : memref<!tpu.dma_semaphore, #tpu.memory_space<semaphore_mem>>) src(%dma_wait3A_145 : memref<1000000x128xf32, #tpu.memory_space<hbm>>) dst(%arg6 : memref<128x128xf32, #tpu.memory_space<vmem>>)
    %add3A_146 = arith.constant 768 : i32
    %add3A_147 = arith.addi %mul3A_2, %add3A_146 : i32
    %dma_start3A_148 = arith.constant 0 : i32
    %dma_start3A_149 = tpu.memref_slice %arg4[%add3A_147, %dma_start3A_148] : memref<40960x128xf32, #tpu.memory_space<hbm>> -> memref<128x128xf32, #tpu.memory_space<hbm>>
    %dma_start3A_150 = arith.constant 0 : i32
    %dma_start3A_151 = tpu.memref_slice %arg4[%add3A_147, %dma_start3A_150] : memref<40960x128xf32, #tpu.memory_space<hbm>> -> memref<128x128xf32, #tpu.memory_space<hbm>>
    tpu.enqueue_dma source(%arg6 : memref<128x128xf32, #tpu.memory_space<vmem>>) target(%dma_start3A_151 : memref<128x128xf32, #tpu.memory_space<hbm>>) target_semaphore(%arg18 : memref<!tpu.dma_semaphore, #tpu.memory_space<semaphore_mem>>)
    %dma_wait3A_152 = arith.constant 896 : i32
    %dma_wait3A_153 = tpu.memref_slice %arg5[%dma_wait3A_152] : memref<1280xi32, #tpu.memory_space<vmem>> -> memref<128xi32, #tpu.memory_space<vmem>>
    %dma_wait3A_154 = arith.constant 0 : i32
    %dma_wait3A_155 = arith.constant 0 : i32
    %dma_wait3A_156 = tpu.memref_slice %arg3[%dma_wait3A_154, %dma_wait3A_155] : memref<1000000x128xf32, #tpu.memory_space<hbm>> -> memref<1000000x128xf32, #tpu.memory_space<hbm>>
    tpu.wait_indirect_dma semaphore(%arg13 : memref<!tpu.dma_semaphore, #tpu.memory_space<semaphore_mem>>) src(%dma_wait3A_156 : memref<1000000x128xf32, #tpu.memory_space<hbm>>) dst(%arg7 : memref<128x128xf32, #tpu.memory_space<vmem>>)
    %add3A_157 = arith.constant 896 : i32
    %add3A_158 = arith.addi %mul3A_2, %add3A_157 : i32
    %dma_start3A_159 = arith.constant 0 : i32
    %dma_start3A_160 = tpu.memref_slice %arg4[%add3A_158, %dma_start3A_159] : memref<40960x128xf32, #tpu.memory_space<hbm>> -> memref<128x128xf32, #tpu.memory_space<hbm>>
    %dma_start3A_161 = arith.constant 0 : i32
    %dma_start3A_162 = tpu.memref_slice %arg4[%add3A_158, %dma_start3A_161] : memref<40960x128xf32, #tpu.memory_space<hbm>> -> memref<128x128xf32, #tpu.memory_space<hbm>>
    tpu.enqueue_dma source(%arg7 : memref<128x128xf32, #tpu.memory_space<vmem>>) target(%dma_start3A_162 : memref<128x128xf32, #tpu.memory_space<hbm>>) target_semaphore(%arg19 : memref<!tpu.dma_semaphore, #tpu.memory_space<semaphore_mem>>)
    %dma_wait3A_163 = arith.constant 1024 : i32
    %dma_wait3A_164 = tpu.memref_slice %arg5[%dma_wait3A_163] : memref<1280xi32, #tpu.memory_space<vmem>> -> memref<128xi32, #tpu.memory_space<vmem>>
    %dma_wait3A_165 = arith.constant 0 : i32
    %dma_wait3A_166 = arith.constant 0 : i32
    %dma_wait3A_167 = tpu.memref_slice %arg3[%dma_wait3A_165, %dma_wait3A_166] : memref<1000000x128xf32, #tpu.memory_space<hbm>> -> memref<1000000x128xf32, #tpu.memory_space<hbm>>
    tpu.wait_indirect_dma semaphore(%arg14 : memref<!tpu.dma_semaphore, #tpu.memory_space<semaphore_mem>>) src(%dma_wait3A_167 : memref<1000000x128xf32, #tpu.memory_space<hbm>>) dst(%arg8 : memref<128x128xf32, #tpu.memory_space<vmem>>)
    %add3A_168 = arith.constant 1024 : i32
    %add3A_169 = arith.addi %mul3A_2, %add3A_168 : i32
    %dma_start3A_170 = arith.constant 0 : i32
    %dma_start3A_171 = tpu.memref_slice %arg4[%add3A_169, %dma_start3A_170] : memref<40960x128xf32, #tpu.memory_space<hbm>> -> memref<128x128xf32, #tpu.memory_space<hbm>>
    %dma_start3A_172 = arith.constant 0 : i32
    %dma_start3A_173 = tpu.memref_slice %arg4[%add3A_169, %dma_start3A_172] : memref<40960x128xf32, #tpu.memory_space<hbm>> -> memref<128x128xf32, #tpu.memory_space<hbm>>
    tpu.enqueue_dma source(%arg8 : memref<128x128xf32, #tpu.memory_space<vmem>>) target(%dma_start3A_173 : memref<128x128xf32, #tpu.memory_space<hbm>>) target_semaphore(%arg20 : memref<!tpu.dma_semaphore, #tpu.memory_space<semaphore_mem>>)
    %dma_wait3A_174 = arith.constant 1152 : i32
    %dma_wait3A_175 = tpu.memref_slice %arg5[%dma_wait3A_174] : memref<1280xi32, #tpu.memory_space<vmem>> -> memref<128xi32, #tpu.memory_space<vmem>>
    %dma_wait3A_176 = arith.constant 0 : i32
    %dma_wait3A_177 = arith.constant 0 : i32
    %dma_wait3A_178 = tpu.memref_slice %arg3[%dma_wait3A_176, %dma_wait3A_177] : memref<1000000x128xf32, #tpu.memory_space<hbm>> -> memref<1000000x128xf32, #tpu.memory_space<hbm>>
    tpu.wait_indirect_dma semaphore(%arg15 : memref<!tpu.dma_semaphore, #tpu.memory_space<semaphore_mem>>) src(%dma_wait3A_178 : memref<1000000x128xf32, #tpu.memory_space<hbm>>) dst(%arg9 : memref<128x128xf32, #tpu.memory_space<vmem>>)
    %add3A_179 = arith.constant 1152 : i32
    %add3A_180 = arith.addi %mul3A_2, %add3A_179 : i32
    %dma_start3A_181 = arith.constant 0 : i32
    %dma_start3A_182 = tpu.memref_slice %arg4[%add3A_180, %dma_start3A_181] : memref<40960x128xf32, #tpu.memory_space<hbm>> -> memref<128x128xf32, #tpu.memory_space<hbm>>
    %dma_start3A_183 = arith.constant 0 : i32
    %dma_start3A_184 = tpu.memref_slice %arg4[%add3A_180, %dma_start3A_183] : memref<40960x128xf32, #tpu.memory_space<hbm>> -> memref<128x128xf32, #tpu.memory_space<hbm>>
    tpu.enqueue_dma source(%arg9 : memref<128x128xf32, #tpu.memory_space<vmem>>) target(%dma_start3A_184 : memref<128x128xf32, #tpu.memory_space<hbm>>) target_semaphore(%arg21 : memref<!tpu.dma_semaphore, #tpu.memory_space<semaphore_mem>>)
    %add3A_185 = arith.constant 512 : i32
    %add3A_186 = arith.addi %mul3A_2, %add3A_185 : i32
    %dma_wait3A_187 = arith.constant 0 : i32
    %dma_wait3A_188 = tpu.memref_slice %arg4[%add3A_186, %dma_wait3A_187] : memref<40960x128xf32, #tpu.memory_space<hbm>> -> memref<128x128xf32, #tpu.memory_space<hbm>>
    %dma_wait3A_189 = arith.constant 0 : i32
    %dma_wait3A_190 = tpu.memref_slice %arg4[%add3A_186, %dma_wait3A_189] : memref<40960x128xf32, #tpu.memory_space<hbm>> -> memref<128x128xf32, #tpu.memory_space<hbm>>
    tpu.wait_dma2 semaphore(%arg22 : memref<!tpu.dma_semaphore, #tpu.memory_space<semaphore_mem>>) src(%arg10 : memref<128x128xf32, #tpu.memory_space<vmem>>) dst(%dma_wait3A_190 : memref<128x128xf32, #tpu.memory_space<hbm>>)
    %add3A_191 = arith.constant 640 : i32
    %add3A_192 = arith.addi %mul3A_2, %add3A_191 : i32
    %dma_wait3A_193 = arith.constant 0 : i32
    %dma_wait3A_194 = tpu.memref_slice %arg4[%add3A_192, %dma_wait3A_193] : memref<40960x128xf32, #tpu.memory_space<hbm>> -> memref<128x128xf32, #tpu.memory_space<hbm>>
    %dma_wait3A_195 = arith.constant 0 : i32
    %dma_wait3A_196 = tpu.memref_slice %arg4[%add3A_192, %dma_wait3A_195] : memref<40960x128xf32, #tpu.memory_space<hbm>> -> memref<128x128xf32, #tpu.memory_space<hbm>>
    tpu.wait_dma2 semaphore(%arg23 : memref<!tpu.dma_semaphore, #tpu.memory_space<semaphore_mem>>) src(%arg11 : memref<128x128xf32, #tpu.memory_space<vmem>>) dst(%dma_wait3A_196 : memref<128x128xf32, #tpu.memory_space<hbm>>)
    %add3A_197 = arith.constant 768 : i32
    %add3A_198 = arith.addi %mul3A_2, %add3A_197 : i32
    %dma_wait3A_199 = arith.constant 0 : i32
    %dma_wait3A_200 = tpu.memref_slice %arg4[%add3A_198, %dma_wait3A_199] : memref<40960x128xf32, #tpu.memory_space<hbm>> -> memref<128x128xf32, #tpu.memory_space<hbm>>
    %dma_wait3A_201 = arith.constant 0 : i32
    %dma_wait3A_202 = tpu.memref_slice %arg4[%add3A_198, %dma_wait3A_201] : memref<40960x128xf32, #tpu.memory_space<hbm>> -> memref<128x128xf32, #tpu.memory_space<hbm>>
    tpu.wait_dma2 semaphore(%arg18 : memref<!tpu.dma_semaphore, #tpu.memory_space<semaphore_mem>>) src(%arg6 : memref<128x128xf32, #tpu.memory_space<vmem>>) dst(%dma_wait3A_202 : memref<128x128xf32, #tpu.memory_space<hbm>>)
    %add3A_203 = arith.constant 896 : i32
    %add3A_204 = arith.addi %mul3A_2, %add3A_203 : i32
    %dma_wait3A_205 = arith.constant 0 : i32
    %dma_wait3A_206 = tpu.memref_slice %arg4[%add3A_204, %dma_wait3A_205] : memref<40960x128xf32, #tpu.memory_space<hbm>> -> memref<128x128xf32, #tpu.memory_space<hbm>>
    %dma_wait3A_207 = arith.constant 0 : i32
    %dma_wait3A_208 = tpu.memref_slice %arg4[%add3A_204, %dma_wait3A_207] : memref<40960x128xf32, #tpu.memory_space<hbm>> -> memref<128x128xf32, #tpu.memory_space<hbm>>
    tpu.wait_dma2 semaphore(%arg19 : memref<!tpu.dma_semaphore, #tpu.memory_space<semaphore_mem>>) src(%arg7 : memref<128x128xf32, #tpu.memory_space<vmem>>) dst(%dma_wait3A_208 : memref<128x128xf32, #tpu.memory_space<hbm>>)
    %add3A_209 = arith.constant 1024 : i32
    %add3A_210 = arith.addi %mul3A_2, %add3A_209 : i32
    %dma_wait3A_211 = arith.constant 0 : i32
    %dma_wait3A_212 = tpu.memref_slice %arg4[%add3A_210, %dma_wait3A_211] : memref<40960x128xf32, #tpu.memory_space<hbm>> -> memref<128x128xf32, #tpu.memory_space<hbm>>
    %dma_wait3A_213 = arith.constant 0 : i32
    %dma_wait3A_214 = tpu.memref_slice %arg4[%add3A_210, %dma_wait3A_213] : memref<40960x128xf32, #tpu.memory_space<hbm>> -> memref<128x128xf32, #tpu.memory_space<hbm>>
    tpu.wait_dma2 semaphore(%arg20 : memref<!tpu.dma_semaphore, #tpu.memory_space<semaphore_mem>>) src(%arg8 : memref<128x128xf32, #tpu.memory_space<vmem>>) dst(%dma_wait3A_214 : memref<128x128xf32, #tpu.memory_space<hbm>>)
    %add3A_215 = arith.constant 1152 : i32
    %add3A_216 = arith.addi %mul3A_2, %add3A_215 : i32
    %dma_wait3A_217 = arith.constant 0 : i32
    %dma_wait3A_218 = tpu.memref_slice %arg4[%add3A_216, %dma_wait3A_217] : memref<40960x128xf32, #tpu.memory_space<hbm>> -> memref<128x128xf32, #tpu.memory_space<hbm>>
    %dma_wait3A_219 = arith.constant 0 : i32
    %dma_wait3A_220 = tpu.memref_slice %arg4[%add3A_216, %dma_wait3A_219] : memref<40960x128xf32, #tpu.memory_space<hbm>> -> memref<128x128xf32, #tpu.memory_space<hbm>>
    tpu.wait_dma2 semaphore(%arg21 : memref<!tpu.dma_semaphore, #tpu.memory_space<semaphore_mem>>) src(%arg9 : memref<128x128xf32, #tpu.memory_space<vmem>>) dst(%dma_wait3A_220 : memref<128x128xf32, #tpu.memory_space<hbm>>)
    return
  }
}

module attributes {stable_mosaic.version = 14 : i64} {
  func.func @_mlp_kernel_first(%arg0: i32, %arg1: memref<8192x128xf32, #tpu.memory_space<vmem>>, %arg2: memref<128x128xf32, #tpu.memory_space<vmem>>, %arg3: memref<1x128xf32, #tpu.memory_space<vmem>>, %arg4: memref<45x128xf32, #tpu.memory_space<vmem>>, %arg5: memref<45x1xf32, #tpu.memory_space<vmem>>, %arg6: memref<45x8x1024xf32, #tpu.memory_space<vmem>>) attributes {dimension_semantics = [#tpu.dimension_semantics<arbitrary>], iteration_bounds = array<i64: 5>, scalar_prefetch = 0 : i64, scratch_operands = 0 : i64, tpu.core_type = #tpu.core_type<tc>, window_params = [{transform_indices = @transform_0, window_bounds = array<i64: 8192, 128>}, {pipeline_mode = #tpu.pipeline_mode<synchronous>, transform_indices = @transform_1, window_bounds = array<i64: 128, 128>}, {pipeline_mode = #tpu.pipeline_mode<synchronous>, transform_indices = @transform_2, window_bounds = array<i64: 1, 128>}, {pipeline_mode = #tpu.pipeline_mode<synchronous>, transform_indices = @transform_3, window_bounds = array<i64: 45, 128>}, {pipeline_mode = #tpu.pipeline_mode<synchronous>, transform_indices = @transform_4, window_bounds = array<i64: 45, 1>}, {transform_indices = @transform_5, window_bounds = array<i64: 45, 8, 1024>}]} {
    %get3A = arith.constant 0 : index
    %get3A_0 = arith.constant 0 : index
    %get3A_1 = vector.load %arg1[%get3A, %get3A_0] : memref<8192x128xf32, #tpu.memory_space<vmem>>, vector<8192x128xf32>
    %get3A_2 = arith.constant 0 : index
    %get3A_3 = arith.constant 0 : index
    %get3A_4 = vector.load %arg2[%get3A_2, %get3A_3] : memref<128x128xf32, #tpu.memory_space<vmem>>, vector<128x128xf32>
    %dot_general3A = arith.constant dense<0.000000e+00> : vector<8192x128xf32>
    %dot_general3A_5 = tpu.matmul %get3A_1, %get3A_4, %dot_general3A {dimension_numbers = #tpu.dot_dimension_numbers<[1], [0], [0], [1], [0, 0, 1, 1], [], []>, transpose_lhs_hint = false} : vector<8192x128xf32>, vector<128x128xf32>, vector<8192x128xf32> -> vector<8192x128xf32>
    %get3A_6 = arith.constant 0 : index
    %get3A_7 = arith.constant 0 : index
    %get3A_8 = vector.load %arg3[%get3A_6, %get3A_7] : memref<1x128xf32, #tpu.memory_space<vmem>>, vector<1x128xf32>
    %add3A = vector.broadcast %get3A_8 : vector<1x128xf32> to vector<8192x128xf32>
    %add3A_9 = arith.addf %dot_general3A_5, %add3A : vector<8192x128xf32>
    %max3A = arith.constant 0.000000e+00 : f32
    %max3A_10 = vector.broadcast %max3A : f32 to vector<8192x128xf32>
    %max3A_11 = arith.maximumf %add3A_9, %max3A_10 : vector<8192x128xf32>
    %get3A_12 = arith.constant 0 : index
    %get3A_13 = arith.constant 0 : index
    %get3A_14 = vector.load %arg4[%get3A_12, %get3A_13] : memref<45x128xf32, #tpu.memory_space<vmem>>, vector<45x128xf32>
    %slice3A = vector.extract_strided_slice %max3A_11 {offsets = [0, 0], sizes = [1024, 128], strides = [1, 1]} : vector<8192x128xf32> to vector<1024x128xf32>
    %dot_general3A_15 = arith.constant dense<0.000000e+00> : vector<45x1024xf32>
    %dot_general3A_16 = tpu.matmul %get3A_14, %slice3A, %dot_general3A_15 {dimension_numbers = #tpu.dot_dimension_numbers<[1], [1], [0], [0], [0, 0, 1, 0], [], []>, transpose_lhs_hint = false} : vector<45x128xf32>, vector<1024x128xf32>, vector<45x1024xf32> -> vector<45x1024xf32>
    %get3A_17 = arith.constant 0 : index
    %get3A_18 = arith.constant 0 : index
    %get3A_19 = vector.load %arg5[%get3A_17, %get3A_18] : memref<45x1xf32, #tpu.memory_space<vmem>>, vector<45x1xf32>
    %add3A_20 = vector.broadcast %get3A_19 : vector<45x1xf32> to vector<45x1024xf32>
    %add3A_21 = arith.addf %dot_general3A_16, %add3A_20 : vector<45x1024xf32>
    %swap3A = arith.constant 0 : index
    %swap3A_22 = arith.constant 0 : index
    %swap3A_23 = arith.constant 0 : index
    %swap3A_24 = vector.load %arg6[%swap3A, %swap3A_22, %swap3A_23] : memref<45x8x1024xf32, #tpu.memory_space<vmem>>, vector<45x1x1024xf32>
    %swap3A_25 = vector.shape_cast %swap3A_24 : vector<45x1x1024xf32> to vector<45x1024xf32>
    %swap3A_26 = vector.shape_cast %add3A_21 : vector<45x1024xf32> to vector<45x1x1024xf32>
    tpu.vector_store %arg6[%swap3A, %swap3A_22, %swap3A_23], %swap3A_26 {strides = array<i32>} : memref<45x8x1024xf32, #tpu.memory_space<vmem>>, vector<45x1x1024xf32>,
    %get3A_27 = arith.constant 0 : index
    %get3A_28 = arith.constant 0 : index
    %get3A_29 = vector.load %arg4[%get3A_27, %get3A_28] : memref<45x128xf32, #tpu.memory_space<vmem>>, vector<45x128xf32>
    %slice3A_30 = vector.extract_strided_slice %max3A_11 {offsets = [1024, 0], sizes = [1024, 128], strides = [1, 1]} : vector<8192x128xf32> to vector<1024x128xf32>
    %dot_general3A_31 = arith.constant dense<0.000000e+00> : vector<45x1024xf32>
    %dot_general3A_32 = tpu.matmul %get3A_29, %slice3A_30, %dot_general3A_31 {dimension_numbers = #tpu.dot_dimension_numbers<[1], [1], [0], [0], [0, 0, 1, 0], [], []>, transpose_lhs_hint = false} : vector<45x128xf32>, vector<1024x128xf32>, vector<45x1024xf32> -> vector<45x1024xf32>
    %get3A_33 = arith.constant 0 : index
    %get3A_34 = arith.constant 0 : index
    %get3A_35 = vector.load %arg5[%get3A_33, %get3A_34] : memref<45x1xf32, #tpu.memory_space<vmem>>, vector<45x1xf32>
    %add3A_36 = vector.broadcast %get3A_35 : vector<45x1xf32> to vector<45x1024xf32>
    %add3A_37 = arith.addf %dot_general3A_32, %add3A_36 : vector<45x1024xf32>
    %swap3A_38 = arith.constant 0 : index
    %swap3A_39 = arith.constant 1 : index
    %swap3A_40 = arith.constant 0 : index
    %swap3A_41 = vector.load %arg6[%swap3A_38, %swap3A_39, %swap3A_40] : memref<45x8x1024xf32, #tpu.memory_space<vmem>>, vector<45x1x1024xf32>
    %swap3A_42 = vector.shape_cast %swap3A_41 : vector<45x1x1024xf32> to vector<45x1024xf32>
    %swap3A_43 = vector.shape_cast %add3A_37 : vector<45x1024xf32> to vector<45x1x1024xf32>
    tpu.vector_store %arg6[%swap3A_38, %swap3A_39, %swap3A_40], %swap3A_43 {strides = array<i32>} : memref<45x8x1024xf32, #tpu.memory_space<vmem>>, vector<45x1x1024xf32>,
    %get3A_44 = arith.constant 0 : index
    %get3A_45 = arith.constant 0 : index
    %get3A_46 = vector.load %arg4[%get3A_44, %get3A_45] : memref<45x128xf32, #tpu.memory_space<vmem>>, vector<45x128xf32>
    %slice3A_47 = vector.extract_strided_slice %max3A_11 {offsets = [2048, 0], sizes = [1024, 128], strides = [1, 1]} : vector<8192x128xf32> to vector<1024x128xf32>
    %dot_general3A_48 = arith.constant dense<0.000000e+00> : vector<45x1024xf32>
    %dot_general3A_49 = tpu.matmul %get3A_46, %slice3A_47, %dot_general3A_48 {dimension_numbers = #tpu.dot_dimension_numbers<[1], [1], [0], [0], [0, 0, 1, 0], [], []>, transpose_lhs_hint = false} : vector<45x128xf32>, vector<1024x128xf32>, vector<45x1024xf32> -> vector<45x1024xf32>
    %get3A_50 = arith.constant 0 : index
    %get3A_51 = arith.constant 0 : index
    %get3A_52 = vector.load %arg5[%get3A_50, %get3A_51] : memref<45x1xf32, #tpu.memory_space<vmem>>, vector<45x1xf32>
    %add3A_53 = vector.broadcast %get3A_52 : vector<45x1xf32> to vector<45x1024xf32>
    %add3A_54 = arith.addf %dot_general3A_49, %add3A_53 : vector<45x1024xf32>
    %swap3A_55 = arith.constant 0 : index
    %swap3A_56 = arith.constant 2 : index
    %swap3A_57 = arith.constant 0 : index
    %swap3A_58 = vector.load %arg6[%swap3A_55, %swap3A_56, %swap3A_57] : memref<45x8x1024xf32, #tpu.memory_space<vmem>>, vector<45x1x1024xf32>
    %swap3A_59 = vector.shape_cast %swap3A_58 : vector<45x1x1024xf32> to vector<45x1024xf32>
    %swap3A_60 = vector.shape_cast %add3A_54 : vector<45x1024xf32> to vector<45x1x1024xf32>
    tpu.vector_store %arg6[%swap3A_55, %swap3A_56, %swap3A_57], %swap3A_60 {strides = array<i32>} : memref<45x8x1024xf32, #tpu.memory_space<vmem>>, vector<45x1x1024xf32>,
    %get3A_61 = arith.constant 0 : index
    %get3A_62 = arith.constant 0 : index
    %get3A_63 = vector.load %arg4[%get3A_61, %get3A_62] : memref<45x128xf32, #tpu.memory_space<vmem>>, vector<45x128xf32>
    %slice3A_64 = vector.extract_strided_slice %max3A_11 {offsets = [3072, 0], sizes = [1024, 128], strides = [1, 1]} : vector<8192x128xf32> to vector<1024x128xf32>
    %dot_general3A_65 = arith.constant dense<0.000000e+00> : vector<45x1024xf32>
    %dot_general3A_66 = tpu.matmul %get3A_63, %slice3A_64, %dot_general3A_65 {dimension_numbers = #tpu.dot_dimension_numbers<[1], [1], [0], [0], [0, 0, 1, 0], [], []>, transpose_lhs_hint = false} : vector<45x128xf32>, vector<1024x128xf32>, vector<45x1024xf32> -> vector<45x1024xf32>
    %get3A_67 = arith.constant 0 : index
    %get3A_68 = arith.constant 0 : index
    %get3A_69 = vector.load %arg5[%get3A_67, %get3A_68] : memref<45x1xf32, #tpu.memory_space<vmem>>, vector<45x1xf32>
    %add3A_70 = vector.broadcast %get3A_69 : vector<45x1xf32> to vector<45x1024xf32>
    %add3A_71 = arith.addf %dot_general3A_66, %add3A_70 : vector<45x1024xf32>
    %swap3A_72 = arith.constant 0 : index
    %swap3A_73 = arith.constant 3 : index
    %swap3A_74 = arith.constant 0 : index
    %swap3A_75 = vector.load %arg6[%swap3A_72, %swap3A_73, %swap3A_74] : memref<45x8x1024xf32, #tpu.memory_space<vmem>>, vector<45x1x1024xf32>
    %swap3A_76 = vector.shape_cast %swap3A_75 : vector<45x1x1024xf32> to vector<45x1024xf32>
    %swap3A_77 = vector.shape_cast %add3A_71 : vector<45x1024xf32> to vector<45x1x1024xf32>
    tpu.vector_store %arg6[%swap3A_72, %swap3A_73, %swap3A_74], %swap3A_77 {strides = array<i32>} : memref<45x8x1024xf32, #tpu.memory_space<vmem>>, vector<45x1x1024xf32>,
    %get3A_78 = arith.constant 0 : index
    %get3A_79 = arith.constant 0 : index
    %get3A_80 = vector.load %arg4[%get3A_78, %get3A_79] : memref<45x128xf32, #tpu.memory_space<vmem>>, vector<45x128xf32>
    %slice3A_81 = vector.extract_strided_slice %max3A_11 {offsets = [4096, 0], sizes = [1024, 128], strides = [1, 1]} : vector<8192x128xf32> to vector<1024x128xf32>
    %dot_general3A_82 = arith.constant dense<0.000000e+00> : vector<45x1024xf32>
    %dot_general3A_83 = tpu.matmul %get3A_80, %slice3A_81, %dot_general3A_82 {dimension_numbers = #tpu.dot_dimension_numbers<[1], [1], [0], [0], [0, 0, 1, 0], [], []>, transpose_lhs_hint = false} : vector<45x128xf32>, vector<1024x128xf32>, vector<45x1024xf32> -> vector<45x1024xf32>
    %get3A_84 = arith.constant 0 : index
    %get3A_85 = arith.constant 0 : index
    %get3A_86 = vector.load %arg5[%get3A_84, %get3A_85] : memref<45x1xf32, #tpu.memory_space<vmem>>, vector<45x1xf32>
    %add3A_87 = vector.broadcast %get3A_86 : vector<45x1xf32> to vector<45x1024xf32>
    %add3A_88 = arith.addf %dot_general3A_83, %add3A_87 : vector<45x1024xf32>
    %swap3A_89 = arith.constant 0 : index
    %swap3A_90 = arith.constant 4 : index
    %swap3A_91 = arith.constant 0 : index
    %swap3A_92 = vector.load %arg6[%swap3A_89, %swap3A_90, %swap3A_91] : memref<45x8x1024xf32, #tpu.memory_space<vmem>>, vector<45x1x1024xf32>
    %swap3A_93 = vector.shape_cast %swap3A_92 : vector<45x1x1024xf32> to vector<45x1024xf32>
    %swap3A_94 = vector.shape_cast %add3A_88 : vector<45x1024xf32> to vector<45x1x1024xf32>
    tpu.vector_store %arg6[%swap3A_89, %swap3A_90, %swap3A_91], %swap3A_94 {strides = array<i32>} : memref<45x8x1024xf32, #tpu.memory_space<vmem>>, vector<45x1x1024xf32>,
    %get3A_95 = arith.constant 0 : index
    %get3A_96 = arith.constant 0 : index
    %get3A_97 = vector.load %arg4[%get3A_95, %get3A_96] : memref<45x128xf32, #tpu.memory_space<vmem>>, vector<45x128xf32>
    %slice3A_98 = vector.extract_strided_slice %max3A_11 {offsets = [5120, 0], sizes = [1024, 128], strides = [1, 1]} : vector<8192x128xf32> to vector<1024x128xf32>
    %dot_general3A_99 = arith.constant dense<0.000000e+00> : vector<45x1024xf32>
    %dot_general3A_100 = tpu.matmul %get3A_97, %slice3A_98, %dot_general3A_99 {dimension_numbers = #tpu.dot_dimension_numbers<[1], [1], [0], [0], [0, 0, 1, 0], [], []>, transpose_lhs_hint = false} : vector<45x128xf32>, vector<1024x128xf32>, vector<45x1024xf32> -> vector<45x1024xf32>
    %get3A_101 = arith.constant 0 : index
    %get3A_102 = arith.constant 0 : index
    %get3A_103 = vector.load %arg5[%get3A_101, %get3A_102] : memref<45x1xf32, #tpu.memory_space<vmem>>, vector<45x1xf32>
    %add3A_104 = vector.broadcast %get3A_103 : vector<45x1xf32> to vector<45x1024xf32>
    %add3A_105 = arith.addf %dot_general3A_100, %add3A_104 : vector<45x1024xf32>
    %swap3A_106 = arith.constant 0 : index
    %swap3A_107 = arith.constant 5 : index
    %swap3A_108 = arith.constant 0 : index
    %swap3A_109 = vector.load %arg6[%swap3A_106, %swap3A_107, %swap3A_108] : memref<45x8x1024xf32, #tpu.memory_space<vmem>>, vector<45x1x1024xf32>
    %swap3A_110 = vector.shape_cast %swap3A_109 : vector<45x1x1024xf32> to vector<45x1024xf32>
    %swap3A_111 = vector.shape_cast %add3A_105 : vector<45x1024xf32> to vector<45x1x1024xf32>
    tpu.vector_store %arg6[%swap3A_106, %swap3A_107, %swap3A_108], %swap3A_111 {strides = array<i32>} : memref<45x8x1024xf32, #tpu.memory_space<vmem>>, vector<45x1x1024xf32>,
    %get3A_112 = arith.constant 0 : index
    %get3A_113 = arith.constant 0 : index
    %get3A_114 = vector.load %arg4[%get3A_112, %get3A_113] : memref<45x128xf32, #tpu.memory_space<vmem>>, vector<45x128xf32>
    %slice3A_115 = vector.extract_strided_slice %max3A_11 {offsets = [6144, 0], sizes = [1024, 128], strides = [1, 1]} : vector<8192x128xf32> to vector<1024x128xf32>
    %dot_general3A_116 = arith.constant dense<0.000000e+00> : vector<45x1024xf32>
    %dot_general3A_117 = tpu.matmul %get3A_114, %slice3A_115, %dot_general3A_116 {dimension_numbers = #tpu.dot_dimension_numbers<[1], [1], [0], [0], [0, 0, 1, 0], [], []>, transpose_lhs_hint = false} : vector<45x128xf32>, vector<1024x128xf32>, vector<45x1024xf32> -> vector<45x1024xf32>
    %get3A_118 = arith.constant 0 : index
    %get3A_119 = arith.constant 0 : index
    %get3A_120 = vector.load %arg5[%get3A_118, %get3A_119] : memref<45x1xf32, #tpu.memory_space<vmem>>, vector<45x1xf32>
    %add3A_121 = vector.broadcast %get3A_120 : vector<45x1xf32> to vector<45x1024xf32>
    %add3A_122 = arith.addf %dot_general3A_117, %add3A_121 : vector<45x1024xf32>
    %swap3A_123 = arith.constant 0 : index
    %swap3A_124 = arith.constant 6 : index
    %swap3A_125 = arith.constant 0 : index
    %swap3A_126 = vector.load %arg6[%swap3A_123, %swap3A_124, %swap3A_125] : memref<45x8x1024xf32, #tpu.memory_space<vmem>>, vector<45x1x1024xf32>
    %swap3A_127 = vector.shape_cast %swap3A_126 : vector<45x1x1024xf32> to vector<45x1024xf32>
    %swap3A_128 = vector.shape_cast %add3A_122 : vector<45x1024xf32> to vector<45x1x1024xf32>
    tpu.vector_store %arg6[%swap3A_123, %swap3A_124, %swap3A_125], %swap3A_128 {strides = array<i32>} : memref<45x8x1024xf32, #tpu.memory_space<vmem>>, vector<45x1x1024xf32>,
    %get3A_129 = arith.constant 0 : index
    %get3A_130 = arith.constant 0 : index
    %get3A_131 = vector.load %arg4[%get3A_129, %get3A_130] : memref<45x128xf32, #tpu.memory_space<vmem>>, vector<45x128xf32>
    %slice3A_132 = vector.extract_strided_slice %max3A_11 {offsets = [7168, 0], sizes = [1024, 128], strides = [1, 1]} : vector<8192x128xf32> to vector<1024x128xf32>
    %dot_general3A_133 = arith.constant dense<0.000000e+00> : vector<45x1024xf32>
    %dot_general3A_134 = tpu.matmul %get3A_131, %slice3A_132, %dot_general3A_133 {dimension_numbers = #tpu.dot_dimension_numbers<[1], [1], [0], [0], [0, 0, 1, 0], [], []>, transpose_lhs_hint = false} : vector<45x128xf32>, vector<1024x128xf32>, vector<45x1024xf32> -> vector<45x1024xf32>
    %get3A_135 = arith.constant 0 : index
    %get3A_136 = arith.constant 0 : index
    %get3A_137 = vector.load %arg5[%get3A_135, %get3A_136] : memref<45x1xf32, #tpu.memory_space<vmem>>, vector<45x1xf32>
    %add3A_138 = vector.broadcast %get3A_137 : vector<45x1xf32> to vector<45x1024xf32>
    %add3A_139 = arith.addf %dot_general3A_134, %add3A_138 : vector<45x1024xf32>
    %swap3A_140 = arith.constant 0 : index
    %swap3A_141 = arith.constant 7 : index
    %swap3A_142 = arith.constant 0 : index
    %swap3A_143 = vector.load %arg6[%swap3A_140, %swap3A_141, %swap3A_142] : memref<45x8x1024xf32, #tpu.memory_space<vmem>>, vector<45x1x1024xf32>
    %swap3A_144 = vector.shape_cast %swap3A_143 : vector<45x1x1024xf32> to vector<45x1024xf32>
    %swap3A_145 = vector.shape_cast %add3A_139 : vector<45x1024xf32> to vector<45x1x1024xf32>
    tpu.vector_store %arg6[%swap3A_140, %swap3A_141, %swap3A_142], %swap3A_145 {strides = array<i32>} : memref<45x8x1024xf32, #tpu.memory_space<vmem>>, vector<45x1x1024xf32>,
    return
  }
  func.func @transform_0(%arg0: i32) -> (i32, i32) {
    %c0_i32 = arith.constant 0 : i32
    %c0_i32_0 = arith.constant 0 : i32
    return %arg0, %c0_i32 : i32, i32
  }
  func.func @transform_1(%arg0: i32) -> (i32, i32) {
    %c0_i32 = arith.constant 0 : i32
    %c0_i32_0 = arith.constant 0 : i32
    %c0_i32_1 = arith.constant 0 : i32
    return %c0_i32, %c0_i32_0 : i32, i32
  }
  func.func @transform_2(%arg0: i32) -> (i32, i32) {
    %c0_i32 = arith.constant 0 : i32
    %c0_i32_0 = arith.constant 0 : i32
    %c0_i32_1 = arith.constant 0 : i32
    return %c0_i32, %c0_i32_0 : i32, i32
  }
  func.func @transform_3(%arg0: i32) -> (i32, i32) {
    %c0_i32 = arith.constant 0 : i32
    %c0_i32_0 = arith.constant 0 : i32
    %c0_i32_1 = arith.constant 0 : i32
    return %c0_i32, %c0_i32_0 : i32, i32
  }
  func.func @transform_4(%arg0: i32) -> (i32, i32) {
    %c0_i32 = arith.constant 0 : i32
    %c0_i32_0 = arith.constant 0 : i32
    %c0_i32_1 = arith.constant 0 : i32
    return %c0_i32, %c0_i32_0 : i32, i32
  }
  func.func @transform_5(%arg0: i32) -> (i32, i32, i32) {
    %add3A = arith.constant 0 : i32
    %add3A_0 = arith.addi %add3A, %arg0 : i32
    %c0_i32 = arith.constant 0 : i32
    %c0_i32_1 = arith.constant 0 : i32
    %c0_i32_2 = arith.constant 0 : i32
    return %c0_i32, %add3A_0, %c0_i32_1 : i32, i32, i32
  }
}

module attributes {stable_mosaic.version = 14 : i64} {
  func.func @_mlp_kernel_acc(%arg0: i32, %arg1: memref<8192x128xf32, #tpu.memory_space<vmem>>, %arg2: memref<128x128xf32, #tpu.memory_space<vmem>>, %arg3: memref<1x128xf32, #tpu.memory_space<vmem>>, %arg4: memref<45x128xf32, #tpu.memory_space<vmem>>, %arg5: memref<45x1xf32, #tpu.memory_space<vmem>>, %arg6: memref<45x200x1024xf32, #tpu.memory_space<any>>, %arg7: memref<45x8x1024xf32, #tpu.memory_space<vmem>>) attributes {dimension_semantics = [#tpu.dimension_semantics<arbitrary>], iteration_bounds = array<i64: 5>, scalar_prefetch = 0 : i64, scratch_operands = 0 : i64, tpu.core_type = #tpu.core_type<tc>, window_params = [{transform_indices = @transform_0, window_bounds = array<i64: 8192, 128>}, {pipeline_mode = #tpu.pipeline_mode<synchronous>, transform_indices = @transform_1, window_bounds = array<i64: 128, 128>}, {pipeline_mode = #tpu.pipeline_mode<synchronous>, transform_indices = @transform_2, window_bounds = array<i64: 1, 128>}, {pipeline_mode = #tpu.pipeline_mode<synchronous>, transform_indices = @transform_3, window_bounds = array<i64: 45, 128>}, {pipeline_mode = #tpu.pipeline_mode<synchronous>, transform_indices = @transform_4, window_bounds = array<i64: 45, 1>}, {}, {transform_indices = @transform_6, window_bounds = array<i64: 45, 8, 1024>}]} {
    %get3A = arith.constant 0 : index
    %get3A_0 = arith.constant 0 : index
    %get3A_1 = vector.load %arg1[%get3A, %get3A_0] : memref<8192x128xf32, #tpu.memory_space<vmem>>, vector<8192x128xf32>
    %get3A_2 = arith.constant 0 : index
    %get3A_3 = arith.constant 0 : index
    %get3A_4 = vector.load %arg2[%get3A_2, %get3A_3] : memref<128x128xf32, #tpu.memory_space<vmem>>, vector<128x128xf32>
    %dot_general3A = arith.constant dense<0.000000e+00> : vector<8192x128xf32>
    %dot_general3A_5 = tpu.matmul %get3A_1, %get3A_4, %dot_general3A {dimension_numbers = #tpu.dot_dimension_numbers<[1], [0], [0], [1], [0, 0, 1, 1], [], []>, transpose_lhs_hint = false} : vector<8192x128xf32>, vector<128x128xf32>, vector<8192x128xf32> -> vector<8192x128xf32>
    %get3A_6 = arith.constant 0 : index
    %get3A_7 = arith.constant 0 : index
    %get3A_8 = vector.load %arg3[%get3A_6, %get3A_7] : memref<1x128xf32, #tpu.memory_space<vmem>>, vector<1x128xf32>
    %add3A = vector.broadcast %get3A_8 : vector<1x128xf32> to vector<8192x128xf32>
    %add3A_9 = arith.addf %dot_general3A_5, %add3A : vector<8192x128xf32>
    %max3A = arith.constant 0.000000e+00 : f32
    %max3A_10 = vector.broadcast %max3A : f32 to vector<8192x128xf32>
    %max3A_11 = arith.maximumf %add3A_9, %max3A_10 : vector<8192x128xf32>
    %get3A_12 = arith.constant 0 : index
    %get3A_13 = arith.constant 0 : index
    %get3A_14 = vector.load %arg4[%get3A_12, %get3A_13] : memref<45x128xf32, #tpu.memory_space<vmem>>, vector<45x128xf32>
    %slice3A = vector.extract_strided_slice %max3A_11 {offsets = [0, 0], sizes = [1024, 128], strides = [1, 1]} : vector<8192x128xf32> to vector<1024x128xf32>
    %dot_general3A_15 = arith.constant dense<0.000000e+00> : vector<45x1024xf32>
    %dot_general3A_16 = tpu.matmul %get3A_14, %slice3A, %dot_general3A_15 {dimension_numbers = #tpu.dot_dimension_numbers<[1], [1], [0], [0], [0, 0, 1, 0], [], []>, transpose_lhs_hint = false} : vector<45x128xf32>, vector<1024x128xf32>, vector<45x1024xf32> -> vector<45x1024xf32>
    %get3A_17 = arith.constant 0 : index
    %get3A_18 = arith.constant 0 : index
    %get3A_19 = vector.load %arg5[%get3A_17, %get3A_18] : memref<45x1xf32, #tpu.memory_space<vmem>>, vector<45x1xf32>
    %add3A_20 = vector.broadcast %get3A_19 : vector<45x1xf32> to vector<45x1024xf32>
    %add3A_21 = arith.addf %dot_general3A_16, %add3A_20 : vector<45x1024xf32>
    %swap3A = arith.constant 0 : index
    %swap3A_22 = arith.constant 0 : index
    %swap3A_23 = arith.constant 0 : index
    %swap3A_24 = vector.load %arg7[%swap3A, %swap3A_22, %swap3A_23] : memref<45x8x1024xf32, #tpu.memory_space<vmem>>, vector<45x1x1024xf32>
    %swap3A_25 = vector.shape_cast %swap3A_24 : vector<45x1x1024xf32> to vector<45x1024xf32>
    %swap3A_26 = vector.shape_cast %add3A_21 : vector<45x1024xf32> to vector<45x1x1024xf32>
    tpu.vector_store %arg7[%swap3A, %swap3A_22, %swap3A_23], %swap3A_26 {strides = array<i32>} : memref<45x8x1024xf32, #tpu.memory_space<vmem>>, vector<45x1x1024xf32>,
    %get3A_27 = arith.constant 0 : index
    %get3A_28 = arith.constant 0 : index
    %get3A_29 = vector.load %arg4[%get3A_27, %get3A_28] : memref<45x128xf32, #tpu.memory_space<vmem>>, vector<45x128xf32>
    %slice3A_30 = vector.extract_strided_slice %max3A_11 {offsets = [1024, 0], sizes = [1024, 128], strides = [1, 1]} : vector<8192x128xf32> to vector<1024x128xf32>
    %dot_general3A_31 = arith.constant dense<0.000000e+00> : vector<45x1024xf32>
    %dot_general3A_32 = tpu.matmul %get3A_29, %slice3A_30, %dot_general3A_31 {dimension_numbers = #tpu.dot_dimension_numbers<[1], [1], [0], [0], [0, 0, 1, 0], [], []>, transpose_lhs_hint = false} : vector<45x128xf32>, vector<1024x128xf32>, vector<45x1024xf32> -> vector<45x1024xf32>
    %get3A_33 = arith.constant 0 : index
    %get3A_34 = arith.constant 0 : index
    %get3A_35 = vector.load %arg5[%get3A_33, %get3A_34] : memref<45x1xf32, #tpu.memory_space<vmem>>, vector<45x1xf32>
    %add3A_36 = vector.broadcast %get3A_35 : vector<45x1xf32> to vector<45x1024xf32>
    %add3A_37 = arith.addf %dot_general3A_32, %add3A_36 : vector<45x1024xf32>
    %swap3A_38 = arith.constant 0 : index
    %swap3A_39 = arith.constant 1 : index
    %swap3A_40 = arith.constant 0 : index
    %swap3A_41 = vector.load %arg7[%swap3A_38, %swap3A_39, %swap3A_40] : memref<45x8x1024xf32, #tpu.memory_space<vmem>>, vector<45x1x1024xf32>
    %swap3A_42 = vector.shape_cast %swap3A_41 : vector<45x1x1024xf32> to vector<45x1024xf32>
    %swap3A_43 = vector.shape_cast %add3A_37 : vector<45x1024xf32> to vector<45x1x1024xf32>
    tpu.vector_store %arg7[%swap3A_38, %swap3A_39, %swap3A_40], %swap3A_43 {strides = array<i32>} : memref<45x8x1024xf32, #tpu.memory_space<vmem>>, vector<45x1x1024xf32>,
    %get3A_44 = arith.constant 0 : index
    %get3A_45 = arith.constant 0 : index
    %get3A_46 = vector.load %arg4[%get3A_44, %get3A_45] : memref<45x128xf32, #tpu.memory_space<vmem>>, vector<45x128xf32>
    %slice3A_47 = vector.extract_strided_slice %max3A_11 {offsets = [2048, 0], sizes = [1024, 128], strides = [1, 1]} : vector<8192x128xf32> to vector<1024x128xf32>
    %dot_general3A_48 = arith.constant dense<0.000000e+00> : vector<45x1024xf32>
    %dot_general3A_49 = tpu.matmul %get3A_46, %slice3A_47, %dot_general3A_48 {dimension_numbers = #tpu.dot_dimension_numbers<[1], [1], [0], [0], [0, 0, 1, 0], [], []>, transpose_lhs_hint = false} : vector<45x128xf32>, vector<1024x128xf32>, vector<45x1024xf32> -> vector<45x1024xf32>
    %get3A_50 = arith.constant 0 : index
    %get3A_51 = arith.constant 0 : index
    %get3A_52 = vector.load %arg5[%get3A_50, %get3A_51] : memref<45x1xf32, #tpu.memory_space<vmem>>, vector<45x1xf32>
    %add3A_53 = vector.broadcast %get3A_52 : vector<45x1xf32> to vector<45x1024xf32>
    %add3A_54 = arith.addf %dot_general3A_49, %add3A_53 : vector<45x1024xf32>
    %swap3A_55 = arith.constant 0 : index
    %swap3A_56 = arith.constant 2 : index
    %swap3A_57 = arith.constant 0 : index
    %swap3A_58 = vector.load %arg7[%swap3A_55, %swap3A_56, %swap3A_57] : memref<45x8x1024xf32, #tpu.memory_space<vmem>>, vector<45x1x1024xf32>
    %swap3A_59 = vector.shape_cast %swap3A_58 : vector<45x1x1024xf32> to vector<45x1024xf32>
    %swap3A_60 = vector.shape_cast %add3A_54 : vector<45x1024xf32> to vector<45x1x1024xf32>
    tpu.vector_store %arg7[%swap3A_55, %swap3A_56, %swap3A_57], %swap3A_60 {strides = array<i32>} : memref<45x8x1024xf32, #tpu.memory_space<vmem>>, vector<45x1x1024xf32>,
    %get3A_61 = arith.constant 0 : index
    %get3A_62 = arith.constant 0 : index
    %get3A_63 = vector.load %arg4[%get3A_61, %get3A_62] : memref<45x128xf32, #tpu.memory_space<vmem>>, vector<45x128xf32>
    %slice3A_64 = vector.extract_strided_slice %max3A_11 {offsets = [3072, 0], sizes = [1024, 128], strides = [1, 1]} : vector<8192x128xf32> to vector<1024x128xf32>
    %dot_general3A_65 = arith.constant dense<0.000000e+00> : vector<45x1024xf32>
    %dot_general3A_66 = tpu.matmul %get3A_63, %slice3A_64, %dot_general3A_65 {dimension_numbers = #tpu.dot_dimension_numbers<[1], [1], [0], [0], [0, 0, 1, 0], [], []>, transpose_lhs_hint = false} : vector<45x128xf32>, vector<1024x128xf32>, vector<45x1024xf32> -> vector<45x1024xf32>
    %get3A_67 = arith.constant 0 : index
    %get3A_68 = arith.constant 0 : index
    %get3A_69 = vector.load %arg5[%get3A_67, %get3A_68] : memref<45x1xf32, #tpu.memory_space<vmem>>, vector<45x1xf32>
    %add3A_70 = vector.broadcast %get3A_69 : vector<45x1xf32> to vector<45x1024xf32>
    %add3A_71 = arith.addf %dot_general3A_66, %add3A_70 : vector<45x1024xf32>
    %swap3A_72 = arith.constant 0 : index
    %swap3A_73 = arith.constant 3 : index
    %swap3A_74 = arith.constant 0 : index
    %swap3A_75 = vector.load %arg7[%swap3A_72, %swap3A_73, %swap3A_74] : memref<45x8x1024xf32, #tpu.memory_space<vmem>>, vector<45x1x1024xf32>
    %swap3A_76 = vector.shape_cast %swap3A_75 : vector<45x1x1024xf32> to vector<45x1024xf32>
    %swap3A_77 = vector.shape_cast %add3A_71 : vector<45x1024xf32> to vector<45x1x1024xf32>
    tpu.vector_store %arg7[%swap3A_72, %swap3A_73, %swap3A_74], %swap3A_77 {strides = array<i32>} : memref<45x8x1024xf32, #tpu.memory_space<vmem>>, vector<45x1x1024xf32>,
    %get3A_78 = arith.constant 0 : index
    %get3A_79 = arith.constant 0 : index
    %get3A_80 = vector.load %arg4[%get3A_78, %get3A_79] : memref<45x128xf32, #tpu.memory_space<vmem>>, vector<45x128xf32>
    %slice3A_81 = vector.extract_strided_slice %max3A_11 {offsets = [4096, 0], sizes = [1024, 128], strides = [1, 1]} : vector<8192x128xf32> to vector<1024x128xf32>
    %dot_general3A_82 = arith.constant dense<0.000000e+00> : vector<45x1024xf32>
    %dot_general3A_83 = tpu.matmul %get3A_80, %slice3A_81, %dot_general3A_82 {dimension_numbers = #tpu.dot_dimension_numbers<[1], [1], [0], [0], [0, 0, 1, 0], [], []>, transpose_lhs_hint = false} : vector<45x128xf32>, vector<1024x128xf32>, vector<45x1024xf32> -> vector<45x1024xf32>
    %get3A_84 = arith.constant 0 : index
    %get3A_85 = arith.constant 0 : index
    %get3A_86 = vector.load %arg5[%get3A_84, %get3A_85] : memref<45x1xf32, #tpu.memory_space<vmem>>, vector<45x1xf32>
    %add3A_87 = vector.broadcast %get3A_86 : vector<45x1xf32> to vector<45x1024xf32>
    %add3A_88 = arith.addf %dot_general3A_83, %add3A_87 : vector<45x1024xf32>
    %swap3A_89 = arith.constant 0 : index
    %swap3A_90 = arith.constant 4 : index
    %swap3A_91 = arith.constant 0 : index
    %swap3A_92 = vector.load %arg7[%swap3A_89, %swap3A_90, %swap3A_91] : memref<45x8x1024xf32, #tpu.memory_space<vmem>>, vector<45x1x1024xf32>
    %swap3A_93 = vector.shape_cast %swap3A_92 : vector<45x1x1024xf32> to vector<45x1024xf32>
    %swap3A_94 = vector.shape_cast %add3A_88 : vector<45x1024xf32> to vector<45x1x1024xf32>
    tpu.vector_store %arg7[%swap3A_89, %swap3A_90, %swap3A_91], %swap3A_94 {strides = array<i32>} : memref<45x8x1024xf32, #tpu.memory_space<vmem>>, vector<45x1x1024xf32>,
    %get3A_95 = arith.constant 0 : index
    %get3A_96 = arith.constant 0 : index
    %get3A_97 = vector.load %arg4[%get3A_95, %get3A_96] : memref<45x128xf32, #tpu.memory_space<vmem>>, vector<45x128xf32>
    %slice3A_98 = vector.extract_strided_slice %max3A_11 {offsets = [5120, 0], sizes = [1024, 128], strides = [1, 1]} : vector<8192x128xf32> to vector<1024x128xf32>
    %dot_general3A_99 = arith.constant dense<0.000000e+00> : vector<45x1024xf32>
    %dot_general3A_100 = tpu.matmul %get3A_97, %slice3A_98, %dot_general3A_99 {dimension_numbers = #tpu.dot_dimension_numbers<[1], [1], [0], [0], [0, 0, 1, 0], [], []>, transpose_lhs_hint = false} : vector<45x128xf32>, vector<1024x128xf32>, vector<45x1024xf32> -> vector<45x1024xf32>
    %get3A_101 = arith.constant 0 : index
    %get3A_102 = arith.constant 0 : index
    %get3A_103 = vector.load %arg5[%get3A_101, %get3A_102] : memref<45x1xf32, #tpu.memory_space<vmem>>, vector<45x1xf32>
    %add3A_104 = vector.broadcast %get3A_103 : vector<45x1xf32> to vector<45x1024xf32>
    %add3A_105 = arith.addf %dot_general3A_100, %add3A_104 : vector<45x1024xf32>
    %swap3A_106 = arith.constant 0 : index
    %swap3A_107 = arith.constant 5 : index
    %swap3A_108 = arith.constant 0 : index
    %swap3A_109 = vector.load %arg7[%swap3A_106, %swap3A_107, %swap3A_108] : memref<45x8x1024xf32, #tpu.memory_space<vmem>>, vector<45x1x1024xf32>
    %swap3A_110 = vector.shape_cast %swap3A_109 : vector<45x1x1024xf32> to vector<45x1024xf32>
    %swap3A_111 = vector.shape_cast %add3A_105 : vector<45x1024xf32> to vector<45x1x1024xf32>
    tpu.vector_store %arg7[%swap3A_106, %swap3A_107, %swap3A_108], %swap3A_111 {strides = array<i32>} : memref<45x8x1024xf32, #tpu.memory_space<vmem>>, vector<45x1x1024xf32>,
    %get3A_112 = arith.constant 0 : index
    %get3A_113 = arith.constant 0 : index
    %get3A_114 = vector.load %arg4[%get3A_112, %get3A_113] : memref<45x128xf32, #tpu.memory_space<vmem>>, vector<45x128xf32>
    %slice3A_115 = vector.extract_strided_slice %max3A_11 {offsets = [6144, 0], sizes = [1024, 128], strides = [1, 1]} : vector<8192x128xf32> to vector<1024x128xf32>
    %dot_general3A_116 = arith.constant dense<0.000000e+00> : vector<45x1024xf32>
    %dot_general3A_117 = tpu.matmul %get3A_114, %slice3A_115, %dot_general3A_116 {dimension_numbers = #tpu.dot_dimension_numbers<[1], [1], [0], [0], [0, 0, 1, 0], [], []>, transpose_lhs_hint = false} : vector<45x128xf32>, vector<1024x128xf32>, vector<45x1024xf32> -> vector<45x1024xf32>
    %get3A_118 = arith.constant 0 : index
    %get3A_119 = arith.constant 0 : index
    %get3A_120 = vector.load %arg5[%get3A_118, %get3A_119] : memref<45x1xf32, #tpu.memory_space<vmem>>, vector<45x1xf32>
    %add3A_121 = vector.broadcast %get3A_120 : vector<45x1xf32> to vector<45x1024xf32>
    %add3A_122 = arith.addf %dot_general3A_117, %add3A_121 : vector<45x1024xf32>
    %swap3A_123 = arith.constant 0 : index
    %swap3A_124 = arith.constant 6 : index
    %swap3A_125 = arith.constant 0 : index
    %swap3A_126 = vector.load %arg7[%swap3A_123, %swap3A_124, %swap3A_125] : memref<45x8x1024xf32, #tpu.memory_space<vmem>>, vector<45x1x1024xf32>
    %swap3A_127 = vector.shape_cast %swap3A_126 : vector<45x1x1024xf32> to vector<45x1024xf32>
    %swap3A_128 = vector.shape_cast %add3A_122 : vector<45x1024xf32> to vector<45x1x1024xf32>
    tpu.vector_store %arg7[%swap3A_123, %swap3A_124, %swap3A_125], %swap3A_128 {strides = array<i32>} : memref<45x8x1024xf32, #tpu.memory_space<vmem>>, vector<45x1x1024xf32>,
    %get3A_129 = arith.constant 0 : index
    %get3A_130 = arith.constant 0 : index
    %get3A_131 = vector.load %arg4[%get3A_129, %get3A_130] : memref<45x128xf32, #tpu.memory_space<vmem>>, vector<45x128xf32>
    %slice3A_132 = vector.extract_strided_slice %max3A_11 {offsets = [7168, 0], sizes = [1024, 128], strides = [1, 1]} : vector<8192x128xf32> to vector<1024x128xf32>
    %dot_general3A_133 = arith.constant dense<0.000000e+00> : vector<45x1024xf32>
    %dot_general3A_134 = tpu.matmul %get3A_131, %slice3A_132, %dot_general3A_133 {dimension_numbers = #tpu.dot_dimension_numbers<[1], [1], [0], [0], [0, 0, 1, 0], [], []>, transpose_lhs_hint = false} : vector<45x128xf32>, vector<1024x128xf32>, vector<45x1024xf32> -> vector<45x1024xf32>
    %get3A_135 = arith.constant 0 : index
    %get3A_136 = arith.constant 0 : index
    %get3A_137 = vector.load %arg5[%get3A_135, %get3A_136] : memref<45x1xf32, #tpu.memory_space<vmem>>, vector<45x1xf32>
    %add3A_138 = vector.broadcast %get3A_137 : vector<45x1xf32> to vector<45x1024xf32>
    %add3A_139 = arith.addf %dot_general3A_134, %add3A_138 : vector<45x1024xf32>
    %swap3A_140 = arith.constant 0 : index
    %swap3A_141 = arith.constant 7 : index
    %swap3A_142 = arith.constant 0 : index
    %swap3A_143 = vector.load %arg7[%swap3A_140, %swap3A_141, %swap3A_142] : memref<45x8x1024xf32, #tpu.memory_space<vmem>>, vector<45x1x1024xf32>
    %swap3A_144 = vector.shape_cast %swap3A_143 : vector<45x1x1024xf32> to vector<45x1024xf32>
    %swap3A_145 = vector.shape_cast %add3A_139 : vector<45x1024xf32> to vector<45x1x1024xf32>
    tpu.vector_store %arg7[%swap3A_140, %swap3A_141, %swap3A_142], %swap3A_145 {strides = array<i32>} : memref<45x8x1024xf32, #tpu.memory_space<vmem>>, vector<45x1x1024xf32>,
    return
  }
  func.func @transform_0(%arg0: i32) -> (i32, i32) {
    %c0_i32 = arith.constant 0 : i32
    %c0_i32_0 = arith.constant 0 : i32
    return %arg0, %c0_i32 : i32, i32
  }
  func.func @transform_1(%arg0: i32) -> (i32, i32) {
    %c0_i32 = arith.constant 0 : i32
    %c0_i32_0 = arith.constant 0 : i32
    %c0_i32_1 = arith.constant 0 : i32
    return %c0_i32, %c0_i32_0 : i32, i32
  }
  func.func @transform_2(%arg0: i32) -> (i32, i32) {
    %c0_i32 = arith.constant 0 : i32
    %c0_i32_0 = arith.constant 0 : i32
    %c0_i32_1 = arith.constant 0 : i32
    return %c0_i32, %c0_i32_0 : i32, i32
  }
  func.func @transform_3(%arg0: i32) -> (i32, i32) {
    %c0_i32 = arith.constant 0 : i32
    %c0_i32_0 = arith.constant 0 : i32
    %c0_i32_1 = arith.constant 0 : i32
    return %c0_i32, %c0_i32_0 : i32, i32
  }
  func.func @transform_4(%arg0: i32) -> (i32, i32) {
    %c0_i32 = arith.constant 0 : i32
    %c0_i32_0 = arith.constant 0 : i32
    %c0_i32_1 = arith.constant 0 : i32
    return %c0_i32, %c0_i32_0 : i32, i32
  }
  func.func @transform_6(%arg0: i32) -> (i32, i32, i32) {
    %add3A = arith.constant 10 : i32
    %add3A_0 = arith.addi %add3A, %arg0 : i32
    %c0_i32 = arith.constant 0 : i32
    %c0_i32_1 = arith.constant 0 : i32
    %c0_i32_2 = arith.constant 0 : i32
    return %c0_i32, %add3A_0, %c0_i32_1 : i32, i32, i32
  }
}

module attributes {stable_mosaic.version = 14 : i64} {
  func.func @_mlp_kernel_acc(%arg0: i32, %arg1: memref<8192x128xf32, #tpu.memory_space<vmem>>, %arg2: memref<128x128xf32, #tpu.memory_space<vmem>>, %arg3: memref<1x128xf32, #tpu.memory_space<vmem>>, %arg4: memref<45x128xf32, #tpu.memory_space<vmem>>, %arg5: memref<45x1xf32, #tpu.memory_space<vmem>>, %arg6: memref<45x200x1024xf32, #tpu.memory_space<any>>, %arg7: memref<45x8x1024xf32, #tpu.memory_space<vmem>>) attributes {dimension_semantics = [#tpu.dimension_semantics<arbitrary>], iteration_bounds = array<i64: 5>, scalar_prefetch = 0 : i64, scratch_operands = 0 : i64, tpu.core_type = #tpu.core_type<tc>, window_params = [{transform_indices = @transform_0, window_bounds = array<i64: 8192, 128>}, {pipeline_mode = #tpu.pipeline_mode<synchronous>, transform_indices = @transform_1, window_bounds = array<i64: 128, 128>}, {pipeline_mode = #tpu.pipeline_mode<synchronous>, transform_indices = @transform_2, window_bounds = array<i64: 1, 128>}, {pipeline_mode = #tpu.pipeline_mode<synchronous>, transform_indices = @transform_3, window_bounds = array<i64: 45, 128>}, {pipeline_mode = #tpu.pipeline_mode<synchronous>, transform_indices = @transform_4, window_bounds = array<i64: 45, 1>}, {}, {transform_indices = @transform_6, window_bounds = array<i64: 45, 8, 1024>}]} {
    %get3A = arith.constant 0 : index
    %get3A_0 = arith.constant 0 : index
    %get3A_1 = vector.load %arg1[%get3A, %get3A_0] : memref<8192x128xf32, #tpu.memory_space<vmem>>, vector<8192x128xf32>
    %get3A_2 = arith.constant 0 : index
    %get3A_3 = arith.constant 0 : index
    %get3A_4 = vector.load %arg2[%get3A_2, %get3A_3] : memref<128x128xf32, #tpu.memory_space<vmem>>, vector<128x128xf32>
    %dot_general3A = arith.constant dense<0.000000e+00> : vector<8192x128xf32>
    %dot_general3A_5 = tpu.matmul %get3A_1, %get3A_4, %dot_general3A {dimension_numbers = #tpu.dot_dimension_numbers<[1], [0], [0], [1], [0, 0, 1, 1], [], []>, transpose_lhs_hint = false} : vector<8192x128xf32>, vector<128x128xf32>, vector<8192x128xf32> -> vector<8192x128xf32>
    %get3A_6 = arith.constant 0 : index
    %get3A_7 = arith.constant 0 : index
    %get3A_8 = vector.load %arg3[%get3A_6, %get3A_7] : memref<1x128xf32, #tpu.memory_space<vmem>>, vector<1x128xf32>
    %add3A = vector.broadcast %get3A_8 : vector<1x128xf32> to vector<8192x128xf32>
    %add3A_9 = arith.addf %dot_general3A_5, %add3A : vector<8192x128xf32>
    %max3A = arith.constant 0.000000e+00 : f32
    %max3A_10 = vector.broadcast %max3A : f32 to vector<8192x128xf32>
    %max3A_11 = arith.maximumf %add3A_9, %max3A_10 : vector<8192x128xf32>
    %get3A_12 = arith.constant 0 : index
    %get3A_13 = arith.constant 0 : index
    %get3A_14 = vector.load %arg4[%get3A_12, %get3A_13] : memref<45x128xf32, #tpu.memory_space<vmem>>, vector<45x128xf32>
    %slice3A = vector.extract_strided_slice %max3A_11 {offsets = [0, 0], sizes = [1024, 128], strides = [1, 1]} : vector<8192x128xf32> to vector<1024x128xf32>
    %dot_general3A_15 = arith.constant dense<0.000000e+00> : vector<45x1024xf32>
    %dot_general3A_16 = tpu.matmul %get3A_14, %slice3A, %dot_general3A_15 {dimension_numbers = #tpu.dot_dimension_numbers<[1], [1], [0], [0], [0, 0, 1, 0], [], []>, transpose_lhs_hint = false} : vector<45x128xf32>, vector<1024x128xf32>, vector<45x1024xf32> -> vector<45x1024xf32>
    %get3A_17 = arith.constant 0 : index
    %get3A_18 = arith.constant 0 : index
    %get3A_19 = vector.load %arg5[%get3A_17, %get3A_18] : memref<45x1xf32, #tpu.memory_space<vmem>>, vector<45x1xf32>
    %add3A_20 = vector.broadcast %get3A_19 : vector<45x1xf32> to vector<45x1024xf32>
    %add3A_21 = arith.addf %dot_general3A_16, %add3A_20 : vector<45x1024xf32>
    %swap3A = arith.constant 0 : index
    %swap3A_22 = arith.constant 0 : index
    %swap3A_23 = arith.constant 0 : index
    %swap3A_24 = vector.load %arg7[%swap3A, %swap3A_22, %swap3A_23] : memref<45x8x1024xf32, #tpu.memory_space<vmem>>, vector<45x1x1024xf32>
    %swap3A_25 = vector.shape_cast %swap3A_24 : vector<45x1x1024xf32> to vector<45x1024xf32>
    %swap3A_26 = vector.shape_cast %add3A_21 : vector<45x1024xf32> to vector<45x1x1024xf32>
    tpu.vector_store %arg7[%swap3A, %swap3A_22, %swap3A_23], %swap3A_26 {strides = array<i32>} : memref<45x8x1024xf32, #tpu.memory_space<vmem>>, vector<45x1x1024xf32>,
    %get3A_27 = arith.constant 0 : index
    %get3A_28 = arith.constant 0 : index
    %get3A_29 = vector.load %arg4[%get3A_27, %get3A_28] : memref<45x128xf32, #tpu.memory_space<vmem>>, vector<45x128xf32>
    %slice3A_30 = vector.extract_strided_slice %max3A_11 {offsets = [1024, 0], sizes = [1024, 128], strides = [1, 1]} : vector<8192x128xf32> to vector<1024x128xf32>
    %dot_general3A_31 = arith.constant dense<0.000000e+00> : vector<45x1024xf32>
    %dot_general3A_32 = tpu.matmul %get3A_29, %slice3A_30, %dot_general3A_31 {dimension_numbers = #tpu.dot_dimension_numbers<[1], [1], [0], [0], [0, 0, 1, 0], [], []>, transpose_lhs_hint = false} : vector<45x128xf32>, vector<1024x128xf32>, vector<45x1024xf32> -> vector<45x1024xf32>
    %get3A_33 = arith.constant 0 : index
    %get3A_34 = arith.constant 0 : index
    %get3A_35 = vector.load %arg5[%get3A_33, %get3A_34] : memref<45x1xf32, #tpu.memory_space<vmem>>, vector<45x1xf32>
    %add3A_36 = vector.broadcast %get3A_35 : vector<45x1xf32> to vector<45x1024xf32>
    %add3A_37 = arith.addf %dot_general3A_32, %add3A_36 : vector<45x1024xf32>
    %swap3A_38 = arith.constant 0 : index
    %swap3A_39 = arith.constant 1 : index
    %swap3A_40 = arith.constant 0 : index
    %swap3A_41 = vector.load %arg7[%swap3A_38, %swap3A_39, %swap3A_40] : memref<45x8x1024xf32, #tpu.memory_space<vmem>>, vector<45x1x1024xf32>
    %swap3A_42 = vector.shape_cast %swap3A_41 : vector<45x1x1024xf32> to vector<45x1024xf32>
    %swap3A_43 = vector.shape_cast %add3A_37 : vector<45x1024xf32> to vector<45x1x1024xf32>
    tpu.vector_store %arg7[%swap3A_38, %swap3A_39, %swap3A_40], %swap3A_43 {strides = array<i32>} : memref<45x8x1024xf32, #tpu.memory_space<vmem>>, vector<45x1x1024xf32>,
    %get3A_44 = arith.constant 0 : index
    %get3A_45 = arith.constant 0 : index
    %get3A_46 = vector.load %arg4[%get3A_44, %get3A_45] : memref<45x128xf32, #tpu.memory_space<vmem>>, vector<45x128xf32>
    %slice3A_47 = vector.extract_strided_slice %max3A_11 {offsets = [2048, 0], sizes = [1024, 128], strides = [1, 1]} : vector<8192x128xf32> to vector<1024x128xf32>
    %dot_general3A_48 = arith.constant dense<0.000000e+00> : vector<45x1024xf32>
    %dot_general3A_49 = tpu.matmul %get3A_46, %slice3A_47, %dot_general3A_48 {dimension_numbers = #tpu.dot_dimension_numbers<[1], [1], [0], [0], [0, 0, 1, 0], [], []>, transpose_lhs_hint = false} : vector<45x128xf32>, vector<1024x128xf32>, vector<45x1024xf32> -> vector<45x1024xf32>
    %get3A_50 = arith.constant 0 : index
    %get3A_51 = arith.constant 0 : index
    %get3A_52 = vector.load %arg5[%get3A_50, %get3A_51] : memref<45x1xf32, #tpu.memory_space<vmem>>, vector<45x1xf32>
    %add3A_53 = vector.broadcast %get3A_52 : vector<45x1xf32> to vector<45x1024xf32>
    %add3A_54 = arith.addf %dot_general3A_49, %add3A_53 : vector<45x1024xf32>
    %swap3A_55 = arith.constant 0 : index
    %swap3A_56 = arith.constant 2 : index
    %swap3A_57 = arith.constant 0 : index
    %swap3A_58 = vector.load %arg7[%swap3A_55, %swap3A_56, %swap3A_57] : memref<45x8x1024xf32, #tpu.memory_space<vmem>>, vector<45x1x1024xf32>
    %swap3A_59 = vector.shape_cast %swap3A_58 : vector<45x1x1024xf32> to vector<45x1024xf32>
    %swap3A_60 = vector.shape_cast %add3A_54 : vector<45x1024xf32> to vector<45x1x1024xf32>
    tpu.vector_store %arg7[%swap3A_55, %swap3A_56, %swap3A_57], %swap3A_60 {strides = array<i32>} : memref<45x8x1024xf32, #tpu.memory_space<vmem>>, vector<45x1x1024xf32>,
    %get3A_61 = arith.constant 0 : index
    %get3A_62 = arith.constant 0 : index
    %get3A_63 = vector.load %arg4[%get3A_61, %get3A_62] : memref<45x128xf32, #tpu.memory_space<vmem>>, vector<45x128xf32>
    %slice3A_64 = vector.extract_strided_slice %max3A_11 {offsets = [3072, 0], sizes = [1024, 128], strides = [1, 1]} : vector<8192x128xf32> to vector<1024x128xf32>
    %dot_general3A_65 = arith.constant dense<0.000000e+00> : vector<45x1024xf32>
    %dot_general3A_66 = tpu.matmul %get3A_63, %slice3A_64, %dot_general3A_65 {dimension_numbers = #tpu.dot_dimension_numbers<[1], [1], [0], [0], [0, 0, 1, 0], [], []>, transpose_lhs_hint = false} : vector<45x128xf32>, vector<1024x128xf32>, vector<45x1024xf32> -> vector<45x1024xf32>
    %get3A_67 = arith.constant 0 : index
    %get3A_68 = arith.constant 0 : index
    %get3A_69 = vector.load %arg5[%get3A_67, %get3A_68] : memref<45x1xf32, #tpu.memory_space<vmem>>, vector<45x1xf32>
    %add3A_70 = vector.broadcast %get3A_69 : vector<45x1xf32> to vector<45x1024xf32>
    %add3A_71 = arith.addf %dot_general3A_66, %add3A_70 : vector<45x1024xf32>
    %swap3A_72 = arith.constant 0 : index
    %swap3A_73 = arith.constant 3 : index
    %swap3A_74 = arith.constant 0 : index
    %swap3A_75 = vector.load %arg7[%swap3A_72, %swap3A_73, %swap3A_74] : memref<45x8x1024xf32, #tpu.memory_space<vmem>>, vector<45x1x1024xf32>
    %swap3A_76 = vector.shape_cast %swap3A_75 : vector<45x1x1024xf32> to vector<45x1024xf32>
    %swap3A_77 = vector.shape_cast %add3A_71 : vector<45x1024xf32> to vector<45x1x1024xf32>
    tpu.vector_store %arg7[%swap3A_72, %swap3A_73, %swap3A_74], %swap3A_77 {strides = array<i32>} : memref<45x8x1024xf32, #tpu.memory_space<vmem>>, vector<45x1x1024xf32>,
    %get3A_78 = arith.constant 0 : index
    %get3A_79 = arith.constant 0 : index
    %get3A_80 = vector.load %arg4[%get3A_78, %get3A_79] : memref<45x128xf32, #tpu.memory_space<vmem>>, vector<45x128xf32>
    %slice3A_81 = vector.extract_strided_slice %max3A_11 {offsets = [4096, 0], sizes = [1024, 128], strides = [1, 1]} : vector<8192x128xf32> to vector<1024x128xf32>
    %dot_general3A_82 = arith.constant dense<0.000000e+00> : vector<45x1024xf32>
    %dot_general3A_83 = tpu.matmul %get3A_80, %slice3A_81, %dot_general3A_82 {dimension_numbers = #tpu.dot_dimension_numbers<[1], [1], [0], [0], [0, 0, 1, 0], [], []>, transpose_lhs_hint = false} : vector<45x128xf32>, vector<1024x128xf32>, vector<45x1024xf32> -> vector<45x1024xf32>
    %get3A_84 = arith.constant 0 : index
    %get3A_85 = arith.constant 0 : index
    %get3A_86 = vector.load %arg5[%get3A_84, %get3A_85] : memref<45x1xf32, #tpu.memory_space<vmem>>, vector<45x1xf32>
    %add3A_87 = vector.broadcast %get3A_86 : vector<45x1xf32> to vector<45x1024xf32>
    %add3A_88 = arith.addf %dot_general3A_83, %add3A_87 : vector<45x1024xf32>
    %swap3A_89 = arith.constant 0 : index
    %swap3A_90 = arith.constant 4 : index
    %swap3A_91 = arith.constant 0 : index
    %swap3A_92 = vector.load %arg7[%swap3A_89, %swap3A_90, %swap3A_91] : memref<45x8x1024xf32, #tpu.memory_space<vmem>>, vector<45x1x1024xf32>
    %swap3A_93 = vector.shape_cast %swap3A_92 : vector<45x1x1024xf32> to vector<45x1024xf32>
    %swap3A_94 = vector.shape_cast %add3A_88 : vector<45x1024xf32> to vector<45x1x1024xf32>
    tpu.vector_store %arg7[%swap3A_89, %swap3A_90, %swap3A_91], %swap3A_94 {strides = array<i32>} : memref<45x8x1024xf32, #tpu.memory_space<vmem>>, vector<45x1x1024xf32>,
    %get3A_95 = arith.constant 0 : index
    %get3A_96 = arith.constant 0 : index
    %get3A_97 = vector.load %arg4[%get3A_95, %get3A_96] : memref<45x128xf32, #tpu.memory_space<vmem>>, vector<45x128xf32>
    %slice3A_98 = vector.extract_strided_slice %max3A_11 {offsets = [5120, 0], sizes = [1024, 128], strides = [1, 1]} : vector<8192x128xf32> to vector<1024x128xf32>
    %dot_general3A_99 = arith.constant dense<0.000000e+00> : vector<45x1024xf32>
    %dot_general3A_100 = tpu.matmul %get3A_97, %slice3A_98, %dot_general3A_99 {dimension_numbers = #tpu.dot_dimension_numbers<[1], [1], [0], [0], [0, 0, 1, 0], [], []>, transpose_lhs_hint = false} : vector<45x128xf32>, vector<1024x128xf32>, vector<45x1024xf32> -> vector<45x1024xf32>
    %get3A_101 = arith.constant 0 : index
    %get3A_102 = arith.constant 0 : index
    %get3A_103 = vector.load %arg5[%get3A_101, %get3A_102] : memref<45x1xf32, #tpu.memory_space<vmem>>, vector<45x1xf32>
    %add3A_104 = vector.broadcast %get3A_103 : vector<45x1xf32> to vector<45x1024xf32>
    %add3A_105 = arith.addf %dot_general3A_100, %add3A_104 : vector<45x1024xf32>
    %swap3A_106 = arith.constant 0 : index
    %swap3A_107 = arith.constant 5 : index
    %swap3A_108 = arith.constant 0 : index
    %swap3A_109 = vector.load %arg7[%swap3A_106, %swap3A_107, %swap3A_108] : memref<45x8x1024xf32, #tpu.memory_space<vmem>>, vector<45x1x1024xf32>
    %swap3A_110 = vector.shape_cast %swap3A_109 : vector<45x1x1024xf32> to vector<45x1024xf32>
    %swap3A_111 = vector.shape_cast %add3A_105 : vector<45x1024xf32> to vector<45x1x1024xf32>
    tpu.vector_store %arg7[%swap3A_106, %swap3A_107, %swap3A_108], %swap3A_111 {strides = array<i32>} : memref<45x8x1024xf32, #tpu.memory_space<vmem>>, vector<45x1x1024xf32>,
    %get3A_112 = arith.constant 0 : index
    %get3A_113 = arith.constant 0 : index
    %get3A_114 = vector.load %arg4[%get3A_112, %get3A_113] : memref<45x128xf32, #tpu.memory_space<vmem>>, vector<45x128xf32>
    %slice3A_115 = vector.extract_strided_slice %max3A_11 {offsets = [6144, 0], sizes = [1024, 128], strides = [1, 1]} : vector<8192x128xf32> to vector<1024x128xf32>
    %dot_general3A_116 = arith.constant dense<0.000000e+00> : vector<45x1024xf32>
    %dot_general3A_117 = tpu.matmul %get3A_114, %slice3A_115, %dot_general3A_116 {dimension_numbers = #tpu.dot_dimension_numbers<[1], [1], [0], [0], [0, 0, 1, 0], [], []>, transpose_lhs_hint = false} : vector<45x128xf32>, vector<1024x128xf32>, vector<45x1024xf32> -> vector<45x1024xf32>
    %get3A_118 = arith.constant 0 : index
    %get3A_119 = arith.constant 0 : index
    %get3A_120 = vector.load %arg5[%get3A_118, %get3A_119] : memref<45x1xf32, #tpu.memory_space<vmem>>, vector<45x1xf32>
    %add3A_121 = vector.broadcast %get3A_120 : vector<45x1xf32> to vector<45x1024xf32>
    %add3A_122 = arith.addf %dot_general3A_117, %add3A_121 : vector<45x1024xf32>
    %swap3A_123 = arith.constant 0 : index
    %swap3A_124 = arith.constant 6 : index
    %swap3A_125 = arith.constant 0 : index
    %swap3A_126 = vector.load %arg7[%swap3A_123, %swap3A_124, %swap3A_125] : memref<45x8x1024xf32, #tpu.memory_space<vmem>>, vector<45x1x1024xf32>
    %swap3A_127 = vector.shape_cast %swap3A_126 : vector<45x1x1024xf32> to vector<45x1024xf32>
    %swap3A_128 = vector.shape_cast %add3A_122 : vector<45x1024xf32> to vector<45x1x1024xf32>
    tpu.vector_store %arg7[%swap3A_123, %swap3A_124, %swap3A_125], %swap3A_128 {strides = array<i32>} : memref<45x8x1024xf32, #tpu.memory_space<vmem>>, vector<45x1x1024xf32>,
    %get3A_129 = arith.constant 0 : index
    %get3A_130 = arith.constant 0 : index
    %get3A_131 = vector.load %arg4[%get3A_129, %get3A_130] : memref<45x128xf32, #tpu.memory_space<vmem>>, vector<45x128xf32>
    %slice3A_132 = vector.extract_strided_slice %max3A_11 {offsets = [7168, 0], sizes = [1024, 128], strides = [1, 1]} : vector<8192x128xf32> to vector<1024x128xf32>
    %dot_general3A_133 = arith.constant dense<0.000000e+00> : vector<45x1024xf32>
    %dot_general3A_134 = tpu.matmul %get3A_131, %slice3A_132, %dot_general3A_133 {dimension_numbers = #tpu.dot_dimension_numbers<[1], [1], [0], [0], [0, 0, 1, 0], [], []>, transpose_lhs_hint = false} : vector<45x128xf32>, vector<1024x128xf32>, vector<45x1024xf32> -> vector<45x1024xf32>
    %get3A_135 = arith.constant 0 : index
    %get3A_136 = arith.constant 0 : index
    %get3A_137 = vector.load %arg5[%get3A_135, %get3A_136] : memref<45x1xf32, #tpu.memory_space<vmem>>, vector<45x1xf32>
    %add3A_138 = vector.broadcast %get3A_137 : vector<45x1xf32> to vector<45x1024xf32>
    %add3A_139 = arith.addf %dot_general3A_134, %add3A_138 : vector<45x1024xf32>
    %swap3A_140 = arith.constant 0 : index
    %swap3A_141 = arith.constant 7 : index
    %swap3A_142 = arith.constant 0 : index
    %swap3A_143 = vector.load %arg7[%swap3A_140, %swap3A_141, %swap3A_142] : memref<45x8x1024xf32, #tpu.memory_space<vmem>>, vector<45x1x1024xf32>
    %swap3A_144 = vector.shape_cast %swap3A_143 : vector<45x1x1024xf32> to vector<45x1024xf32>
    %swap3A_145 = vector.shape_cast %add3A_139 : vector<45x1024xf32> to vector<45x1x1024xf32>
    tpu.vector_store %arg7[%swap3A_140, %swap3A_141, %swap3A_142], %swap3A_145 {strides = array<i32>} : memref<45x8x1024xf32, #tpu.memory_space<vmem>>, vector<45x1x1024xf32>,
    return
  }
  func.func @transform_0(%arg0: i32) -> (i32, i32) {
    %c0_i32 = arith.constant 0 : i32
    %c0_i32_0 = arith.constant 0 : i32
    return %arg0, %c0_i32 : i32, i32
  }
  func.func @transform_1(%arg0: i32) -> (i32, i32) {
    %c0_i32 = arith.constant 0 : i32
    %c0_i32_0 = arith.constant 0 : i32
    %c0_i32_1 = arith.constant 0 : i32
    return %c0_i32, %c0_i32_0 : i32, i32
  }
  func.func @transform_2(%arg0: i32) -> (i32, i32) {
    %c0_i32 = arith.constant 0 : i32
    %c0_i32_0 = arith.constant 0 : i32
    %c0_i32_1 = arith.constant 0 : i32
    return %c0_i32, %c0_i32_0 : i32, i32
  }
  func.func @transform_3(%arg0: i32) -> (i32, i32) {
    %c0_i32 = arith.constant 0 : i32
    %c0_i32_0 = arith.constant 0 : i32
    %c0_i32_1 = arith.constant 0 : i32
    return %c0_i32, %c0_i32_0 : i32, i32
  }
  func.func @transform_4(%arg0: i32) -> (i32, i32) {
    %c0_i32 = arith.constant 0 : i32
    %c0_i32_0 = arith.constant 0 : i32
    %c0_i32_1 = arith.constant 0 : i32
    return %c0_i32, %c0_i32_0 : i32, i32
  }
  func.func @transform_6(%arg0: i32) -> (i32, i32, i32) {
    %add3A = arith.constant 5 : i32
    %add3A_0 = arith.addi %add3A, %arg0 : i32
    %c0_i32 = arith.constant 0 : i32
    %c0_i32_1 = arith.constant 0 : i32
    %c0_i32_2 = arith.constant 0 : i32
    return %c0_i32, %add3A_0, %c0_i32_1 : i32, i32, i32
  }
}

module attributes {stable_mosaic.version = 14 : i64} {
  func.func @_mlp_kernel_acc(%arg0: i32, %arg1: memref<8192x128xf32, #tpu.memory_space<vmem>>, %arg2: memref<128x128xf32, #tpu.memory_space<vmem>>, %arg3: memref<1x128xf32, #tpu.memory_space<vmem>>, %arg4: memref<45x128xf32, #tpu.memory_space<vmem>>, %arg5: memref<45x1xf32, #tpu.memory_space<vmem>>, %arg6: memref<45x200x1024xf32, #tpu.memory_space<any>>, %arg7: memref<45x8x1024xf32, #tpu.memory_space<vmem>>) attributes {dimension_semantics = [#tpu.dimension_semantics<arbitrary>], iteration_bounds = array<i64: 5>, scalar_prefetch = 0 : i64, scratch_operands = 0 : i64, tpu.core_type = #tpu.core_type<tc>, window_params = [{transform_indices = @transform_0, window_bounds = array<i64: 8192, 128>}, {pipeline_mode = #tpu.pipeline_mode<synchronous>, transform_indices = @transform_1, window_bounds = array<i64: 128, 128>}, {pipeline_mode = #tpu.pipeline_mode<synchronous>, transform_indices = @transform_2, window_bounds = array<i64: 1, 128>}, {pipeline_mode = #tpu.pipeline_mode<synchronous>, transform_indices = @transform_3, window_bounds = array<i64: 45, 128>}, {pipeline_mode = #tpu.pipeline_mode<synchronous>, transform_indices = @transform_4, window_bounds = array<i64: 45, 1>}, {}, {transform_indices = @transform_6, window_bounds = array<i64: 45, 8, 1024>}]} {
    %get3A = arith.constant 0 : index
    %get3A_0 = arith.constant 0 : index
    %get3A_1 = vector.load %arg1[%get3A, %get3A_0] : memref<8192x128xf32, #tpu.memory_space<vmem>>, vector<8192x128xf32>
    %get3A_2 = arith.constant 0 : index
    %get3A_3 = arith.constant 0 : index
    %get3A_4 = vector.load %arg2[%get3A_2, %get3A_3] : memref<128x128xf32, #tpu.memory_space<vmem>>, vector<128x128xf32>
    %dot_general3A = arith.constant dense<0.000000e+00> : vector<8192x128xf32>
    %dot_general3A_5 = tpu.matmul %get3A_1, %get3A_4, %dot_general3A {dimension_numbers = #tpu.dot_dimension_numbers<[1], [0], [0], [1], [0, 0, 1, 1], [], []>, transpose_lhs_hint = false} : vector<8192x128xf32>, vector<128x128xf32>, vector<8192x128xf32> -> vector<8192x128xf32>
    %get3A_6 = arith.constant 0 : index
    %get3A_7 = arith.constant 0 : index
    %get3A_8 = vector.load %arg3[%get3A_6, %get3A_7] : memref<1x128xf32, #tpu.memory_space<vmem>>, vector<1x128xf32>
    %add3A = vector.broadcast %get3A_8 : vector<1x128xf32> to vector<8192x128xf32>
    %add3A_9 = arith.addf %dot_general3A_5, %add3A : vector<8192x128xf32>
    %max3A = arith.constant 0.000000e+00 : f32
    %max3A_10 = vector.broadcast %max3A : f32 to vector<8192x128xf32>
    %max3A_11 = arith.maximumf %add3A_9, %max3A_10 : vector<8192x128xf32>
    %get3A_12 = arith.constant 0 : index
    %get3A_13 = arith.constant 0 : index
    %get3A_14 = vector.load %arg4[%get3A_12, %get3A_13] : memref<45x128xf32, #tpu.memory_space<vmem>>, vector<45x128xf32>
    %slice3A = vector.extract_strided_slice %max3A_11 {offsets = [0, 0], sizes = [1024, 128], strides = [1, 1]} : vector<8192x128xf32> to vector<1024x128xf32>
    %dot_general3A_15 = arith.constant dense<0.000000e+00> : vector<45x1024xf32>
    %dot_general3A_16 = tpu.matmul %get3A_14, %slice3A, %dot_general3A_15 {dimension_numbers = #tpu.dot_dimension_numbers<[1], [1], [0], [0], [0, 0, 1, 0], [], []>, transpose_lhs_hint = false} : vector<45x128xf32>, vector<1024x128xf32>, vector<45x1024xf32> -> vector<45x1024xf32>
    %get3A_17 = arith.constant 0 : index
    %get3A_18 = arith.constant 0 : index
    %get3A_19 = vector.load %arg5[%get3A_17, %get3A_18] : memref<45x1xf32, #tpu.memory_space<vmem>>, vector<45x1xf32>
    %add3A_20 = vector.broadcast %get3A_19 : vector<45x1xf32> to vector<45x1024xf32>
    %add3A_21 = arith.addf %dot_general3A_16, %add3A_20 : vector<45x1024xf32>
    %swap3A = arith.constant 0 : index
    %swap3A_22 = arith.constant 0 : index
    %swap3A_23 = arith.constant 0 : index
    %swap3A_24 = vector.load %arg7[%swap3A, %swap3A_22, %swap3A_23] : memref<45x8x1024xf32, #tpu.memory_space<vmem>>, vector<45x1x1024xf32>
    %swap3A_25 = vector.shape_cast %swap3A_24 : vector<45x1x1024xf32> to vector<45x1024xf32>
    %swap3A_26 = vector.shape_cast %add3A_21 : vector<45x1024xf32> to vector<45x1x1024xf32>
    tpu.vector_store %arg7[%swap3A, %swap3A_22, %swap3A_23], %swap3A_26 {strides = array<i32>} : memref<45x8x1024xf32, #tpu.memory_space<vmem>>, vector<45x1x1024xf32>,
    %get3A_27 = arith.constant 0 : index
    %get3A_28 = arith.constant 0 : index
    %get3A_29 = vector.load %arg4[%get3A_27, %get3A_28] : memref<45x128xf32, #tpu.memory_space<vmem>>, vector<45x128xf32>
    %slice3A_30 = vector.extract_strided_slice %max3A_11 {offsets = [1024, 0], sizes = [1024, 128], strides = [1, 1]} : vector<8192x128xf32> to vector<1024x128xf32>
    %dot_general3A_31 = arith.constant dense<0.000000e+00> : vector<45x1024xf32>
    %dot_general3A_32 = tpu.matmul %get3A_29, %slice3A_30, %dot_general3A_31 {dimension_numbers = #tpu.dot_dimension_numbers<[1], [1], [0], [0], [0, 0, 1, 0], [], []>, transpose_lhs_hint = false} : vector<45x128xf32>, vector<1024x128xf32>, vector<45x1024xf32> -> vector<45x1024xf32>
    %get3A_33 = arith.constant 0 : index
    %get3A_34 = arith.constant 0 : index
    %get3A_35 = vector.load %arg5[%get3A_33, %get3A_34] : memref<45x1xf32, #tpu.memory_space<vmem>>, vector<45x1xf32>
    %add3A_36 = vector.broadcast %get3A_35 : vector<45x1xf32> to vector<45x1024xf32>
    %add3A_37 = arith.addf %dot_general3A_32, %add3A_36 : vector<45x1024xf32>
    %swap3A_38 = arith.constant 0 : index
    %swap3A_39 = arith.constant 1 : index
    %swap3A_40 = arith.constant 0 : index
    %swap3A_41 = vector.load %arg7[%swap3A_38, %swap3A_39, %swap3A_40] : memref<45x8x1024xf32, #tpu.memory_space<vmem>>, vector<45x1x1024xf32>
    %swap3A_42 = vector.shape_cast %swap3A_41 : vector<45x1x1024xf32> to vector<45x1024xf32>
    %swap3A_43 = vector.shape_cast %add3A_37 : vector<45x1024xf32> to vector<45x1x1024xf32>
    tpu.vector_store %arg7[%swap3A_38, %swap3A_39, %swap3A_40], %swap3A_43 {strides = array<i32>} : memref<45x8x1024xf32, #tpu.memory_space<vmem>>, vector<45x1x1024xf32>,
    %get3A_44 = arith.constant 0 : index
    %get3A_45 = arith.constant 0 : index
    %get3A_46 = vector.load %arg4[%get3A_44, %get3A_45] : memref<45x128xf32, #tpu.memory_space<vmem>>, vector<45x128xf32>
    %slice3A_47 = vector.extract_strided_slice %max3A_11 {offsets = [2048, 0], sizes = [1024, 128], strides = [1, 1]} : vector<8192x128xf32> to vector<1024x128xf32>
    %dot_general3A_48 = arith.constant dense<0.000000e+00> : vector<45x1024xf32>
    %dot_general3A_49 = tpu.matmul %get3A_46, %slice3A_47, %dot_general3A_48 {dimension_numbers = #tpu.dot_dimension_numbers<[1], [1], [0], [0], [0, 0, 1, 0], [], []>, transpose_lhs_hint = false} : vector<45x128xf32>, vector<1024x128xf32>, vector<45x1024xf32> -> vector<45x1024xf32>
    %get3A_50 = arith.constant 0 : index
    %get3A_51 = arith.constant 0 : index
    %get3A_52 = vector.load %arg5[%get3A_50, %get3A_51] : memref<45x1xf32, #tpu.memory_space<vmem>>, vector<45x1xf32>
    %add3A_53 = vector.broadcast %get3A_52 : vector<45x1xf32> to vector<45x1024xf32>
    %add3A_54 = arith.addf %dot_general3A_49, %add3A_53 : vector<45x1024xf32>
    %swap3A_55 = arith.constant 0 : index
    %swap3A_56 = arith.constant 2 : index
    %swap3A_57 = arith.constant 0 : index
    %swap3A_58 = vector.load %arg7[%swap3A_55, %swap3A_56, %swap3A_57] : memref<45x8x1024xf32, #tpu.memory_space<vmem>>, vector<45x1x1024xf32>
    %swap3A_59 = vector.shape_cast %swap3A_58 : vector<45x1x1024xf32> to vector<45x1024xf32>
    %swap3A_60 = vector.shape_cast %add3A_54 : vector<45x1024xf32> to vector<45x1x1024xf32>
    tpu.vector_store %arg7[%swap3A_55, %swap3A_56, %swap3A_57], %swap3A_60 {strides = array<i32>} : memref<45x8x1024xf32, #tpu.memory_space<vmem>>, vector<45x1x1024xf32>,
    %get3A_61 = arith.constant 0 : index
    %get3A_62 = arith.constant 0 : index
    %get3A_63 = vector.load %arg4[%get3A_61, %get3A_62] : memref<45x128xf32, #tpu.memory_space<vmem>>, vector<45x128xf32>
    %slice3A_64 = vector.extract_strided_slice %max3A_11 {offsets = [3072, 0], sizes = [1024, 128], strides = [1, 1]} : vector<8192x128xf32> to vector<1024x128xf32>
    %dot_general3A_65 = arith.constant dense<0.000000e+00> : vector<45x1024xf32>
    %dot_general3A_66 = tpu.matmul %get3A_63, %slice3A_64, %dot_general3A_65 {dimension_numbers = #tpu.dot_dimension_numbers<[1], [1], [0], [0], [0, 0, 1, 0], [], []>, transpose_lhs_hint = false} : vector<45x128xf32>, vector<1024x128xf32>, vector<45x1024xf32> -> vector<45x1024xf32>
    %get3A_67 = arith.constant 0 : index
    %get3A_68 = arith.constant 0 : index
    %get3A_69 = vector.load %arg5[%get3A_67, %get3A_68] : memref<45x1xf32, #tpu.memory_space<vmem>>, vector<45x1xf32>
    %add3A_70 = vector.broadcast %get3A_69 : vector<45x1xf32> to vector<45x1024xf32>
    %add3A_71 = arith.addf %dot_general3A_66, %add3A_70 : vector<45x1024xf32>
    %swap3A_72 = arith.constant 0 : index
    %swap3A_73 = arith.constant 3 : index
    %swap3A_74 = arith.constant 0 : index
    %swap3A_75 = vector.load %arg7[%swap3A_72, %swap3A_73, %swap3A_74] : memref<45x8x1024xf32, #tpu.memory_space<vmem>>, vector<45x1x1024xf32>
    %swap3A_76 = vector.shape_cast %swap3A_75 : vector<45x1x1024xf32> to vector<45x1024xf32>
    %swap3A_77 = vector.shape_cast %add3A_71 : vector<45x1024xf32> to vector<45x1x1024xf32>
    tpu.vector_store %arg7[%swap3A_72, %swap3A_73, %swap3A_74], %swap3A_77 {strides = array<i32>} : memref<45x8x1024xf32, #tpu.memory_space<vmem>>, vector<45x1x1024xf32>,
    %get3A_78 = arith.constant 0 : index
    %get3A_79 = arith.constant 0 : index
    %get3A_80 = vector.load %arg4[%get3A_78, %get3A_79] : memref<45x128xf32, #tpu.memory_space<vmem>>, vector<45x128xf32>
    %slice3A_81 = vector.extract_strided_slice %max3A_11 {offsets = [4096, 0], sizes = [1024, 128], strides = [1, 1]} : vector<8192x128xf32> to vector<1024x128xf32>
    %dot_general3A_82 = arith.constant dense<0.000000e+00> : vector<45x1024xf32>
    %dot_general3A_83 = tpu.matmul %get3A_80, %slice3A_81, %dot_general3A_82 {dimension_numbers = #tpu.dot_dimension_numbers<[1], [1], [0], [0], [0, 0, 1, 0], [], []>, transpose_lhs_hint = false} : vector<45x128xf32>, vector<1024x128xf32>, vector<45x1024xf32> -> vector<45x1024xf32>
    %get3A_84 = arith.constant 0 : index
    %get3A_85 = arith.constant 0 : index
    %get3A_86 = vector.load %arg5[%get3A_84, %get3A_85] : memref<45x1xf32, #tpu.memory_space<vmem>>, vector<45x1xf32>
    %add3A_87 = vector.broadcast %get3A_86 : vector<45x1xf32> to vector<45x1024xf32>
    %add3A_88 = arith.addf %dot_general3A_83, %add3A_87 : vector<45x1024xf32>
    %swap3A_89 = arith.constant 0 : index
    %swap3A_90 = arith.constant 4 : index
    %swap3A_91 = arith.constant 0 : index
    %swap3A_92 = vector.load %arg7[%swap3A_89, %swap3A_90, %swap3A_91] : memref<45x8x1024xf32, #tpu.memory_space<vmem>>, vector<45x1x1024xf32>
    %swap3A_93 = vector.shape_cast %swap3A_92 : vector<45x1x1024xf32> to vector<45x1024xf32>
    %swap3A_94 = vector.shape_cast %add3A_88 : vector<45x1024xf32> to vector<45x1x1024xf32>
    tpu.vector_store %arg7[%swap3A_89, %swap3A_90, %swap3A_91], %swap3A_94 {strides = array<i32>} : memref<45x8x1024xf32, #tpu.memory_space<vmem>>, vector<45x1x1024xf32>,
    %get3A_95 = arith.constant 0 : index
    %get3A_96 = arith.constant 0 : index
    %get3A_97 = vector.load %arg4[%get3A_95, %get3A_96] : memref<45x128xf32, #tpu.memory_space<vmem>>, vector<45x128xf32>
    %slice3A_98 = vector.extract_strided_slice %max3A_11 {offsets = [5120, 0], sizes = [1024, 128], strides = [1, 1]} : vector<8192x128xf32> to vector<1024x128xf32>
    %dot_general3A_99 = arith.constant dense<0.000000e+00> : vector<45x1024xf32>
    %dot_general3A_100 = tpu.matmul %get3A_97, %slice3A_98, %dot_general3A_99 {dimension_numbers = #tpu.dot_dimension_numbers<[1], [1], [0], [0], [0, 0, 1, 0], [], []>, transpose_lhs_hint = false} : vector<45x128xf32>, vector<1024x128xf32>, vector<45x1024xf32> -> vector<45x1024xf32>
    %get3A_101 = arith.constant 0 : index
    %get3A_102 = arith.constant 0 : index
    %get3A_103 = vector.load %arg5[%get3A_101, %get3A_102] : memref<45x1xf32, #tpu.memory_space<vmem>>, vector<45x1xf32>
    %add3A_104 = vector.broadcast %get3A_103 : vector<45x1xf32> to vector<45x1024xf32>
    %add3A_105 = arith.addf %dot_general3A_100, %add3A_104 : vector<45x1024xf32>
    %swap3A_106 = arith.constant 0 : index
    %swap3A_107 = arith.constant 5 : index
    %swap3A_108 = arith.constant 0 : index
    %swap3A_109 = vector.load %arg7[%swap3A_106, %swap3A_107, %swap3A_108] : memref<45x8x1024xf32, #tpu.memory_space<vmem>>, vector<45x1x1024xf32>
    %swap3A_110 = vector.shape_cast %swap3A_109 : vector<45x1x1024xf32> to vector<45x1024xf32>
    %swap3A_111 = vector.shape_cast %add3A_105 : vector<45x1024xf32> to vector<45x1x1024xf32>
    tpu.vector_store %arg7[%swap3A_106, %swap3A_107, %swap3A_108], %swap3A_111 {strides = array<i32>} : memref<45x8x1024xf32, #tpu.memory_space<vmem>>, vector<45x1x1024xf32>,
    %get3A_112 = arith.constant 0 : index
    %get3A_113 = arith.constant 0 : index
    %get3A_114 = vector.load %arg4[%get3A_112, %get3A_113] : memref<45x128xf32, #tpu.memory_space<vmem>>, vector<45x128xf32>
    %slice3A_115 = vector.extract_strided_slice %max3A_11 {offsets = [6144, 0], sizes = [1024, 128], strides = [1, 1]} : vector<8192x128xf32> to vector<1024x128xf32>
    %dot_general3A_116 = arith.constant dense<0.000000e+00> : vector<45x1024xf32>
    %dot_general3A_117 = tpu.matmul %get3A_114, %slice3A_115, %dot_general3A_116 {dimension_numbers = #tpu.dot_dimension_numbers<[1], [1], [0], [0], [0, 0, 1, 0], [], []>, transpose_lhs_hint = false} : vector<45x128xf32>, vector<1024x128xf32>, vector<45x1024xf32> -> vector<45x1024xf32>
    %get3A_118 = arith.constant 0 : index
    %get3A_119 = arith.constant 0 : index
    %get3A_120 = vector.load %arg5[%get3A_118, %get3A_119] : memref<45x1xf32, #tpu.memory_space<vmem>>, vector<45x1xf32>
    %add3A_121 = vector.broadcast %get3A_120 : vector<45x1xf32> to vector<45x1024xf32>
    %add3A_122 = arith.addf %dot_general3A_117, %add3A_121 : vector<45x1024xf32>
    %swap3A_123 = arith.constant 0 : index
    %swap3A_124 = arith.constant 6 : index
    %swap3A_125 = arith.constant 0 : index
    %swap3A_126 = vector.load %arg7[%swap3A_123, %swap3A_124, %swap3A_125] : memref<45x8x1024xf32, #tpu.memory_space<vmem>>, vector<45x1x1024xf32>
    %swap3A_127 = vector.shape_cast %swap3A_126 : vector<45x1x1024xf32> to vector<45x1024xf32>
    %swap3A_128 = vector.shape_cast %add3A_122 : vector<45x1024xf32> to vector<45x1x1024xf32>
    tpu.vector_store %arg7[%swap3A_123, %swap3A_124, %swap3A_125], %swap3A_128 {strides = array<i32>} : memref<45x8x1024xf32, #tpu.memory_space<vmem>>, vector<45x1x1024xf32>,
    %get3A_129 = arith.constant 0 : index
    %get3A_130 = arith.constant 0 : index
    %get3A_131 = vector.load %arg4[%get3A_129, %get3A_130] : memref<45x128xf32, #tpu.memory_space<vmem>>, vector<45x128xf32>
    %slice3A_132 = vector.extract_strided_slice %max3A_11 {offsets = [7168, 0], sizes = [1024, 128], strides = [1, 1]} : vector<8192x128xf32> to vector<1024x128xf32>
    %dot_general3A_133 = arith.constant dense<0.000000e+00> : vector<45x1024xf32>
    %dot_general3A_134 = tpu.matmul %get3A_131, %slice3A_132, %dot_general3A_133 {dimension_numbers = #tpu.dot_dimension_numbers<[1], [1], [0], [0], [0, 0, 1, 0], [], []>, transpose_lhs_hint = false} : vector<45x128xf32>, vector<1024x128xf32>, vector<45x1024xf32> -> vector<45x1024xf32>
    %get3A_135 = arith.constant 0 : index
    %get3A_136 = arith.constant 0 : index
    %get3A_137 = vector.load %arg5[%get3A_135, %get3A_136] : memref<45x1xf32, #tpu.memory_space<vmem>>, vector<45x1xf32>
    %add3A_138 = vector.broadcast %get3A_137 : vector<45x1xf32> to vector<45x1024xf32>
    %add3A_139 = arith.addf %dot_general3A_134, %add3A_138 : vector<45x1024xf32>
    %swap3A_140 = arith.constant 0 : index
    %swap3A_141 = arith.constant 7 : index
    %swap3A_142 = arith.constant 0 : index
    %swap3A_143 = vector.load %arg7[%swap3A_140, %swap3A_141, %swap3A_142] : memref<45x8x1024xf32, #tpu.memory_space<vmem>>, vector<45x1x1024xf32>
    %swap3A_144 = vector.shape_cast %swap3A_143 : vector<45x1x1024xf32> to vector<45x1024xf32>
    %swap3A_145 = vector.shape_cast %add3A_139 : vector<45x1024xf32> to vector<45x1x1024xf32>
    tpu.vector_store %arg7[%swap3A_140, %swap3A_141, %swap3A_142], %swap3A_145 {strides = array<i32>} : memref<45x8x1024xf32, #tpu.memory_space<vmem>>, vector<45x1x1024xf32>,
    return
  }
  func.func @transform_0(%arg0: i32) -> (i32, i32) {
    %c0_i32 = arith.constant 0 : i32
    %c0_i32_0 = arith.constant 0 : i32
    return %arg0, %c0_i32 : i32, i32
  }
  func.func @transform_1(%arg0: i32) -> (i32, i32) {
    %c0_i32 = arith.constant 0 : i32
    %c0_i32_0 = arith.constant 0 : i32
    %c0_i32_1 = arith.constant 0 : i32
    return %c0_i32, %c0_i32_0 : i32, i32
  }
  func.func @transform_2(%arg0: i32) -> (i32, i32) {
    %c0_i32 = arith.constant 0 : i32
    %c0_i32_0 = arith.constant 0 : i32
    %c0_i32_1 = arith.constant 0 : i32
    return %c0_i32, %c0_i32_0 : i32, i32
  }
  func.func @transform_3(%arg0: i32) -> (i32, i32) {
    %c0_i32 = arith.constant 0 : i32
    %c0_i32_0 = arith.constant 0 : i32
    %c0_i32_1 = arith.constant 0 : i32
    return %c0_i32, %c0_i32_0 : i32, i32
  }
  func.func @transform_4(%arg0: i32) -> (i32, i32) {
    %c0_i32 = arith.constant 0 : i32
    %c0_i32_0 = arith.constant 0 : i32
    %c0_i32_1 = arith.constant 0 : i32
    return %c0_i32, %c0_i32_0 : i32, i32
  }
  func.func @transform_6(%arg0: i32) -> (i32, i32, i32) {
    %add3A = arith.constant 15 : i32
    %add3A_0 = arith.addi %add3A, %arg0 : i32
    %c0_i32 = arith.constant 0 : i32
    %c0_i32_1 = arith.constant 0 : i32
    %c0_i32_2 = arith.constant 0 : i32
    return %c0_i32, %add3A_0, %c0_i32_1 : i32, i32, i32
  }
}

module attributes {stable_mosaic.version = 14 : i64} {
  func.func @_mlp_kernel_acc(%arg0: i32, %arg1: memref<8192x128xf32, #tpu.memory_space<vmem>>, %arg2: memref<128x128xf32, #tpu.memory_space<vmem>>, %arg3: memref<1x128xf32, #tpu.memory_space<vmem>>, %arg4: memref<45x128xf32, #tpu.memory_space<vmem>>, %arg5: memref<45x1xf32, #tpu.memory_space<vmem>>, %arg6: memref<45x200x1024xf32, #tpu.memory_space<any>>, %arg7: memref<45x8x1024xf32, #tpu.memory_space<vmem>>) attributes {dimension_semantics = [#tpu.dimension_semantics<arbitrary>], iteration_bounds = array<i64: 5>, scalar_prefetch = 0 : i64, scratch_operands = 0 : i64, tpu.core_type = #tpu.core_type<tc>, window_params = [{transform_indices = @transform_0, window_bounds = array<i64: 8192, 128>}, {pipeline_mode = #tpu.pipeline_mode<synchronous>, transform_indices = @transform_1, window_bounds = array<i64: 128, 128>}, {pipeline_mode = #tpu.pipeline_mode<synchronous>, transform_indices = @transform_2, window_bounds = array<i64: 1, 128>}, {pipeline_mode = #tpu.pipeline_mode<synchronous>, transform_indices = @transform_3, window_bounds = array<i64: 45, 128>}, {pipeline_mode = #tpu.pipeline_mode<synchronous>, transform_indices = @transform_4, window_bounds = array<i64: 45, 1>}, {}, {transform_indices = @transform_6, window_bounds = array<i64: 45, 8, 1024>}]} {
    %get3A = arith.constant 0 : index
    %get3A_0 = arith.constant 0 : index
    %get3A_1 = vector.load %arg1[%get3A, %get3A_0] : memref<8192x128xf32, #tpu.memory_space<vmem>>, vector<8192x128xf32>
    %get3A_2 = arith.constant 0 : index
    %get3A_3 = arith.constant 0 : index
    %get3A_4 = vector.load %arg2[%get3A_2, %get3A_3] : memref<128x128xf32, #tpu.memory_space<vmem>>, vector<128x128xf32>
    %dot_general3A = arith.constant dense<0.000000e+00> : vector<8192x128xf32>
    %dot_general3A_5 = tpu.matmul %get3A_1, %get3A_4, %dot_general3A {dimension_numbers = #tpu.dot_dimension_numbers<[1], [0], [0], [1], [0, 0, 1, 1], [], []>, transpose_lhs_hint = false} : vector<8192x128xf32>, vector<128x128xf32>, vector<8192x128xf32> -> vector<8192x128xf32>
    %get3A_6 = arith.constant 0 : index
    %get3A_7 = arith.constant 0 : index
    %get3A_8 = vector.load %arg3[%get3A_6, %get3A_7] : memref<1x128xf32, #tpu.memory_space<vmem>>, vector<1x128xf32>
    %add3A = vector.broadcast %get3A_8 : vector<1x128xf32> to vector<8192x128xf32>
    %add3A_9 = arith.addf %dot_general3A_5, %add3A : vector<8192x128xf32>
    %max3A = arith.constant 0.000000e+00 : f32
    %max3A_10 = vector.broadcast %max3A : f32 to vector<8192x128xf32>
    %max3A_11 = arith.maximumf %add3A_9, %max3A_10 : vector<8192x128xf32>
    %get3A_12 = arith.constant 0 : index
    %get3A_13 = arith.constant 0 : index
    %get3A_14 = vector.load %arg4[%get3A_12, %get3A_13] : memref<45x128xf32, #tpu.memory_space<vmem>>, vector<45x128xf32>
    %slice3A = vector.extract_strided_slice %max3A_11 {offsets = [0, 0], sizes = [1024, 128], strides = [1, 1]} : vector<8192x128xf32> to vector<1024x128xf32>
    %dot_general3A_15 = arith.constant dense<0.000000e+00> : vector<45x1024xf32>
    %dot_general3A_16 = tpu.matmul %get3A_14, %slice3A, %dot_general3A_15 {dimension_numbers = #tpu.dot_dimension_numbers<[1], [1], [0], [0], [0, 0, 1, 0], [], []>, transpose_lhs_hint = false} : vector<45x128xf32>, vector<1024x128xf32>, vector<45x1024xf32> -> vector<45x1024xf32>
    %get3A_17 = arith.constant 0 : index
    %get3A_18 = arith.constant 0 : index
    %get3A_19 = vector.load %arg5[%get3A_17, %get3A_18] : memref<45x1xf32, #tpu.memory_space<vmem>>, vector<45x1xf32>
    %add3A_20 = vector.broadcast %get3A_19 : vector<45x1xf32> to vector<45x1024xf32>
    %add3A_21 = arith.addf %dot_general3A_16, %add3A_20 : vector<45x1024xf32>
    %swap3A = arith.constant 0 : index
    %swap3A_22 = arith.constant 0 : index
    %swap3A_23 = arith.constant 0 : index
    %swap3A_24 = vector.load %arg7[%swap3A, %swap3A_22, %swap3A_23] : memref<45x8x1024xf32, #tpu.memory_space<vmem>>, vector<45x1x1024xf32>
    %swap3A_25 = vector.shape_cast %swap3A_24 : vector<45x1x1024xf32> to vector<45x1024xf32>
    %swap3A_26 = vector.shape_cast %add3A_21 : vector<45x1024xf32> to vector<45x1x1024xf32>
    tpu.vector_store %arg7[%swap3A, %swap3A_22, %swap3A_23], %swap3A_26 {strides = array<i32>} : memref<45x8x1024xf32, #tpu.memory_space<vmem>>, vector<45x1x1024xf32>,
    %get3A_27 = arith.constant 0 : index
    %get3A_28 = arith.constant 0 : index
    %get3A_29 = vector.load %arg4[%get3A_27, %get3A_28] : memref<45x128xf32, #tpu.memory_space<vmem>>, vector<45x128xf32>
    %slice3A_30 = vector.extract_strided_slice %max3A_11 {offsets = [1024, 0], sizes = [1024, 128], strides = [1, 1]} : vector<8192x128xf32> to vector<1024x128xf32>
    %dot_general3A_31 = arith.constant dense<0.000000e+00> : vector<45x1024xf32>
    %dot_general3A_32 = tpu.matmul %get3A_29, %slice3A_30, %dot_general3A_31 {dimension_numbers = #tpu.dot_dimension_numbers<[1], [1], [0], [0], [0, 0, 1, 0], [], []>, transpose_lhs_hint = false} : vector<45x128xf32>, vector<1024x128xf32>, vector<45x1024xf32> -> vector<45x1024xf32>
    %get3A_33 = arith.constant 0 : index
    %get3A_34 = arith.constant 0 : index
    %get3A_35 = vector.load %arg5[%get3A_33, %get3A_34] : memref<45x1xf32, #tpu.memory_space<vmem>>, vector<45x1xf32>
    %add3A_36 = vector.broadcast %get3A_35 : vector<45x1xf32> to vector<45x1024xf32>
    %add3A_37 = arith.addf %dot_general3A_32, %add3A_36 : vector<45x1024xf32>
    %swap3A_38 = arith.constant 0 : index
    %swap3A_39 = arith.constant 1 : index
    %swap3A_40 = arith.constant 0 : index
    %swap3A_41 = vector.load %arg7[%swap3A_38, %swap3A_39, %swap3A_40] : memref<45x8x1024xf32, #tpu.memory_space<vmem>>, vector<45x1x1024xf32>
    %swap3A_42 = vector.shape_cast %swap3A_41 : vector<45x1x1024xf32> to vector<45x1024xf32>
    %swap3A_43 = vector.shape_cast %add3A_37 : vector<45x1024xf32> to vector<45x1x1024xf32>
    tpu.vector_store %arg7[%swap3A_38, %swap3A_39, %swap3A_40], %swap3A_43 {strides = array<i32>} : memref<45x8x1024xf32, #tpu.memory_space<vmem>>, vector<45x1x1024xf32>,
    %get3A_44 = arith.constant 0 : index
    %get3A_45 = arith.constant 0 : index
    %get3A_46 = vector.load %arg4[%get3A_44, %get3A_45] : memref<45x128xf32, #tpu.memory_space<vmem>>, vector<45x128xf32>
    %slice3A_47 = vector.extract_strided_slice %max3A_11 {offsets = [2048, 0], sizes = [1024, 128], strides = [1, 1]} : vector<8192x128xf32> to vector<1024x128xf32>
    %dot_general3A_48 = arith.constant dense<0.000000e+00> : vector<45x1024xf32>
    %dot_general3A_49 = tpu.matmul %get3A_46, %slice3A_47, %dot_general3A_48 {dimension_numbers = #tpu.dot_dimension_numbers<[1], [1], [0], [0], [0, 0, 1, 0], [], []>, transpose_lhs_hint = false} : vector<45x128xf32>, vector<1024x128xf32>, vector<45x1024xf32> -> vector<45x1024xf32>
    %get3A_50 = arith.constant 0 : index
    %get3A_51 = arith.constant 0 : index
    %get3A_52 = vector.load %arg5[%get3A_50, %get3A_51] : memref<45x1xf32, #tpu.memory_space<vmem>>, vector<45x1xf32>
    %add3A_53 = vector.broadcast %get3A_52 : vector<45x1xf32> to vector<45x1024xf32>
    %add3A_54 = arith.addf %dot_general3A_49, %add3A_53 : vector<45x1024xf32>
    %swap3A_55 = arith.constant 0 : index
    %swap3A_56 = arith.constant 2 : index
    %swap3A_57 = arith.constant 0 : index
    %swap3A_58 = vector.load %arg7[%swap3A_55, %swap3A_56, %swap3A_57] : memref<45x8x1024xf32, #tpu.memory_space<vmem>>, vector<45x1x1024xf32>
    %swap3A_59 = vector.shape_cast %swap3A_58 : vector<45x1x1024xf32> to vector<45x1024xf32>
    %swap3A_60 = vector.shape_cast %add3A_54 : vector<45x1024xf32> to vector<45x1x1024xf32>
    tpu.vector_store %arg7[%swap3A_55, %swap3A_56, %swap3A_57], %swap3A_60 {strides = array<i32>} : memref<45x8x1024xf32, #tpu.memory_space<vmem>>, vector<45x1x1024xf32>,
    %get3A_61 = arith.constant 0 : index
    %get3A_62 = arith.constant 0 : index
    %get3A_63 = vector.load %arg4[%get3A_61, %get3A_62] : memref<45x128xf32, #tpu.memory_space<vmem>>, vector<45x128xf32>
    %slice3A_64 = vector.extract_strided_slice %max3A_11 {offsets = [3072, 0], sizes = [1024, 128], strides = [1, 1]} : vector<8192x128xf32> to vector<1024x128xf32>
    %dot_general3A_65 = arith.constant dense<0.000000e+00> : vector<45x1024xf32>
    %dot_general3A_66 = tpu.matmul %get3A_63, %slice3A_64, %dot_general3A_65 {dimension_numbers = #tpu.dot_dimension_numbers<[1], [1], [0], [0], [0, 0, 1, 0], [], []>, transpose_lhs_hint = false} : vector<45x128xf32>, vector<1024x128xf32>, vector<45x1024xf32> -> vector<45x1024xf32>
    %get3A_67 = arith.constant 0 : index
    %get3A_68 = arith.constant 0 : index
    %get3A_69 = vector.load %arg5[%get3A_67, %get3A_68] : memref<45x1xf32, #tpu.memory_space<vmem>>, vector<45x1xf32>
    %add3A_70 = vector.broadcast %get3A_69 : vector<45x1xf32> to vector<45x1024xf32>
    %add3A_71 = arith.addf %dot_general3A_66, %add3A_70 : vector<45x1024xf32>
    %swap3A_72 = arith.constant 0 : index
    %swap3A_73 = arith.constant 3 : index
    %swap3A_74 = arith.constant 0 : index
    %swap3A_75 = vector.load %arg7[%swap3A_72, %swap3A_73, %swap3A_74] : memref<45x8x1024xf32, #tpu.memory_space<vmem>>, vector<45x1x1024xf32>
    %swap3A_76 = vector.shape_cast %swap3A_75 : vector<45x1x1024xf32> to vector<45x1024xf32>
    %swap3A_77 = vector.shape_cast %add3A_71 : vector<45x1024xf32> to vector<45x1x1024xf32>
    tpu.vector_store %arg7[%swap3A_72, %swap3A_73, %swap3A_74], %swap3A_77 {strides = array<i32>} : memref<45x8x1024xf32, #tpu.memory_space<vmem>>, vector<45x1x1024xf32>,
    %get3A_78 = arith.constant 0 : index
    %get3A_79 = arith.constant 0 : index
    %get3A_80 = vector.load %arg4[%get3A_78, %get3A_79] : memref<45x128xf32, #tpu.memory_space<vmem>>, vector<45x128xf32>
    %slice3A_81 = vector.extract_strided_slice %max3A_11 {offsets = [4096, 0], sizes = [1024, 128], strides = [1, 1]} : vector<8192x128xf32> to vector<1024x128xf32>
    %dot_general3A_82 = arith.constant dense<0.000000e+00> : vector<45x1024xf32>
    %dot_general3A_83 = tpu.matmul %get3A_80, %slice3A_81, %dot_general3A_82 {dimension_numbers = #tpu.dot_dimension_numbers<[1], [1], [0], [0], [0, 0, 1, 0], [], []>, transpose_lhs_hint = false} : vector<45x128xf32>, vector<1024x128xf32>, vector<45x1024xf32> -> vector<45x1024xf32>
    %get3A_84 = arith.constant 0 : index
    %get3A_85 = arith.constant 0 : index
    %get3A_86 = vector.load %arg5[%get3A_84, %get3A_85] : memref<45x1xf32, #tpu.memory_space<vmem>>, vector<45x1xf32>
    %add3A_87 = vector.broadcast %get3A_86 : vector<45x1xf32> to vector<45x1024xf32>
    %add3A_88 = arith.addf %dot_general3A_83, %add3A_87 : vector<45x1024xf32>
    %swap3A_89 = arith.constant 0 : index
    %swap3A_90 = arith.constant 4 : index
    %swap3A_91 = arith.constant 0 : index
    %swap3A_92 = vector.load %arg7[%swap3A_89, %swap3A_90, %swap3A_91] : memref<45x8x1024xf32, #tpu.memory_space<vmem>>, vector<45x1x1024xf32>
    %swap3A_93 = vector.shape_cast %swap3A_92 : vector<45x1x1024xf32> to vector<45x1024xf32>
    %swap3A_94 = vector.shape_cast %add3A_88 : vector<45x1024xf32> to vector<45x1x1024xf32>
    tpu.vector_store %arg7[%swap3A_89, %swap3A_90, %swap3A_91], %swap3A_94 {strides = array<i32>} : memref<45x8x1024xf32, #tpu.memory_space<vmem>>, vector<45x1x1024xf32>,
    %get3A_95 = arith.constant 0 : index
    %get3A_96 = arith.constant 0 : index
    %get3A_97 = vector.load %arg4[%get3A_95, %get3A_96] : memref<45x128xf32, #tpu.memory_space<vmem>>, vector<45x128xf32>
    %slice3A_98 = vector.extract_strided_slice %max3A_11 {offsets = [5120, 0], sizes = [1024, 128], strides = [1, 1]} : vector<8192x128xf32> to vector<1024x128xf32>
    %dot_general3A_99 = arith.constant dense<0.000000e+00> : vector<45x1024xf32>
    %dot_general3A_100 = tpu.matmul %get3A_97, %slice3A_98, %dot_general3A_99 {dimension_numbers = #tpu.dot_dimension_numbers<[1], [1], [0], [0], [0, 0, 1, 0], [], []>, transpose_lhs_hint = false} : vector<45x128xf32>, vector<1024x128xf32>, vector<45x1024xf32> -> vector<45x1024xf32>
    %get3A_101 = arith.constant 0 : index
    %get3A_102 = arith.constant 0 : index
    %get3A_103 = vector.load %arg5[%get3A_101, %get3A_102] : memref<45x1xf32, #tpu.memory_space<vmem>>, vector<45x1xf32>
    %add3A_104 = vector.broadcast %get3A_103 : vector<45x1xf32> to vector<45x1024xf32>
    %add3A_105 = arith.addf %dot_general3A_100, %add3A_104 : vector<45x1024xf32>
    %swap3A_106 = arith.constant 0 : index
    %swap3A_107 = arith.constant 5 : index
    %swap3A_108 = arith.constant 0 : index
    %swap3A_109 = vector.load %arg7[%swap3A_106, %swap3A_107, %swap3A_108] : memref<45x8x1024xf32, #tpu.memory_space<vmem>>, vector<45x1x1024xf32>
    %swap3A_110 = vector.shape_cast %swap3A_109 : vector<45x1x1024xf32> to vector<45x1024xf32>
    %swap3A_111 = vector.shape_cast %add3A_105 : vector<45x1024xf32> to vector<45x1x1024xf32>
    tpu.vector_store %arg7[%swap3A_106, %swap3A_107, %swap3A_108], %swap3A_111 {strides = array<i32>} : memref<45x8x1024xf32, #tpu.memory_space<vmem>>, vector<45x1x1024xf32>,
    %get3A_112 = arith.constant 0 : index
    %get3A_113 = arith.constant 0 : index
    %get3A_114 = vector.load %arg4[%get3A_112, %get3A_113] : memref<45x128xf32, #tpu.memory_space<vmem>>, vector<45x128xf32>
    %slice3A_115 = vector.extract_strided_slice %max3A_11 {offsets = [6144, 0], sizes = [1024, 128], strides = [1, 1]} : vector<8192x128xf32> to vector<1024x128xf32>
    %dot_general3A_116 = arith.constant dense<0.000000e+00> : vector<45x1024xf32>
    %dot_general3A_117 = tpu.matmul %get3A_114, %slice3A_115, %dot_general3A_116 {dimension_numbers = #tpu.dot_dimension_numbers<[1], [1], [0], [0], [0, 0, 1, 0], [], []>, transpose_lhs_hint = false} : vector<45x128xf32>, vector<1024x128xf32>, vector<45x1024xf32> -> vector<45x1024xf32>
    %get3A_118 = arith.constant 0 : index
    %get3A_119 = arith.constant 0 : index
    %get3A_120 = vector.load %arg5[%get3A_118, %get3A_119] : memref<45x1xf32, #tpu.memory_space<vmem>>, vector<45x1xf32>
    %add3A_121 = vector.broadcast %get3A_120 : vector<45x1xf32> to vector<45x1024xf32>
    %add3A_122 = arith.addf %dot_general3A_117, %add3A_121 : vector<45x1024xf32>
    %swap3A_123 = arith.constant 0 : index
    %swap3A_124 = arith.constant 6 : index
    %swap3A_125 = arith.constant 0 : index
    %swap3A_126 = vector.load %arg7[%swap3A_123, %swap3A_124, %swap3A_125] : memref<45x8x1024xf32, #tpu.memory_space<vmem>>, vector<45x1x1024xf32>
    %swap3A_127 = vector.shape_cast %swap3A_126 : vector<45x1x1024xf32> to vector<45x1024xf32>
    %swap3A_128 = vector.shape_cast %add3A_122 : vector<45x1024xf32> to vector<45x1x1024xf32>
    tpu.vector_store %arg7[%swap3A_123, %swap3A_124, %swap3A_125], %swap3A_128 {strides = array<i32>} : memref<45x8x1024xf32, #tpu.memory_space<vmem>>, vector<45x1x1024xf32>,
    %get3A_129 = arith.constant 0 : index
    %get3A_130 = arith.constant 0 : index
    %get3A_131 = vector.load %arg4[%get3A_129, %get3A_130] : memref<45x128xf32, #tpu.memory_space<vmem>>, vector<45x128xf32>
    %slice3A_132 = vector.extract_strided_slice %max3A_11 {offsets = [7168, 0], sizes = [1024, 128], strides = [1, 1]} : vector<8192x128xf32> to vector<1024x128xf32>
    %dot_general3A_133 = arith.constant dense<0.000000e+00> : vector<45x1024xf32>
    %dot_general3A_134 = tpu.matmul %get3A_131, %slice3A_132, %dot_general3A_133 {dimension_numbers = #tpu.dot_dimension_numbers<[1], [1], [0], [0], [0, 0, 1, 0], [], []>, transpose_lhs_hint = false} : vector<45x128xf32>, vector<1024x128xf32>, vector<45x1024xf32> -> vector<45x1024xf32>
    %get3A_135 = arith.constant 0 : index
    %get3A_136 = arith.constant 0 : index
    %get3A_137 = vector.load %arg5[%get3A_135, %get3A_136] : memref<45x1xf32, #tpu.memory_space<vmem>>, vector<45x1xf32>
    %add3A_138 = vector.broadcast %get3A_137 : vector<45x1xf32> to vector<45x1024xf32>
    %add3A_139 = arith.addf %dot_general3A_134, %add3A_138 : vector<45x1024xf32>
    %swap3A_140 = arith.constant 0 : index
    %swap3A_141 = arith.constant 7 : index
    %swap3A_142 = arith.constant 0 : index
    %swap3A_143 = vector.load %arg7[%swap3A_140, %swap3A_141, %swap3A_142] : memref<45x8x1024xf32, #tpu.memory_space<vmem>>, vector<45x1x1024xf32>
    %swap3A_144 = vector.shape_cast %swap3A_143 : vector<45x1x1024xf32> to vector<45x1024xf32>
    %swap3A_145 = vector.shape_cast %add3A_139 : vector<45x1024xf32> to vector<45x1x1024xf32>
    tpu.vector_store %arg7[%swap3A_140, %swap3A_141, %swap3A_142], %swap3A_145 {strides = array<i32>} : memref<45x8x1024xf32, #tpu.memory_space<vmem>>, vector<45x1x1024xf32>,
    return
  }
  func.func @transform_0(%arg0: i32) -> (i32, i32) {
    %c0_i32 = arith.constant 0 : i32
    %c0_i32_0 = arith.constant 0 : i32
    return %arg0, %c0_i32 : i32, i32
  }
  func.func @transform_1(%arg0: i32) -> (i32, i32) {
    %c0_i32 = arith.constant 0 : i32
    %c0_i32_0 = arith.constant 0 : i32
    %c0_i32_1 = arith.constant 0 : i32
    return %c0_i32, %c0_i32_0 : i32, i32
  }
  func.func @transform_2(%arg0: i32) -> (i32, i32) {
    %c0_i32 = arith.constant 0 : i32
    %c0_i32_0 = arith.constant 0 : i32
    %c0_i32_1 = arith.constant 0 : i32
    return %c0_i32, %c0_i32_0 : i32, i32
  }
  func.func @transform_3(%arg0: i32) -> (i32, i32) {
    %c0_i32 = arith.constant 0 : i32
    %c0_i32_0 = arith.constant 0 : i32
    %c0_i32_1 = arith.constant 0 : i32
    return %c0_i32, %c0_i32_0 : i32, i32
  }
  func.func @transform_4(%arg0: i32) -> (i32, i32) {
    %c0_i32 = arith.constant 0 : i32
    %c0_i32_0 = arith.constant 0 : i32
    %c0_i32_1 = arith.constant 0 : i32
    return %c0_i32, %c0_i32_0 : i32, i32
  }
  func.func @transform_6(%arg0: i32) -> (i32, i32, i32) {
    %add3A = arith.constant 20 : i32
    %add3A_0 = arith.addi %add3A, %arg0 : i32
    %c0_i32 = arith.constant 0 : i32
    %c0_i32_1 = arith.constant 0 : i32
    %c0_i32_2 = arith.constant 0 : i32
    return %c0_i32, %add3A_0, %c0_i32_1 : i32, i32, i32
  }
}

</mosaic_0001>

<sc_bundles>
// kernel: kernel.12.cloned.1.call-start
scs
__scs_entry_jumppad:
0x0: {  	(pc) =	sbr.rel $0x88, $3  }
0x1: {  	(tag) =	ssettag $0x0;
	lr =	simm.s32 $0x1  }
0x2: {  	[smem:$0x3F9B] =	sst lr;
	_ =	strace $0xD0000000  }
0x3: {  	_ = 	snop  }
0x4: {  	_ = 	snop  }
0x5: {  	_ = 	snop  }
0x6: {  	_ = 	snop  }
0x7: {  	_ = 	snop  }
__scs_overlays_trampoline_lowered:
0x8: {  	[smem:$0x3FAA] =	sst s0  }
0x9: {  	[smem:$0x3FAB] =	sst s1  }
0xa: {  	[smem:$0x3FAC] =	sst s2  }
0xb: {  	[smem:$0x3FAD] =	sst s3  }
0xc: {  	[smem:$0x3FAE] =	sst s4  }
0xd: {  	[smem:$0x3FAF] =	sst s5  }
0xe: {  	[smem:$0x3FB0] =	sst s6  }
0xf: {  	[smem:$0x3FB1] =	sst s7  }
0x10: {  	[smem:$0x3FB2] =	sst s8  }
0x11: {  	[smem:$0x3FB3] =	sst s9;
	s0 =	simm.s32 @!p0 $0x0  }
0x12: {  	s1 =	sld [smem:$0x3F99];
	s0 =	simm.s32 @p0 $0x1  }
0x13: {  	[smem:$0x3FB4] =	sst s0;
	s0 =	simm.s32 @!p1 $0x0  }
0x14: {  	s2 =	sld [smem:$0x3F98];
	s0 =	simm.s32 @p1 $0x1  }
0x15: {  	[smem:$0x3FB5] =	sst s0;
	s0 =	simm.s32 @!p2 $0x0  }
0x16: {  	s3 =	sld [smem:$0x3FDB];
	s0 =	simm.s32 @p2 $0x1  }
0x17: {  	s4 =	simm.s32 $0x1BF5;
	[smem:$0x3FB7] =	sst s0  }
0x18: {  	s0 =	sld [smem:$0x3F9A];
	_ =	swait.ge [sflag:s4], $0x0  }
0x19: {  	s7 =	sld [smem:$0x3F9B]  }
0x1a: {  	s8 =	sadd.s32 $0xFFFFE003, lr  }
0x1b: {  	s9 =	sadd.s32 $0xFFFFFEF7, lr;
	s5 =	simm.s32 $0xFFFFFFFF;
	p2 =	slt.u32 s8, $0xFFFFF086  }
0x1c: {  	p1 =	slt.u32 s9, $0xF7A;
	s5 =	simm.s32 @!p2 $0x0  }
0x1d: {  	s5 =	simm.s32 @p1 $0x1;
	p0 =	seq.s32 s7, s2  }
0x1e: {  	s7 =	smul.u32 @!p0 $0xF7A, s2;
	p2 =	seq.s32 @!p0 s5, $0x0  }
0x1f: {  	s9 =	smul.u32 $0xF7A, s1;
	s8 =	simm.s32 @!p0 $0x1BF5;
	p2 =	por !p2, p0  }
0x20: {  	[sflag:s8] =	ssyncset.s32 @!p0 $0xFFFFF086;
	s6 =	sadd.s32 @!p0 s3, s7;
	s7 =	simm.s32 @!p0 $0x108  }
0x21: {  	s3 =	sadd.s32 s3, s9;
	s6 =	sadd.s32 @!p0 $0x88, s6;
	s7 =	simm.s32 @p2 $0x1082  }
0x22: {  	[simem:s7], [sflag:s8] =	dma.local @!p0 [hbm:s6], $0xF7A  }
0x23: {  	s9 =	sor.u32 $0xD0000000, s2;
	s6 =	simm.s32 $0x108;
	_ =	swait.ge @!p0 [sflag:s8], $0x0  }
0x24: {  	s3 =	sadd.s32 $0x88, s3;
	s6 =	simm.s32 @!p1 $0x1082;
	[sflag:s4] =	ssyncset.s32 $0xFFFFF086  }
0x25: {  	[simem:s6], [sflag:s4] =	dma.local [hbm:s3], $0xF7A  }
0x26: {  	[smem:$0x3F9B] =	sst s1;
	(tag) =	ssettag s2;
	_ =	strace s9  }
0x27: {  	s1 =	sld [smem:$0x3FAB]  }
0x28: {  	s2 =	sld [smem:$0x3FAC]  }
0x29: {  	s4 =	sld [smem:$0x3FAE]  }
0x2a: {  	p0 =	seq.s32 s5, $0x0;
	s5 =	sld [smem:$0x3FAF]  }
0x2b: {  	s6 =	sld [smem:$0x3FB0]  }
0x2c: {  	s7 =	sld [smem:$0x3FB1]  }
0x2d: {  	s3 =	simm.s32 $0x108;
	s8 =	sld [smem:$0x3FB2]  }
0x2e: {  	s3 =	simm.s32 @!p0 $0x1082;
	s9 =	sld [smem:$0x3FB3]  }
0x2f: {  	lr =	sadd.s32 s0, s3;
	s0 =	sld [smem:$0x3FAA]  }
0x30: {  	s3 =	sld [smem:$0x3FAD]  }
0x31: {  	[smem:$0x3FB6] =	sst s10  }
0x32: {  	s10 =	sld [smem:$0x3FB4];
	_ =	sdelay $0x3  }
0x33: {  	p0 =	seq.s32 s10, $0x1;
	s10 =	sld [smem:$0x3FB6];
	_ =	sdelay $0x3  }
0x34: {  	[smem:$0x3FB6] =	sst s10  }
0x35: {  	s10 =	sld [smem:$0x3FB5];
	_ =	sdelay $0x3  }
0x36: {  	p1 =	seq.s32 s10, $0x1;
	s10 =	sld [smem:$0x3FB6];
	_ =	sdelay $0x3  }
0x37: {  	[smem:$0x3FB6] =	sst s10  }
0x38: {  	s10 =	sld [smem:$0x3FB7]  }
0x39: {  	_ = 	snop;
	(pc) =	sbr.ind lr, $3  }
0x3a: {  	_ = 	snop  }
0x3b: {  	_ = 	snop  }
0x3c: {  	p2 =	seq.s32 s10, $0x1;
	s10 =	sld [smem:$0x3FB6]  }
0x3d: {  	_ =	shalt  }
0x3e: {  	_ =	shalt  }
0x3f: {  	_ =	shalt  }
0x40: {  	_ =	shalt  }
0x41: {  	_ =	shalt  }
0x42: {  	_ =	shalt  }
0x43: {  	_ =	shalt  }
0x44: {  	_ =	shalt  }
0x45: {  	_ =	shalt  }
0x46: {  	_ =	shalt  }
0x47: {  	_ =	shalt  }
0x48: {  	_ =	shalt  }
0x49: {  	_ =	shalt  }
0x4a: {  	_ =	shalt  }
0x4b: {  	_ =	shalt  }
0x4c: {  	_ =	shalt  }
0x4d: {  	_ =	shalt  }
0x4e: {  	_ =	shalt  }
0x4f: {  	_ =	shalt  }
0x50: {  	_ =	shalt  }
0x51: {  	_ =	shalt  }
0x52: {  	_ =	shalt  }
0x53: {  	_ =	shalt  }
0x54: {  	_ =	shalt  }
0x55: {  	_ =	shalt  }
0x56: {  	_ =	shalt  }
0x57: {  	_ =	shalt  }
0x58: {  	_ =	shalt  }
0x59: {  	_ =	shalt  }
0x5a: {  	_ =	shalt  }
0x5b: {  	_ =	shalt  }
0x5c: {  	_ =	shalt  }
0x5d: {  	_ =	shalt  }
0x5e: {  	_ =	shalt  }
0x5f: {  	_ =	shalt  }
0x60: {  	_ =	shalt  }
0x61: {  	_ =	shalt  }
0x62: {  	_ =	shalt  }
0x63: {  	_ =	shalt  }
0x64: {  	_ =	shalt  }
0x65: {  	_ =	shalt  }
0x66: {  	_ =	shalt  }
0x67: {  	_ =	shalt  }
0x68: {  	_ =	shalt  }
0x69: {  	_ =	shalt  }
0x6a: {  	_ =	shalt  }
0x6b: {  	_ =	shalt  }
0x6c: {  	_ =	shalt  }
0x6d: {  	_ =	shalt  }
0x6e: {  	_ =	shalt  }
0x6f: {  	_ =	shalt  }
0x70: {  	_ =	shalt  }
0x71: {  	_ =	shalt  }
0x72: {  	_ =	shalt  }
0x73: {  	_ =	shalt  }
0x74: {  	_ =	shalt  }
0x75: {  	_ =	shalt  }
0x76: {  	_ =	shalt  }
0x77: {  	_ =	shalt  }
0x78: {  	_ =	shalt  }
0x79: {  	_ =	shalt  }
0x7a: {  	_ =	shalt  }
0x7b: {  	_ =	shalt  }
0x7c: {  	_ =	shalt  }
0x7d: {  	_ =	shalt  }
0x7e: {  	_ =	shalt  }
0x7f: {  	_ =	shalt  }
0x80: {  	_ =	shalt  }
0x81: {  	_ =	shalt  }
0x82: {  	_ =	shalt  }
0x83: {  	_ =	shalt  }
0x84: {  	_ =	shalt  }
0x85: {  	_ =	shalt  }
0x86: {  	_ =	shalt  }
0x87: {  	_ =	shalt  }
.Lfunc_end0:
.L_simem_size_0:
called_computation_lowered:
.L_overlay_start_0:
0x88: {  	s2 =	sld [smem:$0x3FD9]  }
0x89: {  	s3 =	sld [smem:$0x3FFE];
	_ =	sdelay $0x1  }
0x8a: {  	s1 =	srdreg.scid  }
0x8b: {  	s0 =	sand.u32 $0x1, s1  }
0x8c: {  	s17 =	sshll.u32 s0, $0xA;
	s2 =	sadd.s32 s3, s2  }
0x8d: {  	s2 =	sadd.s32 s2, s17  }
0x8e: {  	[smem:$0x3FC2] =	sst s2  }
0x8f: {  	_ = 	snop  }
0x90: {  	s2 =	sld [smem:$0x3FC8]  }
0x91: {  	s18 =	sld [smem:$0x3FD0];
	(tm) =	ssettm $0x1  }
0x92: {  	s4 =	sld [smem:$0x3FFB];
	_ =	sdelay $0x3  }
0x93: {  	_ =	strace s4  }
0x94: {  	s4 =	sld [smem:$0x3FFC];
	_ =	sdelay $0x3  }
0x95: {  	_ =	strace s4  }
0x96: {  	s4 =	sld [smem:$0x3FFD];
	_ =	sdelay $0x3  }
0x97: {  	_ =	strace s4  }
0x98: {  	_ =	strace $0x8FFFFFFF  }
0x99: {  	s19 =	sld [smem:$0x3FDB];
	_ =	sdelay $0x1  }
0x9a: {  	s5 =	simm.s32 $_scs_section_size  }
0x9b: {  	s6 =	simm.s32 $_size__tile_overlayer_lowered;
	s7 =	simm.s32 $_tile_overlayer_lowered  }
0x9c: {  	s22 =	simm.s32 $0x1BFF;
	s21 =	sshll.u32 s7, $0x1;
	s4 =	sadd.s32 s5, s19  }
0x9d: {  	s8 =	simm.s32 $0x0;
	s20 =	sshll.u32 s6, $0x1;
	s6 =	sadd.s32 s21, s4  }
0x9e: {  	[timem:s8], [sflag:s22] =	dma.local [hbm:s6], s20  }
0x9f: {  	_ =	swait.ge [sflag:s22], s20  }
0xa0: {  	s5 =	ssub.s32 $0x0, s20;
	[sflag:s22] =	ssyncset.done $0x0  }
0xa1: {  	[sflag:s22] =	ssyncadd.s32 s5;
	_ =	sdelay $0x1  }
0xa2: {  	s23 =	simm.s32 $0x1B8B  }
0xa3: {  	_ =	swait.ge [sflag:s23], $0x1  }
0xa4: {  	[sflag:s23] =	ssyncset.done $0x0  }
0xa5: {  	s25 =	simm.s32 $0x1B8E;
	s24 =	sld [smem:$0x3FFE];
	[sflag:s23] =	ssyncadd.s32 $0xFFFFFFFF  }
0xa6: {  	s26 =	simm.s32 $execute0_lowered;
	[smem:$0x3FD2] =	sst s25  }
0xa7: {  	s6 =	sshll.u32 s26, $0x1;
	_ =	strace $0x80000046;
	[dreg:$0x1] =	wrdreg $0xFFFFFFFF  }
0xa8: {  	s28 =	simm.s32 $_size_execute0_lowered;
	s4 =	sadd.s32 s4, s6;
	[dreg:$0x0] =	wrdreg $0x0  }
0xa9: {  	s6 =	sshll.u32 s28, $0x1;
	[dreg:$0x2] =	wrdreg s4  }
0xaa: {  	[dreg:$0x3] =	wrdreg s6  }
0xab: {  	[dreg:$0x4] =	wrdreg $0xC0  }
0xac: {  	_ =	task [dreg:s8], $0x5FFFF  }
0xad: {  	[dreg:$0x1] =	wrdreg $0xFFFFFFFF  }
0xae: {  	[dreg:$0x0] =	wrdreg $0x60  }
0xaf: {  	[dreg:$0x2] =	wrdreg s24  }
0xb0: {  	[dreg:$0x3] =	wrdreg s2  }
0xb1: {  	[dreg:$0x4] =	wrdreg s18  }
0xb2: {  	[dreg:$0x5] =	wrdreg $0x9  }
0xb3: {  	_ =	task.clear_ibuf [dreg:s8], $0x6FFFF;
	_ =	strace $0x90000046  }
0xb4: {  	s29 =	simm.s32 $0x9;
	_ =	strace $0x80000048  }
0xb5: {  	_ =	swait.ge [sflag:s29], $0x1  }
0xb6: {  	[sflag:s29] =	ssyncadd.s32 $0xFFFFFFFF  }
0xb7: {  	_ =	strace $0x90000048  }
0xb8: {  	_ =	sfence  }
0xb9: {  	s30 =	sld [smem:$0x0];
	_ =	sdelay $0x2  }
0xba: {  	s31 =	sshll.u32 s1, $0xD;
	s1 =	sshrl.u32 s1, $0x2  }
0xbb: {  	s3 =	sand.u32 $0x4000, s31;
	s1 =	sadd.s32 s1, s30  }
0xbc: {  	s0 =	sor.u32 s3, s0;
	s1 =	sshll.u32 s1, $0x11  }
0xbd: {  	s0 =	sor.u32 s1, s0  }
0xbe: {  	s0 =	sadd.s32 $0x8F2B, s0  }
0xbf: {  	[sflag:s0] =	ssyncadd.remote.s32 $0x1  }
0xc0: {  	_ =	sfence.sel $0xFFFF  }
0xc1: {  	[dreg:$0x0] =	wrdreg $0xFFFFFFFF;
	(pc) =	sbr.abs _section_cstart, $3  }
0xc2: {  	[dreg:$0x1] =	wrdreg $0xFFFFFFFF  }
0xc3: {  	_ =	task.clear_ibuf [dreg:s8], $0x2FFFF;
	_ =	strace $0x9FFFFFFF  }
0xc4: {  	(tm) =	ssettm $0x7FFFFFFF  }
0xc5: {  	_ =	shalt  }
tec
execute0_lowered:
.L_overlay_start_1:
0x0: {  	(tag) =	ssettag $0x1  }
0x1: {  	s0 =	srdreg.scid;
	s1 =	rddreg [dreg:$0x0]  }
0x2: {  	s2 =	stileid.u32;
	s3 =	rddreg [dreg:$0x1]  }
0x3: {  	s5 =	rddreg [dreg:$0x2];
	s30 =	simm.s32 $0xD;
	s13 =	simm.s32 $0x80  }
0x4: {  	s11 =	simm.s32 $0x500;
	s25 =	simm.s32 $0x100;
	s10 =	simm.s32 $0x4500  }
0x5: {  	s26 =	simm.s32 $0x180;
	s9 =	simm.s32 $0x8500;
	s31 =	simm.s32 $0x280  }
0x6: {  	s29 =	simm.s32 $0x300;
	s0 =	sand.u32 $0x1, s0;
	s2 =	sshll.u32 s2, $0x1  }
0x7: {  	s12 =	simm.s32 $0x4;
	s28 =	simm.s32 $0x380;
	s4 =	sor.u32 s0, s2  }
0x8: {  	p0 =	por $0x0, $0x0;
	s8 =	simm.s32 $0xA;
	s6 =	smul.u32 $0xA0, s4  }
0x9: {  	s2 =	simm.s32 $0x0;
	s0 =	ssub.s32 $0x2, s0;
	s7 =	smul.u32 $0x5000, s4  }
0xa: {  	[smem:$0x7FF] =	sst s2;
	s4 =	smul.u32 $0x28000, s4;
	s22 =	sshrl.u32 s0, $0x1  }
0xb: {  	_ =	strace $0x80000047;
	s0 =	ssub.s32 s0, s22;
	[dreg:$0xe] =	wrdreg s25  }
0xc: {  	[dreg:$0xf] =	wrdreg s26;
	s26 =	simm.s32 $0x400;
	s1 =	sadd.s32 s6, s1  }
0xd: {  	s19 =	sadd.s32 s5, s7;
	s4 =	sshrl.u32 s4, $0x3;
	s1 =	sadd.s32 $0x2A00, s1  }
0xe: {  	s14 =	sadd.s32 $0x800, s19;
	s4 =	sadd.s32 s5, s4;
	[dreg:$0x4] =	wrdreg s1  }
0xf: {  	s25 =	simm.s32 $0x480;
	[dreg:$0x5] =	wrdreg s14;
	s15 =	sadd.s32 $0x1000, s4  }
0x10: {  	s0 =	smax.u32 s0, $0x1;
	s16 =	sadd.s32 $0x1800, s4;
	[dreg:$0x6] =	wrdreg s15  }
0x11: {  	s7 =	simm.s32 $0xC500;
	s17 =	sadd.s32 $0x2000, s4;
	[dreg:$0x7] =	wrdreg s16  }
0x12: {  	s6 =	simm.s32 $0x9;
	s18 =	sadd.s32 $0x2800, s4;
	[dreg:$0x8] =	wrdreg s17  }
0x13: {  	s5 =	simm.s32 $0x8;
	s20 =	sadd.s32 $0x3000, s4;
	[dreg:$0x9] =	wrdreg s18  }
0x14: {  	p1 =	sne.s32 s0, $0x1;
	s21 =	sadd.s32 $0x3800, s4;
	[dreg:$0xa] =	wrdreg s20  }
0x15: {  	s22 =	sadd.s32 $0xFFFFFFFF, s0;
	s23 =	sadd.s32 $0x4000, s4;
	[dreg:$0xb] =	wrdreg s21  }
.Ltmp0:
0x16: {  	s24 =	sadd.s32 $0x4800, s4;
	[dreg:$0xc] =	wrdreg s23;
	(pc) =	sbr.rel @!p1 .LBB2_1-.Ltmp0, $4  }
0x17: {  	s14 =	simm.s32 $0x3;
	s4 =	simm.s32 $0x7;
	[dreg:$0xd] =	wrdreg s24  }
0x18: {  	s16 =	simm.s32 $0x1;
	s21 =	simm.s32 $0x10500;
	s15 =	simm.s32 $0x2  }
0x19: {  	s20 =	simm.s32 $0x14500;
	s24 =	simm.s32 $0x5;
	s23 =	simm.s32 $0x6  }
0x1a: {  	s18 =	simm.s32 $0xB;
	s17 =	simm.s32 $0xC;
	s0 =	rddreg [dreg:$0x4]  }
0x1b: {  	[tilespmem:s2], [sflag:$0xD] =	stream.linear.gather [hbm4b:s0+s2], $0x500, $0x38;
	[tilespmem:$0x18500] =	vst v63  }
0x1c: {  	_ =	swait.ge [sflag:s30], $0x500  }
0x1d: {  	[sflag:s30] =	ssyncset.done $0x0  }
0x1e: {  	[sflag:s30] =	ssyncadd.s32 $0xFFFFFB00  }
0x1f: {  	[tilespmem:s11], [sflag:$0x1] =	stream.indirect.gather [hbm4b:s3+s13], $0x80, s2, s13, $0xb8;
	[tilespmem:$0x18500] =	vst v63  }
0x20: {  	_ = 	snop  }
0x21: {  	[tilespmem:s10], [sflag:$0x2] =	stream.indirect.gather [hbm4b:s3+s13], $0x80, s13, s13, $0xb8;
	[tilespmem:$0x18500] =	vst v63  }
0x22: {  	s0 =	rddreg [dreg:$0xe]  }
0x23: {  	[tilespmem:s9], [sflag:$0x3] =	stream.indirect.gather [hbm4b:s3+s13], $0x80, s0, s13, $0xb8;
	[tilespmem:$0x18500] =	vst v63  }
0x24: {  	s1 =	rddreg [dreg:$0xf]  }
0x25: {  	[tilespmem:s7], [sflag:$0x4] =	stream.indirect.gather [hbm4b:s3+s13], $0x80, s1, s13, $0xb8;
	[tilespmem:$0x18500] =	vst v63  }
0x26: {  	_ =	swait.ge [sflag:s16], $0x4000  }
0x27: {  	[sflag:s16] =	ssyncset.done $0x0  }
0x28: {  	[sflag:s16] =	ssyncadd.s32 $0xFFFFC000  }
0x29: {  	[hbm4b:s19+s2] =	stream.linear.scatter [tilespmem:s11], [sflag:$0x7], $0x4000, $0x38;
	[tilespmem:$0x18500] =	vst v63  }
0x2a: {  	s1 =	simm.s32 $0x200  }
0x2b: {  	[tilespmem:s21], [sflag:$0x5] =	stream.indirect.gather [hbm4b:s3+s13], $0x80, s1, s13, $0xb8;
	[tilespmem:$0x18500] =	vst v63  }
0x2c: {  	_ =	swait.ge [sflag:s15], $0x4000  }
0x2d: {  	[sflag:s15] =	ssyncset.done $0x0  }
0x2e: {  	s1 =	rddreg [dreg:$0x5];
	[sflag:s15] =	ssyncadd.s32 $0xFFFFC000  }
0x2f: {  	[hbm4b:s1+s2] =	stream.linear.scatter [tilespmem:s10], [sflag:$0x8], $0x4000, $0x38;
	[tilespmem:$0x18500] =	vst v63  }
0x30: {  	_ = 	snop  }
0x31: {  	[tilespmem:s20], [sflag:$0x6] =	stream.indirect.gather [hbm4b:s3+s13], $0x80, s31, s13, $0xb8;
	[tilespmem:$0x18500] =	vst v63  }
0x32: {  	_ =	swait.ge [sflag:s14], $0x4000  }
0x33: {  	[sflag:s14] =	ssyncset.done $0x0  }
0x34: {  	s1 =	rddreg [dreg:$0x6];
	[sflag:s14] =	ssyncadd.s32 $0xFFFFC000  }
0x35: {  	[hbm4b:s1+s2] =	stream.linear.scatter [tilespmem:s9], [sflag:$0x9], $0x4000, $0x38;
	[tilespmem:$0x18500] =	vst v63  }
0x36: {  	_ =	swait.ge [sflag:s4], $0x4000  }
0x37: {  	[sflag:s4] =	ssyncset.done $0x0  }
0x38: {  	[sflag:s4] =	ssyncadd.s32 $0xFFFFC000  }
0x39: {  	[tilespmem:s11], [sflag:$0x1] =	stream.indirect.gather [hbm4b:s3+s13], $0x80, s29, s13, $0xb8;
	[tilespmem:$0x18500] =	vst v63  }
0x3a: {  	_ =	swait.ge [sflag:s12], $0x4000  }
0x3b: {  	[sflag:s12] =	ssyncset.done $0x0  }
0x3c: {  	s1 =	rddreg [dreg:$0x7];
	[sflag:s12] =	ssyncadd.s32 $0xFFFFC000  }
0x3d: {  	[hbm4b:s1+s2] =	stream.linear.scatter [tilespmem:s7], [sflag:$0xA], $0x4000, $0x38;
	[tilespmem:$0x18500] =	vst v63  }
0x3e: {  	_ =	swait.ge [sflag:s5], $0x4000  }
0x3f: {  	[sflag:s5] =	ssyncset.done $0x0  }
0x40: {  	[sflag:s5] =	ssyncadd.s32 $0xFFFFC000  }
0x41: {  	[tilespmem:s10], [sflag:$0x2] =	stream.indirect.gather [hbm4b:s3+s13], $0x80, s28, s13, $0xb8;
	[tilespmem:$0x18500] =	vst v63  }
0x42: {  	_ =	swait.ge [sflag:s24], $0x4000  }
0x43: {  	[sflag:s24] =	ssyncset.done $0x0  }
0x44: {  	s1 =	rddreg [dreg:$0x8];
	[sflag:s24] =	ssyncadd.s32 $0xFFFFC000  }
0x45: {  	[hbm4b:s1+s2] =	stream.linear.scatter [tilespmem:s21], [sflag:$0xB], $0x4000, $0x38;
	[tilespmem:$0x18500] =	vst v63  }
0x46: {  	_ =	swait.ge [sflag:s6], $0x4000  }
0x47: {  	[sflag:s6] =	ssyncset.done $0x0  }
0x48: {  	[sflag:s6] =	ssyncadd.s32 $0xFFFFC000  }
0x49: {  	[tilespmem:s9], [sflag:$0x3] =	stream.indirect.gather [hbm4b:s3+s13], $0x80, s26, s13, $0xb8;
	[tilespmem:$0x18500] =	vst v63  }
0x4a: {  	_ =	swait.ge [sflag:s23], $0x4000  }
0x4b: {  	[sflag:s23] =	ssyncset.done $0x0  }
0x4c: {  	s1 =	rddreg [dreg:$0x9];
	[sflag:s23] =	ssyncadd.s32 $0xFFFFC000  }
0x4d: {  	[hbm4b:s1+s2] =	stream.linear.scatter [tilespmem:s20], [sflag:$0xC], $0x4000, $0x38;
	[tilespmem:$0x18500] =	vst v63  }
0x4e: {  	_ =	swait.ge [sflag:s8], $0x4000  }
0x4f: {  	[sflag:s8] =	ssyncset.done $0x0  }
0x50: {  	[sflag:s8] =	ssyncadd.s32 $0xFFFFC000  }
0x51: {  	[tilespmem:s7], [sflag:$0x4] =	stream.indirect.gather [hbm4b:s3+s13], $0x80, s25, s13, $0xb8;
	[tilespmem:$0x18500] =	vst v63  }
0x52: {  	_ =	swait.ge [sflag:s16], $0x4000  }
0x53: {  	[sflag:s16] =	ssyncset.done $0x0  }
0x54: {  	s1 =	rddreg [dreg:$0xa];
	[sflag:s16] =	ssyncadd.s32 $0xFFFFC000  }
0x55: {  	[hbm4b:s1+s2] =	stream.linear.scatter [tilespmem:s11], [sflag:$0x7], $0x4000, $0x38;
	[tilespmem:$0x18500] =	vst v63  }
0x56: {  	_ =	swait.ge [sflag:s15], $0x4000  }
0x57: {  	[sflag:s15] =	ssyncset.done $0x0  }
0x58: {  	s1 =	rddreg [dreg:$0xb];
	[sflag:s15] =	ssyncadd.s32 $0xFFFFC000  }
0x59: {  	[hbm4b:s1+s2] =	stream.linear.scatter [tilespmem:s10], [sflag:$0x8], $0x4000, $0x38;
	[tilespmem:$0x18500] =	vst v63  }
0x5a: {  	_ =	swait.ge [sflag:s14], $0x4000  }
0x5b: {  	[sflag:s14] =	ssyncset.done $0x0  }
0x5c: {  	s1 =	rddreg [dreg:$0xc];
	[sflag:s14] =	ssyncadd.s32 $0xFFFFC000  }
0x5d: {  	[hbm4b:s1+s2] =	stream.linear.scatter [tilespmem:s9], [sflag:$0x9], $0x4000, $0x38;
	[tilespmem:$0x18500] =	vst v63  }
0x5e: {  	_ =	swait.ge [sflag:s12], $0x4000  }
0x5f: {  	[sflag:s12] =	ssyncset.done $0x0  }
0x60: {  	s1 =	rddreg [dreg:$0xd];
	[sflag:s12] =	ssyncadd.s32 $0xFFFFC000  }
0x61: {  	[hbm4b:s1+s2] =	stream.linear.scatter [tilespmem:s7], [sflag:$0xA], $0x4000, $0x38;
	[tilespmem:$0x18500] =	vst v63  }
0x62: {  	_ =	swait.ge [sflag:s18], $0x4000  }
0x63: {  	[sflag:s18] =	ssyncset.done $0x0  }
0x64: {  	[sflag:s18] =	ssyncadd.s32 $0xFFFFC000  }
0x65: {  	_ =	swait.ge [sflag:s17], $0x4000  }
0x66: {  	[sflag:s17] =	ssyncset.done $0x0  }
0x67: {  	[sflag:s17] =	ssyncadd.s32 $0xFFFFC000  }
0x68: {  	_ =	swait.ge [sflag:s4], $0x4000  }
0x69: {  	[sflag:s4] =	ssyncset.done $0x0  }
0x6a: {  	[sflag:s4] =	ssyncadd.s32 $0xFFFFC000  }
0x6b: {  	_ =	swait.ge [sflag:s5], $0x4000  }
0x6c: {  	[sflag:s5] =	ssyncset.done $0x0  }
0x6d: {  	p1 =	sne.s32 s22, $0x1;
	[sflag:s5] =	ssyncadd.s32 $0xFFFFC000  }
.Ltmp1:
0x6e: {  	_ =	swait.ge [sflag:s6], $0x4000;
	(pc) =	sbr.rel @!p1 .LBB2_3-.Ltmp1, $4  }
0x6f: {  	[sflag:s6] =	ssyncset.done $0x0  }
0x70: {  	[sflag:s6] =	ssyncadd.s32 $0xFFFFC000  }
0x71: {  	p0 =	por $0x1, $0x1;
	_ =	swait.ge [sflag:s8], $0x4000  }
0x72: {  	s1 =	sadd.s32 $0xFFFFFFFF, s22;
	s0 =	rddreg [dreg:$0x4];
	[sflag:s8] =	ssyncset.done $0x0  }
.LBB2_4:
0x73: {  	[sflag:s8] =	ssyncadd.s32 $0xFFFFC000  }
0x74: {  	[tilespmem:s2], [sflag:$0xD] =	stream.linear.gather [hbm4b:s0+s2], $0x500, $0x38;
	[tilespmem:$0x18500] =	vst v63  }
0x75: {  	_ =	swait.ge [sflag:s30], $0x500  }
0x76: {  	[sflag:s30] =	ssyncset.done $0x0  }
0x77: {  	[sflag:s30] =	ssyncadd.s32 $0xFFFFFB00  }
0x78: {  	[tilespmem:s11], [sflag:$0x1] =	stream.indirect.gather [hbm4b:s3+s13], $0x80, s2, s13, $0xb8;
	[tilespmem:$0x18500] =	vst v63  }
0x79: {  	_ = 	snop  }
0x7a: {  	[tilespmem:s10], [sflag:$0x2] =	stream.indirect.gather [hbm4b:s3+s13], $0x80, s13, s13, $0xb8;
	[tilespmem:$0x18500] =	vst v63  }
0x7b: {  	s0 =	rddreg [dreg:$0xe]  }
0x7c: {  	[tilespmem:s9], [sflag:$0x3] =	stream.indirect.gather [hbm4b:s3+s13], $0x80, s0, s13, $0xb8;
	[tilespmem:$0x18500] =	vst v63  }
0x7d: {  	s22 =	rddreg [dreg:$0xf]  }
0x7e: {  	[tilespmem:s7], [sflag:$0x4] =	stream.indirect.gather [hbm4b:s3+s13], $0x80, s22, s13, $0xb8;
	[tilespmem:$0x18500] =	vst v63  }
0x7f: {  	_ =	swait.ge [sflag:s16], $0x4000  }
0x80: {  	[sflag:s16] =	ssyncset.done $0x0  }
0x81: {  	[sflag:s16] =	ssyncadd.s32 $0xFFFFC000  }
0x82: {  	[hbm4b:s19+s2] =	stream.linear.scatter [tilespmem:s11], [sflag:$0x7], $0x4000, $0x38;
	[tilespmem:$0x18500] =	vst v63  }
0x83: {  	s22 =	simm.s32 $0x200  }
0x84: {  	[tilespmem:s21], [sflag:$0x5] =	stream.indirect.gather [hbm4b:s3+s13], $0x80, s22, s13, $0xb8;
	[tilespmem:$0x18500] =	vst v63  }
0x85: {  	_ =	swait.ge [sflag:s15], $0x4000  }
0x86: {  	[sflag:s15] =	ssyncset.done $0x0  }
0x87: {  	s22 =	rddreg [dreg:$0x5];
	[sflag:s15] =	ssyncadd.s32 $0xFFFFC000  }
0x88: {  	[hbm4b:s22+s2] =	stream.linear.scatter [tilespmem:s10], [sflag:$0x8], $0x4000, $0x38;
	[tilespmem:$0x18500] =	vst v63  }
0x89: {  	_ = 	snop  }
0x8a: {  	[tilespmem:s20], [sflag:$0x6] =	stream.indirect.gather [hbm4b:s3+s13], $0x80, s31, s13, $0xb8;
	[tilespmem:$0x18500] =	vst v63  }
0x8b: {  	_ =	swait.ge [sflag:s14], $0x4000  }
0x8c: {  	[sflag:s14] =	ssyncset.done $0x0  }
0x8d: {  	s22 =	rddreg [dreg:$0x6];
	[sflag:s14] =	ssyncadd.s32 $0xFFFFC000  }
0x8e: {  	[hbm4b:s22+s2] =	stream.linear.scatter [tilespmem:s9], [sflag:$0x9], $0x4000, $0x38;
	[tilespmem:$0x18500] =	vst v63  }
0x8f: {  	_ =	swait.ge [sflag:s4], $0x4000  }
0x90: {  	[sflag:s4] =	ssyncset.done $0x0  }
0x91: {  	[sflag:s4] =	ssyncadd.s32 $0xFFFFC000  }
0x92: {  	[tilespmem:s11], [sflag:$0x1] =	stream.indirect.gather [hbm4b:s3+s13], $0x80, s29, s13, $0xb8;
	[tilespmem:$0x18500] =	vst v63  }
0x93: {  	_ =	swait.ge [sflag:s12], $0x4000  }
0x94: {  	[sflag:s12] =	ssyncset.done $0x0  }
0x95: {  	s22 =	rddreg [dreg:$0x7];
	[sflag:s12] =	ssyncadd.s32 $0xFFFFC000  }
0x96: {  	[hbm4b:s22+s2] =	stream.linear.scatter [tilespmem:s7], [sflag:$0xA], $0x4000, $0x38;
	[tilespmem:$0x18500] =	vst v63  }
0x97: {  	_ =	swait.ge [sflag:s5], $0x4000  }
0x98: {  	[sflag:s5] =	ssyncset.done $0x0  }
0x99: {  	[sflag:s5] =	ssyncadd.s32 $0xFFFFC000  }
0x9a: {  	[tilespmem:s10], [sflag:$0x2] =	stream.indirect.gather [hbm4b:s3+s13], $0x80, s28, s13, $0xb8;
	[tilespmem:$0x18500] =	vst v63  }
0x9b: {  	_ =	swait.ge [sflag:s24], $0x4000  }
0x9c: {  	[sflag:s24] =	ssyncset.done $0x0  }
0x9d: {  	s22 =	rddreg [dreg:$0x8];
	[sflag:s24] =	ssyncadd.s32 $0xFFFFC000  }
0x9e: {  	[hbm4b:s22+s2] =	stream.linear.scatter [tilespmem:s21], [sflag:$0xB], $0x4000, $0x38;
	[tilespmem:$0x18500] =	vst v63  }
0x9f: {  	_ =	swait.ge [sflag:s6], $0x4000  }
0xa0: {  	[sflag:s6] =	ssyncset.done $0x0  }
0xa1: {  	[sflag:s6] =	ssyncadd.s32 $0xFFFFC000  }
0xa2: {  	[tilespmem:s9], [sflag:$0x3] =	stream.indirect.gather [hbm4b:s3+s13], $0x80, s26, s13, $0xb8;
	[tilespmem:$0x18500] =	vst v63  }
0xa3: {  	_ =	swait.ge [sflag:s23], $0x4000  }
0xa4: {  	[sflag:s23] =	ssyncset.done $0x0  }
0xa5: {  	s22 =	rddreg [dreg:$0x9];
	[sflag:s23] =	ssyncadd.s32 $0xFFFFC000  }
0xa6: {  	[hbm4b:s22+s2] =	stream.linear.scatter [tilespmem:s20], [sflag:$0xC], $0x4000, $0x38;
	[tilespmem:$0x18500] =	vst v63  }
0xa7: {  	_ =	swait.ge [sflag:s8], $0x4000  }
0xa8: {  	[sflag:s8] =	ssyncset.done $0x0  }
0xa9: {  	[sflag:s8] =	ssyncadd.s32 $0xFFFFC000  }
0xaa: {  	[tilespmem:s7], [sflag:$0x4] =	stream.indirect.gather [hbm4b:s3+s13], $0x80, s25, s13, $0xb8;
	[tilespmem:$0x18500] =	vst v63  }
0xab: {  	_ =	swait.ge [sflag:s16], $0x4000  }
0xac: {  	[sflag:s16] =	ssyncset.done $0x0  }
0xad: {  	s22 =	rddreg [dreg:$0xa];
	[sflag:s16] =	ssyncadd.s32 $0xFFFFC000  }
0xae: {  	[hbm4b:s22+s2] =	stream.linear.scatter [tilespmem:s11], [sflag:$0x7], $0x4000, $0x38;
	[tilespmem:$0x18500] =	vst v63  }
0xaf: {  	_ =	swait.ge [sflag:s15], $0x4000  }
0xb0: {  	[sflag:s15] =	ssyncset.done $0x0  }
0xb1: {  	s22 =	rddreg [dreg:$0xb];
	[sflag:s15] =	ssyncadd.s32 $0xFFFFC000  }
0xb2: {  	[hbm4b:s22+s2] =	stream.linear.scatter [tilespmem:s10], [sflag:$0x8], $0x4000, $0x38;
	[tilespmem:$0x18500] =	vst v63  }
0xb3: {  	_ =	swait.ge [sflag:s14], $0x4000  }
0xb4: {  	[sflag:s14] =	ssyncset.done $0x0  }
0xb5: {  	s22 =	rddreg [dreg:$0xc];
	[sflag:s14] =	ssyncadd.s32 $0xFFFFC000  }
0xb6: {  	[hbm4b:s22+s2] =	stream.linear.scatter [tilespmem:s9], [sflag:$0x9], $0x4000, $0x38;
	[tilespmem:$0x18500] =	vst v63  }
0xb7: {  	_ =	swait.ge [sflag:s12], $0x4000  }
0xb8: {  	[sflag:s12] =	ssyncset.done $0x0  }
0xb9: {  	s22 =	rddreg [dreg:$0xd];
	[sflag:s12] =	ssyncadd.s32 $0xFFFFC000  }
0xba: {  	[hbm4b:s22+s2] =	stream.linear.scatter [tilespmem:s7], [sflag:$0xA], $0x4000, $0x38;
	[tilespmem:$0x18500] =	vst v63  }
0xbb: {  	_ =	swait.ge [sflag:s18], $0x4000  }
0xbc: {  	[sflag:s18] =	ssyncset.done $0x0  }
0xbd: {  	[sflag:s18] =	ssyncadd.s32 $0xFFFFC000  }
0xbe: {  	_ =	swait.ge [sflag:s17], $0x4000  }
0xbf: {  	[sflag:s17] =	ssyncset.done $0x0  }
0xc0: {  	[sflag:s17] =	ssyncadd.s32 $0xFFFFC000  }
0xc1: {  	_ =	swait.ge [sflag:s4], $0x4000  }
0xc2: {  	[sflag:s4] =	ssyncset.done $0x0  }
0xc3: {  	[sflag:s4] =	ssyncadd.s32 $0xFFFFC000  }
0xc4: {  	_ =	swait.ge [sflag:s5], $0x4000  }
0xc5: {  	[sflag:s5] =	ssyncset.done $0x0  }
0xc6: {  	p1 =	sne.s32 s1, $0x1;
	[sflag:s5] =	ssyncadd.s32 $0xFFFFC000  }
.Ltmp2:
0xc7: {  	_ =	swait.ge [sflag:s6], $0x4000;
	(pc) =	sbr.rel @p1 .LBB2_4-.Ltmp2, $4  }
0xc8: {  	[sflag:s6] =	ssyncset.done $0x0  }
0xc9: {  	[sflag:s6] =	ssyncadd.s32 $0xFFFFC000  }
0xca: {  	_ =	swait.ge [sflag:s8], $0x4000  }
0xcb: {  	s1 =	sadd.s32 $0xFFFFFFFF, s1;
	s0 =	rddreg [dreg:$0x4];
	[sflag:s8] =	ssyncset.done $0x0  }
0xcc: {  	s22 =	simm.s32 $0x200;
	s31 =	simm.s32 $0x280;
	s29 =	simm.s32 $0x300  }
0xcd: {  	s28 =	simm.s32 $0x380;
	s26 =	simm.s32 $0x400;
	s25 =	simm.s32 $0x480  }
.LBB2_6:
0xce: {  	[sflag:s8] =	ssyncadd.s32 @p0 $0xFFFFC000  }
0xcf: {  	[tilespmem:s2], [sflag:$0xD] =	stream.linear.gather [hbm4b:s0+s2], $0x500, $0x38;
	[tilespmem:$0x18500] =	vst v63  }
0xd0: {  	_ =	swait.ge [sflag:s30], $0x500  }
0xd1: {  	[sflag:s30] =	ssyncset.done $0x0  }
0xd2: {  	[sflag:s30] =	ssyncadd.s32 $0xFFFFFB00  }
0xd3: {  	[tilespmem:s11], [sflag:$0x1] =	stream.indirect.gather [hbm4b:s3+s13], $0x80, s2, s13, $0xb8;
	[tilespmem:$0x18500] =	vst v63  }
0xd4: {  	_ = 	snop  }
0xd5: {  	[tilespmem:s10], [sflag:$0x2] =	stream.indirect.gather [hbm4b:s3+s13], $0x80, s13, s13, $0xb8;
	[tilespmem:$0x18500] =	vst v63  }
0xd6: {  	s30 =	rddreg [dreg:$0xe]  }
0xd7: {  	[tilespmem:s9], [sflag:$0x3] =	stream.indirect.gather [hbm4b:s3+s13], $0x80, s30, s13, $0xb8;
	[tilespmem:$0x18500] =	vst v63  }
0xd8: {  	s1 =	rddreg [dreg:$0xf]  }
0xd9: {  	[tilespmem:s7], [sflag:$0x4] =	stream.indirect.gather [hbm4b:s3+s13], $0x80, s1, s13, $0xb8;
	[tilespmem:$0x18500] =	vst v63  }
0xda: {  	_ =	swait.ge [sflag:s16], $0x4000  }
0xdb: {  	[sflag:s16] =	ssyncset.done $0x0  }
0xdc: {  	[sflag:s16] =	ssyncadd.s32 $0xFFFFC000  }
0xdd: {  	[hbm4b:s19+s2] =	stream.linear.scatter [tilespmem:s11], [sflag:$0x7], $0x4000, $0x38;
	[tilespmem:$0x18500] =	vst v63  }
0xde: {  	_ = 	snop  }
0xdf: {  	[tilespmem:s21], [sflag:$0x5] =	stream.indirect.gather [hbm4b:s3+s13], $0x80, s22, s13, $0xb8;
	[tilespmem:$0x18500] =	vst v63  }
0xe0: {  	_ =	swait.ge [sflag:s15], $0x4000  }
0xe1: {  	[sflag:s15] =	ssyncset.done $0x0  }
0xe2: {  	s30 =	rddreg [dreg:$0x5];
	[sflag:s15] =	ssyncadd.s32 $0xFFFFC000  }
0xe3: {  	[hbm4b:s30+s2] =	stream.linear.scatter [tilespmem:s10], [sflag:$0x8], $0x4000, $0x38;
	[tilespmem:$0x18500] =	vst v63  }
0xe4: {  	_ = 	snop  }
0xe5: {  	[tilespmem:s20], [sflag:$0x6] =	stream.indirect.gather [hbm4b:s3+s13], $0x80, s31, s13, $0xb8;
	[tilespmem:$0x18500] =	vst v63  }
0xe6: {  	_ =	swait.ge [sflag:s14], $0x4000  }
0xe7: {  	[sflag:s14] =	ssyncset.done $0x0  }
0xe8: {  	s1 =	rddreg [dreg:$0x6];
	[sflag:s14] =	ssyncadd.s32 $0xFFFFC000  }
0xe9: {  	[hbm4b:s1+s2] =	stream.linear.scatter [tilespmem:s9], [sflag:$0x9], $0x4000, $0x38;
	[tilespmem:$0x18500] =	vst v63  }
0xea: {  	_ =	swait.ge [sflag:s4], $0x4000  }
0xeb: {  	[sflag:s4] =	ssyncset.done $0x0  }
0xec: {  	[sflag:s4] =	ssyncadd.s32 $0xFFFFC000  }
0xed: {  	[tilespmem:s11], [sflag:$0x1] =	stream.indirect.gather [hbm4b:s3+s13], $0x80, s29, s13, $0xb8;
	[tilespmem:$0x18500] =	vst v63  }
0xee: {  	_ =	swait.ge [sflag:s12], $0x4000  }
0xef: {  	[sflag:s12] =	ssyncset.done $0x0  }
0xf0: {  	s19 =	rddreg [dreg:$0x7];
	[sflag:s12] =	ssyncadd.s32 $0xFFFFC000  }
0xf1: {  	[hbm4b:s19+s2] =	stream.linear.scatter [tilespmem:s7], [sflag:$0xA], $0x4000, $0x38;
	[tilespmem:$0x18500] =	vst v63  }
0xf2: {  	_ =	swait.ge [sflag:s5], $0x4000  }
0xf3: {  	[sflag:s5] =	ssyncset.done $0x0  }
0xf4: {  	[sflag:s5] =	ssyncadd.s32 $0xFFFFC000  }
0xf5: {  	[tilespmem:s10], [sflag:$0x2] =	stream.indirect.gather [hbm4b:s3+s13], $0x80, s28, s13, $0xb8;
	[tilespmem:$0x18500] =	vst v63  }
0xf6: {  	_ =	swait.ge [sflag:s24], $0x4000  }
0xf7: {  	[sflag:s24] =	ssyncset.done $0x0  }
0xf8: {  	s22 =	rddreg [dreg:$0x8];
	[sflag:s24] =	ssyncadd.s32 $0xFFFFC000  }
0xf9: {  	[hbm4b:s22+s2] =	stream.linear.scatter [tilespmem:s21], [sflag:$0xB], $0x4000, $0x38;
	[tilespmem:$0x18500] =	vst v63  }
0xfa: {  	_ =	swait.ge [sflag:s6], $0x4000  }
0xfb: {  	[sflag:s6] =	ssyncset.done $0x0  }
0xfc: {  	[sflag:s6] =	ssyncadd.s32 $0xFFFFC000  }
0xfd: {  	[tilespmem:s9], [sflag:$0x3] =	stream.indirect.gather [hbm4b:s3+s13], $0x80, s26, s13, $0xb8;
	[tilespmem:$0x18500] =	vst v63  }
0xfe: {  	_ =	swait.ge [sflag:s23], $0x4000  }
0xff: {  	[sflag:s23] =	ssyncset.done $0x0  }
0x100: {  	s24 =	rddreg [dreg:$0x9];
	[sflag:s23] =	ssyncadd.s32 $0xFFFFC000  }
0x101: {  	[hbm4b:s24+s2] =	stream.linear.scatter [tilespmem:s20], [sflag:$0xC], $0x4000, $0x38;
	[tilespmem:$0x18500] =	vst v63  }
0x102: {  	_ =	swait.ge [sflag:s8], $0x4000  }
0x103: {  	[sflag:s8] =	ssyncset.done $0x0  }
0x104: {  	[sflag:s8] =	ssyncadd.s32 $0xFFFFC000  }
0x105: {  	[tilespmem:s7], [sflag:$0x4] =	stream.indirect.gather [hbm4b:s3+s13], $0x80, s25, s13, $0xb8;
	[tilespmem:$0x18500] =	vst v63  }
0x106: {  	_ =	swait.ge [sflag:s16], $0x4000  }
0x107: {  	[sflag:s16] =	ssyncset.done $0x0  }
0x108: {  	s26 =	rddreg [dreg:$0xa];
	[sflag:s16] =	ssyncadd.s32 $0xFFFFC000  }
0x109: {  	[hbm4b:s26+s2] =	stream.linear.scatter [tilespmem:s11], [sflag:$0x7], $0x4000, $0x38;
	[tilespmem:$0x18500] =	vst v63  }
0x10a: {  	_ =	swait.ge [sflag:s15], $0x4000  }
0x10b: {  	[sflag:s15] =	ssyncset.done $0x0  }
0x10c: {  	s28 =	rddreg [dreg:$0xb];
	[sflag:s15] =	ssyncadd.s32 $0xFFFFC000  }
0x10d: {  	[hbm4b:s28+s2] =	stream.linear.scatter [tilespmem:s10], [sflag:$0x8], $0x4000, $0x38;
	[tilespmem:$0x18500] =	vst v63  }
0x10e: {  	_ =	swait.ge [sflag:s14], $0x4000  }
0x10f: {  	[sflag:s14] =	ssyncset.done $0x0  }
0x110: {  	s29 =	rddreg [dreg:$0xc];
	[sflag:s14] =	ssyncadd.s32 $0xFFFFC000  }
0x111: {  	[hbm4b:s29+s2] =	stream.linear.scatter [tilespmem:s9], [sflag:$0x9], $0x4000, $0x38;
	[tilespmem:$0x18500] =	vst v63  }
0x112: {  	_ =	swait.ge [sflag:s12], $0x4000  }
0x113: {  	[sflag:s12] =	ssyncset.done $0x0  }
0x114: {  	s30 =	rddreg [dreg:$0xd];
	[sflag:s12] =	ssyncadd.s32 $0xFFFFC000  }
0x115: {  	[hbm4b:s30+s2] =	stream.linear.scatter [tilespmem:s7], [sflag:$0xA], $0x4000, $0x38;
	[tilespmem:$0x18500] =	vst v63  }
0x116: {  	_ =	swait.ge [sflag:s18], $0x4000  }
0x117: {  	[sflag:s18] =	ssyncset.done $0x0  }
0x118: {  	[sflag:s18] =	ssyncadd.s32 $0xFFFFC000  }
0x119: {  	_ =	swait.ge [sflag:s17], $0x4000  }
0x11a: {  	[sflag:s17] =	ssyncset.done $0x0  }
0x11b: {  	[sflag:s17] =	ssyncadd.s32 $0xFFFFC000  }
0x11c: {  	_ =	swait.ge [sflag:s4], $0x4000  }
0x11d: {  	[sflag:s4] =	ssyncset.done $0x0  }
0x11e: {  	[sflag:s4] =	ssyncadd.s32 $0xFFFFC000  }
0x11f: {  	_ =	swait.ge [sflag:s5], $0x4000  }
0x120: {  	[sflag:s5] =	ssyncset.done $0x0  }
0x121: {  	[sflag:s5] =	ssyncadd.s32 $0xFFFFC000  }
0x122: {  	_ =	swait.ge [sflag:s6], $0x4000  }
0x123: {  	[sflag:s6] =	ssyncset.done $0x0  }
0x124: {  	[sflag:s6] =	ssyncadd.s32 $0xFFFFC000  }
0x125: {  	_ =	swait.ge [sflag:s8], $0x4000  }
0x126: {  	[sflag:s8] =	ssyncset.done $0x0  }
0x127: {  	[sflag:s8] =	ssyncadd.s32 $0xFFFFC000  }
0x128: {  	_ =	sfence.sel $0x180000  }
0x129: {  	[bflag:$0x0] =	sbarrier.arrive $0xFFFF  }
0x12a: {  	_ =	strace $0x90000047  }
0x12b: {  	s31 =	stileid.u32;
	[bflag:$0x2] =	sbarrier.arrive $0xFFFF  }
0x12c: {  	p0 =	sne.s32 s31, $0x0;
	s0 =	rddreg [dreg:$0x3]  }
0x12d: {  	s0 =	sadd.s32 @!p0 $0x100000, s0  }
0x12e: {  	[sflag:s0] =	ssyncadd.tile.s32 @!p0 $0x1;
	_ =	shalt  }
.LBB2_1:
.Ltmp3:
0x12f: {  	(pc) =	sbr.rel .LBB2_6-.Ltmp3, $3  }
0x130: {  	_ =	sdelay $0x1  }
0x131: {  	s22 =	simm.s32 $0x200;
	s31 =	simm.s32 $0x280;
	s29 =	simm.s32 $0x300  }
0x132: {  	s28 =	simm.s32 $0x380;
	s26 =	simm.s32 $0x400;
	s25 =	simm.s32 $0x480  }
.LBB2_3:
.Ltmp4:
0x133: {  	(pc) =	sbr.rel .LBB2_6-.Ltmp4, $3  }
0x134: {  	_ =	sdelay $0x1  }
0x135: {  	s22 =	simm.s32 $0x200;
	s31 =	simm.s32 $0x280;
	s29 =	simm.s32 $0x300  }
0x136: {  	s28 =	simm.s32 $0x380;
	s26 =	simm.s32 $0x400;
	s25 =	simm.s32 $0x480  }
.Lfunc_end2:
_tile_overlayer_lowered:
.L_overlay_start_2:
0x137: {  	(tag) =	ssettag $0x2  }
0x138: {  	s0 =	rddreg [dreg:$0x0];
	s2 =	stileid.u32  }
0x139: {  	s1 =	rddreg [dreg:$0x1];
	p0 =	sne.s32 s2, $0x0  }
0x13a: {  	s3 =	rddreg [dreg:$0x2];
	[bflag:$0x3] =	sbarrier.arrive $0xFFFF;
	s2 =	simm.s32 @!p0 $0x1C0D  }
0x13b: {  	[timem:s3], [sflag:s2] =	dma.local @!p0 [hbm:s0], s1  }
0x13c: {  	s0 =	simm.s32 @!p0 $0xD  }
0x13d: {  	_ =	swait.ge @!p0 [sflag:s0], s1  }
0x13e: {  	s1 =	ssub.s32 @!p0 $0x0, s1;
	[sflag:s0] =	ssyncset.done @!p0 $0x0  }
0x13f: {  	[sflag:s0] =	ssyncadd.s32 @!p0 s1  }
0x140: {  	[bflag:$0x3] =	sbarrier.arrive $0xFFFF  }
0x141: {  	_ =	shalt  }

// kernel: kernel.15.cloned.1.call-start
scs
__scs_entry_jumppad:
0x0: {  	(pc) =	sbr.rel $0x88, $3  }
0x1: {  	(tag) =	ssettag $0x0;
	lr =	simm.s32 $0x1  }
0x2: {  	[smem:$0x3F9B] =	sst lr;
	_ =	strace $0xD0000000  }
0x3: {  	_ = 	snop  }
0x4: {  	_ = 	snop  }
0x5: {  	_ = 	snop  }
0x6: {  	_ = 	snop  }
0x7: {  	_ = 	snop  }
__scs_overlays_trampoline_lowered:
0x8: {  	[smem:$0x3FAA] =	sst s0  }
0x9: {  	[smem:$0x3FAB] =	sst s1  }
0xa: {  	[smem:$0x3FAC] =	sst s2  }
0xb: {  	[smem:$0x3FAD] =	sst s3  }
0xc: {  	[smem:$0x3FAE] =	sst s4  }
0xd: {  	[smem:$0x3FAF] =	sst s5  }
0xe: {  	[smem:$0x3FB0] =	sst s6  }
0xf: {  	[smem:$0x3FB1] =	sst s7  }
0x10: {  	[smem:$0x3FB2] =	sst s8  }
0x11: {  	[smem:$0x3FB3] =	sst s9;
	s0 =	simm.s32 @!p0 $0x0  }
0x12: {  	s1 =	sld [smem:$0x3F99];
	s0 =	simm.s32 @p0 $0x1  }
0x13: {  	[smem:$0x3FB4] =	sst s0;
	s0 =	simm.s32 @!p1 $0x0  }
0x14: {  	s2 =	sld [smem:$0x3F98];
	s0 =	simm.s32 @p1 $0x1  }
0x15: {  	[smem:$0x3FB5] =	sst s0;
	s0 =	simm.s32 @!p2 $0x0  }
0x16: {  	s3 =	sld [smem:$0x3FDB];
	s0 =	simm.s32 @p2 $0x1  }
0x17: {  	s4 =	simm.s32 $0x1BF5;
	[smem:$0x3FB7] =	sst s0  }
0x18: {  	s0 =	sld [smem:$0x3F9A];
	_ =	swait.ge [sflag:s4], $0x0  }
0x19: {  	s7 =	sld [smem:$0x3F9B]  }
0x1a: {  	s8 =	sadd.s32 $0xFFFFE003, lr  }
0x1b: {  	s9 =	sadd.s32 $0xFFFFFEF7, lr;
	s5 =	simm.s32 $0xFFFFFFFF;
	p2 =	slt.u32 s8, $0xFFFFF086  }
0x1c: {  	p1 =	slt.u32 s9, $0xF7A;
	s5 =	simm.s32 @!p2 $0x0  }
0x1d: {  	s5 =	simm.s32 @p1 $0x1;
	p0 =	seq.s32 s7, s2  }
0x1e: {  	s7 =	smul.u32 @!p0 $0xF7A, s2;
	p2 =	seq.s32 @!p0 s5, $0x0  }
0x1f: {  	s9 =	smul.u32 $0xF7A, s1;
	s8 =	simm.s32 @!p0 $0x1BF5;
	p2 =	por !p2, p0  }
0x20: {  	[sflag:s8] =	ssyncset.s32 @!p0 $0xFFFFF086;
	s6 =	sadd.s32 @!p0 s3, s7;
	s7 =	simm.s32 @!p0 $0x108  }
0x21: {  	s3 =	sadd.s32 s3, s9;
	s6 =	sadd.s32 @!p0 $0x88, s6;
	s7 =	simm.s32 @p2 $0x1082  }
0x22: {  	[simem:s7], [sflag:s8] =	dma.local @!p0 [hbm:s6], $0xF7A  }
0x23: {  	s9 =	sor.u32 $0xD0000000, s2;
	s6 =	simm.s32 $0x108;
	_ =	swait.ge @!p0 [sflag:s8], $0x0  }
0x24: {  	s3 =	sadd.s32 $0x88, s3;
	s6 =	simm.s32 @!p1 $0x1082;
	[sflag:s4] =	ssyncset.s32 $0xFFFFF086  }
0x25: {  	[simem:s6], [sflag:s4] =	dma.local [hbm:s3], $0xF7A  }
0x26: {  	[smem:$0x3F9B] =	sst s1;
	(tag) =	ssettag s2;
	_ =	strace s9  }
0x27: {  	s1 =	sld [smem:$0x3FAB]  }
0x28: {  	s2 =	sld [smem:$0x3FAC]  }
0x29: {  	s4 =	sld [smem:$0x3FAE]  }
0x2a: {  	p0 =	seq.s32 s5, $0x0;
	s5 =	sld [smem:$0x3FAF]  }
0x2b: {  	s6 =	sld [smem:$0x3FB0]  }
0x2c: {  	s7 =	sld [smem:$0x3FB1]  }
0x2d: {  	s3 =	simm.s32 $0x108;
	s8 =	sld [smem:$0x3FB2]  }
0x2e: {  	s3 =	simm.s32 @!p0 $0x1082;
	s9 =	sld [smem:$0x3FB3]  }
0x2f: {  	lr =	sadd.s32 s0, s3;
	s0 =	sld [smem:$0x3FAA]  }
0x30: {  	s3 =	sld [smem:$0x3FAD]  }
0x31: {  	[smem:$0x3FB6] =	sst s10  }
0x32: {  	s10 =	sld [smem:$0x3FB4];
	_ =	sdelay $0x3  }
0x33: {  	p0 =	seq.s32 s10, $0x1;
	s10 =	sld [smem:$0x3FB6];
	_ =	sdelay $0x3  }
0x34: {  	[smem:$0x3FB6] =	sst s10  }
0x35: {  	s10 =	sld [smem:$0x3FB5];
	_ =	sdelay $0x3  }
0x36: {  	p1 =	seq.s32 s10, $0x1;
	s10 =	sld [smem:$0x3FB6];
	_ =	sdelay $0x3  }
0x37: {  	[smem:$0x3FB6] =	sst s10  }
0x38: {  	s10 =	sld [smem:$0x3FB7]  }
0x39: {  	_ = 	snop;
	(pc) =	sbr.ind lr, $3  }
0x3a: {  	_ = 	snop  }
0x3b: {  	_ = 	snop  }
0x3c: {  	p2 =	seq.s32 s10, $0x1;
	s10 =	sld [smem:$0x3FB6]  }
0x3d: {  	_ =	shalt  }
0x3e: {  	_ =	shalt  }
0x3f: {  	_ =	shalt  }
0x40: {  	_ =	shalt  }
0x41: {  	_ =	shalt  }
0x42: {  	_ =	shalt  }
0x43: {  	_ =	shalt  }
0x44: {  	_ =	shalt  }
0x45: {  	_ =	shalt  }
0x46: {  	_ =	shalt  }
0x47: {  	_ =	shalt  }
0x48: {  	_ =	shalt  }
0x49: {  	_ =	shalt  }
0x4a: {  	_ =	shalt  }
0x4b: {  	_ =	shalt  }
0x4c: {  	_ =	shalt  }
0x4d: {  	_ =	shalt  }
0x4e: {  	_ =	shalt  }
0x4f: {  	_ =	shalt  }
0x50: {  	_ =	shalt  }
0x51: {  	_ =	shalt  }
0x52: {  	_ =	shalt  }
0x53: {  	_ =	shalt  }
0x54: {  	_ =	shalt  }
0x55: {  	_ =	shalt  }
0x56: {  	_ =	shalt  }
0x57: {  	_ =	shalt  }
0x58: {  	_ =	shalt  }
0x59: {  	_ =	shalt  }
0x5a: {  	_ =	shalt  }
0x5b: {  	_ =	shalt  }
0x5c: {  	_ =	shalt  }
0x5d: {  	_ =	shalt  }
0x5e: {  	_ =	shalt  }
0x5f: {  	_ =	shalt  }
0x60: {  	_ =	shalt  }
0x61: {  	_ =	shalt  }
0x62: {  	_ =	shalt  }
0x63: {  	_ =	shalt  }
0x64: {  	_ =	shalt  }
0x65: {  	_ =	shalt  }
0x66: {  	_ =	shalt  }
0x67: {  	_ =	shalt  }
0x68: {  	_ =	shalt  }
0x69: {  	_ =	shalt  }
0x6a: {  	_ =	shalt  }
0x6b: {  	_ =	shalt  }
0x6c: {  	_ =	shalt  }
0x6d: {  	_ =	shalt  }
0x6e: {  	_ =	shalt  }
0x6f: {  	_ =	shalt  }
0x70: {  	_ =	shalt  }
0x71: {  	_ =	shalt  }
0x72: {  	_ =	shalt  }
0x73: {  	_ =	shalt  }
0x74: {  	_ =	shalt  }
0x75: {  	_ =	shalt  }
0x76: {  	_ =	shalt  }
0x77: {  	_ =	shalt  }
0x78: {  	_ =	shalt  }
0x79: {  	_ =	shalt  }
0x7a: {  	_ =	shalt  }
0x7b: {  	_ =	shalt  }
0x7c: {  	_ =	shalt  }
0x7d: {  	_ =	shalt  }
0x7e: {  	_ =	shalt  }
0x7f: {  	_ =	shalt  }
0x80: {  	_ =	shalt  }
0x81: {  	_ =	shalt  }
0x82: {  	_ =	shalt  }
0x83: {  	_ =	shalt  }
0x84: {  	_ =	shalt  }
0x85: {  	_ =	shalt  }
0x86: {  	_ =	shalt  }
0x87: {  	_ =	shalt  }
.Lfunc_end0:
.L_simem_size_0:
called_computation.1_lowered:
.L_overlay_start_0:
0x88: {  	s2 =	sld [smem:$0x3FD9]  }
0x89: {  	s3 =	sld [smem:$0x3FFE];
	_ =	sdelay $0x1  }
0x8a: {  	s1 =	srdreg.scid  }
0x8b: {  	s0 =	sand.u32 $0x1, s1  }
0x8c: {  	s17 =	sshll.u32 s0, $0xA;
	s2 =	sadd.s32 s3, s2  }
0x8d: {  	s2 =	sadd.s32 s2, s17  }
0x8e: {  	[smem:$0x3FC2] =	sst s2  }
0x8f: {  	_ = 	snop  }
0x90: {  	s18 =	sld [smem:$0x3FC8];
	(tm) =	ssettm $0x1  }
0x91: {  	s19 =	sld [smem:$0x3FFB];
	_ =	sdelay $0x3  }
0x92: {  	_ =	strace s19  }
0x93: {  	s2 =	sld [smem:$0x3FFC];
	_ =	sdelay $0x3  }
0x94: {  	_ =	strace s2  }
0x95: {  	s2 =	sld [smem:$0x3FFD];
	_ =	sdelay $0x3  }
0x96: {  	_ =	strace s2  }
0x97: {  	_ =	strace $0x8FFFFFFF  }
0x98: {  	s20 =	sld [smem:$0x3FDB];
	_ =	sdelay $0x1  }
0x99: {  	s4 =	simm.s32 $_scs_section_size  }
0x9a: {  	s5 =	simm.s32 $_size__tile_overlayer_lowered;
	s6 =	simm.s32 $_tile_overlayer_lowered  }
0x9b: {  	s7 =	simm.s32 $0x1BFF;
	s21 =	sshll.u32 s6, $0x1;
	s4 =	sadd.s32 s4, s20  }
0x9c: {  	s22 =	simm.s32 $0x0;
	s5 =	sshll.u32 s5, $0x1;
	s6 =	sadd.s32 s21, s4  }
0x9d: {  	[timem:s22], [sflag:s7] =	dma.local [hbm:s6], s5  }
0x9e: {  	_ =	swait.ge [sflag:s7], s5  }
0x9f: {  	s5 =	ssub.s32 $0x0, s5;
	[sflag:s7] =	ssyncset.done $0x0  }
0xa0: {  	[sflag:s7] =	ssyncadd.s32 s5;
	_ =	sdelay $0x1  }
0xa1: {  	s23 =	simm.s32 $0x1B8B  }
0xa2: {  	_ =	swait.ge [sflag:s23], $0x1  }
0xa3: {  	[sflag:s23] =	ssyncset.done $0x0  }
0xa4: {  	[sflag:s23] =	ssyncadd.s32 $0xFFFFFFFF  }
0xa5: {  	s5 =	sld [smem:$0x0]  }
0xa6: {  	s6 =	sand.u32 $0xFFFFFFFE, s1  }
0xa7: {  	p0 =	sne.s32 s1, s6  }
0xa8: {  	s6 =	sshll.u32 @p0 s6, $0xE  }
0xa9: {  	s6 =	sadd.s32 @p0 $0x11B8D, s6;
	s7 =	sshll.u32 @p0 s5, $0x11  }
0xaa: {  	s6 =	sor.u32 @p0 s7, s6  }
0xab: {  	[sflag:s6] =	ssyncadd.remote.s32 @p0 $0x1;
	_ =	sdelay $0x1  }
0xac: {  	s6 =	simm.s32 @p0 $0x1B8D  }
0xad: {  	_ =	swait.eq @p0 [sflag:s6], $0x1  }
0xae: {  	[sflag:s6] =	ssyncadd.s32 @p0 $0xFFFFFFFF  }
0xaf: {  	s7 =	sshll.u32 @!p0 s1, $0xE  }
0xb0: {  	s7 =	sor.u32 @!p0 $0x4000, s7;
	s6 =	simm.s32 @!p0 $0x1B8D  }
0xb1: {  	s5 =	sshll.u32 @!p0 s5, $0x11;
	s7 =	sadd.s32 @!p0 $0x11B8D, s7;
	_ =	swait.eq @!p0 [sflag:s6], $0x1  }
0xb2: {  	s5 =	sor.u32 @!p0 s5, s7;
	[sflag:s6] =	ssyncadd.s32 @!p0 $0xFFFFFFFF  }
0xb3: {  	s25 =	simm.s32 $0x1B8E;
	s24 =	sld [smem:$0x3FFE];
	[sflag:s5] =	ssyncadd.remote.s32 @!p0 $0x1  }
0xb4: {  	s26 =	simm.s32 $execute0_lowered;
	[smem:$0x3FD2] =	sst s25  }
0xb5: {  	s6 =	sshll.u32 s26, $0x1;
	_ =	strace $0x80000049;
	[dreg:$0x1] =	wrdreg $0xFFFFFFFF  }
0xb6: {  	s28 =	simm.s32 $_size_execute0_lowered;
	s4 =	sadd.s32 s4, s6;
	[dreg:$0x0] =	wrdreg $0x0  }
0xb7: {  	s6 =	sshll.u32 s28, $0x1;
	[dreg:$0x2] =	wrdreg s4  }
0xb8: {  	[dreg:$0x3] =	wrdreg s6  }
0xb9: {  	[dreg:$0x4] =	wrdreg $0xC0  }
0xba: {  	_ =	task [dreg:s22], $0x5FFFF  }
0xbb: {  	[dreg:$0x1] =	wrdreg $0xFFFFFFFF  }
0xbc: {  	[dreg:$0x0] =	wrdreg $0x60  }
0xbd: {  	[dreg:$0x2] =	wrdreg s24  }
0xbe: {  	[dreg:$0x3] =	wrdreg s18  }
0xbf: {  	[dreg:$0x4] =	wrdreg $0xA  }
0xc0: {  	_ =	task.clear_ibuf [dreg:s22], $0x5FFFF;
	_ =	strace $0x90000049  }
0xc1: {  	s29 =	simm.s32 $0xA;
	_ =	strace $0x8000004B  }
0xc2: {  	_ =	swait.ge [sflag:s29], $0x1  }
0xc3: {  	[sflag:s29] =	ssyncadd.s32 $0xFFFFFFFF  }
0xc4: {  	_ =	strace $0x9000004B  }
0xc5: {  	_ =	sfence  }
0xc6: {  	s30 =	sld [smem:$0x0];
	_ =	sdelay $0x2  }
0xc7: {  	s31 =	sshll.u32 s1, $0xD;
	s1 =	sshrl.u32 s1, $0x2  }
0xc8: {  	s4 =	sand.u32 $0x4000, s31;
	s1 =	sadd.s32 s1, s30  }
0xc9: {  	s0 =	sor.u32 s4, s0;
	s1 =	sshll.u32 s1, $0x11  }
0xca: {  	s0 =	sor.u32 s1, s0  }
0xcb: {  	s0 =	sadd.s32 $0x8F2B, s0  }
0xcc: {  	[sflag:s0] =	ssyncadd.remote.s32 $0x1  }
0xcd: {  	_ =	sfence.sel $0xFFFF  }
0xce: {  	[dreg:$0x0] =	wrdreg $0xFFFFFFFF;
	(pc) =	sbr.abs _section_cstart, $3  }
0xcf: {  	[dreg:$0x1] =	wrdreg $0xFFFFFFFF  }
0xd0: {  	_ =	task.clear_ibuf [dreg:s22], $0x2FFFF;
	_ =	strace $0x9FFFFFFF  }
0xd1: {  	(tm) =	ssettm $0x7FFFFFFF  }
tec
execute0_lowered:
.L_overlay_start_1:
0x0: {  	(tag) =	ssettag $0x1  }
0x1: {  	s0 =	srdreg.scid;
	s4 =	rddreg [dreg:$0x0]  }
0x2: {  	s1 =	stileid.u32;
	s3 =	rddreg [dreg:$0x1]  }
0x3: {  	s2 =	simm.s32 $0x0;
	s30 =	simm.s32 $0xD;
	s13 =	simm.s32 $0x80  }
0x4: {  	s11 =	simm.s32 $0x500;
	s25 =	simm.s32 $0x100;
	s10 =	simm.s32 $0x4500  }
0x5: {  	s26 =	simm.s32 $0x180;
	s9 =	simm.s32 $0x8500;
	s7 =	simm.s32 $0xC500  }
0x6: {  	s15 =	simm.s32 $0x2;
	s31 =	simm.s32 $0x280;
	s14 =	simm.s32 $0x3  }
0x7: {  	s29 =	simm.s32 $0x300;
	s0 =	sand.u32 $0x1, s0;
	s1 =	sshll.u32 s1, $0x1  }
0x8: {  	s12 =	simm.s32 $0x4;
	s28 =	simm.s32 $0x380;
	s1 =	sor.u32 s0, s1  }
0x9: {  	p0 =	por $0x0, $0x0;
	[smem:$0x7FF] =	sst s2;
	s5 =	smul.u32 $0xA0, s1  }
0xa: {  	s8 =	simm.s32 $0xA;
	_ =	strace $0x8000004A;
	s6 =	smul.u32 $0x5000, s1  }
0xb: {  	s0 =	ssub.s32 $0x2, s0;
	[dreg:$0xd] =	wrdreg s25;
	s1 =	smul.u32 $0x28000, s1  }
0xc: {  	[dreg:$0xe] =	wrdreg s26;
	s5 =	sadd.s32 s5, s4;
	s4 =	sadd.s32 $0x8E00, s4  }
0xd: {  	s1 =	sshrl.u32 s1, $0x3;
	s5 =	sadd.s32 $0x3E00, s5;
	s19 =	sadd.s32 s4, s6  }
0xe: {  	s1 =	sadd.s32 s4, s1;
	[dreg:$0x3] =	wrdreg s5;
	s16 =	sadd.s32 $0x800, s19  }
0xf: {  	s26 =	simm.s32 $0x400;
	s4 =	sadd.s32 $0x1000, s1;
	[dreg:$0x4] =	wrdreg s16  }
0x10: {  	s25 =	simm.s32 $0x480;
	s17 =	sadd.s32 $0x1800, s1;
	[dreg:$0x5] =	wrdreg s4  }
0x11: {  	s23 =	sshrl.u32 s0, $0x1;
	s18 =	sadd.s32 $0x2000, s1;
	[dreg:$0x6] =	wrdreg s17  }
0x12: {  	s0 =	ssub.s32 s0, s23;
	s20 =	sadd.s32 $0x2800, s1;
	[dreg:$0x7] =	wrdreg s18  }
0x13: {  	s23 =	simm.s32 $0x6;
	s21 =	sadd.s32 $0x3000, s1;
	[dreg:$0x8] =	wrdreg s20  }
0x14: {  	s0 =	smax.u32 s0, $0x1;
	s22 =	sadd.s32 $0x3800, s1;
	[dreg:$0x9] =	wrdreg s21  }
0x15: {  	p1 =	sne.s32 s0, $0x1;
	s24 =	sadd.s32 $0x4000, s1;
	[dreg:$0xa] =	wrdreg s22  }
.Ltmp0:
0x16: {  	s1 =	sadd.s32 $0x4800, s1;
	[dreg:$0xb] =	wrdreg s24;
	(pc) =	sbr.rel @!p1 .LBB2_1-.Ltmp0, $4  }
0x17: {  	s6 =	simm.s32 $0x9;
	s5 =	simm.s32 $0x8;
	[dreg:$0xc] =	wrdreg s1  }
0x18: {  	s16 =	simm.s32 $0x1;
	s21 =	simm.s32 $0x10500;
	s20 =	simm.s32 $0x14500  }
0x19: {  	s4 =	simm.s32 $0x7;
	s24 =	simm.s32 $0x5;
	s22 =	sadd.s32 $0xFFFFFFFF, s0  }
0x1a: {  	s18 =	simm.s32 $0xB;
	s17 =	simm.s32 $0xC;
	s0 =	rddreg [dreg:$0x3]  }
0x1b: {  	[tilespmem:s2], [sflag:$0xD] =	stream.linear.gather [hbm4b:s0+s2], $0x500, $0x38;
	[tilespmem:$0x18500] =	vst v63  }
0x1c: {  	_ =	swait.ge [sflag:s30], $0x500  }
0x1d: {  	[sflag:s30] =	ssyncset.done $0x0  }
0x1e: {  	[sflag:s30] =	ssyncadd.s32 $0xFFFFFB00  }
0x1f: {  	[tilespmem:s11], [sflag:$0x1] =	stream.indirect.gather [hbm4b:s3+s13], $0x80, s2, s13, $0xb8;
	[tilespmem:$0x18500] =	vst v63  }
0x20: {  	_ = 	snop  }
0x21: {  	[tilespmem:s10], [sflag:$0x2] =	stream.indirect.gather [hbm4b:s3+s13], $0x80, s13, s13, $0xb8;
	[tilespmem:$0x18500] =	vst v63  }
0x22: {  	s0 =	rddreg [dreg:$0xd]  }
0x23: {  	[tilespmem:s9], [sflag:$0x3] =	stream.indirect.gather [hbm4b:s3+s13], $0x80, s0, s13, $0xb8;
	[tilespmem:$0x18500] =	vst v63  }
0x24: {  	s1 =	rddreg [dreg:$0xe]  }
0x25: {  	[tilespmem:s7], [sflag:$0x4] =	stream.indirect.gather [hbm4b:s3+s13], $0x80, s1, s13, $0xb8;
	[tilespmem:$0x18500] =	vst v63  }
0x26: {  	_ =	swait.ge [sflag:s16], $0x4000  }
0x27: {  	[sflag:s16] =	ssyncset.done $0x0  }
0x28: {  	[sflag:s16] =	ssyncadd.s32 $0xFFFFC000  }
0x29: {  	[hbm4b:s19+s2] =	stream.linear.scatter [tilespmem:s11], [sflag:$0x7], $0x4000, $0x38;
	[tilespmem:$0x18500] =	vst v63  }
0x2a: {  	s1 =	simm.s32 $0x200  }
0x2b: {  	[tilespmem:s21], [sflag:$0x5] =	stream.indirect.gather [hbm4b:s3+s13], $0x80, s1, s13, $0xb8;
	[tilespmem:$0x18500] =	vst v63  }
0x2c: {  	_ =	swait.ge [sflag:s15], $0x4000  }
0x2d: {  	[sflag:s15] =	ssyncset.done $0x0  }
0x2e: {  	s1 =	rddreg [dreg:$0x4];
	[sflag:s15] =	ssyncadd.s32 $0xFFFFC000  }
0x2f: {  	[hbm4b:s1+s2] =	stream.linear.scatter [tilespmem:s10], [sflag:$0x8], $0x4000, $0x38;
	[tilespmem:$0x18500] =	vst v63  }
0x30: {  	_ = 	snop  }
0x31: {  	[tilespmem:s20], [sflag:$0x6] =	stream.indirect.gather [hbm4b:s3+s13], $0x80, s31, s13, $0xb8;
	[tilespmem:$0x18500] =	vst v63  }
0x32: {  	_ =	swait.ge [sflag:s14], $0x4000  }
0x33: {  	[sflag:s14] =	ssyncset.done $0x0  }
0x34: {  	s1 =	rddreg [dreg:$0x5];
	[sflag:s14] =	ssyncadd.s32 $0xFFFFC000  }
0x35: {  	[hbm4b:s1+s2] =	stream.linear.scatter [tilespmem:s9], [sflag:$0x9], $0x4000, $0x38;
	[tilespmem:$0x18500] =	vst v63  }
0x36: {  	_ =	swait.ge [sflag:s4], $0x4000  }
0x37: {  	[sflag:s4] =	ssyncset.done $0x0  }
0x38: {  	[sflag:s4] =	ssyncadd.s32 $0xFFFFC000  }
0x39: {  	[tilespmem:s11], [sflag:$0x1] =	stream.indirect.gather [hbm4b:s3+s13], $0x80, s29, s13, $0xb8;
	[tilespmem:$0x18500] =	vst v63  }
0x3a: {  	_ =	swait.ge [sflag:s12], $0x4000  }
0x3b: {  	[sflag:s12] =	ssyncset.done $0x0  }
0x3c: {  	s1 =	rddreg [dreg:$0x6];
	[sflag:s12] =	ssyncadd.s32 $0xFFFFC000  }
0x3d: {  	[hbm4b:s1+s2] =	stream.linear.scatter [tilespmem:s7], [sflag:$0xA], $0x4000, $0x38;
	[tilespmem:$0x18500] =	vst v63  }
0x3e: {  	_ =	swait.ge [sflag:s5], $0x4000  }
0x3f: {  	[sflag:s5] =	ssyncset.done $0x0  }
0x40: {  	[sflag:s5] =	ssyncadd.s32 $0xFFFFC000  }
0x41: {  	[tilespmem:s10], [sflag:$0x2] =	stream.indirect.gather [hbm4b:s3+s13], $0x80, s28, s13, $0xb8;
	[tilespmem:$0x18500] =	vst v63  }
0x42: {  	_ =	swait.ge [sflag:s24], $0x4000  }
0x43: {  	[sflag:s24] =	ssyncset.done $0x0  }
0x44: {  	s1 =	rddreg [dreg:$0x7];
	[sflag:s24] =	ssyncadd.s32 $0xFFFFC000  }
0x45: {  	[hbm4b:s1+s2] =	stream.linear.scatter [tilespmem:s21], [sflag:$0xB], $0x4000, $0x38;
	[tilespmem:$0x18500] =	vst v63  }
0x46: {  	_ =	swait.ge [sflag:s6], $0x4000  }
0x47: {  	[sflag:s6] =	ssyncset.done $0x0  }
0x48: {  	[sflag:s6] =	ssyncadd.s32 $0xFFFFC000  }
0x49: {  	[tilespmem:s9], [sflag:$0x3] =	stream.indirect.gather [hbm4b:s3+s13], $0x80, s26, s13, $0xb8;
	[tilespmem:$0x18500] =	vst v63  }
0x4a: {  	_ =	swait.ge [sflag:s23], $0x4000  }
0x4b: {  	[sflag:s23] =	ssyncset.done $0x0  }
0x4c: {  	s1 =	rddreg [dreg:$0x8];
	[sflag:s23] =	ssyncadd.s32 $0xFFFFC000  }
0x4d: {  	[hbm4b:s1+s2] =	stream.linear.scatter [tilespmem:s20], [sflag:$0xC], $0x4000, $0x38;
	[tilespmem:$0x18500] =	vst v63  }
0x4e: {  	_ =	swait.ge [sflag:s8], $0x4000  }
0x4f: {  	[sflag:s8] =	ssyncset.done $0x0  }
0x50: {  	[sflag:s8] =	ssyncadd.s32 $0xFFFFC000  }
0x51: {  	[tilespmem:s7], [sflag:$0x4] =	stream.indirect.gather [hbm4b:s3+s13], $0x80, s25, s13, $0xb8;
	[tilespmem:$0x18500] =	vst v63  }
0x52: {  	_ =	swait.ge [sflag:s16], $0x4000  }
0x53: {  	[sflag:s16] =	ssyncset.done $0x0  }
0x54: {  	s1 =	rddreg [dreg:$0x9];
	[sflag:s16] =	ssyncadd.s32 $0xFFFFC000  }
0x55: {  	[hbm4b:s1+s2] =	stream.linear.scatter [tilespmem:s11], [sflag:$0x7], $0x4000, $0x38;
	[tilespmem:$0x18500] =	vst v63  }
0x56: {  	_ =	swait.ge [sflag:s15], $0x4000  }
0x57: {  	[sflag:s15] =	ssyncset.done $0x0  }
0x58: {  	s1 =	rddreg [dreg:$0xa];
	[sflag:s15] =	ssyncadd.s32 $0xFFFFC000  }
0x59: {  	[hbm4b:s1+s2] =	stream.linear.scatter [tilespmem:s10], [sflag:$0x8], $0x4000, $0x38;
	[tilespmem:$0x18500] =	vst v63  }
0x5a: {  	_ =	swait.ge [sflag:s14], $0x4000  }
0x5b: {  	[sflag:s14] =	ssyncset.done $0x0  }
0x5c: {  	s1 =	rddreg [dreg:$0xb];
	[sflag:s14] =	ssyncadd.s32 $0xFFFFC000  }
0x5d: {  	[hbm4b:s1+s2] =	stream.linear.scatter [tilespmem:s9], [sflag:$0x9], $0x4000, $0x38;
	[tilespmem:$0x18500] =	vst v63  }
0x5e: {  	_ =	swait.ge [sflag:s12], $0x4000  }
0x5f: {  	[sflag:s12] =	ssyncset.done $0x0  }
0x60: {  	s1 =	rddreg [dreg:$0xc];
	[sflag:s12] =	ssyncadd.s32 $0xFFFFC000  }
0x61: {  	[hbm4b:s1+s2] =	stream.linear.scatter [tilespmem:s7], [sflag:$0xA], $0x4000, $0x38;
	[tilespmem:$0x18500] =	vst v63  }
0x62: {  	_ =	swait.ge [sflag:s18], $0x4000  }
0x63: {  	[sflag:s18] =	ssyncset.done $0x0  }
0x64: {  	[sflag:s18] =	ssyncadd.s32 $0xFFFFC000  }
0x65: {  	_ =	swait.ge [sflag:s17], $0x4000  }
0x66: {  	[sflag:s17] =	ssyncset.done $0x0  }
0x67: {  	[sflag:s17] =	ssyncadd.s32 $0xFFFFC000  }
0x68: {  	_ =	swait.ge [sflag:s4], $0x4000  }
0x69: {  	[sflag:s4] =	ssyncset.done $0x0  }
0x6a: {  	[sflag:s4] =	ssyncadd.s32 $0xFFFFC000  }
0x6b: {  	_ =	swait.ge [sflag:s5], $0x4000  }
0x6c: {  	[sflag:s5] =	ssyncset.done $0x0  }
0x6d: {  	p1 =	sne.s32 s22, $0x1;
	[sflag:s5] =	ssyncadd.s32 $0xFFFFC000  }
.Ltmp1:
0x6e: {  	_ =	swait.ge [sflag:s6], $0x4000;
	(pc) =	sbr.rel @!p1 .LBB2_3-.Ltmp1, $4  }
0x6f: {  	[sflag:s6] =	ssyncset.done $0x0  }
0x70: {  	[sflag:s6] =	ssyncadd.s32 $0xFFFFC000  }
0x71: {  	p0 =	por $0x1, $0x1;
	_ =	swait.ge [sflag:s8], $0x4000  }
0x72: {  	s1 =	sadd.s32 $0xFFFFFFFF, s22;
	s0 =	rddreg [dreg:$0x3];
	[sflag:s8] =	ssyncset.done $0x0  }
.LBB2_4:
0x73: {  	[sflag:s8] =	ssyncadd.s32 $0xFFFFC000  }
0x74: {  	[tilespmem:s2], [sflag:$0xD] =	stream.linear.gather [hbm4b:s0+s2], $0x500, $0x38;
	[tilespmem:$0x18500] =	vst v63  }
0x75: {  	_ =	swait.ge [sflag:s30], $0x500  }
0x76: {  	[sflag:s30] =	ssyncset.done $0x0  }
0x77: {  	[sflag:s30] =	ssyncadd.s32 $0xFFFFFB00  }
0x78: {  	[tilespmem:s11], [sflag:$0x1] =	stream.indirect.gather [hbm4b:s3+s13], $0x80, s2, s13, $0xb8;
	[tilespmem:$0x18500] =	vst v63  }
0x79: {  	_ = 	snop  }
0x7a: {  	[tilespmem:s10], [sflag:$0x2] =	stream.indirect.gather [hbm4b:s3+s13], $0x80, s13, s13, $0xb8;
	[tilespmem:$0x18500] =	vst v63  }
0x7b: {  	s0 =	rddreg [dreg:$0xd]  }
0x7c: {  	[tilespmem:s9], [sflag:$0x3] =	stream.indirect.gather [hbm4b:s3+s13], $0x80, s0, s13, $0xb8;
	[tilespmem:$0x18500] =	vst v63  }
0x7d: {  	s22 =	rddreg [dreg:$0xe]  }
0x7e: {  	[tilespmem:s7], [sflag:$0x4] =	stream.indirect.gather [hbm4b:s3+s13], $0x80, s22, s13, $0xb8;
	[tilespmem:$0x18500] =	vst v63  }
0x7f: {  	_ =	swait.ge [sflag:s16], $0x4000  }
0x80: {  	[sflag:s16] =	ssyncset.done $0x0  }
0x81: {  	[sflag:s16] =	ssyncadd.s32 $0xFFFFC000  }
0x82: {  	[hbm4b:s19+s2] =	stream.linear.scatter [tilespmem:s11], [sflag:$0x7], $0x4000, $0x38;
	[tilespmem:$0x18500] =	vst v63  }
0x83: {  	s22 =	simm.s32 $0x200  }
0x84: {  	[tilespmem:s21], [sflag:$0x5] =	stream.indirect.gather [hbm4b:s3+s13], $0x80, s22, s13, $0xb8;
	[tilespmem:$0x18500] =	vst v63  }
0x85: {  	_ =	swait.ge [sflag:s15], $0x4000  }
0x86: {  	[sflag:s15] =	ssyncset.done $0x0  }
0x87: {  	s22 =	rddreg [dreg:$0x4];
	[sflag:s15] =	ssyncadd.s32 $0xFFFFC000  }
0x88: {  	[hbm4b:s22+s2] =	stream.linear.scatter [tilespmem:s10], [sflag:$0x8], $0x4000, $0x38;
	[tilespmem:$0x18500] =	vst v63  }
0x89: {  	_ = 	snop  }
0x8a: {  	[tilespmem:s20], [sflag:$0x6] =	stream.indirect.gather [hbm4b:s3+s13], $0x80, s31, s13, $0xb8;
	[tilespmem:$0x18500] =	vst v63  }
0x8b: {  	_ =	swait.ge [sflag:s14], $0x4000  }
0x8c: {  	[sflag:s14] =	ssyncset.done $0x0  }
0x8d: {  	s22 =	rddreg [dreg:$0x5];
	[sflag:s14] =	ssyncadd.s32 $0xFFFFC000  }
0x8e: {  	[hbm4b:s22+s2] =	stream.linear.scatter [tilespmem:s9], [sflag:$0x9], $0x4000, $0x38;
	[tilespmem:$0x18500] =	vst v63  }
0x8f: {  	_ =	swait.ge [sflag:s4], $0x4000  }
0x90: {  	[sflag:s4] =	ssyncset.done $0x0  }
0x91: {  	[sflag:s4] =	ssyncadd.s32 $0xFFFFC000  }
0x92: {  	[tilespmem:s11], [sflag:$0x1] =	stream.indirect.gather [hbm4b:s3+s13], $0x80, s29, s13, $0xb8;
	[tilespmem:$0x18500] =	vst v63  }
0x93: {  	_ =	swait.ge [sflag:s12], $0x4000  }
0x94: {  	[sflag:s12] =	ssyncset.done $0x0  }
0x95: {  	s22 =	rddreg [dreg:$0x6];
	[sflag:s12] =	ssyncadd.s32 $0xFFFFC000  }
0x96: {  	[hbm4b:s22+s2] =	stream.linear.scatter [tilespmem:s7], [sflag:$0xA], $0x4000, $0x38;
	[tilespmem:$0x18500] =	vst v63  }
0x97: {  	_ =	swait.ge [sflag:s5], $0x4000  }
0x98: {  	[sflag:s5] =	ssyncset.done $0x0  }
0x99: {  	[sflag:s5] =	ssyncadd.s32 $0xFFFFC000  }
0x9a: {  	[tilespmem:s10], [sflag:$0x2] =	stream.indirect.gather [hbm4b:s3+s13], $0x80, s28, s13, $0xb8;
	[tilespmem:$0x18500] =	vst v63  }
0x9b: {  	_ =	swait.ge [sflag:s24], $0x4000  }
0x9c: {  	[sflag:s24] =	ssyncset.done $0x0  }
0x9d: {  	s22 =	rddreg [dreg:$0x7];
	[sflag:s24] =	ssyncadd.s32 $0xFFFFC000  }
0x9e: {  	[hbm4b:s22+s2] =	stream.linear.scatter [tilespmem:s21], [sflag:$0xB], $0x4000, $0x38;
	[tilespmem:$0x18500] =	vst v63  }
0x9f: {  	_ =	swait.ge [sflag:s6], $0x4000  }
0xa0: {  	[sflag:s6] =	ssyncset.done $0x0  }
0xa1: {  	[sflag:s6] =	ssyncadd.s32 $0xFFFFC000  }
0xa2: {  	[tilespmem:s9], [sflag:$0x3] =	stream.indirect.gather [hbm4b:s3+s13], $0x80, s26, s13, $0xb8;
	[tilespmem:$0x18500] =	vst v63  }
0xa3: {  	_ =	swait.ge [sflag:s23], $0x4000  }
0xa4: {  	[sflag:s23] =	ssyncset.done $0x0  }
0xa5: {  	s22 =	rddreg [dreg:$0x8];
	[sflag:s23] =	ssyncadd.s32 $0xFFFFC000  }
0xa6: {  	[hbm4b:s22+s2] =	stream.linear.scatter [tilespmem:s20], [sflag:$0xC], $0x4000, $0x38;
	[tilespmem:$0x18500] =	vst v63  }
0xa7: {  	_ =	swait.ge [sflag:s8], $0x4000  }
0xa8: {  	[sflag:s8] =	ssyncset.done $0x0  }
0xa9: {  	[sflag:s8] =	ssyncadd.s32 $0xFFFFC000  }
0xaa: {  	[tilespmem:s7], [sflag:$0x4] =	stream.indirect.gather [hbm4b:s3+s13], $0x80, s25, s13, $0xb8;
	[tilespmem:$0x18500] =	vst v63  }
0xab: {  	_ =	swait.ge [sflag:s16], $0x4000  }
0xac: {  	[sflag:s16] =	ssyncset.done $0x0  }
0xad: {  	s22 =	rddreg [dreg:$0x9];
	[sflag:s16] =	ssyncadd.s32 $0xFFFFC000  }
0xae: {  	[hbm4b:s22+s2] =	stream.linear.scatter [tilespmem:s11], [sflag:$0x7], $0x4000, $0x38;
	[tilespmem:$0x18500] =	vst v63  }
0xaf: {  	_ =	swait.ge [sflag:s15], $0x4000  }
0xb0: {  	[sflag:s15] =	ssyncset.done $0x0  }
0xb1: {  	s22 =	rddreg [dreg:$0xa];
	[sflag:s15] =	ssyncadd.s32 $0xFFFFC000  }
0xb2: {  	[hbm4b:s22+s2] =	stream.linear.scatter [tilespmem:s10], [sflag:$0x8], $0x4000, $0x38;
	[tilespmem:$0x18500] =	vst v63  }
0xb3: {  	_ =	swait.ge [sflag:s14], $0x4000  }
0xb4: {  	[sflag:s14] =	ssyncset.done $0x0  }
0xb5: {  	s22 =	rddreg [dreg:$0xb];
	[sflag:s14] =	ssyncadd.s32 $0xFFFFC000  }
0xb6: {  	[hbm4b:s22+s2] =	stream.linear.scatter [tilespmem:s9], [sflag:$0x9], $0x4000, $0x38;
	[tilespmem:$0x18500] =	vst v63  }
0xb7: {  	_ =	swait.ge [sflag:s12], $0x4000  }
0xb8: {  	[sflag:s12] =	ssyncset.done $0x0  }
0xb9: {  	s22 =	rddreg [dreg:$0xc];
	[sflag:s12] =	ssyncadd.s32 $0xFFFFC000  }
0xba: {  	[hbm4b:s22+s2] =	stream.linear.scatter [tilespmem:s7], [sflag:$0xA], $0x4000, $0x38;
	[tilespmem:$0x18500] =	vst v63  }
0xbb: {  	_ =	swait.ge [sflag:s18], $0x4000  }
0xbc: {  	[sflag:s18] =	ssyncset.done $0x0  }
0xbd: {  	[sflag:s18] =	ssyncadd.s32 $0xFFFFC000  }
0xbe: {  	_ =	swait.ge [sflag:s17], $0x4000  }
0xbf: {  	[sflag:s17] =	ssyncset.done $0x0  }
0xc0: {  	[sflag:s17] =	ssyncadd.s32 $0xFFFFC000  }
0xc1: {  	_ =	swait.ge [sflag:s4], $0x4000  }
0xc2: {  	[sflag:s4] =	ssyncset.done $0x0  }
0xc3: {  	[sflag:s4] =	ssyncadd.s32 $0xFFFFC000  }
0xc4: {  	_ =	swait.ge [sflag:s5], $0x4000  }
0xc5: {  	[sflag:s5] =	ssyncset.done $0x0  }
0xc6: {  	p1 =	sne.s32 s1, $0x1;
	[sflag:s5] =	ssyncadd.s32 $0xFFFFC000  }
.Ltmp2:
0xc7: {  	_ =	swait.ge [sflag:s6], $0x4000;
	(pc) =	sbr.rel @p1 .LBB2_4-.Ltmp2, $4  }
0xc8: {  	[sflag:s6] =	ssyncset.done $0x0  }
0xc9: {  	[sflag:s6] =	ssyncadd.s32 $0xFFFFC000  }
0xca: {  	_ =	swait.ge [sflag:s8], $0x4000  }
0xcb: {  	s1 =	sadd.s32 $0xFFFFFFFF, s1;
	s0 =	rddreg [dreg:$0x3];
	[sflag:s8] =	ssyncset.done $0x0  }
0xcc: {  	s22 =	simm.s32 $0x200;
	s31 =	simm.s32 $0x280;
	s29 =	simm.s32 $0x300  }
0xcd: {  	s28 =	simm.s32 $0x380;
	s26 =	simm.s32 $0x400;
	s25 =	simm.s32 $0x480  }
.LBB2_6:
0xce: {  	[sflag:s8] =	ssyncadd.s32 @p0 $0xFFFFC000  }
0xcf: {  	[tilespmem:s2], [sflag:$0xD] =	stream.linear.gather [hbm4b:s0+s2], $0x500, $0x38;
	[tilespmem:$0x18500] =	vst v63  }
0xd0: {  	_ =	swait.ge [sflag:s30], $0x500  }
0xd1: {  	[sflag:s30] =	ssyncset.done $0x0  }
0xd2: {  	[sflag:s30] =	ssyncadd.s32 $0xFFFFFB00  }
0xd3: {  	[tilespmem:s11], [sflag:$0x1] =	stream.indirect.gather [hbm4b:s3+s13], $0x80, s2, s13, $0xb8;
	[tilespmem:$0x18500] =	vst v63  }
0xd4: {  	_ = 	snop  }
0xd5: {  	[tilespmem:s10], [sflag:$0x2] =	stream.indirect.gather [hbm4b:s3+s13], $0x80, s13, s13, $0xb8;
	[tilespmem:$0x18500] =	vst v63  }
0xd6: {  	s30 =	rddreg [dreg:$0xd]  }
0xd7: {  	[tilespmem:s9], [sflag:$0x3] =	stream.indirect.gather [hbm4b:s3+s13], $0x80, s30, s13, $0xb8;
	[tilespmem:$0x18500] =	vst v63  }
0xd8: {  	s1 =	rddreg [dreg:$0xe]  }
0xd9: {  	[tilespmem:s7], [sflag:$0x4] =	stream.indirect.gather [hbm4b:s3+s13], $0x80, s1, s13, $0xb8;
	[tilespmem:$0x18500] =	vst v63  }
0xda: {  	_ =	swait.ge [sflag:s16], $0x4000  }
0xdb: {  	[sflag:s16] =	ssyncset.done $0x0  }
0xdc: {  	[sflag:s16] =	ssyncadd.s32 $0xFFFFC000  }
0xdd: {  	[hbm4b:s19+s2] =	stream.linear.scatter [tilespmem:s11], [sflag:$0x7], $0x4000, $0x38;
	[tilespmem:$0x18500] =	vst v63  }
0xde: {  	_ = 	snop  }
0xdf: {  	[tilespmem:s21], [sflag:$0x5] =	stream.indirect.gather [hbm4b:s3+s13], $0x80, s22, s13, $0xb8;
	[tilespmem:$0x18500] =	vst v63  }
0xe0: {  	_ =	swait.ge [sflag:s15], $0x4000  }
0xe1: {  	[sflag:s15] =	ssyncset.done $0x0  }
0xe2: {  	s30 =	rddreg [dreg:$0x4];
	[sflag:s15] =	ssyncadd.s32 $0xFFFFC000  }
0xe3: {  	[hbm4b:s30+s2] =	stream.linear.scatter [tilespmem:s10], [sflag:$0x8], $0x4000, $0x38;
	[tilespmem:$0x18500] =	vst v63  }
0xe4: {  	_ = 	snop  }
0xe5: {  	[tilespmem:s20], [sflag:$0x6] =	stream.indirect.gather [hbm4b:s3+s13], $0x80, s31, s13, $0xb8;
	[tilespmem:$0x18500] =	vst v63  }
0xe6: {  	_ =	swait.ge [sflag:s14], $0x4000  }
0xe7: {  	[sflag:s14] =	ssyncset.done $0x0  }
0xe8: {  	s1 =	rddreg [dreg:$0x5];
	[sflag:s14] =	ssyncadd.s32 $0xFFFFC000  }
0xe9: {  	[hbm4b:s1+s2] =	stream.linear.scatter [tilespmem:s9], [sflag:$0x9], $0x4000, $0x38;
	[tilespmem:$0x18500] =	vst v63  }
0xea: {  	_ =	swait.ge [sflag:s4], $0x4000  }
0xeb: {  	[sflag:s4] =	ssyncset.done $0x0  }
0xec: {  	[sflag:s4] =	ssyncadd.s32 $0xFFFFC000  }
0xed: {  	[tilespmem:s11], [sflag:$0x1] =	stream.indirect.gather [hbm4b:s3+s13], $0x80, s29, s13, $0xb8;
	[tilespmem:$0x18500] =	vst v63  }
0xee: {  	_ =	swait.ge [sflag:s12], $0x4000  }
0xef: {  	[sflag:s12] =	ssyncset.done $0x0  }
0xf0: {  	s19 =	rddreg [dreg:$0x6];
	[sflag:s12] =	ssyncadd.s32 $0xFFFFC000  }
0xf1: {  	[hbm4b:s19+s2] =	stream.linear.scatter [tilespmem:s7], [sflag:$0xA], $0x4000, $0x38;
	[tilespmem:$0x18500] =	vst v63  }
0xf2: {  	_ =	swait.ge [sflag:s5], $0x4000  }
0xf3: {  	[sflag:s5] =	ssyncset.done $0x0  }
0xf4: {  	[sflag:s5] =	ssyncadd.s32 $0xFFFFC000  }
0xf5: {  	[tilespmem:s10], [sflag:$0x2] =	stream.indirect.gather [hbm4b:s3+s13], $0x80, s28, s13, $0xb8;
	[tilespmem:$0x18500] =	vst v63  }
0xf6: {  	_ =	swait.ge [sflag:s24], $0x4000  }
0xf7: {  	[sflag:s24] =	ssyncset.done $0x0  }
0xf8: {  	s22 =	rddreg [dreg:$0x7];
	[sflag:s24] =	ssyncadd.s32 $0xFFFFC000  }
0xf9: {  	[hbm4b:s22+s2] =	stream.linear.scatter [tilespmem:s21], [sflag:$0xB], $0x4000, $0x38;
	[tilespmem:$0x18500] =	vst v63  }
0xfa: {  	_ =	swait.ge [sflag:s6], $0x4000  }
0xfb: {  	[sflag:s6] =	ssyncset.done $0x0  }
0xfc: {  	[sflag:s6] =	ssyncadd.s32 $0xFFFFC000  }
0xfd: {  	[tilespmem:s9], [sflag:$0x3] =	stream.indirect.gather [hbm4b:s3+s13], $0x80, s26, s13, $0xb8;
	[tilespmem:$0x18500] =	vst v63  }
0xfe: {  	_ =	swait.ge [sflag:s23], $0x4000  }
0xff: {  	[sflag:s23] =	ssyncset.done $0x0  }
0x100: {  	s24 =	rddreg [dreg:$0x8];
	[sflag:s23] =	ssyncadd.s32 $0xFFFFC000  }
0x101: {  	[hbm4b:s24+s2] =	stream.linear.scatter [tilespmem:s20], [sflag:$0xC], $0x4000, $0x38;
	[tilespmem:$0x18500] =	vst v63  }
0x102: {  	_ =	swait.ge [sflag:s8], $0x4000  }
0x103: {  	[sflag:s8] =	ssyncset.done $0x0  }
0x104: {  	[sflag:s8] =	ssyncadd.s32 $0xFFFFC000  }
0x105: {  	[tilespmem:s7], [sflag:$0x4] =	stream.indirect.gather [hbm4b:s3+s13], $0x80, s25, s13, $0xb8;
	[tilespmem:$0x18500] =	vst v63  }
0x106: {  	_ =	swait.ge [sflag:s16], $0x4000  }
0x107: {  	[sflag:s16] =	ssyncset.done $0x0  }
0x108: {  	s26 =	rddreg [dreg:$0x9];
	[sflag:s16] =	ssyncadd.s32 $0xFFFFC000  }
0x109: {  	[hbm4b:s26+s2] =	stream.linear.scatter [tilespmem:s11], [sflag:$0x7], $0x4000, $0x38;
	[tilespmem:$0x18500] =	vst v63  }
0x10a: {  	_ =	swait.ge [sflag:s15], $0x4000  }
0x10b: {  	[sflag:s15] =	ssyncset.done $0x0  }
0x10c: {  	s28 =	rddreg [dreg:$0xa];
	[sflag:s15] =	ssyncadd.s32 $0xFFFFC000  }
0x10d: {  	[hbm4b:s28+s2] =	stream.linear.scatter [tilespmem:s10], [sflag:$0x8], $0x4000, $0x38;
	[tilespmem:$0x18500] =	vst v63  }
0x10e: {  	_ =	swait.ge [sflag:s14], $0x4000  }
0x10f: {  	[sflag:s14] =	ssyncset.done $0x0  }
0x110: {  	s29 =	rddreg [dreg:$0xb];
	[sflag:s14] =	ssyncadd.s32 $0xFFFFC000  }
0x111: {  	[hbm4b:s29+s2] =	stream.linear.scatter [tilespmem:s9], [sflag:$0x9], $0x4000, $0x38;
	[tilespmem:$0x18500] =	vst v63  }
0x112: {  	_ =	swait.ge [sflag:s12], $0x4000  }
0x113: {  	[sflag:s12] =	ssyncset.done $0x0  }
0x114: {  	s30 =	rddreg [dreg:$0xc];
	[sflag:s12] =	ssyncadd.s32 $0xFFFFC000  }
0x115: {  	[hbm4b:s30+s2] =	stream.linear.scatter [tilespmem:s7], [sflag:$0xA], $0x4000, $0x38;
	[tilespmem:$0x18500] =	vst v63  }
0x116: {  	_ =	swait.ge [sflag:s18], $0x4000  }
0x117: {  	[sflag:s18] =	ssyncset.done $0x0  }
0x118: {  	[sflag:s18] =	ssyncadd.s32 $0xFFFFC000  }
0x119: {  	_ =	swait.ge [sflag:s17], $0x4000  }
0x11a: {  	[sflag:s17] =	ssyncset.done $0x0  }
0x11b: {  	[sflag:s17] =	ssyncadd.s32 $0xFFFFC000  }
0x11c: {  	_ =	swait.ge [sflag:s4], $0x4000  }
0x11d: {  	[sflag:s4] =	ssyncset.done $0x0  }
0x11e: {  	[sflag:s4] =	ssyncadd.s32 $0xFFFFC000  }
0x11f: {  	_ =	swait.ge [sflag:s5], $0x4000  }
0x120: {  	[sflag:s5] =	ssyncset.done $0x0  }
0x121: {  	[sflag:s5] =	ssyncadd.s32 $0xFFFFC000  }
0x122: {  	_ =	swait.ge [sflag:s6], $0x4000  }
0x123: {  	[sflag:s6] =	ssyncset.done $0x0  }
0x124: {  	[sflag:s6] =	ssyncadd.s32 $0xFFFFC000  }
0x125: {  	_ =	swait.ge [sflag:s8], $0x4000  }
0x126: {  	[sflag:s8] =	ssyncset.done $0x0  }
0x127: {  	[sflag:s8] =	ssyncadd.s32 $0xFFFFC000  }
0x128: {  	_ =	sfence.sel $0x180000  }
0x129: {  	[bflag:$0x0] =	sbarrier.arrive $0xFFFF  }
0x12a: {  	_ =	strace $0x9000004A  }
0x12b: {  	s31 =	stileid.u32;
	[bflag:$0x2] =	sbarrier.arrive $0xFFFF  }
0x12c: {  	p0 =	sne.s32 s31, $0x0;
	s0 =	rddreg [dreg:$0x2]  }
0x12d: {  	s0 =	sadd.s32 @!p0 $0x100000, s0  }
0x12e: {  	[sflag:s0] =	ssyncadd.tile.s32 @!p0 $0x1;
	_ =	shalt  }
.LBB2_1:
.Ltmp3:
0x12f: {  	(pc) =	sbr.rel .LBB2_6-.Ltmp3, $3  }
0x130: {  	_ =	sdelay $0x1  }
0x131: {  	s22 =	simm.s32 $0x200;
	s31 =	simm.s32 $0x280;
	s29 =	simm.s32 $0x300  }
0x132: {  	s28 =	simm.s32 $0x380;
	s26 =	simm.s32 $0x400;
	s25 =	simm.s32 $0x480  }
.LBB2_3:
.Ltmp4:
0x133: {  	(pc) =	sbr.rel .LBB2_6-.Ltmp4, $3  }
0x134: {  	_ =	sdelay $0x1  }
0x135: {  	s22 =	simm.s32 $0x200;
	s31 =	simm.s32 $0x280;
	s29 =	simm.s32 $0x300  }
0x136: {  	s28 =	simm.s32 $0x380;
	s26 =	simm.s32 $0x400;
	s25 =	simm.s32 $0x480  }
.Lfunc_end2:
_tile_overlayer_lowered:
.L_overlay_start_2:
0x137: {  	(tag) =	ssettag $0x2  }
0x138: {  	s0 =	rddreg [dreg:$0x0];
	s2 =	stileid.u32  }
0x139: {  	s1 =	rddreg [dreg:$0x1];
	p0 =	sne.s32 s2, $0x0  }
0x13a: {  	s3 =	rddreg [dreg:$0x2];
	[bflag:$0x3] =	sbarrier.arrive $0xFFFF;
	s2 =	simm.s32 @!p0 $0x1C0D  }
0x13b: {  	[timem:s3], [sflag:s2] =	dma.local @!p0 [hbm:s0], s1  }
0x13c: {  	s0 =	simm.s32 @!p0 $0xD  }
0x13d: {  	_ =	swait.ge @!p0 [sflag:s0], s1  }
0x13e: {  	s1 =	ssub.s32 @!p0 $0x0, s1;
	[sflag:s0] =	ssyncset.done @!p0 $0x0  }
0x13f: {  	[sflag:s0] =	ssyncadd.s32 @!p0 s1  }
0x140: {  	[bflag:$0x3] =	sbarrier.arrive $0xFFFF  }
0x141: {  	_ =	shalt  }

// kernel: kernel.18.cloned.1.call-start
scs
__scs_entry_jumppad:
0x0: {  	(pc) =	sbr.rel $0x88, $3  }
0x1: {  	(tag) =	ssettag $0x0;
	lr =	simm.s32 $0x1  }
0x2: {  	[smem:$0x3F9B] =	sst lr;
	_ =	strace $0xD0000000  }
0x3: {  	_ = 	snop  }
0x4: {  	_ = 	snop  }
0x5: {  	_ = 	snop  }
0x6: {  	_ = 	snop  }
0x7: {  	_ = 	snop  }
__scs_overlays_trampoline_lowered:
0x8: {  	[smem:$0x3FAA] =	sst s0  }
0x9: {  	[smem:$0x3FAB] =	sst s1  }
0xa: {  	[smem:$0x3FAC] =	sst s2  }
0xb: {  	[smem:$0x3FAD] =	sst s3  }
0xc: {  	[smem:$0x3FAE] =	sst s4  }
0xd: {  	[smem:$0x3FAF] =	sst s5  }
0xe: {  	[smem:$0x3FB0] =	sst s6  }
0xf: {  	[smem:$0x3FB1] =	sst s7  }
0x10: {  	[smem:$0x3FB2] =	sst s8  }
0x11: {  	[smem:$0x3FB3] =	sst s9;
	s0 =	simm.s32 @!p0 $0x0  }
0x12: {  	s1 =	sld [smem:$0x3F99];
	s0 =	simm.s32 @p0 $0x1  }
0x13: {  	[smem:$0x3FB4] =	sst s0;
	s0 =	simm.s32 @!p1 $0x0  }
0x14: {  	s2 =	sld [smem:$0x3F98];
	s0 =	simm.s32 @p1 $0x1  }
0x15: {  	[smem:$0x3FB5] =	sst s0;
	s0 =	simm.s32 @!p2 $0x0  }
0x16: {  	s3 =	sld [smem:$0x3FDB];
	s0 =	simm.s32 @p2 $0x1  }
0x17: {  	s4 =	simm.s32 $0x1BF5;
	[smem:$0x3FB7] =	sst s0  }
0x18: {  	s0 =	sld [smem:$0x3F9A];
	_ =	swait.ge [sflag:s4], $0x0  }
0x19: {  	s7 =	sld [smem:$0x3F9B]  }
0x1a: {  	s8 =	sadd.s32 $0xFFFFE003, lr  }
0x1b: {  	s9 =	sadd.s32 $0xFFFFFEF7, lr;
	s5 =	simm.s32 $0xFFFFFFFF;
	p2 =	slt.u32 s8, $0xFFFFF086  }
0x1c: {  	p1 =	slt.u32 s9, $0xF7A;
	s5 =	simm.s32 @!p2 $0x0  }
0x1d: {  	s5 =	simm.s32 @p1 $0x1;
	p0 =	seq.s32 s7, s2  }
0x1e: {  	s7 =	smul.u32 @!p0 $0xF7A, s2;
	p2 =	seq.s32 @!p0 s5, $0x0  }
0x1f: {  	s9 =	smul.u32 $0xF7A, s1;
	s8 =	simm.s32 @!p0 $0x1BF5;
	p2 =	por !p2, p0  }
0x20: {  	[sflag:s8] =	ssyncset.s32 @!p0 $0xFFFFF086;
	s6 =	sadd.s32 @!p0 s3, s7;
	s7 =	simm.s32 @!p0 $0x108  }
0x21: {  	s3 =	sadd.s32 s3, s9;
	s6 =	sadd.s32 @!p0 $0x88, s6;
	s7 =	simm.s32 @p2 $0x1082  }
0x22: {  	[simem:s7], [sflag:s8] =	dma.local @!p0 [hbm:s6], $0xF7A  }
0x23: {  	s9 =	sor.u32 $0xD0000000, s2;
	s6 =	simm.s32 $0x108;
	_ =	swait.ge @!p0 [sflag:s8], $0x0  }
0x24: {  	s3 =	sadd.s32 $0x88, s3;
	s6 =	simm.s32 @!p1 $0x1082;
	[sflag:s4] =	ssyncset.s32 $0xFFFFF086  }
0x25: {  	[simem:s6], [sflag:s4] =	dma.local [hbm:s3], $0xF7A  }
0x26: {  	[smem:$0x3F9B] =	sst s1;
	(tag) =	ssettag s2;
	_ =	strace s9  }
0x27: {  	s1 =	sld [smem:$0x3FAB]  }
0x28: {  	s2 =	sld [smem:$0x3FAC]  }
0x29: {  	s4 =	sld [smem:$0x3FAE]  }
0x2a: {  	p0 =	seq.s32 s5, $0x0;
	s5 =	sld [smem:$0x3FAF]  }
0x2b: {  	s6 =	sld [smem:$0x3FB0]  }
0x2c: {  	s7 =	sld [smem:$0x3FB1]  }
0x2d: {  	s3 =	simm.s32 $0x108;
	s8 =	sld [smem:$0x3FB2]  }
0x2e: {  	s3 =	simm.s32 @!p0 $0x1082;
	s9 =	sld [smem:$0x3FB3]  }
0x2f: {  	lr =	sadd.s32 s0, s3;
	s0 =	sld [smem:$0x3FAA]  }
0x30: {  	s3 =	sld [smem:$0x3FAD]  }
0x31: {  	[smem:$0x3FB6] =	sst s10  }
0x32: {  	s10 =	sld [smem:$0x3FB4];
	_ =	sdelay $0x3  }
0x33: {  	p0 =	seq.s32 s10, $0x1;
	s10 =	sld [smem:$0x3FB6];
	_ =	sdelay $0x3  }
0x34: {  	[smem:$0x3FB6] =	sst s10  }
0x35: {  	s10 =	sld [smem:$0x3FB5];
	_ =	sdelay $0x3  }
0x36: {  	p1 =	seq.s32 s10, $0x1;
	s10 =	sld [smem:$0x3FB6];
	_ =	sdelay $0x3  }
0x37: {  	[smem:$0x3FB6] =	sst s10  }
0x38: {  	s10 =	sld [smem:$0x3FB7]  }
0x39: {  	_ = 	snop;
	(pc) =	sbr.ind lr, $3  }
0x3a: {  	_ = 	snop  }
0x3b: {  	_ = 	snop  }
0x3c: {  	p2 =	seq.s32 s10, $0x1;
	s10 =	sld [smem:$0x3FB6]  }
0x3d: {  	_ =	shalt  }
0x3e: {  	_ =	shalt  }
0x3f: {  	_ =	shalt  }
0x40: {  	_ =	shalt  }
0x41: {  	_ =	shalt  }
0x42: {  	_ =	shalt  }
0x43: {  	_ =	shalt  }
0x44: {  	_ =	shalt  }
0x45: {  	_ =	shalt  }
0x46: {  	_ =	shalt  }
0x47: {  	_ =	shalt  }
0x48: {  	_ =	shalt  }
0x49: {  	_ =	shalt  }
0x4a: {  	_ =	shalt  }
0x4b: {  	_ =	shalt  }
0x4c: {  	_ =	shalt  }
0x4d: {  	_ =	shalt  }
0x4e: {  	_ =	shalt  }
0x4f: {  	_ =	shalt  }
0x50: {  	_ =	shalt  }
0x51: {  	_ =	shalt  }
0x52: {  	_ =	shalt  }
0x53: {  	_ =	shalt  }
0x54: {  	_ =	shalt  }
0x55: {  	_ =	shalt  }
0x56: {  	_ =	shalt  }
0x57: {  	_ =	shalt  }
0x58: {  	_ =	shalt  }
0x59: {  	_ =	shalt  }
0x5a: {  	_ =	shalt  }
0x5b: {  	_ =	shalt  }
0x5c: {  	_ =	shalt  }
0x5d: {  	_ =	shalt  }
0x5e: {  	_ =	shalt  }
0x5f: {  	_ =	shalt  }
0x60: {  	_ =	shalt  }
0x61: {  	_ =	shalt  }
0x62: {  	_ =	shalt  }
0x63: {  	_ =	shalt  }
0x64: {  	_ =	shalt  }
0x65: {  	_ =	shalt  }
0x66: {  	_ =	shalt  }
0x67: {  	_ =	shalt  }
0x68: {  	_ =	shalt  }
0x69: {  	_ =	shalt  }
0x6a: {  	_ =	shalt  }
0x6b: {  	_ =	shalt  }
0x6c: {  	_ =	shalt  }
0x6d: {  	_ =	shalt  }
0x6e: {  	_ =	shalt  }
0x6f: {  	_ =	shalt  }
0x70: {  	_ =	shalt  }
0x71: {  	_ =	shalt  }
0x72: {  	_ =	shalt  }
0x73: {  	_ =	shalt  }
0x74: {  	_ =	shalt  }
0x75: {  	_ =	shalt  }
0x76: {  	_ =	shalt  }
0x77: {  	_ =	shalt  }
0x78: {  	_ =	shalt  }
0x79: {  	_ =	shalt  }
0x7a: {  	_ =	shalt  }
0x7b: {  	_ =	shalt  }
0x7c: {  	_ =	shalt  }
0x7d: {  	_ =	shalt  }
0x7e: {  	_ =	shalt  }
0x7f: {  	_ =	shalt  }
0x80: {  	_ =	shalt  }
0x81: {  	_ =	shalt  }
0x82: {  	_ =	shalt  }
0x83: {  	_ =	shalt  }
0x84: {  	_ =	shalt  }
0x85: {  	_ =	shalt  }
0x86: {  	_ =	shalt  }
0x87: {  	_ =	shalt  }
.Lfunc_end0:
.L_simem_size_0:
called_computation.2_lowered:
.L_overlay_start_0:
0x88: {  	s2 =	sld [smem:$0x3FD9]  }
0x89: {  	s3 =	sld [smem:$0x3FFE];
	_ =	sdelay $0x1  }
0x8a: {  	s1 =	srdreg.scid  }
0x8b: {  	s0 =	sand.u32 $0x1, s1  }
0x8c: {  	s17 =	sshll.u32 s0, $0xA;
	s2 =	sadd.s32 s3, s2  }
0x8d: {  	s2 =	sadd.s32 s2, s17  }
0x8e: {  	[smem:$0x3FC2] =	sst s2  }
0x8f: {  	_ = 	snop  }
0x90: {  	s18 =	sld [smem:$0x3FC8];
	(tm) =	ssettm $0x1  }
0x91: {  	s19 =	sld [smem:$0x3FFB];
	_ =	sdelay $0x3  }
0x92: {  	_ =	strace s19  }
0x93: {  	s2 =	sld [smem:$0x3FFC];
	_ =	sdelay $0x3  }
0x94: {  	_ =	strace s2  }
0x95: {  	s2 =	sld [smem:$0x3FFD];
	_ =	sdelay $0x3  }
0x96: {  	_ =	strace s2  }
0x97: {  	_ =	strace $0x8FFFFFFF  }
0x98: {  	s20 =	sld [smem:$0x3FDB];
	_ =	sdelay $0x1  }
0x99: {  	s4 =	simm.s32 $_scs_section_size  }
0x9a: {  	s5 =	simm.s32 $_size__tile_overlayer_lowered;
	s6 =	simm.s32 $_tile_overlayer_lowered  }
0x9b: {  	s7 =	simm.s32 $0x1BFF;
	s21 =	sshll.u32 s6, $0x1;
	s4 =	sadd.s32 s4, s20  }
0x9c: {  	s22 =	simm.s32 $0x0;
	s5 =	sshll.u32 s5, $0x1;
	s6 =	sadd.s32 s21, s4  }
0x9d: {  	[timem:s22], [sflag:s7] =	dma.local [hbm:s6], s5  }
0x9e: {  	_ =	swait.ge [sflag:s7], s5  }
0x9f: {  	s5 =	ssub.s32 $0x0, s5;
	[sflag:s7] =	ssyncset.done $0x0  }
0xa0: {  	[sflag:s7] =	ssyncadd.s32 s5;
	_ =	sdelay $0x1  }
0xa1: {  	s23 =	simm.s32 $0x1B8B  }
0xa2: {  	_ =	swait.ge [sflag:s23], $0x1  }
0xa3: {  	[sflag:s23] =	ssyncset.done $0x0  }
0xa4: {  	[sflag:s23] =	ssyncadd.s32 $0xFFFFFFFF  }
0xa5: {  	s5 =	sld [smem:$0x0]  }
0xa6: {  	s6 =	sand.u32 $0xFFFFFFFE, s1  }
0xa7: {  	p0 =	sne.s32 s1, s6  }
0xa8: {  	s6 =	sshll.u32 @p0 s6, $0xE  }
0xa9: {  	s6 =	sadd.s32 @p0 $0x11B8D, s6;
	s7 =	sshll.u32 @p0 s5, $0x11  }
0xaa: {  	s6 =	sor.u32 @p0 s7, s6  }
0xab: {  	[sflag:s6] =	ssyncadd.remote.s32 @p0 $0x1;
	_ =	sdelay $0x1  }
0xac: {  	s6 =	simm.s32 @p0 $0x1B8D  }
0xad: {  	_ =	swait.eq @p0 [sflag:s6], $0x1  }
0xae: {  	[sflag:s6] =	ssyncadd.s32 @p0 $0xFFFFFFFF  }
0xaf: {  	s7 =	sshll.u32 @!p0 s1, $0xE  }
0xb0: {  	s7 =	sor.u32 @!p0 $0x4000, s7;
	s6 =	simm.s32 @!p0 $0x1B8D  }
0xb1: {  	s5 =	sshll.u32 @!p0 s5, $0x11;
	s7 =	sadd.s32 @!p0 $0x11B8D, s7;
	_ =	swait.eq @!p0 [sflag:s6], $0x1  }
0xb2: {  	s5 =	sor.u32 @!p0 s5, s7;
	[sflag:s6] =	ssyncadd.s32 @!p0 $0xFFFFFFFF  }
0xb3: {  	s25 =	simm.s32 $0x1B8E;
	s24 =	sld [smem:$0x3FFE];
	[sflag:s5] =	ssyncadd.remote.s32 @!p0 $0x1  }
0xb4: {  	s26 =	simm.s32 $execute0_lowered;
	[smem:$0x3FD2] =	sst s25  }
0xb5: {  	s6 =	sshll.u32 s26, $0x1;
	_ =	strace $0x8000004C;
	[dreg:$0x1] =	wrdreg $0xFFFFFFFF  }
0xb6: {  	s28 =	simm.s32 $_size_execute0_lowered;
	s4 =	sadd.s32 s4, s6;
	[dreg:$0x0] =	wrdreg $0x0  }
0xb7: {  	s6 =	sshll.u32 s28, $0x1;
	[dreg:$0x2] =	wrdreg s4  }
0xb8: {  	[dreg:$0x3] =	wrdreg s6  }
0xb9: {  	[dreg:$0x4] =	wrdreg $0xC0  }
0xba: {  	_ =	task [dreg:s22], $0x5FFFF  }
0xbb: {  	[dreg:$0x1] =	wrdreg $0xFFFFFFFF  }
0xbc: {  	[dreg:$0x0] =	wrdreg $0x60  }
0xbd: {  	[dreg:$0x2] =	wrdreg s24  }
0xbe: {  	[dreg:$0x3] =	wrdreg s18  }
0xbf: {  	[dreg:$0x4] =	wrdreg $0xB  }
0xc0: {  	_ =	task.clear_ibuf [dreg:s22], $0x5FFFF;
	_ =	strace $0x9000004C  }
0xc1: {  	s29 =	simm.s32 $0xB;
	_ =	strace $0x8000004E  }
0xc2: {  	_ =	swait.ge [sflag:s29], $0x1  }
0xc3: {  	[sflag:s29] =	ssyncadd.s32 $0xFFFFFFFF  }
0xc4: {  	_ =	strace $0x9000004E  }
0xc5: {  	_ =	sfence  }
0xc6: {  	s30 =	sld [smem:$0x0];
	_ =	sdelay $0x2  }
0xc7: {  	s31 =	sshll.u32 s1, $0xD;
	s1 =	sshrl.u32 s1, $0x2  }
0xc8: {  	s4 =	sand.u32 $0x4000, s31;
	s1 =	sadd.s32 s1, s30  }
0xc9: {  	s0 =	sor.u32 s4, s0;
	s1 =	sshll.u32 s1, $0x11  }
0xca: {  	s0 =	sor.u32 s1, s0  }
0xcb: {  	s0 =	sadd.s32 $0x8F2B, s0  }
0xcc: {  	[sflag:s0] =	ssyncadd.remote.s32 $0x1  }
0xcd: {  	_ =	sfence.sel $0xFFFF  }
0xce: {  	[dreg:$0x0] =	wrdreg $0xFFFFFFFF;
	(pc) =	sbr.abs _section_cstart, $3  }
0xcf: {  	[dreg:$0x1] =	wrdreg $0xFFFFFFFF  }
0xd0: {  	_ =	task.clear_ibuf [dreg:s22], $0x2FFFF;
	_ =	strace $0x9FFFFFFF  }
0xd1: {  	(tm) =	ssettm $0x7FFFFFFF  }
tec
execute0_lowered:
.L_overlay_start_1:
0x0: {  	(tag) =	ssettag $0x1  }
0x1: {  	s0 =	srdreg.scid;
	s4 =	rddreg [dreg:$0x0]  }
0x2: {  	s1 =	stileid.u32;
	s3 =	rddreg [dreg:$0x1]  }
0x3: {  	s2 =	simm.s32 $0x0;
	s30 =	simm.s32 $0xD;
	s13 =	simm.s32 $0x80  }
0x4: {  	s11 =	simm.s32 $0x500;
	s25 =	simm.s32 $0x100;
	s10 =	simm.s32 $0x4500  }
0x5: {  	s26 =	simm.s32 $0x180;
	s9 =	simm.s32 $0x8500;
	s7 =	simm.s32 $0xC500  }
0x6: {  	s15 =	simm.s32 $0x2;
	s31 =	simm.s32 $0x280;
	s14 =	simm.s32 $0x3  }
0x7: {  	s29 =	simm.s32 $0x300;
	s0 =	sand.u32 $0x1, s0;
	s1 =	sshll.u32 s1, $0x1  }
0x8: {  	s12 =	simm.s32 $0x4;
	s28 =	simm.s32 $0x380;
	s1 =	sor.u32 s0, s1  }
0x9: {  	p0 =	por $0x0, $0x0;
	[smem:$0x7FF] =	sst s2;
	s5 =	smul.u32 $0xA0, s1  }
0xa: {  	s8 =	simm.s32 $0xA;
	_ =	strace $0x8000004D;
	s6 =	smul.u32 $0x5000, s1  }
0xb: {  	s0 =	ssub.s32 $0x2, s0;
	[dreg:$0xd] =	wrdreg s25;
	s1 =	smul.u32 $0x28000, s1  }
0xc: {  	[dreg:$0xe] =	wrdreg s26;
	s5 =	sadd.s32 s5, s4;
	s4 =	sadd.s32 $0xA8E00, s4  }
0xd: {  	s1 =	sshrl.u32 s1, $0x3;
	s5 =	sadd.s32 $0x5200, s5;
	s19 =	sadd.s32 s4, s6  }
0xe: {  	s1 =	sadd.s32 s4, s1;
	[dreg:$0x3] =	wrdreg s5;
	s16 =	sadd.s32 $0x800, s19  }
0xf: {  	s26 =	simm.s32 $0x400;
	s4 =	sadd.s32 $0x1000, s1;
	[dreg:$0x4] =	wrdreg s16  }
0x10: {  	s25 =	simm.s32 $0x480;
	s17 =	sadd.s32 $0x1800, s1;
	[dreg:$0x5] =	wrdreg s4  }
0x11: {  	s23 =	sshrl.u32 s0, $0x1;
	s18 =	sadd.s32 $0x2000, s1;
	[dreg:$0x6] =	wrdreg s17  }
0x12: {  	s0 =	ssub.s32 s0, s23;
	s20 =	sadd.s32 $0x2800, s1;
	[dreg:$0x7] =	wrdreg s18  }
0x13: {  	s23 =	simm.s32 $0x6;
	s21 =	sadd.s32 $0x3000, s1;
	[dreg:$0x8] =	wrdreg s20  }
0x14: {  	s0 =	smax.u32 s0, $0x1;
	s22 =	sadd.s32 $0x3800, s1;
	[dreg:$0x9] =	wrdreg s21  }
0x15: {  	p1 =	sne.s32 s0, $0x1;
	s24 =	sadd.s32 $0x4000, s1;
	[dreg:$0xa] =	wrdreg s22  }
.Ltmp0:
0x16: {  	s1 =	sadd.s32 $0x4800, s1;
	[dreg:$0xb] =	wrdreg s24;
	(pc) =	sbr.rel @!p1 .LBB2_1-.Ltmp0, $4  }
0x17: {  	s6 =	simm.s32 $0x9;
	s5 =	simm.s32 $0x8;
	[dreg:$0xc] =	wrdreg s1  }
0x18: {  	s16 =	simm.s32 $0x1;
	s21 =	simm.s32 $0x10500;
	s20 =	simm.s32 $0x14500  }
0x19: {  	s4 =	simm.s32 $0x7;
	s24 =	simm.s32 $0x5;
	s22 =	sadd.s32 $0xFFFFFFFF, s0  }
0x1a: {  	s18 =	simm.s32 $0xB;
	s17 =	simm.s32 $0xC;
	s0 =	rddreg [dreg:$0x3]  }
0x1b: {  	[tilespmem:s2], [sflag:$0xD] =	stream.linear.gather [hbm4b:s0+s2], $0x500, $0x38;
	[tilespmem:$0x18500] =	vst v63  }
0x1c: {  	_ =	swait.ge [sflag:s30], $0x500  }
0x1d: {  	[sflag:s30] =	ssyncset.done $0x0  }
0x1e: {  	[sflag:s30] =	ssyncadd.s32 $0xFFFFFB00  }
0x1f: {  	[tilespmem:s11], [sflag:$0x1] =	stream.indirect.gather [hbm4b:s3+s13], $0x80, s2, s13, $0xb8;
	[tilespmem:$0x18500] =	vst v63  }
0x20: {  	_ = 	snop  }
0x21: {  	[tilespmem:s10], [sflag:$0x2] =	stream.indirect.gather [hbm4b:s3+s13], $0x80, s13, s13, $0xb8;
	[tilespmem:$0x18500] =	vst v63  }
0x22: {  	s0 =	rddreg [dreg:$0xd]  }
0x23: {  	[tilespmem:s9], [sflag:$0x3] =	stream.indirect.gather [hbm4b:s3+s13], $0x80, s0, s13, $0xb8;
	[tilespmem:$0x18500] =	vst v63  }
0x24: {  	s1 =	rddreg [dreg:$0xe]  }
0x25: {  	[tilespmem:s7], [sflag:$0x4] =	stream.indirect.gather [hbm4b:s3+s13], $0x80, s1, s13, $0xb8;
	[tilespmem:$0x18500] =	vst v63  }
0x26: {  	_ =	swait.ge [sflag:s16], $0x4000  }
0x27: {  	[sflag:s16] =	ssyncset.done $0x0  }
0x28: {  	[sflag:s16] =	ssyncadd.s32 $0xFFFFC000  }
0x29: {  	[hbm4b:s19+s2] =	stream.linear.scatter [tilespmem:s11], [sflag:$0x7], $0x4000, $0x38;
	[tilespmem:$0x18500] =	vst v63  }
0x2a: {  	s1 =	simm.s32 $0x200  }
0x2b: {  	[tilespmem:s21], [sflag:$0x5] =	stream.indirect.gather [hbm4b:s3+s13], $0x80, s1, s13, $0xb8;
	[tilespmem:$0x18500] =	vst v63  }
0x2c: {  	_ =	swait.ge [sflag:s15], $0x4000  }
0x2d: {  	[sflag:s15] =	ssyncset.done $0x0  }
0x2e: {  	s1 =	rddreg [dreg:$0x4];
	[sflag:s15] =	ssyncadd.s32 $0xFFFFC000  }
0x2f: {  	[hbm4b:s1+s2] =	stream.linear.scatter [tilespmem:s10], [sflag:$0x8], $0x4000, $0x38;
	[tilespmem:$0x18500] =	vst v63  }
0x30: {  	_ = 	snop  }
0x31: {  	[tilespmem:s20], [sflag:$0x6] =	stream.indirect.gather [hbm4b:s3+s13], $0x80, s31, s13, $0xb8;
	[tilespmem:$0x18500] =	vst v63  }
0x32: {  	_ =	swait.ge [sflag:s14], $0x4000  }
0x33: {  	[sflag:s14] =	ssyncset.done $0x0  }
0x34: {  	s1 =	rddreg [dreg:$0x5];
	[sflag:s14] =	ssyncadd.s32 $0xFFFFC000  }
0x35: {  	[hbm4b:s1+s2] =	stream.linear.scatter [tilespmem:s9], [sflag:$0x9], $0x4000, $0x38;
	[tilespmem:$0x18500] =	vst v63  }
0x36: {  	_ =	swait.ge [sflag:s4], $0x4000  }
0x37: {  	[sflag:s4] =	ssyncset.done $0x0  }
0x38: {  	[sflag:s4] =	ssyncadd.s32 $0xFFFFC000  }
0x39: {  	[tilespmem:s11], [sflag:$0x1] =	stream.indirect.gather [hbm4b:s3+s13], $0x80, s29, s13, $0xb8;
	[tilespmem:$0x18500] =	vst v63  }
0x3a: {  	_ =	swait.ge [sflag:s12], $0x4000  }
0x3b: {  	[sflag:s12] =	ssyncset.done $0x0  }
0x3c: {  	s1 =	rddreg [dreg:$0x6];
	[sflag:s12] =	ssyncadd.s32 $0xFFFFC000  }
0x3d: {  	[hbm4b:s1+s2] =	stream.linear.scatter [tilespmem:s7], [sflag:$0xA], $0x4000, $0x38;
	[tilespmem:$0x18500] =	vst v63  }
0x3e: {  	_ =	swait.ge [sflag:s5], $0x4000  }
0x3f: {  	[sflag:s5] =	ssyncset.done $0x0  }
0x40: {  	[sflag:s5] =	ssyncadd.s32 $0xFFFFC000  }
0x41: {  	[tilespmem:s10], [sflag:$0x2] =	stream.indirect.gather [hbm4b:s3+s13], $0x80, s28, s13, $0xb8;
	[tilespmem:$0x18500] =	vst v63  }
0x42: {  	_ =	swait.ge [sflag:s24], $0x4000  }
0x43: {  	[sflag:s24] =	ssyncset.done $0x0  }
0x44: {  	s1 =	rddreg [dreg:$0x7];
	[sflag:s24] =	ssyncadd.s32 $0xFFFFC000  }
0x45: {  	[hbm4b:s1+s2] =	stream.linear.scatter [tilespmem:s21], [sflag:$0xB], $0x4000, $0x38;
	[tilespmem:$0x18500] =	vst v63  }
0x46: {  	_ =	swait.ge [sflag:s6], $0x4000  }
0x47: {  	[sflag:s6] =	ssyncset.done $0x0  }
0x48: {  	[sflag:s6] =	ssyncadd.s32 $0xFFFFC000  }
0x49: {  	[tilespmem:s9], [sflag:$0x3] =	stream.indirect.gather [hbm4b:s3+s13], $0x80, s26, s13, $0xb8;
	[tilespmem:$0x18500] =	vst v63  }
0x4a: {  	_ =	swait.ge [sflag:s23], $0x4000  }
0x4b: {  	[sflag:s23] =	ssyncset.done $0x0  }
0x4c: {  	s1 =	rddreg [dreg:$0x8];
	[sflag:s23] =	ssyncadd.s32 $0xFFFFC000  }
0x4d: {  	[hbm4b:s1+s2] =	stream.linear.scatter [tilespmem:s20], [sflag:$0xC], $0x4000, $0x38;
	[tilespmem:$0x18500] =	vst v63  }
0x4e: {  	_ =	swait.ge [sflag:s8], $0x4000  }
0x4f: {  	[sflag:s8] =	ssyncset.done $0x0  }
0x50: {  	[sflag:s8] =	ssyncadd.s32 $0xFFFFC000  }
0x51: {  	[tilespmem:s7], [sflag:$0x4] =	stream.indirect.gather [hbm4b:s3+s13], $0x80, s25, s13, $0xb8;
	[tilespmem:$0x18500] =	vst v63  }
0x52: {  	_ =	swait.ge [sflag:s16], $0x4000  }
0x53: {  	[sflag:s16] =	ssyncset.done $0x0  }
0x54: {  	s1 =	rddreg [dreg:$0x9];
	[sflag:s16] =	ssyncadd.s32 $0xFFFFC000  }
0x55: {  	[hbm4b:s1+s2] =	stream.linear.scatter [tilespmem:s11], [sflag:$0x7], $0x4000, $0x38;
	[tilespmem:$0x18500] =	vst v63  }
0x56: {  	_ =	swait.ge [sflag:s15], $0x4000  }
0x57: {  	[sflag:s15] =	ssyncset.done $0x0  }
0x58: {  	s1 =	rddreg [dreg:$0xa];
	[sflag:s15] =	ssyncadd.s32 $0xFFFFC000  }
0x59: {  	[hbm4b:s1+s2] =	stream.linear.scatter [tilespmem:s10], [sflag:$0x8], $0x4000, $0x38;
	[tilespmem:$0x18500] =	vst v63  }
0x5a: {  	_ =	swait.ge [sflag:s14], $0x4000  }
0x5b: {  	[sflag:s14] =	ssyncset.done $0x0  }
0x5c: {  	s1 =	rddreg [dreg:$0xb];
	[sflag:s14] =	ssyncadd.s32 $0xFFFFC000  }
0x5d: {  	[hbm4b:s1+s2] =	stream.linear.scatter [tilespmem:s9], [sflag:$0x9], $0x4000, $0x38;
	[tilespmem:$0x18500] =	vst v63  }
0x5e: {  	_ =	swait.ge [sflag:s12], $0x4000  }
0x5f: {  	[sflag:s12] =	ssyncset.done $0x0  }
0x60: {  	s1 =	rddreg [dreg:$0xc];
	[sflag:s12] =	ssyncadd.s32 $0xFFFFC000  }
0x61: {  	[hbm4b:s1+s2] =	stream.linear.scatter [tilespmem:s7], [sflag:$0xA], $0x4000, $0x38;
	[tilespmem:$0x18500] =	vst v63  }
0x62: {  	_ =	swait.ge [sflag:s18], $0x4000  }
0x63: {  	[sflag:s18] =	ssyncset.done $0x0  }
0x64: {  	[sflag:s18] =	ssyncadd.s32 $0xFFFFC000  }
0x65: {  	_ =	swait.ge [sflag:s17], $0x4000  }
0x66: {  	[sflag:s17] =	ssyncset.done $0x0  }
0x67: {  	[sflag:s17] =	ssyncadd.s32 $0xFFFFC000  }
0x68: {  	_ =	swait.ge [sflag:s4], $0x4000  }
0x69: {  	[sflag:s4] =	ssyncset.done $0x0  }
0x6a: {  	[sflag:s4] =	ssyncadd.s32 $0xFFFFC000  }
0x6b: {  	_ =	swait.ge [sflag:s5], $0x4000  }
0x6c: {  	[sflag:s5] =	ssyncset.done $0x0  }
0x6d: {  	p1 =	sne.s32 s22, $0x1;
	[sflag:s5] =	ssyncadd.s32 $0xFFFFC000  }
.Ltmp1:
0x6e: {  	_ =	swait.ge [sflag:s6], $0x4000;
	(pc) =	sbr.rel @!p1 .LBB2_3-.Ltmp1, $4  }
0x6f: {  	[sflag:s6] =	ssyncset.done $0x0  }
0x70: {  	[sflag:s6] =	ssyncadd.s32 $0xFFFFC000  }
0x71: {  	p0 =	por $0x1, $0x1;
	_ =	swait.ge [sflag:s8], $0x4000  }
0x72: {  	s1 =	sadd.s32 $0xFFFFFFFF, s22;
	s0 =	rddreg [dreg:$0x3];
	[sflag:s8] =	ssyncset.done $0x0  }
.LBB2_4:
0x73: {  	[sflag:s8] =	ssyncadd.s32 $0xFFFFC000  }
0x74: {  	[tilespmem:s2], [sflag:$0xD] =	stream.linear.gather [hbm4b:s0+s2], $0x500, $0x38;
	[tilespmem:$0x18500] =	vst v63  }
0x75: {  	_ =	swait.ge [sflag:s30], $0x500  }
0x76: {  	[sflag:s30] =	ssyncset.done $0x0  }
0x77: {  	[sflag:s30] =	ssyncadd.s32 $0xFFFFFB00  }
0x78: {  	[tilespmem:s11], [sflag:$0x1] =	stream.indirect.gather [hbm4b:s3+s13], $0x80, s2, s13, $0xb8;
	[tilespmem:$0x18500] =	vst v63  }
0x79: {  	_ = 	snop  }
0x7a: {  	[tilespmem:s10], [sflag:$0x2] =	stream.indirect.gather [hbm4b:s3+s13], $0x80, s13, s13, $0xb8;
	[tilespmem:$0x18500] =	vst v63  }
0x7b: {  	s0 =	rddreg [dreg:$0xd]  }
0x7c: {  	[tilespmem:s9], [sflag:$0x3] =	stream.indirect.gather [hbm4b:s3+s13], $0x80, s0, s13, $0xb8;
	[tilespmem:$0x18500] =	vst v63  }
0x7d: {  	s22 =	rddreg [dreg:$0xe]  }
0x7e: {  	[tilespmem:s7], [sflag:$0x4] =	stream.indirect.gather [hbm4b:s3+s13], $0x80, s22, s13, $0xb8;
	[tilespmem:$0x18500] =	vst v63  }
0x7f: {  	_ =	swait.ge [sflag:s16], $0x4000  }
0x80: {  	[sflag:s16] =	ssyncset.done $0x0  }
0x81: {  	[sflag:s16] =	ssyncadd.s32 $0xFFFFC000  }
0x82: {  	[hbm4b:s19+s2] =	stream.linear.scatter [tilespmem:s11], [sflag:$0x7], $0x4000, $0x38;
	[tilespmem:$0x18500] =	vst v63  }
0x83: {  	s22 =	simm.s32 $0x200  }
0x84: {  	[tilespmem:s21], [sflag:$0x5] =	stream.indirect.gather [hbm4b:s3+s13], $0x80, s22, s13, $0xb8;
	[tilespmem:$0x18500] =	vst v63  }
0x85: {  	_ =	swait.ge [sflag:s15], $0x4000  }
0x86: {  	[sflag:s15] =	ssyncset.done $0x0  }
0x87: {  	s22 =	rddreg [dreg:$0x4];
	[sflag:s15] =	ssyncadd.s32 $0xFFFFC000  }
0x88: {  	[hbm4b:s22+s2] =	stream.linear.scatter [tilespmem:s10], [sflag:$0x8], $0x4000, $0x38;
	[tilespmem:$0x18500] =	vst v63  }
0x89: {  	_ = 	snop  }
0x8a: {  	[tilespmem:s20], [sflag:$0x6] =	stream.indirect.gather [hbm4b:s3+s13], $0x80, s31, s13, $0xb8;
	[tilespmem:$0x18500] =	vst v63  }
0x8b: {  	_ =	swait.ge [sflag:s14], $0x4000  }
0x8c: {  	[sflag:s14] =	ssyncset.done $0x0  }
0x8d: {  	s22 =	rddreg [dreg:$0x5];
	[sflag:s14] =	ssyncadd.s32 $0xFFFFC000  }
0x8e: {  	[hbm4b:s22+s2] =	stream.linear.scatter [tilespmem:s9], [sflag:$0x9], $0x4000, $0x38;
	[tilespmem:$0x18500] =	vst v63  }
0x8f: {  	_ =	swait.ge [sflag:s4], $0x4000  }
0x90: {  	[sflag:s4] =	ssyncset.done $0x0  }
0x91: {  	[sflag:s4] =	ssyncadd.s32 $0xFFFFC000  }
0x92: {  	[tilespmem:s11], [sflag:$0x1] =	stream.indirect.gather [hbm4b:s3+s13], $0x80, s29, s13, $0xb8;
	[tilespmem:$0x18500] =	vst v63  }
0x93: {  	_ =	swait.ge [sflag:s12], $0x4000  }
0x94: {  	[sflag:s12] =	ssyncset.done $0x0  }
0x95: {  	s22 =	rddreg [dreg:$0x6];
	[sflag:s12] =	ssyncadd.s32 $0xFFFFC000  }
0x96: {  	[hbm4b:s22+s2] =	stream.linear.scatter [tilespmem:s7], [sflag:$0xA], $0x4000, $0x38;
	[tilespmem:$0x18500] =	vst v63  }
0x97: {  	_ =	swait.ge [sflag:s5], $0x4000  }
0x98: {  	[sflag:s5] =	ssyncset.done $0x0  }
0x99: {  	[sflag:s5] =	ssyncadd.s32 $0xFFFFC000  }
0x9a: {  	[tilespmem:s10], [sflag:$0x2] =	stream.indirect.gather [hbm4b:s3+s13], $0x80, s28, s13, $0xb8;
	[tilespmem:$0x18500] =	vst v63  }
0x9b: {  	_ =	swait.ge [sflag:s24], $0x4000  }
0x9c: {  	[sflag:s24] =	ssyncset.done $0x0  }
0x9d: {  	s22 =	rddreg [dreg:$0x7];
	[sflag:s24] =	ssyncadd.s32 $0xFFFFC000  }
0x9e: {  	[hbm4b:s22+s2] =	stream.linear.scatter [tilespmem:s21], [sflag:$0xB], $0x4000, $0x38;
	[tilespmem:$0x18500] =	vst v63  }
0x9f: {  	_ =	swait.ge [sflag:s6], $0x4000  }
0xa0: {  	[sflag:s6] =	ssyncset.done $0x0  }
0xa1: {  	[sflag:s6] =	ssyncadd.s32 $0xFFFFC000  }
0xa2: {  	[tilespmem:s9], [sflag:$0x3] =	stream.indirect.gather [hbm4b:s3+s13], $0x80, s26, s13, $0xb8;
	[tilespmem:$0x18500] =	vst v63  }
0xa3: {  	_ =	swait.ge [sflag:s23], $0x4000  }
0xa4: {  	[sflag:s23] =	ssyncset.done $0x0  }
0xa5: {  	s22 =	rddreg [dreg:$0x8];
	[sflag:s23] =	ssyncadd.s32 $0xFFFFC000  }
0xa6: {  	[hbm4b:s22+s2] =	stream.linear.scatter [tilespmem:s20], [sflag:$0xC], $0x4000, $0x38;
	[tilespmem:$0x18500] =	vst v63  }
0xa7: {  	_ =	swait.ge [sflag:s8], $0x4000  }
0xa8: {  	[sflag:s8] =	ssyncset.done $0x0  }
0xa9: {  	[sflag:s8] =	ssyncadd.s32 $0xFFFFC000  }
0xaa: {  	[tilespmem:s7], [sflag:$0x4] =	stream.indirect.gather [hbm4b:s3+s13], $0x80, s25, s13, $0xb8;
	[tilespmem:$0x18500] =	vst v63  }
0xab: {  	_ =	swait.ge [sflag:s16], $0x4000  }
0xac: {  	[sflag:s16] =	ssyncset.done $0x0  }
0xad: {  	s22 =	rddreg [dreg:$0x9];
	[sflag:s16] =	ssyncadd.s32 $0xFFFFC000  }
0xae: {  	[hbm4b:s22+s2] =	stream.linear.scatter [tilespmem:s11], [sflag:$0x7], $0x4000, $0x38;
	[tilespmem:$0x18500] =	vst v63  }
0xaf: {  	_ =	swait.ge [sflag:s15], $0x4000  }
0xb0: {  	[sflag:s15] =	ssyncset.done $0x0  }
0xb1: {  	s22 =	rddreg [dreg:$0xa];
	[sflag:s15] =	ssyncadd.s32 $0xFFFFC000  }
0xb2: {  	[hbm4b:s22+s2] =	stream.linear.scatter [tilespmem:s10], [sflag:$0x8], $0x4000, $0x38;
	[tilespmem:$0x18500] =	vst v63  }
0xb3: {  	_ =	swait.ge [sflag:s14], $0x4000  }
0xb4: {  	[sflag:s14] =	ssyncset.done $0x0  }
0xb5: {  	s22 =	rddreg [dreg:$0xb];
	[sflag:s14] =	ssyncadd.s32 $0xFFFFC000  }
0xb6: {  	[hbm4b:s22+s2] =	stream.linear.scatter [tilespmem:s9], [sflag:$0x9], $0x4000, $0x38;
	[tilespmem:$0x18500] =	vst v63  }
0xb7: {  	_ =	swait.ge [sflag:s12], $0x4000  }
0xb8: {  	[sflag:s12] =	ssyncset.done $0x0  }
0xb9: {  	s22 =	rddreg [dreg:$0xc];
	[sflag:s12] =	ssyncadd.s32 $0xFFFFC000  }
0xba: {  	[hbm4b:s22+s2] =	stream.linear.scatter [tilespmem:s7], [sflag:$0xA], $0x4000, $0x38;
	[tilespmem:$0x18500] =	vst v63  }
0xbb: {  	_ =	swait.ge [sflag:s18], $0x4000  }
0xbc: {  	[sflag:s18] =	ssyncset.done $0x0  }
0xbd: {  	[sflag:s18] =	ssyncadd.s32 $0xFFFFC000  }
0xbe: {  	_ =	swait.ge [sflag:s17], $0x4000  }
0xbf: {  	[sflag:s17] =	ssyncset.done $0x0  }
0xc0: {  	[sflag:s17] =	ssyncadd.s32 $0xFFFFC000  }
0xc1: {  	_ =	swait.ge [sflag:s4], $0x4000  }
0xc2: {  	[sflag:s4] =	ssyncset.done $0x0  }
0xc3: {  	[sflag:s4] =	ssyncadd.s32 $0xFFFFC000  }
0xc4: {  	_ =	swait.ge [sflag:s5], $0x4000  }
0xc5: {  	[sflag:s5] =	ssyncset.done $0x0  }
0xc6: {  	p1 =	sne.s32 s1, $0x1;
	[sflag:s5] =	ssyncadd.s32 $0xFFFFC000  }
.Ltmp2:
0xc7: {  	_ =	swait.ge [sflag:s6], $0x4000;
	(pc) =	sbr.rel @p1 .LBB2_4-.Ltmp2, $4  }
0xc8: {  	[sflag:s6] =	ssyncset.done $0x0  }
0xc9: {  	[sflag:s6] =	ssyncadd.s32 $0xFFFFC000  }
0xca: {  	_ =	swait.ge [sflag:s8], $0x4000  }
0xcb: {  	s1 =	sadd.s32 $0xFFFFFFFF, s1;
	s0 =	rddreg [dreg:$0x3];
	[sflag:s8] =	ssyncset.done $0x0  }
0xcc: {  	s22 =	simm.s32 $0x200;
	s31 =	simm.s32 $0x280;
	s29 =	simm.s32 $0x300  }
0xcd: {  	s28 =	simm.s32 $0x380;
	s26 =	simm.s32 $0x400;
	s25 =	simm.s32 $0x480  }
.LBB2_6:
0xce: {  	[sflag:s8] =	ssyncadd.s32 @p0 $0xFFFFC000  }
0xcf: {  	[tilespmem:s2], [sflag:$0xD] =	stream.linear.gather [hbm4b:s0+s2], $0x500, $0x38;
	[tilespmem:$0x18500] =	vst v63  }
0xd0: {  	_ =	swait.ge [sflag:s30], $0x500  }
0xd1: {  	[sflag:s30] =	ssyncset.done $0x0  }
0xd2: {  	[sflag:s30] =	ssyncadd.s32 $0xFFFFFB00  }
0xd3: {  	[tilespmem:s11], [sflag:$0x1] =	stream.indirect.gather [hbm4b:s3+s13], $0x80, s2, s13, $0xb8;
	[tilespmem:$0x18500] =	vst v63  }
0xd4: {  	_ = 	snop  }
0xd5: {  	[tilespmem:s10], [sflag:$0x2] =	stream.indirect.gather [hbm4b:s3+s13], $0x80, s13, s13, $0xb8;
	[tilespmem:$0x18500] =	vst v63  }
0xd6: {  	s30 =	rddreg [dreg:$0xd]  }
0xd7: {  	[tilespmem:s9], [sflag:$0x3] =	stream.indirect.gather [hbm4b:s3+s13], $0x80, s30, s13, $0xb8;
	[tilespmem:$0x18500] =	vst v63  }
0xd8: {  	s1 =	rddreg [dreg:$0xe]  }
0xd9: {  	[tilespmem:s7], [sflag:$0x4] =	stream.indirect.gather [hbm4b:s3+s13], $0x80, s1, s13, $0xb8;
	[tilespmem:$0x18500] =	vst v63  }
0xda: {  	_ =	swait.ge [sflag:s16], $0x4000  }
0xdb: {  	[sflag:s16] =	ssyncset.done $0x0  }
0xdc: {  	[sflag:s16] =	ssyncadd.s32 $0xFFFFC000  }
0xdd: {  	[hbm4b:s19+s2] =	stream.linear.scatter [tilespmem:s11], [sflag:$0x7], $0x4000, $0x38;
	[tilespmem:$0x18500] =	vst v63  }
0xde: {  	_ = 	snop  }
0xdf: {  	[tilespmem:s21], [sflag:$0x5] =	stream.indirect.gather [hbm4b:s3+s13], $0x80, s22, s13, $0xb8;
	[tilespmem:$0x18500] =	vst v63  }
0xe0: {  	_ =	swait.ge [sflag:s15], $0x4000  }
0xe1: {  	[sflag:s15] =	ssyncset.done $0x0  }
0xe2: {  	s30 =	rddreg [dreg:$0x4];
	[sflag:s15] =	ssyncadd.s32 $0xFFFFC000  }
0xe3: {  	[hbm4b:s30+s2] =	stream.linear.scatter [tilespmem:s10], [sflag:$0x8], $0x4000, $0x38;
	[tilespmem:$0x18500] =	vst v63  }
0xe4: {  	_ = 	snop  }
0xe5: {  	[tilespmem:s20], [sflag:$0x6] =	stream.indirect.gather [hbm4b:s3+s13], $0x80, s31, s13, $0xb8;
	[tilespmem:$0x18500] =	vst v63  }
0xe6: {  	_ =	swait.ge [sflag:s14], $0x4000  }
0xe7: {  	[sflag:s14] =	ssyncset.done $0x0  }
0xe8: {  	s1 =	rddreg [dreg:$0x5];
	[sflag:s14] =	ssyncadd.s32 $0xFFFFC000  }
0xe9: {  	[hbm4b:s1+s2] =	stream.linear.scatter [tilespmem:s9], [sflag:$0x9], $0x4000, $0x38;
	[tilespmem:$0x18500] =	vst v63  }
0xea: {  	_ =	swait.ge [sflag:s4], $0x4000  }
0xeb: {  	[sflag:s4] =	ssyncset.done $0x0  }
0xec: {  	[sflag:s4] =	ssyncadd.s32 $0xFFFFC000  }
0xed: {  	[tilespmem:s11], [sflag:$0x1] =	stream.indirect.gather [hbm4b:s3+s13], $0x80, s29, s13, $0xb8;
	[tilespmem:$0x18500] =	vst v63  }
0xee: {  	_ =	swait.ge [sflag:s12], $0x4000  }
0xef: {  	[sflag:s12] =	ssyncset.done $0x0  }
0xf0: {  	s19 =	rddreg [dreg:$0x6];
	[sflag:s12] =	ssyncadd.s32 $0xFFFFC000  }
0xf1: {  	[hbm4b:s19+s2] =	stream.linear.scatter [tilespmem:s7], [sflag:$0xA], $0x4000, $0x38;
	[tilespmem:$0x18500] =	vst v63  }
0xf2: {  	_ =	swait.ge [sflag:s5], $0x4000  }
0xf3: {  	[sflag:s5] =	ssyncset.done $0x0  }
0xf4: {  	[sflag:s5] =	ssyncadd.s32 $0xFFFFC000  }
0xf5: {  	[tilespmem:s10], [sflag:$0x2] =	stream.indirect.gather [hbm4b:s3+s13], $0x80, s28, s13, $0xb8;
	[tilespmem:$0x18500] =	vst v63  }
0xf6: {  	_ =	swait.ge [sflag:s24], $0x4000  }
0xf7: {  	[sflag:s24] =	ssyncset.done $0x0  }
0xf8: {  	s22 =	rddreg [dreg:$0x7];
	[sflag:s24] =	ssyncadd.s32 $0xFFFFC000  }
0xf9: {  	[hbm4b:s22+s2] =	stream.linear.scatter [tilespmem:s21], [sflag:$0xB], $0x4000, $0x38;
	[tilespmem:$0x18500] =	vst v63  }
0xfa: {  	_ =	swait.ge [sflag:s6], $0x4000  }
0xfb: {  	[sflag:s6] =	ssyncset.done $0x0  }
0xfc: {  	[sflag:s6] =	ssyncadd.s32 $0xFFFFC000  }
0xfd: {  	[tilespmem:s9], [sflag:$0x3] =	stream.indirect.gather [hbm4b:s3+s13], $0x80, s26, s13, $0xb8;
	[tilespmem:$0x18500] =	vst v63  }
0xfe: {  	_ =	swait.ge [sflag:s23], $0x4000  }
0xff: {  	[sflag:s23] =	ssyncset.done $0x0  }
0x100: {  	s24 =	rddreg [dreg:$0x8];
	[sflag:s23] =	ssyncadd.s32 $0xFFFFC000  }
0x101: {  	[hbm4b:s24+s2] =	stream.linear.scatter [tilespmem:s20], [sflag:$0xC], $0x4000, $0x38;
	[tilespmem:$0x18500] =	vst v63  }
0x102: {  	_ =	swait.ge [sflag:s8], $0x4000  }
0x103: {  	[sflag:s8] =	ssyncset.done $0x0  }
0x104: {  	[sflag:s8] =	ssyncadd.s32 $0xFFFFC000  }
0x105: {  	[tilespmem:s7], [sflag:$0x4] =	stream.indirect.gather [hbm4b:s3+s13], $0x80, s25, s13, $0xb8;
	[tilespmem:$0x18500] =	vst v63  }
0x106: {  	_ =	swait.ge [sflag:s16], $0x4000  }
0x107: {  	[sflag:s16] =	ssyncset.done $0x0  }
0x108: {  	s26 =	rddreg [dreg:$0x9];
	[sflag:s16] =	ssyncadd.s32 $0xFFFFC000  }
0x109: {  	[hbm4b:s26+s2] =	stream.linear.scatter [tilespmem:s11], [sflag:$0x7], $0x4000, $0x38;
	[tilespmem:$0x18500] =	vst v63  }
0x10a: {  	_ =	swait.ge [sflag:s15], $0x4000  }
0x10b: {  	[sflag:s15] =	ssyncset.done $0x0  }
0x10c: {  	s28 =	rddreg [dreg:$0xa];
	[sflag:s15] =	ssyncadd.s32 $0xFFFFC000  }
0x10d: {  	[hbm4b:s28+s2] =	stream.linear.scatter [tilespmem:s10], [sflag:$0x8], $0x4000, $0x38;
	[tilespmem:$0x18500] =	vst v63  }
0x10e: {  	_ =	swait.ge [sflag:s14], $0x4000  }
0x10f: {  	[sflag:s14] =	ssyncset.done $0x0  }
0x110: {  	s29 =	rddreg [dreg:$0xb];
	[sflag:s14] =	ssyncadd.s32 $0xFFFFC000  }
0x111: {  	[hbm4b:s29+s2] =	stream.linear.scatter [tilespmem:s9], [sflag:$0x9], $0x4000, $0x38;
	[tilespmem:$0x18500] =	vst v63  }
0x112: {  	_ =	swait.ge [sflag:s12], $0x4000  }
0x113: {  	[sflag:s12] =	ssyncset.done $0x0  }
0x114: {  	s30 =	rddreg [dreg:$0xc];
	[sflag:s12] =	ssyncadd.s32 $0xFFFFC000  }
0x115: {  	[hbm4b:s30+s2] =	stream.linear.scatter [tilespmem:s7], [sflag:$0xA], $0x4000, $0x38;
	[tilespmem:$0x18500] =	vst v63  }
0x116: {  	_ =	swait.ge [sflag:s18], $0x4000  }
0x117: {  	[sflag:s18] =	ssyncset.done $0x0  }
0x118: {  	[sflag:s18] =	ssyncadd.s32 $0xFFFFC000  }
0x119: {  	_ =	swait.ge [sflag:s17], $0x4000  }
0x11a: {  	[sflag:s17] =	ssyncset.done $0x0  }
0x11b: {  	[sflag:s17] =	ssyncadd.s32 $0xFFFFC000  }
0x11c: {  	_ =	swait.ge [sflag:s4], $0x4000  }
0x11d: {  	[sflag:s4] =	ssyncset.done $0x0  }
0x11e: {  	[sflag:s4] =	ssyncadd.s32 $0xFFFFC000  }
0x11f: {  	_ =	swait.ge [sflag:s5], $0x4000  }
0x120: {  	[sflag:s5] =	ssyncset.done $0x0  }
0x121: {  	[sflag:s5] =	ssyncadd.s32 $0xFFFFC000  }
0x122: {  	_ =	swait.ge [sflag:s6], $0x4000  }
0x123: {  	[sflag:s6] =	ssyncset.done $0x0  }
0x124: {  	[sflag:s6] =	ssyncadd.s32 $0xFFFFC000  }
0x125: {  	_ =	swait.ge [sflag:s8], $0x4000  }
0x126: {  	[sflag:s8] =	ssyncset.done $0x0  }
0x127: {  	[sflag:s8] =	ssyncadd.s32 $0xFFFFC000  }
0x128: {  	_ =	sfence.sel $0x180000  }
0x129: {  	[bflag:$0x0] =	sbarrier.arrive $0xFFFF  }
0x12a: {  	_ =	strace $0x9000004D  }
0x12b: {  	s31 =	stileid.u32;
	[bflag:$0x2] =	sbarrier.arrive $0xFFFF  }
0x12c: {  	p0 =	sne.s32 s31, $0x0;
	s0 =	rddreg [dreg:$0x2]  }
0x12d: {  	s0 =	sadd.s32 @!p0 $0x100000, s0  }
0x12e: {  	[sflag:s0] =	ssyncadd.tile.s32 @!p0 $0x1;
	_ =	shalt  }
.LBB2_1:
.Ltmp3:
0x12f: {  	(pc) =	sbr.rel .LBB2_6-.Ltmp3, $3  }
0x130: {  	_ =	sdelay $0x1  }
0x131: {  	s22 =	simm.s32 $0x200;
	s31 =	simm.s32 $0x280;
	s29 =	simm.s32 $0x300  }
0x132: {  	s28 =	simm.s32 $0x380;
	s26 =	simm.s32 $0x400;
	s25 =	simm.s32 $0x480  }
.LBB2_3:
.Ltmp4:
0x133: {  	(pc) =	sbr.rel .LBB2_6-.Ltmp4, $3  }
0x134: {  	_ =	sdelay $0x1  }
0x135: {  	s22 =	simm.s32 $0x200;
	s31 =	simm.s32 $0x280;
	s29 =	simm.s32 $0x300  }
0x136: {  	s28 =	simm.s32 $0x380;
	s26 =	simm.s32 $0x400;
	s25 =	simm.s32 $0x480  }
.Lfunc_end2:
_tile_overlayer_lowered:
.L_overlay_start_2:
0x137: {  	(tag) =	ssettag $0x2  }
0x138: {  	s0 =	rddreg [dreg:$0x0];
	s2 =	stileid.u32  }
0x139: {  	s1 =	rddreg [dreg:$0x1];
	p0 =	sne.s32 s2, $0x0  }
0x13a: {  	s3 =	rddreg [dreg:$0x2];
	[bflag:$0x3] =	sbarrier.arrive $0xFFFF;
	s2 =	simm.s32 @!p0 $0x1C0D  }
0x13b: {  	[timem:s3], [sflag:s2] =	dma.local @!p0 [hbm:s0], s1  }
0x13c: {  	s0 =	simm.s32 @!p0 $0xD  }
0x13d: {  	_ =	swait.ge @!p0 [sflag:s0], s1  }
0x13e: {  	s1 =	ssub.s32 @!p0 $0x0, s1;
	[sflag:s0] =	ssyncset.done @!p0 $0x0  }
0x13f: {  	[sflag:s0] =	ssyncadd.s32 @!p0 s1  }
0x140: {  	[bflag:$0x3] =	sbarrier.arrive $0xFFFF  }
0x141: {  	_ =	shalt  }

// kernel: kernel.21.cloned.1.call-start
scs
__scs_entry_jumppad:
0x0: {  	(pc) =	sbr.rel $0x88, $3  }
0x1: {  	(tag) =	ssettag $0x0;
	lr =	simm.s32 $0x1  }
0x2: {  	[smem:$0x3F9B] =	sst lr;
	_ =	strace $0xD0000000  }
0x3: {  	_ = 	snop  }
0x4: {  	_ = 	snop  }
0x5: {  	_ = 	snop  }
0x6: {  	_ = 	snop  }
0x7: {  	_ = 	snop  }
__scs_overlays_trampoline_lowered:
0x8: {  	[smem:$0x3FAA] =	sst s0  }
0x9: {  	[smem:$0x3FAB] =	sst s1  }
0xa: {  	[smem:$0x3FAC] =	sst s2  }
0xb: {  	[smem:$0x3FAD] =	sst s3  }
0xc: {  	[smem:$0x3FAE] =	sst s4  }
0xd: {  	[smem:$0x3FAF] =	sst s5  }
0xe: {  	[smem:$0x3FB0] =	sst s6  }
0xf: {  	[smem:$0x3FB1] =	sst s7  }
0x10: {  	[smem:$0x3FB2] =	sst s8  }
0x11: {  	[smem:$0x3FB3] =	sst s9;
	s0 =	simm.s32 @!p0 $0x0  }
0x12: {  	s1 =	sld [smem:$0x3F99];
	s0 =	simm.s32 @p0 $0x1  }
0x13: {  	[smem:$0x3FB4] =	sst s0;
	s0 =	simm.s32 @!p1 $0x0  }
0x14: {  	s2 =	sld [smem:$0x3F98];
	s0 =	simm.s32 @p1 $0x1  }
0x15: {  	[smem:$0x3FB5] =	sst s0;
	s0 =	simm.s32 @!p2 $0x0  }
0x16: {  	s3 =	sld [smem:$0x3FDB];
	s0 =	simm.s32 @p2 $0x1  }
0x17: {  	s4 =	simm.s32 $0x1BF5;
	[smem:$0x3FB7] =	sst s0  }
0x18: {  	s0 =	sld [smem:$0x3F9A];
	_ =	swait.ge [sflag:s4], $0x0  }
0x19: {  	s7 =	sld [smem:$0x3F9B]  }
0x1a: {  	s8 =	sadd.s32 $0xFFFFE003, lr  }
0x1b: {  	s9 =	sadd.s32 $0xFFFFFEF7, lr;
	s5 =	simm.s32 $0xFFFFFFFF;
	p2 =	slt.u32 s8, $0xFFFFF086  }
0x1c: {  	p1 =	slt.u32 s9, $0xF7A;
	s5 =	simm.s32 @!p2 $0x0  }
0x1d: {  	s5 =	simm.s32 @p1 $0x1;
	p0 =	seq.s32 s7, s2  }
0x1e: {  	s7 =	smul.u32 @!p0 $0xF7A, s2;
	p2 =	seq.s32 @!p0 s5, $0x0  }
0x1f: {  	s9 =	smul.u32 $0xF7A, s1;
	s8 =	simm.s32 @!p0 $0x1BF5;
	p2 =	por !p2, p0  }
0x20: {  	[sflag:s8] =	ssyncset.s32 @!p0 $0xFFFFF086;
	s6 =	sadd.s32 @!p0 s3, s7;
	s7 =	simm.s32 @!p0 $0x108  }
0x21: {  	s3 =	sadd.s32 s3, s9;
	s6 =	sadd.s32 @!p0 $0x88, s6;
	s7 =	simm.s32 @p2 $0x1082  }
0x22: {  	[simem:s7], [sflag:s8] =	dma.local @!p0 [hbm:s6], $0xF7A  }
0x23: {  	s9 =	sor.u32 $0xD0000000, s2;
	s6 =	simm.s32 $0x108;
	_ =	swait.ge @!p0 [sflag:s8], $0x0  }
0x24: {  	s3 =	sadd.s32 $0x88, s3;
	s6 =	simm.s32 @!p1 $0x1082;
	[sflag:s4] =	ssyncset.s32 $0xFFFFF086  }
0x25: {  	[simem:s6], [sflag:s4] =	dma.local [hbm:s3], $0xF7A  }
0x26: {  	[smem:$0x3F9B] =	sst s1;
	(tag) =	ssettag s2;
	_ =	strace s9  }
0x27: {  	s1 =	sld [smem:$0x3FAB]  }
0x28: {  	s2 =	sld [smem:$0x3FAC]  }
0x29: {  	s4 =	sld [smem:$0x3FAE]  }
0x2a: {  	p0 =	seq.s32 s5, $0x0;
	s5 =	sld [smem:$0x3FAF]  }
0x2b: {  	s6 =	sld [smem:$0x3FB0]  }
0x2c: {  	s7 =	sld [smem:$0x3FB1]  }
0x2d: {  	s3 =	simm.s32 $0x108;
	s8 =	sld [smem:$0x3FB2]  }
0x2e: {  	s3 =	simm.s32 @!p0 $0x1082;
	s9 =	sld [smem:$0x3FB3]  }
0x2f: {  	lr =	sadd.s32 s0, s3;
	s0 =	sld [smem:$0x3FAA]  }
0x30: {  	s3 =	sld [smem:$0x3FAD]  }
0x31: {  	[smem:$0x3FB6] =	sst s10  }
0x32: {  	s10 =	sld [smem:$0x3FB4];
	_ =	sdelay $0x3  }
0x33: {  	p0 =	seq.s32 s10, $0x1;
	s10 =	sld [smem:$0x3FB6];
	_ =	sdelay $0x3  }
0x34: {  	[smem:$0x3FB6] =	sst s10  }
0x35: {  	s10 =	sld [smem:$0x3FB5];
	_ =	sdelay $0x3  }
0x36: {  	p1 =	seq.s32 s10, $0x1;
	s10 =	sld [smem:$0x3FB6];
	_ =	sdelay $0x3  }
0x37: {  	[smem:$0x3FB6] =	sst s10  }
0x38: {  	s10 =	sld [smem:$0x3FB7]  }
0x39: {  	_ = 	snop;
	(pc) =	sbr.ind lr, $3  }
0x3a: {  	_ = 	snop  }
0x3b: {  	_ = 	snop  }
0x3c: {  	p2 =	seq.s32 s10, $0x1;
	s10 =	sld [smem:$0x3FB6]  }
0x3d: {  	_ =	shalt  }
0x3e: {  	_ =	shalt  }
0x3f: {  	_ =	shalt  }
0x40: {  	_ =	shalt  }
0x41: {  	_ =	shalt  }
0x42: {  	_ =	shalt  }
0x43: {  	_ =	shalt  }
0x44: {  	_ =	shalt  }
0x45: {  	_ =	shalt  }
0x46: {  	_ =	shalt  }
0x47: {  	_ =	shalt  }
0x48: {  	_ =	shalt  }
0x49: {  	_ =	shalt  }
0x4a: {  	_ =	shalt  }
0x4b: {  	_ =	shalt  }
0x4c: {  	_ =	shalt  }
0x4d: {  	_ =	shalt  }
0x4e: {  	_ =	shalt  }
0x4f: {  	_ =	shalt  }
0x50: {  	_ =	shalt  }
0x51: {  	_ =	shalt  }
0x52: {  	_ =	shalt  }
0x53: {  	_ =	shalt  }
0x54: {  	_ =	shalt  }
0x55: {  	_ =	shalt  }
0x56: {  	_ =	shalt  }
0x57: {  	_ =	shalt  }
0x58: {  	_ =	shalt  }
0x59: {  	_ =	shalt  }
0x5a: {  	_ =	shalt  }
0x5b: {  	_ =	shalt  }
0x5c: {  	_ =	shalt  }
0x5d: {  	_ =	shalt  }
0x5e: {  	_ =	shalt  }
0x5f: {  	_ =	shalt  }
0x60: {  	_ =	shalt  }
0x61: {  	_ =	shalt  }
0x62: {  	_ =	shalt  }
0x63: {  	_ =	shalt  }
0x64: {  	_ =	shalt  }
0x65: {  	_ =	shalt  }
0x66: {  	_ =	shalt  }
0x67: {  	_ =	shalt  }
0x68: {  	_ =	shalt  }
0x69: {  	_ =	shalt  }
0x6a: {  	_ =	shalt  }
0x6b: {  	_ =	shalt  }
0x6c: {  	_ =	shalt  }
0x6d: {  	_ =	shalt  }
0x6e: {  	_ =	shalt  }
0x6f: {  	_ =	shalt  }
0x70: {  	_ =	shalt  }
0x71: {  	_ =	shalt  }
0x72: {  	_ =	shalt  }
0x73: {  	_ =	shalt  }
0x74: {  	_ =	shalt  }
0x75: {  	_ =	shalt  }
0x76: {  	_ =	shalt  }
0x77: {  	_ =	shalt  }
0x78: {  	_ =	shalt  }
0x79: {  	_ =	shalt  }
0x7a: {  	_ =	shalt  }
0x7b: {  	_ =	shalt  }
0x7c: {  	_ =	shalt  }
0x7d: {  	_ =	shalt  }
0x7e: {  	_ =	shalt  }
0x7f: {  	_ =	shalt  }
0x80: {  	_ =	shalt  }
0x81: {  	_ =	shalt  }
0x82: {  	_ =	shalt  }
0x83: {  	_ =	shalt  }
0x84: {  	_ =	shalt  }
0x85: {  	_ =	shalt  }
0x86: {  	_ =	shalt  }
0x87: {  	_ =	shalt  }
.Lfunc_end0:
.L_simem_size_0:
called_computation.3_lowered:
.L_overlay_start_0:
0x88: {  	s2 =	sld [smem:$0x3FD9]  }
0x89: {  	s3 =	sld [smem:$0x3FFE];
	_ =	sdelay $0x1  }
0x8a: {  	s1 =	srdreg.scid  }
0x8b: {  	s0 =	sand.u32 $0x1, s1  }
0x8c: {  	s17 =	sshll.u32 s0, $0xA;
	s2 =	sadd.s32 s3, s2  }
0x8d: {  	s2 =	sadd.s32 s2, s17  }
0x8e: {  	[smem:$0x3FC2] =	sst s2  }
0x8f: {  	_ = 	snop  }
0x90: {  	s18 =	sld [smem:$0x3FC8];
	(tm) =	ssettm $0x1  }
0x91: {  	s19 =	sld [smem:$0x3FFB];
	_ =	sdelay $0x3  }
0x92: {  	_ =	strace s19  }
0x93: {  	s2 =	sld [smem:$0x3FFC];
	_ =	sdelay $0x3  }
0x94: {  	_ =	strace s2  }
0x95: {  	s2 =	sld [smem:$0x3FFD];
	_ =	sdelay $0x3  }
0x96: {  	_ =	strace s2  }
0x97: {  	_ =	strace $0x8FFFFFFF  }
0x98: {  	s20 =	sld [smem:$0x3FDB];
	_ =	sdelay $0x1  }
0x99: {  	s4 =	simm.s32 $_scs_section_size  }
0x9a: {  	s5 =	simm.s32 $_size__tile_overlayer_lowered;
	s6 =	simm.s32 $_tile_overlayer_lowered  }
0x9b: {  	s7 =	simm.s32 $0x1BFF;
	s21 =	sshll.u32 s6, $0x1;
	s4 =	sadd.s32 s4, s20  }
0x9c: {  	s22 =	simm.s32 $0x0;
	s5 =	sshll.u32 s5, $0x1;
	s6 =	sadd.s32 s21, s4  }
0x9d: {  	[timem:s22], [sflag:s7] =	dma.local [hbm:s6], s5  }
0x9e: {  	_ =	swait.ge [sflag:s7], s5  }
0x9f: {  	s5 =	ssub.s32 $0x0, s5;
	[sflag:s7] =	ssyncset.done $0x0  }
0xa0: {  	[sflag:s7] =	ssyncadd.s32 s5;
	_ =	sdelay $0x1  }
0xa1: {  	s23 =	simm.s32 $0x1B8B  }
0xa2: {  	_ =	swait.ge [sflag:s23], $0x1  }
0xa3: {  	[sflag:s23] =	ssyncset.done $0x0  }
0xa4: {  	[sflag:s23] =	ssyncadd.s32 $0xFFFFFFFF  }
0xa5: {  	s5 =	sld [smem:$0x0]  }
0xa6: {  	s6 =	sand.u32 $0xFFFFFFFE, s1  }
0xa7: {  	p0 =	sne.s32 s1, s6  }
0xa8: {  	s6 =	sshll.u32 @p0 s6, $0xE  }
0xa9: {  	s6 =	sadd.s32 @p0 $0x11B8D, s6;
	s7 =	sshll.u32 @p0 s5, $0x11  }
0xaa: {  	s6 =	sor.u32 @p0 s7, s6  }
0xab: {  	[sflag:s6] =	ssyncadd.remote.s32 @p0 $0x1;
	_ =	sdelay $0x1  }
0xac: {  	s6 =	simm.s32 @p0 $0x1B8D  }
0xad: {  	_ =	swait.eq @p0 [sflag:s6], $0x1  }
0xae: {  	[sflag:s6] =	ssyncadd.s32 @p0 $0xFFFFFFFF  }
0xaf: {  	s7 =	sshll.u32 @!p0 s1, $0xE  }
0xb0: {  	s7 =	sor.u32 @!p0 $0x4000, s7;
	s6 =	simm.s32 @!p0 $0x1B8D  }
0xb1: {  	s5 =	sshll.u32 @!p0 s5, $0x11;
	s7 =	sadd.s32 @!p0 $0x11B8D, s7;
	_ =	swait.eq @!p0 [sflag:s6], $0x1  }
0xb2: {  	s5 =	sor.u32 @!p0 s5, s7;
	[sflag:s6] =	ssyncadd.s32 @!p0 $0xFFFFFFFF  }
0xb3: {  	s25 =	simm.s32 $0x1B8E;
	s24 =	sld [smem:$0x3FFE];
	[sflag:s5] =	ssyncadd.remote.s32 @!p0 $0x1  }
0xb4: {  	s26 =	simm.s32 $execute0_lowered;
	[smem:$0x3FD2] =	sst s25  }
0xb5: {  	s6 =	sshll.u32 s26, $0x1;
	_ =	strace $0x8000004F;
	[dreg:$0x1] =	wrdreg $0xFFFFFFFF  }
0xb6: {  	s28 =	simm.s32 $_size_execute0_lowered;
	s4 =	sadd.s32 s4, s6;
	[dreg:$0x0] =	wrdreg $0x0  }
0xb7: {  	s6 =	sshll.u32 s28, $0x1;
	[dreg:$0x2] =	wrdreg s4  }
0xb8: {  	[dreg:$0x3] =	wrdreg s6  }
0xb9: {  	[dreg:$0x4] =	wrdreg $0xC0  }
0xba: {  	_ =	task [dreg:s22], $0x5FFFF  }
0xbb: {  	[dreg:$0x1] =	wrdreg $0xFFFFFFFF  }
0xbc: {  	[dreg:$0x0] =	wrdreg $0x60  }
0xbd: {  	[dreg:$0x2] =	wrdreg s24  }
0xbe: {  	[dreg:$0x3] =	wrdreg s18  }
0xbf: {  	[dreg:$0x4] =	wrdreg $0xC  }
0xc0: {  	_ =	task.clear_ibuf [dreg:s22], $0x5FFFF;
	_ =	strace $0x9000004F  }
0xc1: {  	s29 =	simm.s32 $0xC;
	_ =	strace $0x80000051  }
0xc2: {  	_ =	swait.ge [sflag:s29], $0x1  }
0xc3: {  	[sflag:s29] =	ssyncadd.s32 $0xFFFFFFFF  }
0xc4: {  	_ =	strace $0x90000051  }
0xc5: {  	_ =	sfence  }
0xc6: {  	s30 =	sld [smem:$0x0];
	_ =	sdelay $0x2  }
0xc7: {  	s31 =	sshll.u32 s1, $0xD;
	s1 =	sshrl.u32 s1, $0x2  }
0xc8: {  	s4 =	sand.u32 $0x4000, s31;
	s1 =	sadd.s32 s1, s30  }
0xc9: {  	s0 =	sor.u32 s4, s0;
	s1 =	sshll.u32 s1, $0x11  }
0xca: {  	s0 =	sor.u32 s1, s0  }
0xcb: {  	s0 =	sadd.s32 $0x8F2B, s0  }
0xcc: {  	[sflag:s0] =	ssyncadd.remote.s32 $0x1  }
0xcd: {  	_ =	sfence.sel $0xFFFF  }
0xce: {  	[dreg:$0x0] =	wrdreg $0xFFFFFFFF;
	(pc) =	sbr.abs _section_cstart, $3  }
0xcf: {  	[dreg:$0x1] =	wrdreg $0xFFFFFFFF  }
0xd0: {  	_ =	task.clear_ibuf [dreg:s22], $0x2FFFF;
	_ =	strace $0x9FFFFFFF  }
0xd1: {  	(tm) =	ssettm $0x7FFFFFFF  }
tec
execute0_lowered:
.L_overlay_start_1:
0x0: {  	(tag) =	ssettag $0x1  }
0x1: {  	s0 =	srdreg.scid;
	s4 =	rddreg [dreg:$0x0]  }
0x2: {  	s1 =	stileid.u32;
	s3 =	rddreg [dreg:$0x1]  }
0x3: {  	s2 =	simm.s32 $0x0;
	s30 =	simm.s32 $0xD;
	s13 =	simm.s32 $0x80  }
0x4: {  	s11 =	simm.s32 $0x500;
	s25 =	simm.s32 $0x100;
	s10 =	simm.s32 $0x4500  }
0x5: {  	s26 =	simm.s32 $0x180;
	s9 =	simm.s32 $0x8500;
	s7 =	simm.s32 $0xC500  }
0x6: {  	s15 =	simm.s32 $0x2;
	s31 =	simm.s32 $0x280;
	s14 =	simm.s32 $0x3  }
0x7: {  	s29 =	simm.s32 $0x300;
	s0 =	sand.u32 $0x1, s0;
	s1 =	sshll.u32 s1, $0x1  }
0x8: {  	s12 =	simm.s32 $0x4;
	s28 =	simm.s32 $0x380;
	s1 =	sor.u32 s0, s1  }
0x9: {  	p0 =	por $0x0, $0x0;
	[smem:$0x7FF] =	sst s2;
	s5 =	smul.u32 $0xA0, s1  }
0xa: {  	s8 =	simm.s32 $0xA;
	_ =	strace $0x80000050;
	s6 =	smul.u32 $0x5000, s1  }
0xb: {  	s0 =	ssub.s32 $0x2, s0;
	[dreg:$0xd] =	wrdreg s25;
	s1 =	smul.u32 $0x28000, s1  }
0xc: {  	[dreg:$0xe] =	wrdreg s26;
	s5 =	sadd.s32 s5, s4;
	s4 =	sadd.s32 $0x148E00, s4  }
0xd: {  	s1 =	sshrl.u32 s1, $0x3;
	s5 =	sadd.s32 $0x6600, s5;
	s19 =	sadd.s32 s4, s6  }
0xe: {  	s1 =	sadd.s32 s4, s1;
	[dreg:$0x3] =	wrdreg s5;
	s16 =	sadd.s32 $0x800, s19  }
0xf: {  	s26 =	simm.s32 $0x400;
	s4 =	sadd.s32 $0x1000, s1;
	[dreg:$0x4] =	wrdreg s16  }
0x10: {  	s25 =	simm.s32 $0x480;
	s17 =	sadd.s32 $0x1800, s1;
	[dreg:$0x5] =	wrdreg s4  }
0x11: {  	s23 =	sshrl.u32 s0, $0x1;
	s18 =	sadd.s32 $0x2000, s1;
	[dreg:$0x6] =	wrdreg s17  }
0x12: {  	s0 =	ssub.s32 s0, s23;
	s20 =	sadd.s32 $0x2800, s1;
	[dreg:$0x7] =	wrdreg s18  }
0x13: {  	s23 =	simm.s32 $0x6;
	s21 =	sadd.s32 $0x3000, s1;
	[dreg:$0x8] =	wrdreg s20  }
0x14: {  	s0 =	smax.u32 s0, $0x1;
	s22 =	sadd.s32 $0x3800, s1;
	[dreg:$0x9] =	wrdreg s21  }
0x15: {  	p1 =	sne.s32 s0, $0x1;
	s24 =	sadd.s32 $0x4000, s1;
	[dreg:$0xa] =	wrdreg s22  }
.Ltmp0:
0x16: {  	s1 =	sadd.s32 $0x4800, s1;
	[dreg:$0xb] =	wrdreg s24;
	(pc) =	sbr.rel @!p1 .LBB2_1-.Ltmp0, $4  }
0x17: {  	s6 =	simm.s32 $0x9;
	s5 =	simm.s32 $0x8;
	[dreg:$0xc] =	wrdreg s1  }
0x18: {  	s16 =	simm.s32 $0x1;
	s21 =	simm.s32 $0x10500;
	s20 =	simm.s32 $0x14500  }
0x19: {  	s4 =	simm.s32 $0x7;
	s24 =	simm.s32 $0x5;
	s22 =	sadd.s32 $0xFFFFFFFF, s0  }
0x1a: {  	s18 =	simm.s32 $0xB;
	s17 =	simm.s32 $0xC;
	s0 =	rddreg [dreg:$0x3]  }
0x1b: {  	[tilespmem:s2], [sflag:$0xD] =	stream.linear.gather [hbm4b:s0+s2], $0x500, $0x38;
	[tilespmem:$0x18500] =	vst v63  }
0x1c: {  	_ =	swait.ge [sflag:s30], $0x500  }
0x1d: {  	[sflag:s30] =	ssyncset.done $0x0  }
0x1e: {  	[sflag:s30] =	ssyncadd.s32 $0xFFFFFB00  }
0x1f: {  	[tilespmem:s11], [sflag:$0x1] =	stream.indirect.gather [hbm4b:s3+s13], $0x80, s2, s13, $0xb8;
	[tilespmem:$0x18500] =	vst v63  }
0x20: {  	_ = 	snop  }
0x21: {  	[tilespmem:s10], [sflag:$0x2] =	stream.indirect.gather [hbm4b:s3+s13], $0x80, s13, s13, $0xb8;
	[tilespmem:$0x18500] =	vst v63  }
0x22: {  	s0 =	rddreg [dreg:$0xd]  }
0x23: {  	[tilespmem:s9], [sflag:$0x3] =	stream.indirect.gather [hbm4b:s3+s13], $0x80, s0, s13, $0xb8;
	[tilespmem:$0x18500] =	vst v63  }
0x24: {  	s1 =	rddreg [dreg:$0xe]  }
0x25: {  	[tilespmem:s7], [sflag:$0x4] =	stream.indirect.gather [hbm4b:s3+s13], $0x80, s1, s13, $0xb8;
	[tilespmem:$0x18500] =	vst v63  }
0x26: {  	_ =	swait.ge [sflag:s16], $0x4000  }
0x27: {  	[sflag:s16] =	ssyncset.done $0x0  }
0x28: {  	[sflag:s16] =	ssyncadd.s32 $0xFFFFC000  }
0x29: {  	[hbm4b:s19+s2] =	stream.linear.scatter [tilespmem:s11], [sflag:$0x7], $0x4000, $0x38;
	[tilespmem:$0x18500] =	vst v63  }
0x2a: {  	s1 =	simm.s32 $0x200  }
0x2b: {  	[tilespmem:s21], [sflag:$0x5] =	stream.indirect.gather [hbm4b:s3+s13], $0x80, s1, s13, $0xb8;
	[tilespmem:$0x18500] =	vst v63  }
0x2c: {  	_ =	swait.ge [sflag:s15], $0x4000  }
0x2d: {  	[sflag:s15] =	ssyncset.done $0x0  }
0x2e: {  	s1 =	rddreg [dreg:$0x4];
	[sflag:s15] =	ssyncadd.s32 $0xFFFFC000  }
0x2f: {  	[hbm4b:s1+s2] =	stream.linear.scatter [tilespmem:s10], [sflag:$0x8], $0x4000, $0x38;
	[tilespmem:$0x18500] =	vst v63  }
0x30: {  	_ = 	snop  }
0x31: {  	[tilespmem:s20], [sflag:$0x6] =	stream.indirect.gather [hbm4b:s3+s13], $0x80, s31, s13, $0xb8;
	[tilespmem:$0x18500] =	vst v63  }
0x32: {  	_ =	swait.ge [sflag:s14], $0x4000  }
0x33: {  	[sflag:s14] =	ssyncset.done $0x0  }
0x34: {  	s1 =	rddreg [dreg:$0x5];
	[sflag:s14] =	ssyncadd.s32 $0xFFFFC000  }
0x35: {  	[hbm4b:s1+s2] =	stream.linear.scatter [tilespmem:s9], [sflag:$0x9], $0x4000, $0x38;
	[tilespmem:$0x18500] =	vst v63  }
0x36: {  	_ =	swait.ge [sflag:s4], $0x4000  }
0x37: {  	[sflag:s4] =	ssyncset.done $0x0  }
0x38: {  	[sflag:s4] =	ssyncadd.s32 $0xFFFFC000  }
0x39: {  	[tilespmem:s11], [sflag:$0x1] =	stream.indirect.gather [hbm4b:s3+s13], $0x80, s29, s13, $0xb8;
	[tilespmem:$0x18500] =	vst v63  }
0x3a: {  	_ =	swait.ge [sflag:s12], $0x4000  }
0x3b: {  	[sflag:s12] =	ssyncset.done $0x0  }
0x3c: {  	s1 =	rddreg [dreg:$0x6];
	[sflag:s12] =	ssyncadd.s32 $0xFFFFC000  }
0x3d: {  	[hbm4b:s1+s2] =	stream.linear.scatter [tilespmem:s7], [sflag:$0xA], $0x4000, $0x38;
	[tilespmem:$0x18500] =	vst v63  }
0x3e: {  	_ =	swait.ge [sflag:s5], $0x4000  }
0x3f: {  	[sflag:s5] =	ssyncset.done $0x0  }
0x40: {  	[sflag:s5] =	ssyncadd.s32 $0xFFFFC000  }
0x41: {  	[tilespmem:s10], [sflag:$0x2] =	stream.indirect.gather [hbm4b:s3+s13], $0x80, s28, s13, $0xb8;
	[tilespmem:$0x18500] =	vst v63  }
0x42: {  	_ =	swait.ge [sflag:s24], $0x4000  }
0x43: {  	[sflag:s24] =	ssyncset.done $0x0  }
0x44: {  	s1 =	rddreg [dreg:$0x7];
	[sflag:s24] =	ssyncadd.s32 $0xFFFFC000  }
0x45: {  	[hbm4b:s1+s2] =	stream.linear.scatter [tilespmem:s21], [sflag:$0xB], $0x4000, $0x38;
	[tilespmem:$0x18500] =	vst v63  }
0x46: {  	_ =	swait.ge [sflag:s6], $0x4000  }
0x47: {  	[sflag:s6] =	ssyncset.done $0x0  }
0x48: {  	[sflag:s6] =	ssyncadd.s32 $0xFFFFC000  }
0x49: {  	[tilespmem:s9], [sflag:$0x3] =	stream.indirect.gather [hbm4b:s3+s13], $0x80, s26, s13, $0xb8;
	[tilespmem:$0x18500] =	vst v63  }
0x4a: {  	_ =	swait.ge [sflag:s23], $0x4000  }
0x4b: {  	[sflag:s23] =	ssyncset.done $0x0  }
0x4c: {  	s1 =	rddreg [dreg:$0x8];
	[sflag:s23] =	ssyncadd.s32 $0xFFFFC000  }
0x4d: {  	[hbm4b:s1+s2] =	stream.linear.scatter [tilespmem:s20], [sflag:$0xC], $0x4000, $0x38;
	[tilespmem:$0x18500] =	vst v63  }
0x4e: {  	_ =	swait.ge [sflag:s8], $0x4000  }
0x4f: {  	[sflag:s8] =	ssyncset.done $0x0  }
0x50: {  	[sflag:s8] =	ssyncadd.s32 $0xFFFFC000  }
0x51: {  	[tilespmem:s7], [sflag:$0x4] =	stream.indirect.gather [hbm4b:s3+s13], $0x80, s25, s13, $0xb8;
	[tilespmem:$0x18500] =	vst v63  }
0x52: {  	_ =	swait.ge [sflag:s16], $0x4000  }
0x53: {  	[sflag:s16] =	ssyncset.done $0x0  }
0x54: {  	s1 =	rddreg [dreg:$0x9];
	[sflag:s16] =	ssyncadd.s32 $0xFFFFC000  }
0x55: {  	[hbm4b:s1+s2] =	stream.linear.scatter [tilespmem:s11], [sflag:$0x7], $0x4000, $0x38;
	[tilespmem:$0x18500] =	vst v63  }
0x56: {  	_ =	swait.ge [sflag:s15], $0x4000  }
0x57: {  	[sflag:s15] =	ssyncset.done $0x0  }
0x58: {  	s1 =	rddreg [dreg:$0xa];
	[sflag:s15] =	ssyncadd.s32 $0xFFFFC000  }
0x59: {  	[hbm4b:s1+s2] =	stream.linear.scatter [tilespmem:s10], [sflag:$0x8], $0x4000, $0x38;
	[tilespmem:$0x18500] =	vst v63  }
0x5a: {  	_ =	swait.ge [sflag:s14], $0x4000  }
0x5b: {  	[sflag:s14] =	ssyncset.done $0x0  }
0x5c: {  	s1 =	rddreg [dreg:$0xb];
	[sflag:s14] =	ssyncadd.s32 $0xFFFFC000  }
0x5d: {  	[hbm4b:s1+s2] =	stream.linear.scatter [tilespmem:s9], [sflag:$0x9], $0x4000, $0x38;
	[tilespmem:$0x18500] =	vst v63  }
0x5e: {  	_ =	swait.ge [sflag:s12], $0x4000  }
0x5f: {  	[sflag:s12] =	ssyncset.done $0x0  }
0x60: {  	s1 =	rddreg [dreg:$0xc];
	[sflag:s12] =	ssyncadd.s32 $0xFFFFC000  }
0x61: {  	[hbm4b:s1+s2] =	stream.linear.scatter [tilespmem:s7], [sflag:$0xA], $0x4000, $0x38;
	[tilespmem:$0x18500] =	vst v63  }
0x62: {  	_ =	swait.ge [sflag:s18], $0x4000  }
0x63: {  	[sflag:s18] =	ssyncset.done $0x0  }
0x64: {  	[sflag:s18] =	ssyncadd.s32 $0xFFFFC000  }
0x65: {  	_ =	swait.ge [sflag:s17], $0x4000  }
0x66: {  	[sflag:s17] =	ssyncset.done $0x0  }
0x67: {  	[sflag:s17] =	ssyncadd.s32 $0xFFFFC000  }
0x68: {  	_ =	swait.ge [sflag:s4], $0x4000  }
0x69: {  	[sflag:s4] =	ssyncset.done $0x0  }
0x6a: {  	[sflag:s4] =	ssyncadd.s32 $0xFFFFC000  }
0x6b: {  	_ =	swait.ge [sflag:s5], $0x4000  }
0x6c: {  	[sflag:s5] =	ssyncset.done $0x0  }
0x6d: {  	p1 =	sne.s32 s22, $0x1;
	[sflag:s5] =	ssyncadd.s32 $0xFFFFC000  }
.Ltmp1:
0x6e: {  	_ =	swait.ge [sflag:s6], $0x4000;
	(pc) =	sbr.rel @!p1 .LBB2_3-.Ltmp1, $4  }
0x6f: {  	[sflag:s6] =	ssyncset.done $0x0  }
0x70: {  	[sflag:s6] =	ssyncadd.s32 $0xFFFFC000  }
0x71: {  	p0 =	por $0x1, $0x1;
	_ =	swait.ge [sflag:s8], $0x4000  }
0x72: {  	s1 =	sadd.s32 $0xFFFFFFFF, s22;
	s0 =	rddreg [dreg:$0x3];
	[sflag:s8] =	ssyncset.done $0x0  }
.LBB2_4:
0x73: {  	[sflag:s8] =	ssyncadd.s32 $0xFFFFC000  }
0x74: {  	[tilespmem:s2], [sflag:$0xD] =	stream.linear.gather [hbm4b:s0+s2], $0x500, $0x38;
	[tilespmem:$0x18500] =	vst v63  }
0x75: {  	_ =	swait.ge [sflag:s30], $0x500  }
0x76: {  	[sflag:s30] =	ssyncset.done $0x0  }
0x77: {  	[sflag:s30] =	ssyncadd.s32 $0xFFFFFB00  }
0x78: {  	[tilespmem:s11], [sflag:$0x1] =	stream.indirect.gather [hbm4b:s3+s13], $0x80, s2, s13, $0xb8;
	[tilespmem:$0x18500] =	vst v63  }
0x79: {  	_ = 	snop  }
0x7a: {  	[tilespmem:s10], [sflag:$0x2] =	stream.indirect.gather [hbm4b:s3+s13], $0x80, s13, s13, $0xb8;
	[tilespmem:$0x18500] =	vst v63  }
0x7b: {  	s0 =	rddreg [dreg:$0xd]  }
0x7c: {  	[tilespmem:s9], [sflag:$0x3] =	stream.indirect.gather [hbm4b:s3+s13], $0x80, s0, s13, $0xb8;
	[tilespmem:$0x18500] =	vst v63  }
0x7d: {  	s22 =	rddreg [dreg:$0xe]  }
0x7e: {  	[tilespmem:s7], [sflag:$0x4] =	stream.indirect.gather [hbm4b:s3+s13], $0x80, s22, s13, $0xb8;
	[tilespmem:$0x18500] =	vst v63  }
0x7f: {  	_ =	swait.ge [sflag:s16], $0x4000  }
0x80: {  	[sflag:s16] =	ssyncset.done $0x0  }
0x81: {  	[sflag:s16] =	ssyncadd.s32 $0xFFFFC000  }
0x82: {  	[hbm4b:s19+s2] =	stream.linear.scatter [tilespmem:s11], [sflag:$0x7], $0x4000, $0x38;
	[tilespmem:$0x18500] =	vst v63  }
0x83: {  	s22 =	simm.s32 $0x200  }
0x84: {  	[tilespmem:s21], [sflag:$0x5] =	stream.indirect.gather [hbm4b:s3+s13], $0x80, s22, s13, $0xb8;
	[tilespmem:$0x18500] =	vst v63  }
0x85: {  	_ =	swait.ge [sflag:s15], $0x4000  }
0x86: {  	[sflag:s15] =	ssyncset.done $0x0  }
0x87: {  	s22 =	rddreg [dreg:$0x4];
	[sflag:s15] =	ssyncadd.s32 $0xFFFFC000  }
0x88: {  	[hbm4b:s22+s2] =	stream.linear.scatter [tilespmem:s10], [sflag:$0x8], $0x4000, $0x38;
	[tilespmem:$0x18500] =	vst v63  }
0x89: {  	_ = 	snop  }
0x8a: {  	[tilespmem:s20], [sflag:$0x6] =	stream.indirect.gather [hbm4b:s3+s13], $0x80, s31, s13, $0xb8;
	[tilespmem:$0x18500] =	vst v63  }
0x8b: {  	_ =	swait.ge [sflag:s14], $0x4000  }
0x8c: {  	[sflag:s14] =	ssyncset.done $0x0  }
0x8d: {  	s22 =	rddreg [dreg:$0x5];
	[sflag:s14] =	ssyncadd.s32 $0xFFFFC000  }
0x8e: {  	[hbm4b:s22+s2] =	stream.linear.scatter [tilespmem:s9], [sflag:$0x9], $0x4000, $0x38;
	[tilespmem:$0x18500] =	vst v63  }
0x8f: {  	_ =	swait.ge [sflag:s4], $0x4000  }
0x90: {  	[sflag:s4] =	ssyncset.done $0x0  }
0x91: {  	[sflag:s4] =	ssyncadd.s32 $0xFFFFC000  }
0x92: {  	[tilespmem:s11], [sflag:$0x1] =	stream.indirect.gather [hbm4b:s3+s13], $0x80, s29, s13, $0xb8;
	[tilespmem:$0x18500] =	vst v63  }
0x93: {  	_ =	swait.ge [sflag:s12], $0x4000  }
0x94: {  	[sflag:s12] =	ssyncset.done $0x0  }
0x95: {  	s22 =	rddreg [dreg:$0x6];
	[sflag:s12] =	ssyncadd.s32 $0xFFFFC000  }
0x96: {  	[hbm4b:s22+s2] =	stream.linear.scatter [tilespmem:s7], [sflag:$0xA], $0x4000, $0x38;
	[tilespmem:$0x18500] =	vst v63  }
0x97: {  	_ =	swait.ge [sflag:s5], $0x4000  }
0x98: {  	[sflag:s5] =	ssyncset.done $0x0  }
0x99: {  	[sflag:s5] =	ssyncadd.s32 $0xFFFFC000  }
0x9a: {  	[tilespmem:s10], [sflag:$0x2] =	stream.indirect.gather [hbm4b:s3+s13], $0x80, s28, s13, $0xb8;
	[tilespmem:$0x18500] =	vst v63  }
0x9b: {  	_ =	swait.ge [sflag:s24], $0x4000  }
0x9c: {  	[sflag:s24] =	ssyncset.done $0x0  }
0x9d: {  	s22 =	rddreg [dreg:$0x7];
	[sflag:s24] =	ssyncadd.s32 $0xFFFFC000  }
0x9e: {  	[hbm4b:s22+s2] =	stream.linear.scatter [tilespmem:s21], [sflag:$0xB], $0x4000, $0x38;
	[tilespmem:$0x18500] =	vst v63  }
0x9f: {  	_ =	swait.ge [sflag:s6], $0x4000  }
0xa0: {  	[sflag:s6] =	ssyncset.done $0x0  }
0xa1: {  	[sflag:s6] =	ssyncadd.s32 $0xFFFFC000  }
0xa2: {  	[tilespmem:s9], [sflag:$0x3] =	stream.indirect.gather [hbm4b:s3+s13], $0x80, s26, s13, $0xb8;
	[tilespmem:$0x18500] =	vst v63  }
0xa3: {  	_ =	swait.ge [sflag:s23], $0x4000  }
0xa4: {  	[sflag:s23] =	ssyncset.done $0x0  }
0xa5: {  	s22 =	rddreg [dreg:$0x8];
	[sflag:s23] =	ssyncadd.s32 $0xFFFFC000  }
0xa6: {  	[hbm4b:s22+s2] =	stream.linear.scatter [tilespmem:s20], [sflag:$0xC], $0x4000, $0x38;
	[tilespmem:$0x18500] =	vst v63  }
0xa7: {  	_ =	swait.ge [sflag:s8], $0x4000  }
0xa8: {  	[sflag:s8] =	ssyncset.done $0x0  }
0xa9: {  	[sflag:s8] =	ssyncadd.s32 $0xFFFFC000  }
0xaa: {  	[tilespmem:s7], [sflag:$0x4] =	stream.indirect.gather [hbm4b:s3+s13], $0x80, s25, s13, $0xb8;
	[tilespmem:$0x18500] =	vst v63  }
0xab: {  	_ =	swait.ge [sflag:s16], $0x4000  }
0xac: {  	[sflag:s16] =	ssyncset.done $0x0  }
0xad: {  	s22 =	rddreg [dreg:$0x9];
	[sflag:s16] =	ssyncadd.s32 $0xFFFFC000  }
0xae: {  	[hbm4b:s22+s2] =	stream.linear.scatter [tilespmem:s11], [sflag:$0x7], $0x4000, $0x38;
	[tilespmem:$0x18500] =	vst v63  }
0xaf: {  	_ =	swait.ge [sflag:s15], $0x4000  }
0xb0: {  	[sflag:s15] =	ssyncset.done $0x0  }
0xb1: {  	s22 =	rddreg [dreg:$0xa];
	[sflag:s15] =	ssyncadd.s32 $0xFFFFC000  }
0xb2: {  	[hbm4b:s22+s2] =	stream.linear.scatter [tilespmem:s10], [sflag:$0x8], $0x4000, $0x38;
	[tilespmem:$0x18500] =	vst v63  }
0xb3: {  	_ =	swait.ge [sflag:s14], $0x4000  }
0xb4: {  	[sflag:s14] =	ssyncset.done $0x0  }
0xb5: {  	s22 =	rddreg [dreg:$0xb];
	[sflag:s14] =	ssyncadd.s32 $0xFFFFC000  }
0xb6: {  	[hbm4b:s22+s2] =	stream.linear.scatter [tilespmem:s9], [sflag:$0x9], $0x4000, $0x38;
	[tilespmem:$0x18500] =	vst v63  }
0xb7: {  	_ =	swait.ge [sflag:s12], $0x4000  }
0xb8: {  	[sflag:s12] =	ssyncset.done $0x0  }
0xb9: {  	s22 =	rddreg [dreg:$0xc];
	[sflag:s12] =	ssyncadd.s32 $0xFFFFC000  }
0xba: {  	[hbm4b:s22+s2] =	stream.linear.scatter [tilespmem:s7], [sflag:$0xA], $0x4000, $0x38;
	[tilespmem:$0x18500] =	vst v63  }
0xbb: {  	_ =	swait.ge [sflag:s18], $0x4000  }
0xbc: {  	[sflag:s18] =	ssyncset.done $0x0  }
0xbd: {  	[sflag:s18] =	ssyncadd.s32 $0xFFFFC000  }
0xbe: {  	_ =	swait.ge [sflag:s17], $0x4000  }
0xbf: {  	[sflag:s17] =	ssyncset.done $0x0  }
0xc0: {  	[sflag:s17] =	ssyncadd.s32 $0xFFFFC000  }
0xc1: {  	_ =	swait.ge [sflag:s4], $0x4000  }
0xc2: {  	[sflag:s4] =	ssyncset.done $0x0  }
0xc3: {  	[sflag:s4] =	ssyncadd.s32 $0xFFFFC000  }
0xc4: {  	_ =	swait.ge [sflag:s5], $0x4000  }
0xc5: {  	[sflag:s5] =	ssyncset.done $0x0  }
0xc6: {  	p1 =	sne.s32 s1, $0x1;
	[sflag:s5] =	ssyncadd.s32 $0xFFFFC000  }
.Ltmp2:
0xc7: {  	_ =	swait.ge [sflag:s6], $0x4000;
	(pc) =	sbr.rel @p1 .LBB2_4-.Ltmp2, $4  }
0xc8: {  	[sflag:s6] =	ssyncset.done $0x0  }
0xc9: {  	[sflag:s6] =	ssyncadd.s32 $0xFFFFC000  }
0xca: {  	_ =	swait.ge [sflag:s8], $0x4000  }
0xcb: {  	s1 =	sadd.s32 $0xFFFFFFFF, s1;
	s0 =	rddreg [dreg:$0x3];
	[sflag:s8] =	ssyncset.done $0x0  }
0xcc: {  	s22 =	simm.s32 $0x200;
	s31 =	simm.s32 $0x280;
	s29 =	simm.s32 $0x300  }
0xcd: {  	s28 =	simm.s32 $0x380;
	s26 =	simm.s32 $0x400;
	s25 =	simm.s32 $0x480  }
.LBB2_6:
0xce: {  	[sflag:s8] =	ssyncadd.s32 @p0 $0xFFFFC000  }
0xcf: {  	[tilespmem:s2], [sflag:$0xD] =	stream.linear.gather [hbm4b:s0+s2], $0x500, $0x38;
	[tilespmem:$0x18500] =	vst v63  }
0xd0: {  	_ =	swait.ge [sflag:s30], $0x500  }
0xd1: {  	[sflag:s30] =	ssyncset.done $0x0  }
0xd2: {  	[sflag:s30] =	ssyncadd.s32 $0xFFFFFB00  }
0xd3: {  	[tilespmem:s11], [sflag:$0x1] =	stream.indirect.gather [hbm4b:s3+s13], $0x80, s2, s13, $0xb8;
	[tilespmem:$0x18500] =	vst v63  }
0xd4: {  	_ = 	snop  }
0xd5: {  	[tilespmem:s10], [sflag:$0x2] =	stream.indirect.gather [hbm4b:s3+s13], $0x80, s13, s13, $0xb8;
	[tilespmem:$0x18500] =	vst v63  }
0xd6: {  	s30 =	rddreg [dreg:$0xd]  }
0xd7: {  	[tilespmem:s9], [sflag:$0x3] =	stream.indirect.gather [hbm4b:s3+s13], $0x80, s30, s13, $0xb8;
	[tilespmem:$0x18500] =	vst v63  }
0xd8: {  	s1 =	rddreg [dreg:$0xe]  }
0xd9: {  	[tilespmem:s7], [sflag:$0x4] =	stream.indirect.gather [hbm4b:s3+s13], $0x80, s1, s13, $0xb8;
	[tilespmem:$0x18500] =	vst v63  }
0xda: {  	_ =	swait.ge [sflag:s16], $0x4000  }
0xdb: {  	[sflag:s16] =	ssyncset.done $0x0  }
0xdc: {  	[sflag:s16] =	ssyncadd.s32 $0xFFFFC000  }
0xdd: {  	[hbm4b:s19+s2] =	stream.linear.scatter [tilespmem:s11], [sflag:$0x7], $0x4000, $0x38;
	[tilespmem:$0x18500] =	vst v63  }
0xde: {  	_ = 	snop  }
0xdf: {  	[tilespmem:s21], [sflag:$0x5] =	stream.indirect.gather [hbm4b:s3+s13], $0x80, s22, s13, $0xb8;
	[tilespmem:$0x18500] =	vst v63  }
0xe0: {  	_ =	swait.ge [sflag:s15], $0x4000  }
0xe1: {  	[sflag:s15] =	ssyncset.done $0x0  }
0xe2: {  	s30 =	rddreg [dreg:$0x4];
	[sflag:s15] =	ssyncadd.s32 $0xFFFFC000  }
0xe3: {  	[hbm4b:s30+s2] =	stream.linear.scatter [tilespmem:s10], [sflag:$0x8], $0x4000, $0x38;
	[tilespmem:$0x18500] =	vst v63  }
0xe4: {  	_ = 	snop  }
0xe5: {  	[tilespmem:s20], [sflag:$0x6] =	stream.indirect.gather [hbm4b:s3+s13], $0x80, s31, s13, $0xb8;
	[tilespmem:$0x18500] =	vst v63  }
0xe6: {  	_ =	swait.ge [sflag:s14], $0x4000  }
0xe7: {  	[sflag:s14] =	ssyncset.done $0x0  }
0xe8: {  	s1 =	rddreg [dreg:$0x5];
	[sflag:s14] =	ssyncadd.s32 $0xFFFFC000  }
0xe9: {  	[hbm4b:s1+s2] =	stream.linear.scatter [tilespmem:s9], [sflag:$0x9], $0x4000, $0x38;
	[tilespmem:$0x18500] =	vst v63  }
0xea: {  	_ =	swait.ge [sflag:s4], $0x4000  }
0xeb: {  	[sflag:s4] =	ssyncset.done $0x0  }
0xec: {  	[sflag:s4] =	ssyncadd.s32 $0xFFFFC000  }
0xed: {  	[tilespmem:s11], [sflag:$0x1] =	stream.indirect.gather [hbm4b:s3+s13], $0x80, s29, s13, $0xb8;
	[tilespmem:$0x18500] =	vst v63  }
0xee: {  	_ =	swait.ge [sflag:s12], $0x4000  }
0xef: {  	[sflag:s12] =	ssyncset.done $0x0  }
0xf0: {  	s19 =	rddreg [dreg:$0x6];
	[sflag:s12] =	ssyncadd.s32 $0xFFFFC000  }
0xf1: {  	[hbm4b:s19+s2] =	stream.linear.scatter [tilespmem:s7], [sflag:$0xA], $0x4000, $0x38;
	[tilespmem:$0x18500] =	vst v63  }
0xf2: {  	_ =	swait.ge [sflag:s5], $0x4000  }
0xf3: {  	[sflag:s5] =	ssyncset.done $0x0  }
0xf4: {  	[sflag:s5] =	ssyncadd.s32 $0xFFFFC000  }
0xf5: {  	[tilespmem:s10], [sflag:$0x2] =	stream.indirect.gather [hbm4b:s3+s13], $0x80, s28, s13, $0xb8;
	[tilespmem:$0x18500] =	vst v63  }
0xf6: {  	_ =	swait.ge [sflag:s24], $0x4000  }
0xf7: {  	[sflag:s24] =	ssyncset.done $0x0  }
0xf8: {  	s22 =	rddreg [dreg:$0x7];
	[sflag:s24] =	ssyncadd.s32 $0xFFFFC000  }
0xf9: {  	[hbm4b:s22+s2] =	stream.linear.scatter [tilespmem:s21], [sflag:$0xB], $0x4000, $0x38;
	[tilespmem:$0x18500] =	vst v63  }
0xfa: {  	_ =	swait.ge [sflag:s6], $0x4000  }
0xfb: {  	[sflag:s6] =	ssyncset.done $0x0  }
0xfc: {  	[sflag:s6] =	ssyncadd.s32 $0xFFFFC000  }
0xfd: {  	[tilespmem:s9], [sflag:$0x3] =	stream.indirect.gather [hbm4b:s3+s13], $0x80, s26, s13, $0xb8;
	[tilespmem:$0x18500] =	vst v63  }
0xfe: {  	_ =	swait.ge [sflag:s23], $0x4000  }
0xff: {  	[sflag:s23] =	ssyncset.done $0x0  }
0x100: {  	s24 =	rddreg [dreg:$0x8];
	[sflag:s23] =	ssyncadd.s32 $0xFFFFC000  }
0x101: {  	[hbm4b:s24+s2] =	stream.linear.scatter [tilespmem:s20], [sflag:$0xC], $0x4000, $0x38;
	[tilespmem:$0x18500] =	vst v63  }
0x102: {  	_ =	swait.ge [sflag:s8], $0x4000  }
0x103: {  	[sflag:s8] =	ssyncset.done $0x0  }
0x104: {  	[sflag:s8] =	ssyncadd.s32 $0xFFFFC000  }
0x105: {  	[tilespmem:s7], [sflag:$0x4] =	stream.indirect.gather [hbm4b:s3+s13], $0x80, s25, s13, $0xb8;
	[tilespmem:$0x18500] =	vst v63  }
0x106: {  	_ =	swait.ge [sflag:s16], $0x4000  }
0x107: {  	[sflag:s16] =	ssyncset.done $0x0  }
0x108: {  	s26 =	rddreg [dreg:$0x9];
	[sflag:s16] =	ssyncadd.s32 $0xFFFFC000  }
0x109: {  	[hbm4b:s26+s2] =	stream.linear.scatter [tilespmem:s11], [sflag:$0x7], $0x4000, $0x38;
	[tilespmem:$0x18500] =	vst v63  }
0x10a: {  	_ =	swait.ge [sflag:s15], $0x4000  }
0x10b: {  	[sflag:s15] =	ssyncset.done $0x0  }
0x10c: {  	s28 =	rddreg [dreg:$0xa];
	[sflag:s15] =	ssyncadd.s32 $0xFFFFC000  }
0x10d: {  	[hbm4b:s28+s2] =	stream.linear.scatter [tilespmem:s10], [sflag:$0x8], $0x4000, $0x38;
	[tilespmem:$0x18500] =	vst v63  }
0x10e: {  	_ =	swait.ge [sflag:s14], $0x4000  }
0x10f: {  	[sflag:s14] =	ssyncset.done $0x0  }
0x110: {  	s29 =	rddreg [dreg:$0xb];
	[sflag:s14] =	ssyncadd.s32 $0xFFFFC000  }
0x111: {  	[hbm4b:s29+s2] =	stream.linear.scatter [tilespmem:s9], [sflag:$0x9], $0x4000, $0x38;
	[tilespmem:$0x18500] =	vst v63  }
0x112: {  	_ =	swait.ge [sflag:s12], $0x4000  }
0x113: {  	[sflag:s12] =	ssyncset.done $0x0  }
0x114: {  	s30 =	rddreg [dreg:$0xc];
	[sflag:s12] =	ssyncadd.s32 $0xFFFFC000  }
0x115: {  	[hbm4b:s30+s2] =	stream.linear.scatter [tilespmem:s7], [sflag:$0xA], $0x4000, $0x38;
	[tilespmem:$0x18500] =	vst v63  }
0x116: {  	_ =	swait.ge [sflag:s18], $0x4000  }
0x117: {  	[sflag:s18] =	ssyncset.done $0x0  }
0x118: {  	[sflag:s18] =	ssyncadd.s32 $0xFFFFC000  }
0x119: {  	_ =	swait.ge [sflag:s17], $0x4000  }
0x11a: {  	[sflag:s17] =	ssyncset.done $0x0  }
0x11b: {  	[sflag:s17] =	ssyncadd.s32 $0xFFFFC000  }
0x11c: {  	_ =	swait.ge [sflag:s4], $0x4000  }
0x11d: {  	[sflag:s4] =	ssyncset.done $0x0  }
0x11e: {  	[sflag:s4] =	ssyncadd.s32 $0xFFFFC000  }
0x11f: {  	_ =	swait.ge [sflag:s5], $0x4000  }
0x120: {  	[sflag:s5] =	ssyncset.done $0x0  }
0x121: {  	[sflag:s5] =	ssyncadd.s32 $0xFFFFC000  }
0x122: {  	_ =	swait.ge [sflag:s6], $0x4000  }
0x123: {  	[sflag:s6] =	ssyncset.done $0x0  }
0x124: {  	[sflag:s6] =	ssyncadd.s32 $0xFFFFC000  }
0x125: {  	_ =	swait.ge [sflag:s8], $0x4000  }
0x126: {  	[sflag:s8] =	ssyncset.done $0x0  }
0x127: {  	[sflag:s8] =	ssyncadd.s32 $0xFFFFC000  }
0x128: {  	_ =	sfence.sel $0x180000  }
0x129: {  	[bflag:$0x0] =	sbarrier.arrive $0xFFFF  }
0x12a: {  	_ =	strace $0x90000050  }
0x12b: {  	s31 =	stileid.u32;
	[bflag:$0x2] =	sbarrier.arrive $0xFFFF  }
0x12c: {  	p0 =	sne.s32 s31, $0x0;
	s0 =	rddreg [dreg:$0x2]  }
0x12d: {  	s0 =	sadd.s32 @!p0 $0x100000, s0  }
0x12e: {  	[sflag:s0] =	ssyncadd.tile.s32 @!p0 $0x1;
	_ =	shalt  }
.LBB2_1:
.Ltmp3:
0x12f: {  	(pc) =	sbr.rel .LBB2_6-.Ltmp3, $3  }
0x130: {  	_ =	sdelay $0x1  }
0x131: {  	s22 =	simm.s32 $0x200;
	s31 =	simm.s32 $0x280;
	s29 =	simm.s32 $0x300  }
0x132: {  	s28 =	simm.s32 $0x380;
	s26 =	simm.s32 $0x400;
	s25 =	simm.s32 $0x480  }
.LBB2_3:
.Ltmp4:
0x133: {  	(pc) =	sbr.rel .LBB2_6-.Ltmp4, $3  }
0x134: {  	_ =	sdelay $0x1  }
0x135: {  	s22 =	simm.s32 $0x200;
	s31 =	simm.s32 $0x280;
	s29 =	simm.s32 $0x300  }
0x136: {  	s28 =	simm.s32 $0x380;
	s26 =	simm.s32 $0x400;
	s25 =	simm.s32 $0x480  }
.Lfunc_end2:
_tile_overlayer_lowered:
.L_overlay_start_2:
0x137: {  	(tag) =	ssettag $0x2  }
0x138: {  	s0 =	rddreg [dreg:$0x0];
	s2 =	stileid.u32  }
0x139: {  	s1 =	rddreg [dreg:$0x1];
	p0 =	sne.s32 s2, $0x0  }
0x13a: {  	s3 =	rddreg [dreg:$0x2];
	[bflag:$0x3] =	sbarrier.arrive $0xFFFF;
	s2 =	simm.s32 @!p0 $0x1C0D  }
0x13b: {  	[timem:s3], [sflag:s2] =	dma.local @!p0 [hbm:s0], s1  }
0x13c: {  	s0 =	simm.s32 @!p0 $0xD  }
0x13d: {  	_ =	swait.ge @!p0 [sflag:s0], s1  }
0x13e: {  	s1 =	ssub.s32 @!p0 $0x0, s1;
	[sflag:s0] =	ssyncset.done @!p0 $0x0  }
0x13f: {  	[sflag:s0] =	ssyncadd.s32 @!p0 s1  }
0x140: {  	[bflag:$0x3] =	sbarrier.arrive $0xFFFF  }
0x141: {  	_ =	shalt  }

// kernel: kernel.24.cloned.1.call-start
scs
__scs_entry_jumppad:
0x0: {  	(pc) =	sbr.rel $0x88, $3  }
0x1: {  	(tag) =	ssettag $0x0;
	lr =	simm.s32 $0x1  }
0x2: {  	[smem:$0x3F9B] =	sst lr;
	_ =	strace $0xD0000000  }
0x3: {  	_ = 	snop  }
0x4: {  	_ = 	snop  }
0x5: {  	_ = 	snop  }
0x6: {  	_ = 	snop  }
0x7: {  	_ = 	snop  }
__scs_overlays_trampoline_lowered:
0x8: {  	[smem:$0x3FAA] =	sst s0  }
0x9: {  	[smem:$0x3FAB] =	sst s1  }
0xa: {  	[smem:$0x3FAC] =	sst s2  }
0xb: {  	[smem:$0x3FAD] =	sst s3  }
0xc: {  	[smem:$0x3FAE] =	sst s4  }
0xd: {  	[smem:$0x3FAF] =	sst s5  }
0xe: {  	[smem:$0x3FB0] =	sst s6  }
0xf: {  	[smem:$0x3FB1] =	sst s7  }
0x10: {  	[smem:$0x3FB2] =	sst s8  }
0x11: {  	[smem:$0x3FB3] =	sst s9;
	s0 =	simm.s32 @!p0 $0x0  }
0x12: {  	s1 =	sld [smem:$0x3F99];
	s0 =	simm.s32 @p0 $0x1  }
0x13: {  	[smem:$0x3FB4] =	sst s0;
	s0 =	simm.s32 @!p1 $0x0  }
0x14: {  	s2 =	sld [smem:$0x3F98];
	s0 =	simm.s32 @p1 $0x1  }
0x15: {  	[smem:$0x3FB5] =	sst s0;
	s0 =	simm.s32 @!p2 $0x0  }
0x16: {  	s3 =	sld [smem:$0x3FDB];
	s0 =	simm.s32 @p2 $0x1  }
0x17: {  	s4 =	simm.s32 $0x1BF5;
	[smem:$0x3FB7] =	sst s0  }
0x18: {  	s0 =	sld [smem:$0x3F9A];
	_ =	swait.ge [sflag:s4], $0x0  }
0x19: {  	s7 =	sld [smem:$0x3F9B]  }
0x1a: {  	s8 =	sadd.s32 $0xFFFFE003, lr  }
0x1b: {  	s9 =	sadd.s32 $0xFFFFFEF7, lr;
	s5 =	simm.s32 $0xFFFFFFFF;
	p2 =	slt.u32 s8, $0xFFFFF086  }
0x1c: {  	p1 =	slt.u32 s9, $0xF7A;
	s5 =	simm.s32 @!p2 $0x0  }
0x1d: {  	s5 =	simm.s32 @p1 $0x1;
	p0 =	seq.s32 s7, s2  }
0x1e: {  	s7 =	smul.u32 @!p0 $0xF7A, s2;
	p2 =	seq.s32 @!p0 s5, $0x0  }
0x1f: {  	s9 =	smul.u32 $0xF7A, s1;
	s8 =	simm.s32 @!p0 $0x1BF5;
	p2 =	por !p2, p0  }
0x20: {  	[sflag:s8] =	ssyncset.s32 @!p0 $0xFFFFF086;
	s6 =	sadd.s32 @!p0 s3, s7;
	s7 =	simm.s32 @!p0 $0x108  }
0x21: {  	s3 =	sadd.s32 s3, s9;
	s6 =	sadd.s32 @!p0 $0x88, s6;
	s7 =	simm.s32 @p2 $0x1082  }
0x22: {  	[simem:s7], [sflag:s8] =	dma.local @!p0 [hbm:s6], $0xF7A  }
0x23: {  	s9 =	sor.u32 $0xD0000000, s2;
	s6 =	simm.s32 $0x108;
	_ =	swait.ge @!p0 [sflag:s8], $0x0  }
0x24: {  	s3 =	sadd.s32 $0x88, s3;
	s6 =	simm.s32 @!p1 $0x1082;
	[sflag:s4] =	ssyncset.s32 $0xFFFFF086  }
0x25: {  	[simem:s6], [sflag:s4] =	dma.local [hbm:s3], $0xF7A  }
0x26: {  	[smem:$0x3F9B] =	sst s1;
	(tag) =	ssettag s2;
	_ =	strace s9  }
0x27: {  	s1 =	sld [smem:$0x3FAB]  }
0x28: {  	s2 =	sld [smem:$0x3FAC]  }
0x29: {  	s4 =	sld [smem:$0x3FAE]  }
0x2a: {  	p0 =	seq.s32 s5, $0x0;
	s5 =	sld [smem:$0x3FAF]  }
0x2b: {  	s6 =	sld [smem:$0x3FB0]  }
0x2c: {  	s7 =	sld [smem:$0x3FB1]  }
0x2d: {  	s3 =	simm.s32 $0x108;
	s8 =	sld [smem:$0x3FB2]  }
0x2e: {  	s3 =	simm.s32 @!p0 $0x1082;
	s9 =	sld [smem:$0x3FB3]  }
0x2f: {  	lr =	sadd.s32 s0, s3;
	s0 =	sld [smem:$0x3FAA]  }
0x30: {  	s3 =	sld [smem:$0x3FAD]  }
0x31: {  	[smem:$0x3FB6] =	sst s10  }
0x32: {  	s10 =	sld [smem:$0x3FB4];
	_ =	sdelay $0x3  }
0x33: {  	p0 =	seq.s32 s10, $0x1;
	s10 =	sld [smem:$0x3FB6];
	_ =	sdelay $0x3  }
0x34: {  	[smem:$0x3FB6] =	sst s10  }
0x35: {  	s10 =	sld [smem:$0x3FB5];
	_ =	sdelay $0x3  }
0x36: {  	p1 =	seq.s32 s10, $0x1;
	s10 =	sld [smem:$0x3FB6];
	_ =	sdelay $0x3  }
0x37: {  	[smem:$0x3FB6] =	sst s10  }
0x38: {  	s10 =	sld [smem:$0x3FB7]  }
0x39: {  	_ = 	snop;
	(pc) =	sbr.ind lr, $3  }
0x3a: {  	_ = 	snop  }
0x3b: {  	_ = 	snop  }
0x3c: {  	p2 =	seq.s32 s10, $0x1;
	s10 =	sld [smem:$0x3FB6]  }
0x3d: {  	_ =	shalt  }
0x3e: {  	_ =	shalt  }
0x3f: {  	_ =	shalt  }
0x40: {  	_ =	shalt  }
0x41: {  	_ =	shalt  }
0x42: {  	_ =	shalt  }
0x43: {  	_ =	shalt  }
0x44: {  	_ =	shalt  }
0x45: {  	_ =	shalt  }
0x46: {  	_ =	shalt  }
0x47: {  	_ =	shalt  }
0x48: {  	_ =	shalt  }
0x49: {  	_ =	shalt  }
0x4a: {  	_ =	shalt  }
0x4b: {  	_ =	shalt  }
0x4c: {  	_ =	shalt  }
0x4d: {  	_ =	shalt  }
0x4e: {  	_ =	shalt  }
0x4f: {  	_ =	shalt  }
0x50: {  	_ =	shalt  }
0x51: {  	_ =	shalt  }
0x52: {  	_ =	shalt  }
0x53: {  	_ =	shalt  }
0x54: {  	_ =	shalt  }
0x55: {  	_ =	shalt  }
0x56: {  	_ =	shalt  }
0x57: {  	_ =	shalt  }
0x58: {  	_ =	shalt  }
0x59: {  	_ =	shalt  }
0x5a: {  	_ =	shalt  }
0x5b: {  	_ =	shalt  }
0x5c: {  	_ =	shalt  }
0x5d: {  	_ =	shalt  }
0x5e: {  	_ =	shalt  }
0x5f: {  	_ =	shalt  }
0x60: {  	_ =	shalt  }
0x61: {  	_ =	shalt  }
0x62: {  	_ =	shalt  }
0x63: {  	_ =	shalt  }
0x64: {  	_ =	shalt  }
0x65: {  	_ =	shalt  }
0x66: {  	_ =	shalt  }
0x67: {  	_ =	shalt  }
0x68: {  	_ =	shalt  }
0x69: {  	_ =	shalt  }
0x6a: {  	_ =	shalt  }
0x6b: {  	_ =	shalt  }
0x6c: {  	_ =	shalt  }
0x6d: {  	_ =	shalt  }
0x6e: {  	_ =	shalt  }
0x6f: {  	_ =	shalt  }
0x70: {  	_ =	shalt  }
0x71: {  	_ =	shalt  }
0x72: {  	_ =	shalt  }
0x73: {  	_ =	shalt  }
0x74: {  	_ =	shalt  }
0x75: {  	_ =	shalt  }
0x76: {  	_ =	shalt  }
0x77: {  	_ =	shalt  }
0x78: {  	_ =	shalt  }
0x79: {  	_ =	shalt  }
0x7a: {  	_ =	shalt  }
0x7b: {  	_ =	shalt  }
0x7c: {  	_ =	shalt  }
0x7d: {  	_ =	shalt  }
0x7e: {  	_ =	shalt  }
0x7f: {  	_ =	shalt  }
0x80: {  	_ =	shalt  }
0x81: {  	_ =	shalt  }
0x82: {  	_ =	shalt  }
0x83: {  	_ =	shalt  }
0x84: {  	_ =	shalt  }
0x85: {  	_ =	shalt  }
0x86: {  	_ =	shalt  }
0x87: {  	_ =	shalt  }
.Lfunc_end0:
.L_simem_size_0:
called_computation.4_lowered:
.L_overlay_start_0:
0x88: {  	s2 =	sld [smem:$0x3FD9]  }
0x89: {  	s3 =	sld [smem:$0x3FFE];
	_ =	sdelay $0x1  }
0x8a: {  	s1 =	srdreg.scid  }
0x8b: {  	s0 =	sand.u32 $0x1, s1  }
0x8c: {  	s17 =	sshll.u32 s0, $0xA;
	s2 =	sadd.s32 s3, s2  }
0x8d: {  	s2 =	sadd.s32 s2, s17  }
0x8e: {  	[smem:$0x3FC2] =	sst s2  }
0x8f: {  	_ = 	snop  }
0x90: {  	s18 =	sld [smem:$0x3FC8];
	(tm) =	ssettm $0x1  }
0x91: {  	s19 =	sld [smem:$0x3FFB];
	_ =	sdelay $0x3  }
0x92: {  	_ =	strace s19  }
0x93: {  	s2 =	sld [smem:$0x3FFC];
	_ =	sdelay $0x3  }
0x94: {  	_ =	strace s2  }
0x95: {  	s2 =	sld [smem:$0x3FFD];
	_ =	sdelay $0x3  }
0x96: {  	_ =	strace s2  }
0x97: {  	_ =	strace $0x8FFFFFFF  }
0x98: {  	s20 =	sld [smem:$0x3FDB];
	_ =	sdelay $0x1  }
0x99: {  	s4 =	simm.s32 $_scs_section_size  }
0x9a: {  	s5 =	simm.s32 $_size__tile_overlayer_lowered;
	s6 =	simm.s32 $_tile_overlayer_lowered  }
0x9b: {  	s7 =	simm.s32 $0x1BFF;
	s21 =	sshll.u32 s6, $0x1;
	s4 =	sadd.s32 s4, s20  }
0x9c: {  	s22 =	simm.s32 $0x0;
	s5 =	sshll.u32 s5, $0x1;
	s6 =	sadd.s32 s21, s4  }
0x9d: {  	[timem:s22], [sflag:s7] =	dma.local [hbm:s6], s5  }
0x9e: {  	_ =	swait.ge [sflag:s7], s5  }
0x9f: {  	s5 =	ssub.s32 $0x0, s5;
	[sflag:s7] =	ssyncset.done $0x0  }
0xa0: {  	[sflag:s7] =	ssyncadd.s32 s5;
	_ =	sdelay $0x1  }
0xa1: {  	s23 =	simm.s32 $0x1B8B  }
0xa2: {  	_ =	swait.ge [sflag:s23], $0x1  }
0xa3: {  	[sflag:s23] =	ssyncset.done $0x0  }
0xa4: {  	[sflag:s23] =	ssyncadd.s32 $0xFFFFFFFF  }
0xa5: {  	s5 =	sld [smem:$0x0]  }
0xa6: {  	s6 =	sand.u32 $0xFFFFFFFE, s1  }
0xa7: {  	p0 =	sne.s32 s1, s6  }
0xa8: {  	s6 =	sshll.u32 @p0 s6, $0xE  }
0xa9: {  	s6 =	sadd.s32 @p0 $0x11B8D, s6;
	s7 =	sshll.u32 @p0 s5, $0x11  }
0xaa: {  	s6 =	sor.u32 @p0 s7, s6  }
0xab: {  	[sflag:s6] =	ssyncadd.remote.s32 @p0 $0x1;
	_ =	sdelay $0x1  }
0xac: {  	s6 =	simm.s32 @p0 $0x1B8D  }
0xad: {  	_ =	swait.eq @p0 [sflag:s6], $0x1  }
0xae: {  	[sflag:s6] =	ssyncadd.s32 @p0 $0xFFFFFFFF  }
0xaf: {  	s7 =	sshll.u32 @!p0 s1, $0xE  }
0xb0: {  	s7 =	sor.u32 @!p0 $0x4000, s7;
	s6 =	simm.s32 @!p0 $0x1B8D  }
0xb1: {  	s5 =	sshll.u32 @!p0 s5, $0x11;
	s7 =	sadd.s32 @!p0 $0x11B8D, s7;
	_ =	swait.eq @!p0 [sflag:s6], $0x1  }
0xb2: {  	s5 =	sor.u32 @!p0 s5, s7;
	[sflag:s6] =	ssyncadd.s32 @!p0 $0xFFFFFFFF  }
0xb3: {  	s25 =	simm.s32 $0x1B8E;
	s24 =	sld [smem:$0x3FFE];
	[sflag:s5] =	ssyncadd.remote.s32 @!p0 $0x1  }
0xb4: {  	s26 =	simm.s32 $execute0_lowered;
	[smem:$0x3FD2] =	sst s25  }
0xb5: {  	s6 =	sshll.u32 s26, $0x1;
	_ =	strace $0x80000052;
	[dreg:$0x1] =	wrdreg $0xFFFFFFFF  }
0xb6: {  	s28 =	simm.s32 $_size_execute0_lowered;
	s4 =	sadd.s32 s4, s6;
	[dreg:$0x0] =	wrdreg $0x0  }
0xb7: {  	s6 =	sshll.u32 s28, $0x1;
	[dreg:$0x2] =	wrdreg s4  }
0xb8: {  	[dreg:$0x3] =	wrdreg s6  }
0xb9: {  	[dreg:$0x4] =	wrdreg $0xC0  }
0xba: {  	_ =	task [dreg:s22], $0x5FFFF  }
0xbb: {  	[dreg:$0x1] =	wrdreg $0xFFFFFFFF  }
0xbc: {  	[dreg:$0x0] =	wrdreg $0x60  }
0xbd: {  	[dreg:$0x2] =	wrdreg s24  }
0xbe: {  	[dreg:$0x3] =	wrdreg s18  }
0xbf: {  	[dreg:$0x4] =	wrdreg $0xD  }
0xc0: {  	_ =	task.clear_ibuf [dreg:s22], $0x5FFFF;
	_ =	strace $0x90000052  }
0xc1: {  	s29 =	simm.s32 $0xD;
	_ =	strace $0x80000054  }
0xc2: {  	_ =	swait.ge [sflag:s29], $0x1  }
0xc3: {  	[sflag:s29] =	ssyncadd.s32 $0xFFFFFFFF  }
0xc4: {  	_ =	strace $0x90000054  }
0xc5: {  	_ =	sfence  }
0xc6: {  	s30 =	sld [smem:$0x0];
	_ =	sdelay $0x2  }
0xc7: {  	s31 =	sshll.u32 s1, $0xD;
	s1 =	sshrl.u32 s1, $0x2  }
0xc8: {  	s4 =	sand.u32 $0x4000, s31;
	s1 =	sadd.s32 s1, s30  }
0xc9: {  	s0 =	sor.u32 s4, s0;
	s1 =	sshll.u32 s1, $0x11  }
0xca: {  	s0 =	sor.u32 s1, s0  }
0xcb: {  	s0 =	sadd.s32 $0x8F2B, s0  }
0xcc: {  	[sflag:s0] =	ssyncadd.remote.s32 $0x1  }
0xcd: {  	_ =	sfence.sel $0xFFFF  }
0xce: {  	[dreg:$0x0] =	wrdreg $0xFFFFFFFF;
	(pc) =	sbr.abs _section_cstart, $3  }
0xcf: {  	[dreg:$0x1] =	wrdreg $0xFFFFFFFF  }
0xd0: {  	_ =	task.clear_ibuf [dreg:s22], $0x2FFFF;
	_ =	strace $0x9FFFFFFF  }
0xd1: {  	(tm) =	ssettm $0x7FFFFFFF  }
tec
execute0_lowered:
.L_overlay_start_1:
0x0: {  	(tag) =	ssettag $0x1  }
0x1: {  	s0 =	srdreg.scid;
	s4 =	rddreg [dreg:$0x0]  }
0x2: {  	s1 =	stileid.u32;
	s3 =	rddreg [dreg:$0x1]  }
0x3: {  	s2 =	simm.s32 $0x0;
	s30 =	simm.s32 $0xD;
	s13 =	simm.s32 $0x80  }
0x4: {  	s11 =	simm.s32 $0x500;
	s25 =	simm.s32 $0x100;
	s10 =	simm.s32 $0x4500  }
0x5: {  	s26 =	simm.s32 $0x180;
	s9 =	simm.s32 $0x8500;
	s7 =	simm.s32 $0xC500  }
0x6: {  	s15 =	simm.s32 $0x2;
	s31 =	simm.s32 $0x280;
	s14 =	simm.s32 $0x3  }
0x7: {  	s29 =	simm.s32 $0x300;
	s0 =	sand.u32 $0x1, s0;
	s1 =	sshll.u32 s1, $0x1  }
0x8: {  	s12 =	simm.s32 $0x4;
	s28 =	simm.s32 $0x380;
	s1 =	sor.u32 s0, s1  }
0x9: {  	p0 =	por $0x0, $0x0;
	[smem:$0x7FF] =	sst s2;
	s5 =	smul.u32 $0xA0, s1  }
0xa: {  	s8 =	simm.s32 $0xA;
	_ =	strace $0x80000053;
	s6 =	smul.u32 $0x5000, s1  }
0xb: {  	s0 =	ssub.s32 $0x2, s0;
	[dreg:$0xd] =	wrdreg s25;
	s1 =	smul.u32 $0x28000, s1  }
0xc: {  	[dreg:$0xe] =	wrdreg s26;
	s5 =	sadd.s32 s5, s4;
	s4 =	sadd.s32 $0x1E8E00, s4  }
0xd: {  	s1 =	sshrl.u32 s1, $0x3;
	s5 =	sadd.s32 $0x7A00, s5;
	s19 =	sadd.s32 s4, s6  }
0xe: {  	s1 =	sadd.s32 s4, s1;
	[dreg:$0x3] =	wrdreg s5;
	s16 =	sadd.s32 $0x800, s19  }
0xf: {  	s26 =	simm.s32 $0x400;
	s4 =	sadd.s32 $0x1000, s1;
	[dreg:$0x4] =	wrdreg s16  }
0x10: {  	s25 =	simm.s32 $0x480;
	s17 =	sadd.s32 $0x1800, s1;
	[dreg:$0x5] =	wrdreg s4  }
0x11: {  	s23 =	sshrl.u32 s0, $0x1;
	s18 =	sadd.s32 $0x2000, s1;
	[dreg:$0x6] =	wrdreg s17  }
0x12: {  	s0 =	ssub.s32 s0, s23;
	s20 =	sadd.s32 $0x2800, s1;
	[dreg:$0x7] =	wrdreg s18  }
0x13: {  	s23 =	simm.s32 $0x6;
	s21 =	sadd.s32 $0x3000, s1;
	[dreg:$0x8] =	wrdreg s20  }
0x14: {  	s0 =	smax.u32 s0, $0x1;
	s22 =	sadd.s32 $0x3800, s1;
	[dreg:$0x9] =	wrdreg s21  }
0x15: {  	p1 =	sne.s32 s0, $0x1;
	s24 =	sadd.s32 $0x4000, s1;
	[dreg:$0xa] =	wrdreg s22  }
.Ltmp0:
0x16: {  	s1 =	sadd.s32 $0x4800, s1;
	[dreg:$0xb] =	wrdreg s24;
	(pc) =	sbr.rel @!p1 .LBB2_1-.Ltmp0, $4  }
0x17: {  	s6 =	simm.s32 $0x9;
	s5 =	simm.s32 $0x8;
	[dreg:$0xc] =	wrdreg s1  }
0x18: {  	s16 =	simm.s32 $0x1;
	s21 =	simm.s32 $0x10500;
	s20 =	simm.s32 $0x14500  }
0x19: {  	s4 =	simm.s32 $0x7;
	s24 =	simm.s32 $0x5;
	s22 =	sadd.s32 $0xFFFFFFFF, s0  }
0x1a: {  	s18 =	simm.s32 $0xB;
	s17 =	simm.s32 $0xC;
	s0 =	rddreg [dreg:$0x3]  }
0x1b: {  	[tilespmem:s2], [sflag:$0xD] =	stream.linear.gather [hbm4b:s0+s2], $0x500, $0x38;
	[tilespmem:$0x18500] =	vst v63  }
0x1c: {  	_ =	swait.ge [sflag:s30], $0x500  }
0x1d: {  	[sflag:s30] =	ssyncset.done $0x0  }
0x1e: {  	[sflag:s30] =	ssyncadd.s32 $0xFFFFFB00  }
0x1f: {  	[tilespmem:s11], [sflag:$0x1] =	stream.indirect.gather [hbm4b:s3+s13], $0x80, s2, s13, $0xb8;
	[tilespmem:$0x18500] =	vst v63  }
0x20: {  	_ = 	snop  }
0x21: {  	[tilespmem:s10], [sflag:$0x2] =	stream.indirect.gather [hbm4b:s3+s13], $0x80, s13, s13, $0xb8;
	[tilespmem:$0x18500] =	vst v63  }
0x22: {  	s0 =	rddreg [dreg:$0xd]  }
0x23: {  	[tilespmem:s9], [sflag:$0x3] =	stream.indirect.gather [hbm4b:s3+s13], $0x80, s0, s13, $0xb8;
	[tilespmem:$0x18500] =	vst v63  }
0x24: {  	s1 =	rddreg [dreg:$0xe]  }
0x25: {  	[tilespmem:s7], [sflag:$0x4] =	stream.indirect.gather [hbm4b:s3+s13], $0x80, s1, s13, $0xb8;
	[tilespmem:$0x18500] =	vst v63  }
0x26: {  	_ =	swait.ge [sflag:s16], $0x4000  }
0x27: {  	[sflag:s16] =	ssyncset.done $0x0  }
0x28: {  	[sflag:s16] =	ssyncadd.s32 $0xFFFFC000  }
0x29: {  	[hbm4b:s19+s2] =	stream.linear.scatter [tilespmem:s11], [sflag:$0x7], $0x4000, $0x38;
	[tilespmem:$0x18500] =	vst v63  }
0x2a: {  	s1 =	simm.s32 $0x200  }
0x2b: {  	[tilespmem:s21], [sflag:$0x5] =	stream.indirect.gather [hbm4b:s3+s13], $0x80, s1, s13, $0xb8;
	[tilespmem:$0x18500] =	vst v63  }
0x2c: {  	_ =	swait.ge [sflag:s15], $0x4000  }
0x2d: {  	[sflag:s15] =	ssyncset.done $0x0  }
0x2e: {  	s1 =	rddreg [dreg:$0x4];
	[sflag:s15] =	ssyncadd.s32 $0xFFFFC000  }
0x2f: {  	[hbm4b:s1+s2] =	stream.linear.scatter [tilespmem:s10], [sflag:$0x8], $0x4000, $0x38;
	[tilespmem:$0x18500] =	vst v63  }
0x30: {  	_ = 	snop  }
0x31: {  	[tilespmem:s20], [sflag:$0x6] =	stream.indirect.gather [hbm4b:s3+s13], $0x80, s31, s13, $0xb8;
	[tilespmem:$0x18500] =	vst v63  }
0x32: {  	_ =	swait.ge [sflag:s14], $0x4000  }
0x33: {  	[sflag:s14] =	ssyncset.done $0x0  }
0x34: {  	s1 =	rddreg [dreg:$0x5];
	[sflag:s14] =	ssyncadd.s32 $0xFFFFC000  }
0x35: {  	[hbm4b:s1+s2] =	stream.linear.scatter [tilespmem:s9], [sflag:$0x9], $0x4000, $0x38;
	[tilespmem:$0x18500] =	vst v63  }
0x36: {  	_ =	swait.ge [sflag:s4], $0x4000  }
0x37: {  	[sflag:s4] =	ssyncset.done $0x0  }
0x38: {  	[sflag:s4] =	ssyncadd.s32 $0xFFFFC000  }
0x39: {  	[tilespmem:s11], [sflag:$0x1] =	stream.indirect.gather [hbm4b:s3+s13], $0x80, s29, s13, $0xb8;
	[tilespmem:$0x18500] =	vst v63  }
0x3a: {  	_ =	swait.ge [sflag:s12], $0x4000  }
0x3b: {  	[sflag:s12] =	ssyncset.done $0x0  }
0x3c: {  	s1 =	rddreg [dreg:$0x6];
	[sflag:s12] =	ssyncadd.s32 $0xFFFFC000  }
0x3d: {  	[hbm4b:s1+s2] =	stream.linear.scatter [tilespmem:s7], [sflag:$0xA], $0x4000, $0x38;
	[tilespmem:$0x18500] =	vst v63  }
0x3e: {  	_ =	swait.ge [sflag:s5], $0x4000  }
0x3f: {  	[sflag:s5] =	ssyncset.done $0x0  }
0x40: {  	[sflag:s5] =	ssyncadd.s32 $0xFFFFC000  }
0x41: {  	[tilespmem:s10], [sflag:$0x2] =	stream.indirect.gather [hbm4b:s3+s13], $0x80, s28, s13, $0xb8;
	[tilespmem:$0x18500] =	vst v63  }
0x42: {  	_ =	swait.ge [sflag:s24], $0x4000  }
0x43: {  	[sflag:s24] =	ssyncset.done $0x0  }
0x44: {  	s1 =	rddreg [dreg:$0x7];
	[sflag:s24] =	ssyncadd.s32 $0xFFFFC000  }
0x45: {  	[hbm4b:s1+s2] =	stream.linear.scatter [tilespmem:s21], [sflag:$0xB], $0x4000, $0x38;
	[tilespmem:$0x18500] =	vst v63  }
0x46: {  	_ =	swait.ge [sflag:s6], $0x4000  }
0x47: {  	[sflag:s6] =	ssyncset.done $0x0  }
0x48: {  	[sflag:s6] =	ssyncadd.s32 $0xFFFFC000  }
0x49: {  	[tilespmem:s9], [sflag:$0x3] =	stream.indirect.gather [hbm4b:s3+s13], $0x80, s26, s13, $0xb8;
	[tilespmem:$0x18500] =	vst v63  }
0x4a: {  	_ =	swait.ge [sflag:s23], $0x4000  }
0x4b: {  	[sflag:s23] =	ssyncset.done $0x0  }
0x4c: {  	s1 =	rddreg [dreg:$0x8];
	[sflag:s23] =	ssyncadd.s32 $0xFFFFC000  }
0x4d: {  	[hbm4b:s1+s2] =	stream.linear.scatter [tilespmem:s20], [sflag:$0xC], $0x4000, $0x38;
	[tilespmem:$0x18500] =	vst v63  }
0x4e: {  	_ =	swait.ge [sflag:s8], $0x4000  }
0x4f: {  	[sflag:s8] =	ssyncset.done $0x0  }
0x50: {  	[sflag:s8] =	ssyncadd.s32 $0xFFFFC000  }
0x51: {  	[tilespmem:s7], [sflag:$0x4] =	stream.indirect.gather [hbm4b:s3+s13], $0x80, s25, s13, $0xb8;
	[tilespmem:$0x18500] =	vst v63  }
0x52: {  	_ =	swait.ge [sflag:s16], $0x4000  }
0x53: {  	[sflag:s16] =	ssyncset.done $0x0  }
0x54: {  	s1 =	rddreg [dreg:$0x9];
	[sflag:s16] =	ssyncadd.s32 $0xFFFFC000  }
0x55: {  	[hbm4b:s1+s2] =	stream.linear.scatter [tilespmem:s11], [sflag:$0x7], $0x4000, $0x38;
	[tilespmem:$0x18500] =	vst v63  }
0x56: {  	_ =	swait.ge [sflag:s15], $0x4000  }
0x57: {  	[sflag:s15] =	ssyncset.done $0x0  }
0x58: {  	s1 =	rddreg [dreg:$0xa];
	[sflag:s15] =	ssyncadd.s32 $0xFFFFC000  }
0x59: {  	[hbm4b:s1+s2] =	stream.linear.scatter [tilespmem:s10], [sflag:$0x8], $0x4000, $0x38;
	[tilespmem:$0x18500] =	vst v63  }
0x5a: {  	_ =	swait.ge [sflag:s14], $0x4000  }
0x5b: {  	[sflag:s14] =	ssyncset.done $0x0  }
0x5c: {  	s1 =	rddreg [dreg:$0xb];
	[sflag:s14] =	ssyncadd.s32 $0xFFFFC000  }
0x5d: {  	[hbm4b:s1+s2] =	stream.linear.scatter [tilespmem:s9], [sflag:$0x9], $0x4000, $0x38;
	[tilespmem:$0x18500] =	vst v63  }
0x5e: {  	_ =	swait.ge [sflag:s12], $0x4000  }
0x5f: {  	[sflag:s12] =	ssyncset.done $0x0  }
0x60: {  	s1 =	rddreg [dreg:$0xc];
	[sflag:s12] =	ssyncadd.s32 $0xFFFFC000  }
0x61: {  	[hbm4b:s1+s2] =	stream.linear.scatter [tilespmem:s7], [sflag:$0xA], $0x4000, $0x38;
	[tilespmem:$0x18500] =	vst v63  }
0x62: {  	_ =	swait.ge [sflag:s18], $0x4000  }
0x63: {  	[sflag:s18] =	ssyncset.done $0x0  }
0x64: {  	[sflag:s18] =	ssyncadd.s32 $0xFFFFC000  }
0x65: {  	_ =	swait.ge [sflag:s17], $0x4000  }
0x66: {  	[sflag:s17] =	ssyncset.done $0x0  }
0x67: {  	[sflag:s17] =	ssyncadd.s32 $0xFFFFC000  }
0x68: {  	_ =	swait.ge [sflag:s4], $0x4000  }
0x69: {  	[sflag:s4] =	ssyncset.done $0x0  }
0x6a: {  	[sflag:s4] =	ssyncadd.s32 $0xFFFFC000  }
0x6b: {  	_ =	swait.ge [sflag:s5], $0x4000  }
0x6c: {  	[sflag:s5] =	ssyncset.done $0x0  }
0x6d: {  	p1 =	sne.s32 s22, $0x1;
	[sflag:s5] =	ssyncadd.s32 $0xFFFFC000  }
.Ltmp1:
0x6e: {  	_ =	swait.ge [sflag:s6], $0x4000;
	(pc) =	sbr.rel @!p1 .LBB2_3-.Ltmp1, $4  }
0x6f: {  	[sflag:s6] =	ssyncset.done $0x0  }
0x70: {  	[sflag:s6] =	ssyncadd.s32 $0xFFFFC000  }
0x71: {  	p0 =	por $0x1, $0x1;
	_ =	swait.ge [sflag:s8], $0x4000  }
0x72: {  	s1 =	sadd.s32 $0xFFFFFFFF, s22;
	s0 =	rddreg [dreg:$0x3];
	[sflag:s8] =	ssyncset.done $0x0  }
.LBB2_4:
0x73: {  	[sflag:s8] =	ssyncadd.s32 $0xFFFFC000  }
0x74: {  	[tilespmem:s2], [sflag:$0xD] =	stream.linear.gather [hbm4b:s0+s2], $0x500, $0x38;
	[tilespmem:$0x18500] =	vst v63  }
0x75: {  	_ =	swait.ge [sflag:s30], $0x500  }
0x76: {  	[sflag:s30] =	ssyncset.done $0x0  }
0x77: {  	[sflag:s30] =	ssyncadd.s32 $0xFFFFFB00  }
0x78: {  	[tilespmem:s11], [sflag:$0x1] =	stream.indirect.gather [hbm4b:s3+s13], $0x80, s2, s13, $0xb8;
	[tilespmem:$0x18500] =	vst v63  }
0x79: {  	_ = 	snop  }
0x7a: {  	[tilespmem:s10], [sflag:$0x2] =	stream.indirect.gather [hbm4b:s3+s13], $0x80, s13, s13, $0xb8;
	[tilespmem:$0x18500] =	vst v63  }
0x7b: {  	s0 =	rddreg [dreg:$0xd]  }
0x7c: {  	[tilespmem:s9], [sflag:$0x3] =	stream.indirect.gather [hbm4b:s3+s13], $0x80, s0, s13, $0xb8;
	[tilespmem:$0x18500] =	vst v63  }
0x7d: {  	s22 =	rddreg [dreg:$0xe]  }
0x7e: {  	[tilespmem:s7], [sflag:$0x4] =	stream.indirect.gather [hbm4b:s3+s13], $0x80, s22, s13, $0xb8;
	[tilespmem:$0x18500] =	vst v63  }
0x7f: {  	_ =	swait.ge [sflag:s16], $0x4000  }
0x80: {  	[sflag:s16] =	ssyncset.done $0x0  }
0x81: {  	[sflag:s16] =	ssyncadd.s32 $0xFFFFC000  }
0x82: {  	[hbm4b:s19+s2] =	stream.linear.scatter [tilespmem:s11], [sflag:$0x7], $0x4000, $0x38;
	[tilespmem:$0x18500] =	vst v63  }
0x83: {  	s22 =	simm.s32 $0x200  }
0x84: {  	[tilespmem:s21], [sflag:$0x5] =	stream.indirect.gather [hbm4b:s3+s13], $0x80, s22, s13, $0xb8;
	[tilespmem:$0x18500] =	vst v63  }
0x85: {  	_ =	swait.ge [sflag:s15], $0x4000  }
0x86: {  	[sflag:s15] =	ssyncset.done $0x0  }
0x87: {  	s22 =	rddreg [dreg:$0x4];
	[sflag:s15] =	ssyncadd.s32 $0xFFFFC000  }
0x88: {  	[hbm4b:s22+s2] =	stream.linear.scatter [tilespmem:s10], [sflag:$0x8], $0x4000, $0x38;
	[tilespmem:$0x18500] =	vst v63  }
0x89: {  	_ = 	snop  }
0x8a: {  	[tilespmem:s20], [sflag:$0x6] =	stream.indirect.gather [hbm4b:s3+s13], $0x80, s31, s13, $0xb8;
	[tilespmem:$0x18500] =	vst v63  }
0x8b: {  	_ =	swait.ge [sflag:s14], $0x4000  }
0x8c: {  	[sflag:s14] =	ssyncset.done $0x0  }
0x8d: {  	s22 =	rddreg [dreg:$0x5];
	[sflag:s14] =	ssyncadd.s32 $0xFFFFC000  }
0x8e: {  	[hbm4b:s22+s2] =	stream.linear.scatter [tilespmem:s9], [sflag:$0x9], $0x4000, $0x38;
	[tilespmem:$0x18500] =	vst v63  }
0x8f: {  	_ =	swait.ge [sflag:s4], $0x4000  }
0x90: {  	[sflag:s4] =	ssyncset.done $0x0  }
0x91: {  	[sflag:s4] =	ssyncadd.s32 $0xFFFFC000  }
0x92: {  	[tilespmem:s11], [sflag:$0x1] =	stream.indirect.gather [hbm4b:s3+s13], $0x80, s29, s13, $0xb8;
	[tilespmem:$0x18500] =	vst v63  }
0x93: {  	_ =	swait.ge [sflag:s12], $0x4000  }
0x94: {  	[sflag:s12] =	ssyncset.done $0x0  }
0x95: {  	s22 =	rddreg [dreg:$0x6];
	[sflag:s12] =	ssyncadd.s32 $0xFFFFC000  }
0x96: {  	[hbm4b:s22+s2] =	stream.linear.scatter [tilespmem:s7], [sflag:$0xA], $0x4000, $0x38;
	[tilespmem:$0x18500] =	vst v63  }
0x97: {  	_ =	swait.ge [sflag:s5], $0x4000  }
0x98: {  	[sflag:s5] =	ssyncset.done $0x0  }
0x99: {  	[sflag:s5] =	ssyncadd.s32 $0xFFFFC000  }
0x9a: {  	[tilespmem:s10], [sflag:$0x2] =	stream.indirect.gather [hbm4b:s3+s13], $0x80, s28, s13, $0xb8;
	[tilespmem:$0x18500] =	vst v63  }
0x9b: {  	_ =	swait.ge [sflag:s24], $0x4000  }
0x9c: {  	[sflag:s24] =	ssyncset.done $0x0  }
0x9d: {  	s22 =	rddreg [dreg:$0x7];
	[sflag:s24] =	ssyncadd.s32 $0xFFFFC000  }
0x9e: {  	[hbm4b:s22+s2] =	stream.linear.scatter [tilespmem:s21], [sflag:$0xB], $0x4000, $0x38;
	[tilespmem:$0x18500] =	vst v63  }
0x9f: {  	_ =	swait.ge [sflag:s6], $0x4000  }
0xa0: {  	[sflag:s6] =	ssyncset.done $0x0  }
0xa1: {  	[sflag:s6] =	ssyncadd.s32 $0xFFFFC000  }
0xa2: {  	[tilespmem:s9], [sflag:$0x3] =	stream.indirect.gather [hbm4b:s3+s13], $0x80, s26, s13, $0xb8;
	[tilespmem:$0x18500] =	vst v63  }
0xa3: {  	_ =	swait.ge [sflag:s23], $0x4000  }
0xa4: {  	[sflag:s23] =	ssyncset.done $0x0  }
0xa5: {  	s22 =	rddreg [dreg:$0x8];
	[sflag:s23] =	ssyncadd.s32 $0xFFFFC000  }
0xa6: {  	[hbm4b:s22+s2] =	stream.linear.scatter [tilespmem:s20], [sflag:$0xC], $0x4000, $0x38;
	[tilespmem:$0x18500] =	vst v63  }
0xa7: {  	_ =	swait.ge [sflag:s8], $0x4000  }
0xa8: {  	[sflag:s8] =	ssyncset.done $0x0  }
0xa9: {  	[sflag:s8] =	ssyncadd.s32 $0xFFFFC000  }
0xaa: {  	[tilespmem:s7], [sflag:$0x4] =	stream.indirect.gather [hbm4b:s3+s13], $0x80, s25, s13, $0xb8;
	[tilespmem:$0x18500] =	vst v63  }
0xab: {  	_ =	swait.ge [sflag:s16], $0x4000  }
0xac: {  	[sflag:s16] =	ssyncset.done $0x0  }
0xad: {  	s22 =	rddreg [dreg:$0x9];
	[sflag:s16] =	ssyncadd.s32 $0xFFFFC000  }
0xae: {  	[hbm4b:s22+s2] =	stream.linear.scatter [tilespmem:s11], [sflag:$0x7], $0x4000, $0x38;
	[tilespmem:$0x18500] =	vst v63  }
0xaf: {  	_ =	swait.ge [sflag:s15], $0x4000  }
0xb0: {  	[sflag:s15] =	ssyncset.done $0x0  }
0xb1: {  	s22 =	rddreg [dreg:$0xa];
	[sflag:s15] =	ssyncadd.s32 $0xFFFFC000  }
0xb2: {  	[hbm4b:s22+s2] =	stream.linear.scatter [tilespmem:s10], [sflag:$0x8], $0x4000, $0x38;
	[tilespmem:$0x18500] =	vst v63  }
0xb3: {  	_ =	swait.ge [sflag:s14], $0x4000  }
0xb4: {  	[sflag:s14] =	ssyncset.done $0x0  }
0xb5: {  	s22 =	rddreg [dreg:$0xb];
	[sflag:s14] =	ssyncadd.s32 $0xFFFFC000  }
0xb6: {  	[hbm4b:s22+s2] =	stream.linear.scatter [tilespmem:s9], [sflag:$0x9], $0x4000, $0x38;
	[tilespmem:$0x18500] =	vst v63  }
0xb7: {  	_ =	swait.ge [sflag:s12], $0x4000  }
0xb8: {  	[sflag:s12] =	ssyncset.done $0x0  }
0xb9: {  	s22 =	rddreg [dreg:$0xc];
	[sflag:s12] =	ssyncadd.s32 $0xFFFFC000  }
0xba: {  	[hbm4b:s22+s2] =	stream.linear.scatter [tilespmem:s7], [sflag:$0xA], $0x4000, $0x38;
	[tilespmem:$0x18500] =	vst v63  }
0xbb: {  	_ =	swait.ge [sflag:s18], $0x4000  }
0xbc: {  	[sflag:s18] =	ssyncset.done $0x0  }
0xbd: {  	[sflag:s18] =	ssyncadd.s32 $0xFFFFC000  }
0xbe: {  	_ =	swait.ge [sflag:s17], $0x4000  }
0xbf: {  	[sflag:s17] =	ssyncset.done $0x0  }
0xc0: {  	[sflag:s17] =	ssyncadd.s32 $0xFFFFC000  }
0xc1: {  	_ =	swait.ge [sflag:s4], $0x4000  }
0xc2: {  	[sflag:s4] =	ssyncset.done $0x0  }
0xc3: {  	[sflag:s4] =	ssyncadd.s32 $0xFFFFC000  }
0xc4: {  	_ =	swait.ge [sflag:s5], $0x4000  }
0xc5: {  	[sflag:s5] =	ssyncset.done $0x0  }
0xc6: {  	p1 =	sne.s32 s1, $0x1;
	[sflag:s5] =	ssyncadd.s32 $0xFFFFC000  }
.Ltmp2:
0xc7: {  	_ =	swait.ge [sflag:s6], $0x4000;
	(pc) =	sbr.rel @p1 .LBB2_4-.Ltmp2, $4  }
0xc8: {  	[sflag:s6] =	ssyncset.done $0x0  }
0xc9: {  	[sflag:s6] =	ssyncadd.s32 $0xFFFFC000  }
0xca: {  	_ =	swait.ge [sflag:s8], $0x4000  }
0xcb: {  	s1 =	sadd.s32 $0xFFFFFFFF, s1;
	s0 =	rddreg [dreg:$0x3];
	[sflag:s8] =	ssyncset.done $0x0  }
0xcc: {  	s22 =	simm.s32 $0x200;
	s31 =	simm.s32 $0x280;
	s29 =	simm.s32 $0x300  }
0xcd: {  	s28 =	simm.s32 $0x380;
	s26 =	simm.s32 $0x400;
	s25 =	simm.s32 $0x480  }
.LBB2_6:
0xce: {  	[sflag:s8] =	ssyncadd.s32 @p0 $0xFFFFC000  }
0xcf: {  	[tilespmem:s2], [sflag:$0xD] =	stream.linear.gather [hbm4b:s0+s2], $0x500, $0x38;
	[tilespmem:$0x18500] =	vst v63  }
0xd0: {  	_ =	swait.ge [sflag:s30], $0x500  }
0xd1: {  	[sflag:s30] =	ssyncset.done $0x0  }
0xd2: {  	[sflag:s30] =	ssyncadd.s32 $0xFFFFFB00  }
0xd3: {  	[tilespmem:s11], [sflag:$0x1] =	stream.indirect.gather [hbm4b:s3+s13], $0x80, s2, s13, $0xb8;
	[tilespmem:$0x18500] =	vst v63  }
0xd4: {  	_ = 	snop  }
0xd5: {  	[tilespmem:s10], [sflag:$0x2] =	stream.indirect.gather [hbm4b:s3+s13], $0x80, s13, s13, $0xb8;
	[tilespmem:$0x18500] =	vst v63  }
0xd6: {  	s30 =	rddreg [dreg:$0xd]  }
0xd7: {  	[tilespmem:s9], [sflag:$0x3] =	stream.indirect.gather [hbm4b:s3+s13], $0x80, s30, s13, $0xb8;
	[tilespmem:$0x18500] =	vst v63  }
0xd8: {  	s1 =	rddreg [dreg:$0xe]  }
0xd9: {  	[tilespmem:s7], [sflag:$0x4] =	stream.indirect.gather [hbm4b:s3+s13], $0x80, s1, s13, $0xb8;
	[tilespmem:$0x18500] =	vst v63  }
0xda: {  	_ =	swait.ge [sflag:s16], $0x4000  }
0xdb: {  	[sflag:s16] =	ssyncset.done $0x0  }
0xdc: {  	[sflag:s16] =	ssyncadd.s32 $0xFFFFC000  }
0xdd: {  	[hbm4b:s19+s2] =	stream.linear.scatter [tilespmem:s11], [sflag:$0x7], $0x4000, $0x38;
	[tilespmem:$0x18500] =	vst v63  }
0xde: {  	_ = 	snop  }
0xdf: {  	[tilespmem:s21], [sflag:$0x5] =	stream.indirect.gather [hbm4b:s3+s13], $0x80, s22, s13, $0xb8;
	[tilespmem:$0x18500] =	vst v63  }
0xe0: {  	_ =	swait.ge [sflag:s15], $0x4000  }
0xe1: {  	[sflag:s15] =	ssyncset.done $0x0  }
0xe2: {  	s30 =	rddreg [dreg:$0x4];
	[sflag:s15] =	ssyncadd.s32 $0xFFFFC000  }
0xe3: {  	[hbm4b:s30+s2] =	stream.linear.scatter [tilespmem:s10], [sflag:$0x8], $0x4000, $0x38;
	[tilespmem:$0x18500] =	vst v63  }
0xe4: {  	_ = 	snop  }
0xe5: {  	[tilespmem:s20], [sflag:$0x6] =	stream.indirect.gather [hbm4b:s3+s13], $0x80, s31, s13, $0xb8;
	[tilespmem:$0x18500] =	vst v63  }
0xe6: {  	_ =	swait.ge [sflag:s14], $0x4000  }
0xe7: {  	[sflag:s14] =	ssyncset.done $0x0  }
0xe8: {  	s1 =	rddreg [dreg:$0x5];
	[sflag:s14] =	ssyncadd.s32 $0xFFFFC000  }
0xe9: {  	[hbm4b:s1+s2] =	stream.linear.scatter [tilespmem:s9], [sflag:$0x9], $0x4000, $0x38;
	[tilespmem:$0x18500] =	vst v63  }
0xea: {  	_ =	swait.ge [sflag:s4], $0x4000  }
0xeb: {  	[sflag:s4] =	ssyncset.done $0x0  }
0xec: {  	[sflag:s4] =	ssyncadd.s32 $0xFFFFC000  }
0xed: {  	[tilespmem:s11], [sflag:$0x1] =	stream.indirect.gather [hbm4b:s3+s13], $0x80, s29, s13, $0xb8;
	[tilespmem:$0x18500] =	vst v63  }
0xee: {  	_ =	swait.ge [sflag:s12], $0x4000  }
0xef: {  	[sflag:s12] =	ssyncset.done $0x0  }
0xf0: {  	s19 =	rddreg [dreg:$0x6];
	[sflag:s12] =	ssyncadd.s32 $0xFFFFC000  }
0xf1: {  	[hbm4b:s19+s2] =	stream.linear.scatter [tilespmem:s7], [sflag:$0xA], $0x4000, $0x38;
	[tilespmem:$0x18500] =	vst v63  }
0xf2: {  	_ =	swait.ge [sflag:s5], $0x4000  }
0xf3: {  	[sflag:s5] =	ssyncset.done $0x0  }
0xf4: {  	[sflag:s5] =	ssyncadd.s32 $0xFFFFC000  }
0xf5: {  	[tilespmem:s10], [sflag:$0x2] =	stream.indirect.gather [hbm4b:s3+s13], $0x80, s28, s13, $0xb8;
	[tilespmem:$0x18500] =	vst v63  }
0xf6: {  	_ =	swait.ge [sflag:s24], $0x4000  }
0xf7: {  	[sflag:s24] =	ssyncset.done $0x0  }
0xf8: {  	s22 =	rddreg [dreg:$0x7];
	[sflag:s24] =	ssyncadd.s32 $0xFFFFC000  }
0xf9: {  	[hbm4b:s22+s2] =	stream.linear.scatter [tilespmem:s21], [sflag:$0xB], $0x4000, $0x38;
	[tilespmem:$0x18500] =	vst v63  }
0xfa: {  	_ =	swait.ge [sflag:s6], $0x4000  }
0xfb: {  	[sflag:s6] =	ssyncset.done $0x0  }
0xfc: {  	[sflag:s6] =	ssyncadd.s32 $0xFFFFC000  }
0xfd: {  	[tilespmem:s9], [sflag:$0x3] =	stream.indirect.gather [hbm4b:s3+s13], $0x80, s26, s13, $0xb8;
	[tilespmem:$0x18500] =	vst v63  }
0xfe: {  	_ =	swait.ge [sflag:s23], $0x4000  }
0xff: {  	[sflag:s23] =	ssyncset.done $0x0  }
0x100: {  	s24 =	rddreg [dreg:$0x8];
	[sflag:s23] =	ssyncadd.s32 $0xFFFFC000  }
0x101: {  	[hbm4b:s24+s2] =	stream.linear.scatter [tilespmem:s20], [sflag:$0xC], $0x4000, $0x38;
	[tilespmem:$0x18500] =	vst v63  }
0x102: {  	_ =	swait.ge [sflag:s8], $0x4000  }
0x103: {  	[sflag:s8] =	ssyncset.done $0x0  }
0x104: {  	[sflag:s8] =	ssyncadd.s32 $0xFFFFC000  }
0x105: {  	[tilespmem:s7], [sflag:$0x4] =	stream.indirect.gather [hbm4b:s3+s13], $0x80, s25, s13, $0xb8;
	[tilespmem:$0x18500] =	vst v63  }
0x106: {  	_ =	swait.ge [sflag:s16], $0x4000  }
0x107: {  	[sflag:s16] =	ssyncset.done $0x0  }
0x108: {  	s26 =	rddreg [dreg:$0x9];
	[sflag:s16] =	ssyncadd.s32 $0xFFFFC000  }
0x109: {  	[hbm4b:s26+s2] =	stream.linear.scatter [tilespmem:s11], [sflag:$0x7], $0x4000, $0x38;
	[tilespmem:$0x18500] =	vst v63  }
0x10a: {  	_ =	swait.ge [sflag:s15], $0x4000  }
0x10b: {  	[sflag:s15] =	ssyncset.done $0x0  }
0x10c: {  	s28 =	rddreg [dreg:$0xa];
	[sflag:s15] =	ssyncadd.s32 $0xFFFFC000  }
0x10d: {  	[hbm4b:s28+s2] =	stream.linear.scatter [tilespmem:s10], [sflag:$0x8], $0x4000, $0x38;
	[tilespmem:$0x18500] =	vst v63  }
0x10e: {  	_ =	swait.ge [sflag:s14], $0x4000  }
0x10f: {  	[sflag:s14] =	ssyncset.done $0x0  }
0x110: {  	s29 =	rddreg [dreg:$0xb];
	[sflag:s14] =	ssyncadd.s32 $0xFFFFC000  }
0x111: {  	[hbm4b:s29+s2] =	stream.linear.scatter [tilespmem:s9], [sflag:$0x9], $0x4000, $0x38;
	[tilespmem:$0x18500] =	vst v63  }
0x112: {  	_ =	swait.ge [sflag:s12], $0x4000  }
0x113: {  	[sflag:s12] =	ssyncset.done $0x0  }
0x114: {  	s30 =	rddreg [dreg:$0xc];
	[sflag:s12] =	ssyncadd.s32 $0xFFFFC000  }
0x115: {  	[hbm4b:s30+s2] =	stream.linear.scatter [tilespmem:s7], [sflag:$0xA], $0x4000, $0x38;
	[tilespmem:$0x18500] =	vst v63  }
0x116: {  	_ =	swait.ge [sflag:s18], $0x4000  }
0x117: {  	[sflag:s18] =	ssyncset.done $0x0  }
0x118: {  	[sflag:s18] =	ssyncadd.s32 $0xFFFFC000  }
0x119: {  	_ =	swait.ge [sflag:s17], $0x4000  }
0x11a: {  	[sflag:s17] =	ssyncset.done $0x0  }
0x11b: {  	[sflag:s17] =	ssyncadd.s32 $0xFFFFC000  }
0x11c: {  	_ =	swait.ge [sflag:s4], $0x4000  }
0x11d: {  	[sflag:s4] =	ssyncset.done $0x0  }
0x11e: {  	[sflag:s4] =	ssyncadd.s32 $0xFFFFC000  }
0x11f: {  	_ =	swait.ge [sflag:s5], $0x4000  }
0x120: {  	[sflag:s5] =	ssyncset.done $0x0  }
0x121: {  	[sflag:s5] =	ssyncadd.s32 $0xFFFFC000  }
0x122: {  	_ =	swait.ge [sflag:s6], $0x4000  }
0x123: {  	[sflag:s6] =	ssyncset.done $0x0  }
0x124: {  	[sflag:s6] =	ssyncadd.s32 $0xFFFFC000  }
0x125: {  	_ =	swait.ge [sflag:s8], $0x4000  }
0x126: {  	[sflag:s8] =	ssyncset.done $0x0  }
0x127: {  	[sflag:s8] =	ssyncadd.s32 $0xFFFFC000  }
0x128: {  	_ =	sfence.sel $0x180000  }
0x129: {  	[bflag:$0x0] =	sbarrier.arrive $0xFFFF  }
0x12a: {  	_ =	strace $0x90000053  }
0x12b: {  	s31 =	stileid.u32;
	[bflag:$0x2] =	sbarrier.arrive $0xFFFF  }
0x12c: {  	p0 =	sne.s32 s31, $0x0;
	s0 =	rddreg [dreg:$0x2]  }
0x12d: {  	s0 =	sadd.s32 @!p0 $0x100000, s0  }
0x12e: {  	[sflag:s0] =	ssyncadd.tile.s32 @!p0 $0x1;
	_ =	shalt  }
.LBB2_1:
.Ltmp3:
0x12f: {  	(pc) =	sbr.rel .LBB2_6-.Ltmp3, $3  }
0x130: {  	_ =	sdelay $0x1  }
0x131: {  	s22 =	simm.s32 $0x200;
	s31 =	simm.s32 $0x280;
	s29 =	simm.s32 $0x300  }
0x132: {  	s28 =	simm.s32 $0x380;
	s26 =	simm.s32 $0x400;
	s25 =	simm.s32 $0x480  }
.LBB2_3:
.Ltmp4:
0x133: {  	(pc) =	sbr.rel .LBB2_6-.Ltmp4, $3  }
0x134: {  	_ =	sdelay $0x1  }
0x135: {  	s22 =	simm.s32 $0x200;
	s31 =	simm.s32 $0x280;
	s29 =	simm.s32 $0x300  }
0x136: {  	s28 =	simm.s32 $0x380;
	s26 =	simm.s32 $0x400;
	s25 =	simm.s32 $0x480  }
.Lfunc_end2:
_tile_overlayer_lowered:
.L_overlay_start_2:
0x137: {  	(tag) =	ssettag $0x2  }
0x138: {  	s0 =	rddreg [dreg:$0x0];
	s2 =	stileid.u32  }
0x139: {  	s1 =	rddreg [dreg:$0x1];
	p0 =	sne.s32 s2, $0x0  }
0x13a: {  	s3 =	rddreg [dreg:$0x2];
	[bflag:$0x3] =	sbarrier.arrive $0xFFFF;
	s2 =	simm.s32 @!p0 $0x1C0D  }
0x13b: {  	[timem:s3], [sflag:s2] =	dma.local @!p0 [hbm:s0], s1  }
0x13c: {  	s0 =	simm.s32 @!p0 $0xD  }
0x13d: {  	_ =	swait.ge @!p0 [sflag:s0], s1  }
0x13e: {  	s1 =	ssub.s32 @!p0 $0x0, s1;
	[sflag:s0] =	ssyncset.done @!p0 $0x0  }
0x13f: {  	[sflag:s0] =	ssyncadd.s32 @!p0 s1  }
0x140: {  	[bflag:$0x3] =	sbarrier.arrive $0xFFFF  }
0x141: {  	_ =	shalt  }

</sc_bundles>
